<compile_context>
chip_gen: v7x
topology: tpu7x:2x2x1
jax: 0.10.2.dev20260603
libtpu: 0.0.44.dev20260713+nightly
codegen_flags: <defaults>
</compile_context>

<pallas_src>
import functools

import jax
import jax.numpy as jnp
from jax import lax
from jax.experimental import pallas as pl
from jax.experimental.pallas import tpu as pltpu
from jax.experimental.pallas import tpu_sc as plsc

N_ROWS = 160000
NUM_SEGMENTS = 10000
IN_DIM = 512
OUT_DIM = 256
FCHUNK = 128
NCHUNK = IN_DIM // FCHUNK // 2
BATCH = 48
SLABS = BATCH // 8
ROWS_PER_TILE = N_ROWS // 16
A_PER_TILE = ROWS_PER_TILE // 8
NFULL = ROWS_PER_TILE // BATCH
TAIL = ROWS_PER_TILE - NFULL * BATCH
CROWS = ROWS_PER_TILE // 2
CFULL = CROWS // BATCH
CTAIL = CROWS - CFULL * BATCH
SEG_SLICE = 624
SEG_SLICE_LAST = NUM_SEGMENTS - 15 * SEG_SLICE


def _pool_body(x_hbm, idx_hbm, sums_hbm, cnt_hbm,
               idx_all, b0, b1, b2, b3, ones16, acc, cnt,
               l0, l1, l2, l3, s0, s1, s2, s3, sem_c):
    core = lax.axis_index("c")
    sub = lax.axis_index("s")
    bufs = (b0, b1, b2, b3)
    lsems = (l0, l1, l2, l3)
    ssems = (s0, s1, s2, s3)

    pltpu.sync_copy(idx_hbm.at[pl.ds(sub * ROWS_PER_TILE, ROWS_PER_TILE)],
                    idx_all)

    seg0 = sub * SEG_SLICE
    is_last = sub == 15

    def _fill(buf, value):
        def _f(t, _):
            i = t // (FCHUNK // 16)
            k = t % (FCHUNK // 16)
            buf[i, pl.ds(k * 16, 16)] = value
            return 0
        lax.fori_loop(0, BATCH * FCHUNK // 16, _f, 0)

    def _zero_acc():
        for k in range(13):
            pltpu.sync_copy(b0, acc.at[pl.ds(seg0 + k * BATCH, BATCH)])
        @pl.when(is_last)
        def _():
            pltpu.sync_copy(b0.at[pl.ds(0, 16)],
                            acc.at[pl.ds(seg0 + 13 * BATCH, 16)])

    def load_desc(b, buf, sem, d, k):
        a0 = sub * A_PER_TILE + b * SLABS
        return pltpu.make_async_copy(x_hbm.at[a0 + k, d],
                                     buf.at[pl.ds(k * 8, 8)], sem)

    def load_start(b, buf, sem, d):
        for k in range(SLABS):
            load_desc(b, buf, sem, d, k).start()

    def load_wait(b, buf, sem, d):
        for k in range(SLABS):
            load_desc(b, buf, sem, d, k).wait()

    def scat_desc(b, buf, sem):
        return pltpu.make_async_copy(
            buf, acc.at[idx_all.at[pl.ds(b * BATCH, BATCH)]], sem)

    def scat_start(b, buf, sem):
        pltpu.async_copy(buf, acc.at[idx_all.at[pl.ds(b * BATCH, BATCH)]],
                         sem, add=True)

    def _fill16(value):
        def _f(i, _):
            ones16[i, pl.ds(0, 16)] = value
            return 0
        lax.fori_loop(0, BATCH, _f, 0)

    _fill16(jnp.zeros((16,), jnp.float32))
    for k in range(13):
        pltpu.sync_copy(ones16, cnt.at[pl.ds(seg0 + k * BATCH, BATCH)])
    @pl.when(is_last)
    def _():
        pltpu.sync_copy(ones16.at[pl.ds(0, 16)],
                        cnt.at[pl.ds(seg0 + 13 * BATCH, 16)])
    _fill16(jnp.ones((16,), jnp.float32))

    r0 = core * CROWS

    def cnt_desc(b):
        return pltpu.make_async_copy(
            ones16, cnt.at[idx_all.at[pl.ds(r0 + b * BATCH, BATCH)]], sem_c)

    def cnt_start(b):
        pltpu.async_copy(ones16,
                         cnt.at[idx_all.at[pl.ds(r0 + b * BATCH, BATCH)]],
                         sem_c, add=True)

    for j in range(NCHUNK):
        d = NCHUNK * core + j

        _fill(b0, jnp.zeros((16,), jnp.float32))
        _zero_acc()
        plsc.subcore_barrier()

        load_start(0, bufs[0], lsems[0], d)
        load_start(1, bufs[1], lsems[1], d)

        def _step(i, _):
            for c in range(4):
                B = 4 * i + c
                k, k2 = c, (c + 2) % 4
                load_wait(B, bufs[k], lsems[k], d)
                scat_start(B, bufs[k], ssems[k])
                @pl.when(B >= 2)
                def _():
                    scat_desc(B - 2, bufs[k2], ssems[k2]).wait()
                @pl.when(B + 2 < NFULL)
                def _():
                    load_start(B + 2, bufs[k2], lsems[k2], d)
            if j == 0:
                cnt_start(2 * i)
                cnt_start(2 * i + 1)
                @pl.when(i >= 2)
                def _():
                    cnt_desc(2 * (i - 2)).wait()
                    cnt_desc(2 * (i - 2) + 1).wait()
            return 0
        lax.fori_loop(0, NFULL // 4, _step, 0)
        scat_desc(NFULL - 2, bufs[(NFULL - 2) % 4], ssems[(NFULL - 2) % 4]).wait()
        scat_desc(NFULL - 1, bufs[(NFULL - 1) % 4], ssems[(NFULL - 1) % 4]).wait()
        if j == 0:
            for b in range(CFULL - 4, CFULL):
                cnt_desc(b).wait()
            pltpu.sync_copy(ones16.at[pl.ds(0, CTAIL)],
                            cnt.at[idx_all.at[pl.ds(r0 + CFULL * BATCH,
                                                    CTAIL)]],
                            add=True)

        a_t = sub * A_PER_TILE + NFULL * SLABS
        pltpu.sync_copy(x_hbm.at[a_t, d], b0.at[pl.ds(0, 8)])
        pltpu.sync_copy(x_hbm.at[a_t + 1, d], b0.at[pl.ds(8, 8)])
        pltpu.sync_copy(b0.at[pl.ds(0, TAIL)],
                        acc.at[idx_all.at[pl.ds(NFULL * BATCH, TAIL)]],
                        add=True)
        plsc.subcore_barrier()

        if j == 0:
            @pl.when(jnp.logical_not(is_last))
            def _():
                pltpu.sync_copy(cnt.at[pl.ds(seg0, SEG_SLICE)],
                                cnt_hbm.at[core, pl.ds(seg0, SEG_SLICE)])
            @pl.when(is_last)
            def _():
                pltpu.sync_copy(cnt.at[pl.ds(seg0, SEG_SLICE_LAST)],
                                cnt_hbm.at[core, pl.ds(seg0, SEG_SLICE_LAST)])

        nslab = jnp.where(is_last, SEG_SLICE_LAST // 8, SEG_SLICE // 8)

        def _co_desc(k):
            return pltpu.make_async_copy(
                acc.at[pl.ds(seg0 + k * 8, 8)],
                sums_hbm.at[sub * (SEG_SLICE // 8) + k, d], sem_c)

        def _co_fire(k, _):
            _co_desc(k).start()
            return 0
        def _co_drain(k, _):
            _co_desc(k).wait()
            return 0
        lax.fori_loop(0, nslab, _co_fire, 0)
        lax.fori_loop(0, nslab, _co_drain, 0)


_pool = functools.partial(
    pl.kernel,
    out_type=[
        jax.ShapeDtypeStruct((NUM_SEGMENTS // 8, IN_DIM // FCHUNK, 8, FCHUNK),
                             jnp.float32),
        jax.ShapeDtypeStruct((2, NUM_SEGMENTS, 16), jnp.float32),
    ],
    mesh=plsc.VectorSubcoreMesh(core_axis_name="c", subcore_axis_name="s"),
    compiler_params=pltpu.CompilerParams(use_tc_tiling_on_sc=False),
    scratch_types=[
        pltpu.VMEM((ROWS_PER_TILE,), jnp.int32),
        pltpu.VMEM((BATCH, FCHUNK), jnp.float32),
        pltpu.VMEM((BATCH, FCHUNK), jnp.float32),
        pltpu.VMEM((BATCH, FCHUNK), jnp.float32),
        pltpu.VMEM((BATCH, FCHUNK), jnp.float32),
        pltpu.VMEM((BATCH, 16), jnp.float32),
        pltpu.VMEM_SHARED((NUM_SEGMENTS, FCHUNK), jnp.float32),
        pltpu.VMEM_SHARED((NUM_SEGMENTS, 16), jnp.float32),
        pltpu.SemaphoreType.DMA,
        pltpu.SemaphoreType.DMA,
        pltpu.SemaphoreType.DMA,
        pltpu.SemaphoreType.DMA,
        pltpu.SemaphoreType.DMA,
        pltpu.SemaphoreType.DMA,
        pltpu.SemaphoreType.DMA,
        pltpu.SemaphoreType.DMA,
        pltpu.SemaphoreType.DMA,
    ],
)(_pool_body)


def _proj_body(sums_ref, cnt_ref, w_ref, b_ref, out_ref):
    counts = cnt_ref[0] + cnt_ref[1]
    pooled = sums_ref[...] / jnp.maximum(counts, 1.0)
    out_ref[...] = lax.dot_general(
        pooled, w_ref[...], (((1,), (1,)), ((), ())),
        preferred_element_type=jnp.float32) + b_ref[...]


def _project(sums, counts16, W, b2):
    bm = 1000
    grid = (NUM_SEGMENTS // bm,)
    return pl.pallas_call(
        _proj_body,
        grid=grid,
        in_specs=[
            pl.BlockSpec((bm, IN_DIM), lambda i: (i, 0)),
            pl.BlockSpec((2, bm, 1), lambda i: (0, i, 0)),
            pl.BlockSpec((OUT_DIM, IN_DIM), lambda i: (0, 0)),
            pl.BlockSpec((1, OUT_DIM), lambda i: (0, 0)),
        ],
        out_specs=pl.BlockSpec((bm, OUT_DIM), lambda i: (i, 0)),
        out_shape=jax.ShapeDtypeStruct((NUM_SEGMENTS, OUT_DIM), jnp.float32),
    )(sums, counts16, W, b2)


def kernel(io_concat_embed, scatter_idx, W, b):
    idx = scatter_idx.astype(jnp.int32)
    x4 = jnp.transpose(
        jnp.reshape(io_concat_embed,
                    (N_ROWS // 8, 8, IN_DIM // FCHUNK, FCHUNK)),
        (0, 2, 1, 3))
    sums4, counts16 = _pool(x4, idx)
    sums = jnp.reshape(jnp.transpose(sums4, (0, 2, 1, 3)),
                       (NUM_SEGMENTS, IN_DIM))
    cntv = counts16[:, :, :1]
    return _project(sums, cntv, W, b.reshape(1, OUT_DIM))

# --- scband reference (transcript-rebuilt; emitter-appended) ---
"""Pipeline reference for scband-iopool-proj-summary-18906446037412 (READ-ONLY COPY).

The authoritative reference and input builder live on the scoring server;
editing this copy changes nothing except your own understanding.
"""

import jax, jax.numpy as jnp
import numpy as np

N_ROWS = 160000
NUM_SEGMENTS = 10000
EMBED_DIM = 256
IN_DIM = 2 * EMBED_DIM


def setup_inputs(seed: int = 0) -> dict:
    key = jax.random.key(seed)
    k1, k2, k3 = jax.random.split(key, 3)
    io_concat_embed = jax.random.normal(k1, (N_ROWS, IN_DIM), dtype=jnp.float32)
    scatter_idx = jnp.sort(jax.random.randint(k2, (N_ROWS,), 0, NUM_SEGMENTS, dtype=jnp.int64))
    # nn.Linear(2*embed_dim, embed_dim) parameters
    bound = 1.0 / np.sqrt(IN_DIM)
    W = jax.random.uniform(k3, (EMBED_DIM, IN_DIM), dtype=jnp.float32, minval=-bound, maxval=bound)
    b = jnp.zeros((EMBED_DIM,), dtype=jnp.float32)
    return {"io_concat_embed": io_concat_embed, "scatter_idx": scatter_idx, "W": W, "b": b}


def reference(io_concat_embed, scatter_idx, W, b):
    # scatter_mean(x, idx, dim=0)
    sums = jax.ops.segment_sum(io_concat_embed, scatter_idx, num_segments=NUM_SEGMENTS)
    counts = jax.ops.segment_sum(jnp.ones((io_concat_embed.shape[0],), dtype=jnp.float32), scatter_idx, num_segments=NUM_SEGMENTS)
    pooled = sums / jnp.clip(counts, 1.0, None)[:, None]
    # self.embed_merge(pooled_io) -> Linear(2*embed_dim, embed_dim)
    out = pooled @ W.T + b
    return out

if __name__ == "__main__":
    import jax
    _d = setup_inputs()
    print(jax.jit(kernel)(*tuple(_d.values())))

</pallas_src>

<mosaic_0001>
#map = affine_map<(d0, d1) -> (0, 0, 0, 0)>
#map1 = affine_map<(d0, d1) -> (0)>
#map2 = affine_map<(d0, d1) -> (0, 0, 0)>
module attributes {stable_mosaic.version = 14 : i64} {
  func.func @_pool_body(%arg0: i32, %arg1: i32, %arg2: memref<20000x4x8x128xf32, #tpu.memory_space<hbm>>, %arg3: memref<160000xi32, #tpu.memory_space<hbm>>, %arg4: memref<1250x4x8x128xf32, #tpu.memory_space<hbm>>, %arg5: memref<2x10000x16xf32, #tpu.memory_space<hbm>>, %arg6: memref<10000xi32, #tpu.memory_space<vmem>>, %arg7: memref<48x128xf32, #tpu.memory_space<vmem>>, %arg8: memref<48x128xf32, #tpu.memory_space<vmem>>, %arg9: memref<48x128xf32, #tpu.memory_space<vmem>>, %arg10: memref<48x128xf32, #tpu.memory_space<vmem>>, %arg11: memref<48x16xf32, #tpu.memory_space<vmem>>, %arg12: memref<10000x128xf32, #tpu.memory_space<vmem_shared>>, %arg13: memref<10000x16xf32, #tpu.memory_space<vmem_shared>>, %arg14: memref<!tpu.dma_semaphore, #tpu.memory_space<semaphore_mem>>, %arg15: memref<!tpu.dma_semaphore, #tpu.memory_space<semaphore_mem>>, %arg16: memref<!tpu.dma_semaphore, #tpu.memory_space<semaphore_mem>>, %arg17: memref<!tpu.dma_semaphore, #tpu.memory_space<semaphore_mem>>, %arg18: memref<!tpu.dma_semaphore, #tpu.memory_space<semaphore_mem>>, %arg19: memref<!tpu.dma_semaphore, #tpu.memory_space<semaphore_mem>>, %arg20: memref<!tpu.dma_semaphore, #tpu.memory_space<semaphore_mem>>, %arg21: memref<!tpu.dma_semaphore, #tpu.memory_space<semaphore_mem>>, %arg22: memref<!tpu.dma_semaphore, #tpu.memory_space<semaphore_mem>>) attributes {dimension_semantics = [#tpu.dimension_semantics<core_parallel>, #tpu.dimension_semantics<subcore_parallel>], iteration_bounds = array<i64: 2, 16>, scalar_prefetch = 0 : i64, scratch_operands = 17 : i64, tpu.core_type = #tpu.core_type<sc_vector_subcore>, window_params = [{transform_indices = #map}, {transform_indices = #map1}, {transform_indices = #map}, {transform_indices = #map2}]} {
    %mul3A = arith.constant 10000 : i32
    %mul3A_0 = arith.muli %arg1, %mul3A : i32
    "tpu.region"() ({
      %run_scoped3A = tpu.sem_alloc : memref<!tpu.dma_semaphore, #tpu.memory_space<semaphore_mem>>
      %dma_start3A_743 = tpu.memref_slice %arg3[%mul3A_0] : memref<160000xi32, #tpu.memory_space<hbm>> -> memref<10000xi32, #tpu.memory_space<hbm>>
      %dma_start3A_744 = tpu.memref_slice %arg3[%mul3A_0] : memref<160000xi32, #tpu.memory_space<hbm>> -> memref<10000xi32, #tpu.memory_space<hbm>>
      tpu.enqueue_dma source(%dma_start3A_744 : memref<10000xi32, #tpu.memory_space<hbm>>) target(%arg6 : memref<10000xi32, #tpu.memory_space<vmem>>) target_semaphore(%run_scoped3A : memref<!tpu.dma_semaphore, #tpu.memory_space<semaphore_mem>>)
      %dma_wait3A_745 = tpu.memref_slice %arg3[%mul3A_0] : memref<160000xi32, #tpu.memory_space<hbm>> -> memref<10000xi32, #tpu.memory_space<hbm>>
      %dma_wait3A_746 = tpu.memref_slice %arg3[%mul3A_0] : memref<160000xi32, #tpu.memory_space<hbm>> -> memref<10000xi32, #tpu.memory_space<hbm>>
      tpu.wait_dma2 semaphore(%run_scoped3A : memref<!tpu.dma_semaphore, #tpu.memory_space<semaphore_mem>>) src(%dma_wait3A_746 : memref<10000xi32, #tpu.memory_space<hbm>>) dst(%arg6 : memref<10000xi32, #tpu.memory_space<vmem>>)
      tpu.yield
    }) : () -> ()
    %mul3A_1 = arith.constant 624 : i32
    %mul3A_2 = arith.muli %arg1, %mul3A_1 : i32
    %eq3A = arith.constant 15 : i32
    %eq3A_3 = arith.cmpi eq, %arg1, %eq3A : i32
    %broadcast_in_dim3A = arith.constant 0.000000e+00 : f32
    %broadcast_in_dim3A_4 = vector.broadcast %broadcast_in_dim3A : f32 to vector<16xf32>
    %scan3A = arith.constant 0 : i32
    %scan3A_5 = arith.constant 0 : i32
    %scan3A_6 = arith.constant 48 : i32
    %scan3A_7 = arith.addi %scan3A_5, %scan3A_6 : i32
    %scan3A_8 = arith.constant 1 : i32
    %scan3A_9 = scf.for %scan3A_743 = %scan3A_5 to %scan3A_7 step %scan3A_8 iter_args(%scan3A_744 = %scan3A) -> (i32)  : i32 {
      %swap3A = arith.index_cast %scan3A_743 : i32 to index
      %swap3A_745 = arith.constant 0 : index
      %swap3A_746 = tpu.vector_load %arg11[%swap3A, %swap3A_745] {strides = array<i32>} : memref<48x16xf32, #tpu.memory_space<vmem>>, vector<1x16xf32>,
      %swap3A_747 = vector.shape_cast %swap3A_746 : vector<1x16xf32> to vector<16xf32>
      %swap3A_748 = vector.shape_cast %broadcast_in_dim3A_4 : vector<16xf32> to vector<1x16xf32>
      tpu.vector_store %arg11[%swap3A, %swap3A_745], %swap3A_748 {strides = array<i32>} : memref<48x16xf32, #tpu.memory_space<vmem>>, vector<1x16xf32>,
      %scan3A_749 = arith.constant 0 : i32
      scf.yield %scan3A_749 : i32
    }
    %scan3A_10 = arith.constant 48 : i32
    %add3A = arith.constant 0 : i32
    %add3A_11 = arith.addi %mul3A_2, %add3A : i32
    "tpu.region"() ({
      %run_scoped3A = tpu.sem_alloc : memref<!tpu.dma_semaphore, #tpu.memory_space<semaphore_mem>>
      %dma_start3A_743 = arith.constant 0 : i32
      %dma_start3A_744 = tpu.memref_slice %arg13[%add3A_11, %dma_start3A_743] : memref<10000x16xf32, #tpu.memory_space<vmem_shared>> -> memref<48x16xf32, #tpu.memory_space<vmem_shared>>
      %dma_start3A_745 = arith.constant 0 : i32
      %dma_start3A_746 = tpu.memref_slice %arg13[%add3A_11, %dma_start3A_745] : memref<10000x16xf32, #tpu.memory_space<vmem_shared>> -> memref<48x16xf32, #tpu.memory_space<vmem_shared>>
      tpu.enqueue_dma source(%arg11 : memref<48x16xf32, #tpu.memory_space<vmem>>) target(%dma_start3A_746 : memref<48x16xf32, #tpu.memory_space<vmem_shared>>) target_semaphore(%run_scoped3A : memref<!tpu.dma_semaphore, #tpu.memory_space<semaphore_mem>>)
      %dma_wait3A_747 = arith.constant 0 : i32
      %dma_wait3A_748 = tpu.memref_slice %arg13[%add3A_11, %dma_wait3A_747] : memref<10000x16xf32, #tpu.memory_space<vmem_shared>> -> memref<48x16xf32, #tpu.memory_space<vmem_shared>>
      %dma_wait3A_749 = arith.constant 0 : i32
      %dma_wait3A_750 = tpu.memref_slice %arg13[%add3A_11, %dma_wait3A_749] : memref<10000x16xf32, #tpu.memory_space<vmem_shared>> -> memref<48x16xf32, #tpu.memory_space<vmem_shared>>
      tpu.wait_dma2 semaphore(%run_scoped3A : memref<!tpu.dma_semaphore, #tpu.memory_space<semaphore_mem>>) src(%arg11 : memref<48x16xf32, #tpu.memory_space<vmem>>) dst(%dma_wait3A_750 : memref<48x16xf32, #tpu.memory_space<vmem_shared>>)
      tpu.yield
    }) : () -> ()
    %add3A_12 = arith.constant 48 : i32
    %add3A_13 = arith.addi %mul3A_2, %add3A_12 : i32
    "tpu.region"() ({
      %run_scoped3A = tpu.sem_alloc : memref<!tpu.dma_semaphore, #tpu.memory_space<semaphore_mem>>
      %dma_start3A_743 = arith.constant 0 : i32
      %dma_start3A_744 = tpu.memref_slice %arg13[%add3A_13, %dma_start3A_743] : memref<10000x16xf32, #tpu.memory_space<vmem_shared>> -> memref<48x16xf32, #tpu.memory_space<vmem_shared>>
      %dma_start3A_745 = arith.constant 0 : i32
      %dma_start3A_746 = tpu.memref_slice %arg13[%add3A_13, %dma_start3A_745] : memref<10000x16xf32, #tpu.memory_space<vmem_shared>> -> memref<48x16xf32, #tpu.memory_space<vmem_shared>>
      tpu.enqueue_dma source(%arg11 : memref<48x16xf32, #tpu.memory_space<vmem>>) target(%dma_start3A_746 : memref<48x16xf32, #tpu.memory_space<vmem_shared>>) target_semaphore(%run_scoped3A : memref<!tpu.dma_semaphore, #tpu.memory_space<semaphore_mem>>)
      %dma_wait3A_747 = arith.constant 0 : i32
      %dma_wait3A_748 = tpu.memref_slice %arg13[%add3A_13, %dma_wait3A_747] : memref<10000x16xf32, #tpu.memory_space<vmem_shared>> -> memref<48x16xf32, #tpu.memory_space<vmem_shared>>
      %dma_wait3A_749 = arith.constant 0 : i32
      %dma_wait3A_750 = tpu.memref_slice %arg13[%add3A_13, %dma_wait3A_749] : memref<10000x16xf32, #tpu.memory_space<vmem_shared>> -> memref<48x16xf32, #tpu.memory_space<vmem_shared>>
      tpu.wait_dma2 semaphore(%run_scoped3A : memref<!tpu.dma_semaphore, #tpu.memory_space<semaphore_mem>>) src(%arg11 : memref<48x16xf32, #tpu.memory_space<vmem>>) dst(%dma_wait3A_750 : memref<48x16xf32, #tpu.memory_space<vmem_shared>>)
      tpu.yield
    }) : () -> ()
    %add3A_14 = arith.constant 96 : i32
    %add3A_15 = arith.addi %mul3A_2, %add3A_14 : i32
    "tpu.region"() ({
      %run_scoped3A = tpu.sem_alloc : memref<!tpu.dma_semaphore, #tpu.memory_space<semaphore_mem>>
      %dma_start3A_743 = arith.constant 0 : i32
      %dma_start3A_744 = tpu.memref_slice %arg13[%add3A_15, %dma_start3A_743] : memref<10000x16xf32, #tpu.memory_space<vmem_shared>> -> memref<48x16xf32, #tpu.memory_space<vmem_shared>>
      %dma_start3A_745 = arith.constant 0 : i32
      %dma_start3A_746 = tpu.memref_slice %arg13[%add3A_15, %dma_start3A_745] : memref<10000x16xf32, #tpu.memory_space<vmem_shared>> -> memref<48x16xf32, #tpu.memory_space<vmem_shared>>
      tpu.enqueue_dma source(%arg11 : memref<48x16xf32, #tpu.memory_space<vmem>>) target(%dma_start3A_746 : memref<48x16xf32, #tpu.memory_space<vmem_shared>>) target_semaphore(%run_scoped3A : memref<!tpu.dma_semaphore, #tpu.memory_space<semaphore_mem>>)
      %dma_wait3A_747 = arith.constant 0 : i32
      %dma_wait3A_748 = tpu.memref_slice %arg13[%add3A_15, %dma_wait3A_747] : memref<10000x16xf32, #tpu.memory_space<vmem_shared>> -> memref<48x16xf32, #tpu.memory_space<vmem_shared>>
      %dma_wait3A_749 = arith.constant 0 : i32
      %dma_wait3A_750 = tpu.memref_slice %arg13[%add3A_15, %dma_wait3A_749] : memref<10000x16xf32, #tpu.memory_space<vmem_shared>> -> memref<48x16xf32, #tpu.memory_space<vmem_shared>>
      tpu.wait_dma2 semaphore(%run_scoped3A : memref<!tpu.dma_semaphore, #tpu.memory_space<semaphore_mem>>) src(%arg11 : memref<48x16xf32, #tpu.memory_space<vmem>>) dst(%dma_wait3A_750 : memref<48x16xf32, #tpu.memory_space<vmem_shared>>)
      tpu.yield
    }) : () -> ()
    %add3A_16 = arith.constant 144 : i32
    %add3A_17 = arith.addi %mul3A_2, %add3A_16 : i32
    "tpu.region"() ({
      %run_scoped3A = tpu.sem_alloc : memref<!tpu.dma_semaphore, #tpu.memory_space<semaphore_mem>>
      %dma_start3A_743 = arith.constant 0 : i32
      %dma_start3A_744 = tpu.memref_slice %arg13[%add3A_17, %dma_start3A_743] : memref<10000x16xf32, #tpu.memory_space<vmem_shared>> -> memref<48x16xf32, #tpu.memory_space<vmem_shared>>
      %dma_start3A_745 = arith.constant 0 : i32
      %dma_start3A_746 = tpu.memref_slice %arg13[%add3A_17, %dma_start3A_745] : memref<10000x16xf32, #tpu.memory_space<vmem_shared>> -> memref<48x16xf32, #tpu.memory_space<vmem_shared>>
      tpu.enqueue_dma source(%arg11 : memref<48x16xf32, #tpu.memory_space<vmem>>) target(%dma_start3A_746 : memref<48x16xf32, #tpu.memory_space<vmem_shared>>) target_semaphore(%run_scoped3A : memref<!tpu.dma_semaphore, #tpu.memory_space<semaphore_mem>>)
      %dma_wait3A_747 = arith.constant 0 : i32
      %dma_wait3A_748 = tpu.memref_slice %arg13[%add3A_17, %dma_wait3A_747] : memref<10000x16xf32, #tpu.memory_space<vmem_shared>> -> memref<48x16xf32, #tpu.memory_space<vmem_shared>>
      %dma_wait3A_749 = arith.constant 0 : i32
      %dma_wait3A_750 = tpu.memref_slice %arg13[%add3A_17, %dma_wait3A_749] : memref<10000x16xf32, #tpu.memory_space<vmem_shared>> -> memref<48x16xf32, #tpu.memory_space<vmem_shared>>
      tpu.wait_dma2 semaphore(%run_scoped3A : memref<!tpu.dma_semaphore, #tpu.memory_space<semaphore_mem>>) src(%arg11 : memref<48x16xf32, #tpu.memory_space<vmem>>) dst(%dma_wait3A_750 : memref<48x16xf32, #tpu.memory_space<vmem_shared>>)
      tpu.yield
    }) : () -> ()
    %add3A_18 = arith.constant 192 : i32
    %add3A_19 = arith.addi %mul3A_2, %add3A_18 : i32
    "tpu.region"() ({
      %run_scoped3A = tpu.sem_alloc : memref<!tpu.dma_semaphore, #tpu.memory_space<semaphore_mem>>
      %dma_start3A_743 = arith.constant 0 : i32
      %dma_start3A_744 = tpu.memref_slice %arg13[%add3A_19, %dma_start3A_743] : memref<10000x16xf32, #tpu.memory_space<vmem_shared>> -> memref<48x16xf32, #tpu.memory_space<vmem_shared>>
      %dma_start3A_745 = arith.constant 0 : i32
      %dma_start3A_746 = tpu.memref_slice %arg13[%add3A_19, %dma_start3A_745] : memref<10000x16xf32, #tpu.memory_space<vmem_shared>> -> memref<48x16xf32, #tpu.memory_space<vmem_shared>>
      tpu.enqueue_dma source(%arg11 : memref<48x16xf32, #tpu.memory_space<vmem>>) target(%dma_start3A_746 : memref<48x16xf32, #tpu.memory_space<vmem_shared>>) target_semaphore(%run_scoped3A : memref<!tpu.dma_semaphore, #tpu.memory_space<semaphore_mem>>)
      %dma_wait3A_747 = arith.constant 0 : i32
      %dma_wait3A_748 = tpu.memref_slice %arg13[%add3A_19, %dma_wait3A_747] : memref<10000x16xf32, #tpu.memory_space<vmem_shared>> -> memref<48x16xf32, #tpu.memory_space<vmem_shared>>
      %dma_wait3A_749 = arith.constant 0 : i32
      %dma_wait3A_750 = tpu.memref_slice %arg13[%add3A_19, %dma_wait3A_749] : memref<10000x16xf32, #tpu.memory_space<vmem_shared>> -> memref<48x16xf32, #tpu.memory_space<vmem_shared>>
      tpu.wait_dma2 semaphore(%run_scoped3A : memref<!tpu.dma_semaphore, #tpu.memory_space<semaphore_mem>>) src(%arg11 : memref<48x16xf32, #tpu.memory_space<vmem>>) dst(%dma_wait3A_750 : memref<48x16xf32, #tpu.memory_space<vmem_shared>>)
      tpu.yield
    }) : () -> ()
    %add3A_20 = arith.constant 240 : i32
    %add3A_21 = arith.addi %mul3A_2, %add3A_20 : i32
    "tpu.region"() ({
      %run_scoped3A = tpu.sem_alloc : memref<!tpu.dma_semaphore, #tpu.memory_space<semaphore_mem>>
      %dma_start3A_743 = arith.constant 0 : i32
      %dma_start3A_744 = tpu.memref_slice %arg13[%add3A_21, %dma_start3A_743] : memref<10000x16xf32, #tpu.memory_space<vmem_shared>> -> memref<48x16xf32, #tpu.memory_space<vmem_shared>>
      %dma_start3A_745 = arith.constant 0 : i32
      %dma_start3A_746 = tpu.memref_slice %arg13[%add3A_21, %dma_start3A_745] : memref<10000x16xf32, #tpu.memory_space<vmem_shared>> -> memref<48x16xf32, #tpu.memory_space<vmem_shared>>
      tpu.enqueue_dma source(%arg11 : memref<48x16xf32, #tpu.memory_space<vmem>>) target(%dma_start3A_746 : memref<48x16xf32, #tpu.memory_space<vmem_shared>>) target_semaphore(%run_scoped3A : memref<!tpu.dma_semaphore, #tpu.memory_space<semaphore_mem>>)
      %dma_wait3A_747 = arith.constant 0 : i32
      %dma_wait3A_748 = tpu.memref_slice %arg13[%add3A_21, %dma_wait3A_747] : memref<10000x16xf32, #tpu.memory_space<vmem_shared>> -> memref<48x16xf32, #tpu.memory_space<vmem_shared>>
      %dma_wait3A_749 = arith.constant 0 : i32
      %dma_wait3A_750 = tpu.memref_slice %arg13[%add3A_21, %dma_wait3A_749] : memref<10000x16xf32, #tpu.memory_space<vmem_shared>> -> memref<48x16xf32, #tpu.memory_space<vmem_shared>>
      tpu.wait_dma2 semaphore(%run_scoped3A : memref<!tpu.dma_semaphore, #tpu.memory_space<semaphore_mem>>) src(%arg11 : memref<48x16xf32, #tpu.memory_space<vmem>>) dst(%dma_wait3A_750 : memref<48x16xf32, #tpu.memory_space<vmem_shared>>)
      tpu.yield
    }) : () -> ()
    %add3A_22 = arith.constant 288 : i32
    %add3A_23 = arith.addi %mul3A_2, %add3A_22 : i32
    "tpu.region"() ({
      %run_scoped3A = tpu.sem_alloc : memref<!tpu.dma_semaphore, #tpu.memory_space<semaphore_mem>>
      %dma_start3A_743 = arith.constant 0 : i32
      %dma_start3A_744 = tpu.memref_slice %arg13[%add3A_23, %dma_start3A_743] : memref<10000x16xf32, #tpu.memory_space<vmem_shared>> -> memref<48x16xf32, #tpu.memory_space<vmem_shared>>
      %dma_start3A_745 = arith.constant 0 : i32
      %dma_start3A_746 = tpu.memref_slice %arg13[%add3A_23, %dma_start3A_745] : memref<10000x16xf32, #tpu.memory_space<vmem_shared>> -> memref<48x16xf32, #tpu.memory_space<vmem_shared>>
      tpu.enqueue_dma source(%arg11 : memref<48x16xf32, #tpu.memory_space<vmem>>) target(%dma_start3A_746 : memref<48x16xf32, #tpu.memory_space<vmem_shared>>) target_semaphore(%run_scoped3A : memref<!tpu.dma_semaphore, #tpu.memory_space<semaphore_mem>>)
      %dma_wait3A_747 = arith.constant 0 : i32
      %dma_wait3A_748 = tpu.memref_slice %arg13[%add3A_23, %dma_wait3A_747] : memref<10000x16xf32, #tpu.memory_space<vmem_shared>> -> memref<48x16xf32, #tpu.memory_space<vmem_shared>>
      %dma_wait3A_749 = arith.constant 0 : i32
      %dma_wait3A_750 = tpu.memref_slice %arg13[%add3A_23, %dma_wait3A_749] : memref<10000x16xf32, #tpu.memory_space<vmem_shared>> -> memref<48x16xf32, #tpu.memory_space<vmem_shared>>
      tpu.wait_dma2 semaphore(%run_scoped3A : memref<!tpu.dma_semaphore, #tpu.memory_space<semaphore_mem>>) src(%arg11 : memref<48x16xf32, #tpu.memory_space<vmem>>) dst(%dma_wait3A_750 : memref<48x16xf32, #tpu.memory_space<vmem_shared>>)
      tpu.yield
    }) : () -> ()
    %add3A_24 = arith.constant 336 : i32
    %add3A_25 = arith.addi %mul3A_2, %add3A_24 : i32
    "tpu.region"() ({
      %run_scoped3A = tpu.sem_alloc : memref<!tpu.dma_semaphore, #tpu.memory_space<semaphore_mem>>
      %dma_start3A_743 = arith.constant 0 : i32
      %dma_start3A_744 = tpu.memref_slice %arg13[%add3A_25, %dma_start3A_743] : memref<10000x16xf32, #tpu.memory_space<vmem_shared>> -> memref<48x16xf32, #tpu.memory_space<vmem_shared>>
      %dma_start3A_745 = arith.constant 0 : i32
      %dma_start3A_746 = tpu.memref_slice %arg13[%add3A_25, %dma_start3A_745] : memref<10000x16xf32, #tpu.memory_space<vmem_shared>> -> memref<48x16xf32, #tpu.memory_space<vmem_shared>>
      tpu.enqueue_dma source(%arg11 : memref<48x16xf32, #tpu.memory_space<vmem>>) target(%dma_start3A_746 : memref<48x16xf32, #tpu.memory_space<vmem_shared>>) target_semaphore(%run_scoped3A : memref<!tpu.dma_semaphore, #tpu.memory_space<semaphore_mem>>)
      %dma_wait3A_747 = arith.constant 0 : i32
      %dma_wait3A_748 = tpu.memref_slice %arg13[%add3A_25, %dma_wait3A_747] : memref<10000x16xf32, #tpu.memory_space<vmem_shared>> -> memref<48x16xf32, #tpu.memory_space<vmem_shared>>
      %dma_wait3A_749 = arith.constant 0 : i32
      %dma_wait3A_750 = tpu.memref_slice %arg13[%add3A_25, %dma_wait3A_749] : memref<10000x16xf32, #tpu.memory_space<vmem_shared>> -> memref<48x16xf32, #tpu.memory_space<vmem_shared>>
      tpu.wait_dma2 semaphore(%run_scoped3A : memref<!tpu.dma_semaphore, #tpu.memory_space<semaphore_mem>>) src(%arg11 : memref<48x16xf32, #tpu.memory_space<vmem>>) dst(%dma_wait3A_750 : memref<48x16xf32, #tpu.memory_space<vmem_shared>>)
      tpu.yield
    }) : () -> ()
    %add3A_26 = arith.constant 384 : i32
    %add3A_27 = arith.addi %mul3A_2, %add3A_26 : i32
    "tpu.region"() ({
      %run_scoped3A = tpu.sem_alloc : memref<!tpu.dma_semaphore, #tpu.memory_space<semaphore_mem>>
      %dma_start3A_743 = arith.constant 0 : i32
      %dma_start3A_744 = tpu.memref_slice %arg13[%add3A_27, %dma_start3A_743] : memref<10000x16xf32, #tpu.memory_space<vmem_shared>> -> memref<48x16xf32, #tpu.memory_space<vmem_shared>>
      %dma_start3A_745 = arith.constant 0 : i32
      %dma_start3A_746 = tpu.memref_slice %arg13[%add3A_27, %dma_start3A_745] : memref<10000x16xf32, #tpu.memory_space<vmem_shared>> -> memref<48x16xf32, #tpu.memory_space<vmem_shared>>
      tpu.enqueue_dma source(%arg11 : memref<48x16xf32, #tpu.memory_space<vmem>>) target(%dma_start3A_746 : memref<48x16xf32, #tpu.memory_space<vmem_shared>>) target_semaphore(%run_scoped3A : memref<!tpu.dma_semaphore, #tpu.memory_space<semaphore_mem>>)
      %dma_wait3A_747 = arith.constant 0 : i32
      %dma_wait3A_748 = tpu.memref_slice %arg13[%add3A_27, %dma_wait3A_747] : memref<10000x16xf32, #tpu.memory_space<vmem_shared>> -> memref<48x16xf32, #tpu.memory_space<vmem_shared>>
      %dma_wait3A_749 = arith.constant 0 : i32
      %dma_wait3A_750 = tpu.memref_slice %arg13[%add3A_27, %dma_wait3A_749] : memref<10000x16xf32, #tpu.memory_space<vmem_shared>> -> memref<48x16xf32, #tpu.memory_space<vmem_shared>>
      tpu.wait_dma2 semaphore(%run_scoped3A : memref<!tpu.dma_semaphore, #tpu.memory_space<semaphore_mem>>) src(%arg11 : memref<48x16xf32, #tpu.memory_space<vmem>>) dst(%dma_wait3A_750 : memref<48x16xf32, #tpu.memory_space<vmem_shared>>)
      tpu.yield
    }) : () -> ()
    %add3A_28 = arith.constant 432 : i32
    %add3A_29 = arith.addi %mul3A_2, %add3A_28 : i32
    "tpu.region"() ({
      %run_scoped3A = tpu.sem_alloc : memref<!tpu.dma_semaphore, #tpu.memory_space<semaphore_mem>>
      %dma_start3A_743 = arith.constant 0 : i32
      %dma_start3A_744 = tpu.memref_slice %arg13[%add3A_29, %dma_start3A_743] : memref<10000x16xf32, #tpu.memory_space<vmem_shared>> -> memref<48x16xf32, #tpu.memory_space<vmem_shared>>
      %dma_start3A_745 = arith.constant 0 : i32
      %dma_start3A_746 = tpu.memref_slice %arg13[%add3A_29, %dma_start3A_745] : memref<10000x16xf32, #tpu.memory_space<vmem_shared>> -> memref<48x16xf32, #tpu.memory_space<vmem_shared>>
      tpu.enqueue_dma source(%arg11 : memref<48x16xf32, #tpu.memory_space<vmem>>) target(%dma_start3A_746 : memref<48x16xf32, #tpu.memory_space<vmem_shared>>) target_semaphore(%run_scoped3A : memref<!tpu.dma_semaphore, #tpu.memory_space<semaphore_mem>>)
      %dma_wait3A_747 = arith.constant 0 : i32
      %dma_wait3A_748 = tpu.memref_slice %arg13[%add3A_29, %dma_wait3A_747] : memref<10000x16xf32, #tpu.memory_space<vmem_shared>> -> memref<48x16xf32, #tpu.memory_space<vmem_shared>>
      %dma_wait3A_749 = arith.constant 0 : i32
      %dma_wait3A_750 = tpu.memref_slice %arg13[%add3A_29, %dma_wait3A_749] : memref<10000x16xf32, #tpu.memory_space<vmem_shared>> -> memref<48x16xf32, #tpu.memory_space<vmem_shared>>
      tpu.wait_dma2 semaphore(%run_scoped3A : memref<!tpu.dma_semaphore, #tpu.memory_space<semaphore_mem>>) src(%arg11 : memref<48x16xf32, #tpu.memory_space<vmem>>) dst(%dma_wait3A_750 : memref<48x16xf32, #tpu.memory_space<vmem_shared>>)
      tpu.yield
    }) : () -> ()
    %add3A_30 = arith.constant 480 : i32
    %add3A_31 = arith.addi %mul3A_2, %add3A_30 : i32
    "tpu.region"() ({
      %run_scoped3A = tpu.sem_alloc : memref<!tpu.dma_semaphore, #tpu.memory_space<semaphore_mem>>
      %dma_start3A_743 = arith.constant 0 : i32
      %dma_start3A_744 = tpu.memref_slice %arg13[%add3A_31, %dma_start3A_743] : memref<10000x16xf32, #tpu.memory_space<vmem_shared>> -> memref<48x16xf32, #tpu.memory_space<vmem_shared>>
      %dma_start3A_745 = arith.constant 0 : i32
      %dma_start3A_746 = tpu.memref_slice %arg13[%add3A_31, %dma_start3A_745] : memref<10000x16xf32, #tpu.memory_space<vmem_shared>> -> memref<48x16xf32, #tpu.memory_space<vmem_shared>>
      tpu.enqueue_dma source(%arg11 : memref<48x16xf32, #tpu.memory_space<vmem>>) target(%dma_start3A_746 : memref<48x16xf32, #tpu.memory_space<vmem_shared>>) target_semaphore(%run_scoped3A : memref<!tpu.dma_semaphore, #tpu.memory_space<semaphore_mem>>)
      %dma_wait3A_747 = arith.constant 0 : i32
      %dma_wait3A_748 = tpu.memref_slice %arg13[%add3A_31, %dma_wait3A_747] : memref<10000x16xf32, #tpu.memory_space<vmem_shared>> -> memref<48x16xf32, #tpu.memory_space<vmem_shared>>
      %dma_wait3A_749 = arith.constant 0 : i32
      %dma_wait3A_750 = tpu.memref_slice %arg13[%add3A_31, %dma_wait3A_749] : memref<10000x16xf32, #tpu.memory_space<vmem_shared>> -> memref<48x16xf32, #tpu.memory_space<vmem_shared>>
      tpu.wait_dma2 semaphore(%run_scoped3A : memref<!tpu.dma_semaphore, #tpu.memory_space<semaphore_mem>>) src(%arg11 : memref<48x16xf32, #tpu.memory_space<vmem>>) dst(%dma_wait3A_750 : memref<48x16xf32, #tpu.memory_space<vmem_shared>>)
      tpu.yield
    }) : () -> ()
    %add3A_32 = arith.constant 528 : i32
    %add3A_33 = arith.addi %mul3A_2, %add3A_32 : i32
    "tpu.region"() ({
      %run_scoped3A = tpu.sem_alloc : memref<!tpu.dma_semaphore, #tpu.memory_space<semaphore_mem>>
      %dma_start3A_743 = arith.constant 0 : i32
      %dma_start3A_744 = tpu.memref_slice %arg13[%add3A_33, %dma_start3A_743] : memref<10000x16xf32, #tpu.memory_space<vmem_shared>> -> memref<48x16xf32, #tpu.memory_space<vmem_shared>>
      %dma_start3A_745 = arith.constant 0 : i32
      %dma_start3A_746 = tpu.memref_slice %arg13[%add3A_33, %dma_start3A_745] : memref<10000x16xf32, #tpu.memory_space<vmem_shared>> -> memref<48x16xf32, #tpu.memory_space<vmem_shared>>
      tpu.enqueue_dma source(%arg11 : memref<48x16xf32, #tpu.memory_space<vmem>>) target(%dma_start3A_746 : memref<48x16xf32, #tpu.memory_space<vmem_shared>>) target_semaphore(%run_scoped3A : memref<!tpu.dma_semaphore, #tpu.memory_space<semaphore_mem>>)
      %dma_wait3A_747 = arith.constant 0 : i32
      %dma_wait3A_748 = tpu.memref_slice %arg13[%add3A_33, %dma_wait3A_747] : memref<10000x16xf32, #tpu.memory_space<vmem_shared>> -> memref<48x16xf32, #tpu.memory_space<vmem_shared>>
      %dma_wait3A_749 = arith.constant 0 : i32
      %dma_wait3A_750 = tpu.memref_slice %arg13[%add3A_33, %dma_wait3A_749] : memref<10000x16xf32, #tpu.memory_space<vmem_shared>> -> memref<48x16xf32, #tpu.memory_space<vmem_shared>>
      tpu.wait_dma2 semaphore(%run_scoped3A : memref<!tpu.dma_semaphore, #tpu.memory_space<semaphore_mem>>) src(%arg11 : memref<48x16xf32, #tpu.memory_space<vmem>>) dst(%dma_wait3A_750 : memref<48x16xf32, #tpu.memory_space<vmem_shared>>)
      tpu.yield
    }) : () -> ()
    %add3A_34 = arith.constant 576 : i32
    %add3A_35 = arith.addi %mul3A_2, %add3A_34 : i32
    "tpu.region"() ({
      %run_scoped3A = tpu.sem_alloc : memref<!tpu.dma_semaphore, #tpu.memory_space<semaphore_mem>>
      %dma_start3A_743 = arith.constant 0 : i32
      %dma_start3A_744 = tpu.memref_slice %arg13[%add3A_35, %dma_start3A_743] : memref<10000x16xf32, #tpu.memory_space<vmem_shared>> -> memref<48x16xf32, #tpu.memory_space<vmem_shared>>
      %dma_start3A_745 = arith.constant 0 : i32
      %dma_start3A_746 = tpu.memref_slice %arg13[%add3A_35, %dma_start3A_745] : memref<10000x16xf32, #tpu.memory_space<vmem_shared>> -> memref<48x16xf32, #tpu.memory_space<vmem_shared>>
      tpu.enqueue_dma source(%arg11 : memref<48x16xf32, #tpu.memory_space<vmem>>) target(%dma_start3A_746 : memref<48x16xf32, #tpu.memory_space<vmem_shared>>) target_semaphore(%run_scoped3A : memref<!tpu.dma_semaphore, #tpu.memory_space<semaphore_mem>>)
      %dma_wait3A_747 = arith.constant 0 : i32
      %dma_wait3A_748 = tpu.memref_slice %arg13[%add3A_35, %dma_wait3A_747] : memref<10000x16xf32, #tpu.memory_space<vmem_shared>> -> memref<48x16xf32, #tpu.memory_space<vmem_shared>>
      %dma_wait3A_749 = arith.constant 0 : i32
      %dma_wait3A_750 = tpu.memref_slice %arg13[%add3A_35, %dma_wait3A_749] : memref<10000x16xf32, #tpu.memory_space<vmem_shared>> -> memref<48x16xf32, #tpu.memory_space<vmem_shared>>
      tpu.wait_dma2 semaphore(%run_scoped3A : memref<!tpu.dma_semaphore, #tpu.memory_space<semaphore_mem>>) src(%arg11 : memref<48x16xf32, #tpu.memory_space<vmem>>) dst(%dma_wait3A_750 : memref<48x16xf32, #tpu.memory_space<vmem_shared>>)
      tpu.yield
    }) : () -> ()
    %convert_element_type3A = arith.extui %eq3A_3 : i1 to i32
    %cond3A = arith.constant 0 : i32
    %cond3A_36 = arith.cmpi ne, %convert_element_type3A, %cond3A : i32
    scf.if %cond3A_36 {
      %add3A_743 = arith.constant 624 : i32
      %add3A_744 = arith.addi %mul3A_2, %add3A_743 : i32
      "tpu.region"() ({
        %run_scoped3A = tpu.sem_alloc : memref<!tpu.dma_semaphore, #tpu.memory_space<semaphore_mem>>
        %dma_start3A_745 = arith.constant 0 : i32
        %dma_start3A_746 = arith.constant 0 : i32
        %dma_start3A_747 = tpu.memref_slice %arg11[%dma_start3A_745, %dma_start3A_746] : memref<48x16xf32, #tpu.memory_space<vmem>> -> memref<16x16xf32, #tpu.memory_space<vmem>>
        %dma_start3A_748 = arith.constant 0 : i32
        %dma_start3A_749 = tpu.memref_slice %arg13[%add3A_744, %dma_start3A_748] : memref<10000x16xf32, #tpu.memory_space<vmem_shared>> -> memref<16x16xf32, #tpu.memory_space<vmem_shared>>
        %dma_start3A_750 = arith.constant 0 : i32
        %dma_start3A_751 = tpu.memref_slice %arg13[%add3A_744, %dma_start3A_750] : memref<10000x16xf32, #tpu.memory_space<vmem_shared>> -> memref<16x16xf32, #tpu.memory_space<vmem_shared>>
        %dma_start3A_752 = arith.constant 0 : i32
        %dma_start3A_753 = arith.constant 0 : i32
        %dma_start3A_754 = tpu.memref_slice %arg11[%dma_start3A_752, %dma_start3A_753] : memref<48x16xf32, #tpu.memory_space<vmem>> -> memref<16x16xf32, #tpu.memory_space<vmem>>
        tpu.enqueue_dma source(%dma_start3A_754 : memref<16x16xf32, #tpu.memory_space<vmem>>) target(%dma_start3A_751 : memref<16x16xf32, #tpu.memory_space<vmem_shared>>) target_semaphore(%run_scoped3A : memref<!tpu.dma_semaphore, #tpu.memory_space<semaphore_mem>>)
        %dma_wait3A_755 = arith.constant 0 : i32
        %dma_wait3A_756 = arith.constant 0 : i32
        %dma_wait3A_757 = tpu.memref_slice %arg11[%dma_wait3A_755, %dma_wait3A_756] : memref<48x16xf32, #tpu.memory_space<vmem>> -> memref<16x16xf32, #tpu.memory_space<vmem>>
        %dma_wait3A_758 = arith.constant 0 : i32
        %dma_wait3A_759 = tpu.memref_slice %arg13[%add3A_744, %dma_wait3A_758] : memref<10000x16xf32, #tpu.memory_space<vmem_shared>> -> memref<16x16xf32, #tpu.memory_space<vmem_shared>>
        %dma_wait3A_760 = arith.constant 0 : i32
        %dma_wait3A_761 = tpu.memref_slice %arg13[%add3A_744, %dma_wait3A_760] : memref<10000x16xf32, #tpu.memory_space<vmem_shared>> -> memref<16x16xf32, #tpu.memory_space<vmem_shared>>
        %dma_wait3A_762 = arith.constant 0 : i32
        %dma_wait3A_763 = arith.constant 0 : i32
        %dma_wait3A_764 = tpu.memref_slice %arg11[%dma_wait3A_762, %dma_wait3A_763] : memref<48x16xf32, #tpu.memory_space<vmem>> -> memref<16x16xf32, #tpu.memory_space<vmem>>
        tpu.wait_dma2 semaphore(%run_scoped3A : memref<!tpu.dma_semaphore, #tpu.memory_space<semaphore_mem>>) src(%dma_wait3A_764 : memref<16x16xf32, #tpu.memory_space<vmem>>) dst(%dma_wait3A_761 : memref<16x16xf32, #tpu.memory_space<vmem_shared>>)
        tpu.yield
      }) : () -> ()
    } else {
    }
    %broadcast_in_dim3A_37 = arith.constant 1.000000e+00 : f32
    %broadcast_in_dim3A_38 = vector.broadcast %broadcast_in_dim3A_37 : f32 to vector<16xf32>
    %scan3A_39 = arith.constant 0 : i32
    %scan3A_40 = arith.constant 0 : i32
    %scan3A_41 = arith.constant 48 : i32
    %scan3A_42 = arith.addi %scan3A_40, %scan3A_41 : i32
    %scan3A_43 = arith.constant 1 : i32
    %scan3A_44 = scf.for %scan3A_743 = %scan3A_40 to %scan3A_42 step %scan3A_43 iter_args(%scan3A_744 = %scan3A_39) -> (i32)  : i32 {
      %swap3A = arith.index_cast %scan3A_743 : i32 to index
      %swap3A_745 = arith.constant 0 : index
      %swap3A_746 = tpu.vector_load %arg11[%swap3A, %swap3A_745] {strides = array<i32>} : memref<48x16xf32, #tpu.memory_space<vmem>>, vector<1x16xf32>,
      %swap3A_747 = vector.shape_cast %swap3A_746 : vector<1x16xf32> to vector<16xf32>
      %swap3A_748 = vector.shape_cast %broadcast_in_dim3A_38 : vector<16xf32> to vector<1x16xf32>
      tpu.vector_store %arg11[%swap3A, %swap3A_745], %swap3A_748 {strides = array<i32>} : memref<48x16xf32, #tpu.memory_space<vmem>>, vector<1x16xf32>,
      %scan3A_749 = arith.constant 0 : i32
      scf.yield %scan3A_749 : i32
    }
    %scan3A_45 = arith.constant 48 : i32
    %mul3A_46 = arith.constant 5000 : i32
    %mul3A_47 = arith.muli %arg0, %mul3A_46 : i32
    %mul3A_48 = arith.constant 2 : i32
    %mul3A_49 = arith.muli %mul3A_48, %arg0 : i32
    %add3A_50 = arith.constant 0 : i32
    %add3A_51 = arith.addi %mul3A_49, %add3A_50 : i32
    %broadcast_in_dim3A_52 = arith.constant 0.000000e+00 : f32
    %broadcast_in_dim3A_53 = vector.broadcast %broadcast_in_dim3A_52 : f32 to vector<16xf32>
    %scan3A_54 = arith.constant 0 : i32
    %scan3A_55 = arith.constant 0 : i32
    %scan3A_56 = arith.constant 384 : i32
    %scan3A_57 = arith.addi %scan3A_55, %scan3A_56 : i32
    %scan3A_58 = arith.constant 1 : i32
    %scan3A_59 = scf.for %scan3A_743 = %scan3A_55 to %scan3A_57 step %scan3A_58 iter_args(%scan3A_744 = %scan3A_54) -> (i32)  : i32 {
      %jit3A_745 = arith.constant 8 : i32
      %div3A = arith.divsi %scan3A_743, %jit3A_745 : i32
      %sign3A = arith.constant 0 : i32
      %sign3A_746 = arith.cmpi sgt, %scan3A_743, %sign3A : i32
      %sign3A_747 = arith.extui %sign3A_746 : i1 to i32
      %sign3A_748 = arith.constant 0 : i32
      %sign3A_749 = arith.cmpi slt, %scan3A_743, %sign3A_748 : i32
      %sign3A_750 = arith.extui %sign3A_749 : i1 to i32
      %sign3A_751 = arith.subi %sign3A_747, %sign3A_750 : i32
      %sign3A_752 = arith.constant 0 : i32
      %sign3A_753 = arith.cmpi sgt, %jit3A_745, %sign3A_752 : i32
      %sign3A_754 = arith.extui %sign3A_753 : i1 to i32
      %sign3A_755 = arith.constant 0 : i32
      %sign3A_756 = arith.cmpi slt, %jit3A_745, %sign3A_755 : i32
      %sign3A_757 = arith.extui %sign3A_756 : i1 to i32
      %sign3A_758 = arith.subi %sign3A_754, %sign3A_757 : i32
      %ne3A = arith.cmpi ne, %sign3A_751, %sign3A_758 : i32
      %rem3A = arith.remsi %scan3A_743, %jit3A_745 : i32
      %ne3A_759 = arith.constant 0 : i32
      %ne3A_760 = arith.cmpi ne, %rem3A, %ne3A_759 : i32
      %and3A = arith.andi %ne3A, %ne3A_760 : i1
      %sub3A = arith.constant 1 : i32
      %sub3A_761 = arith.subi %div3A, %sub3A : i32
      %select_n3A_762 = arith.select %and3A, %sub3A_761, %div3A : i32
      %jit3A_763 = arith.constant 8 : i32
      %eq3A_764 = arith.constant 0 : i32
      %eq3A_765 = arith.cmpi eq, %jit3A_763, %eq3A_764 : i32
      %jit3A_766 = arith.constant 1 : i32
      %select_n3A_767 = arith.select %eq3A_765, %jit3A_766, %jit3A_763 : i32
      %rem3A_768 = arith.remsi %scan3A_743, %select_n3A_767 : i32
      %ne3A_769 = arith.constant 0 : i32
      %ne3A_770 = arith.cmpi ne, %rem3A_768, %ne3A_769 : i32
      %lt3A = arith.constant 0 : i32
      %lt3A_771 = arith.cmpi slt, %rem3A_768, %lt3A : i32
      %lt3A_772 = arith.constant 0 : i32
      %lt3A_773 = arith.cmpi slt, %select_n3A_767, %lt3A_772 : i32
      %ne3A_774 = arith.xori %lt3A_771, %lt3A_773 : i1
      %and3A_775 = arith.andi %ne3A_774, %ne3A_770 : i1
      %add3A_776 = arith.addi %rem3A_768, %select_n3A_767 : i32
      %select_n3A_777 = arith.select %and3A_775, %add3A_776, %rem3A_768 : i32
      %mul3A_778 = arith.constant 16 : i32
      %mul3A_779 = arith.muli %select_n3A_777, %mul3A_778 : i32
      %swap3A = arith.index_cast %select_n3A_762 : i32 to index
      %swap3A_780 = arith.index_cast %mul3A_779 : i32 to index
      %swap3A_781 = tpu.vector_load %arg7[%swap3A, %swap3A_780] {strides = array<i32>} : memref<48x128xf32, #tpu.memory_space<vmem>>, vector<1x16xf32>,
      %swap3A_782 = vector.shape_cast %swap3A_781 : vector<1x16xf32> to vector<16xf32>
      %swap3A_783 = vector.shape_cast %broadcast_in_dim3A_53 : vector<16xf32> to vector<1x16xf32>
      tpu.vector_store %arg7[%swap3A, %swap3A_780], %swap3A_783 {strides = array<i32>} : memref<48x128xf32, #tpu.memory_space<vmem>>, vector<1x16xf32>,
      %scan3A_784 = arith.constant 0 : i32
      scf.yield %scan3A_784 : i32
    }
    %scan3A_60 = arith.constant 384 : i32
    %add3A_61 = arith.constant 0 : i32
    %add3A_62 = arith.addi %mul3A_2, %add3A_61 : i32
    "tpu.region"() ({
      %run_scoped3A = tpu.sem_alloc : memref<!tpu.dma_semaphore, #tpu.memory_space<semaphore_mem>>
      %dma_start3A_743 = arith.constant 0 : i32
      %dma_start3A_744 = tpu.memref_slice %arg12[%add3A_62, %dma_start3A_743] : memref<10000x128xf32, #tpu.memory_space<vmem_shared>> -> memref<48x128xf32, #tpu.memory_space<vmem_shared>>
      %dma_start3A_745 = arith.constant 0 : i32
      %dma_start3A_746 = tpu.memref_slice %arg12[%add3A_62, %dma_start3A_745] : memref<10000x128xf32, #tpu.memory_space<vmem_shared>> -> memref<48x128xf32, #tpu.memory_space<vmem_shared>>
      tpu.enqueue_dma source(%arg7 : memref<48x128xf32, #tpu.memory_space<vmem>>) target(%dma_start3A_746 : memref<48x128xf32, #tpu.memory_space<vmem_shared>>) target_semaphore(%run_scoped3A : memref<!tpu.dma_semaphore, #tpu.memory_space<semaphore_mem>>)
      %dma_wait3A_747 = arith.constant 0 : i32
      %dma_wait3A_748 = tpu.memref_slice %arg12[%add3A_62, %dma_wait3A_747] : memref<10000x128xf32, #tpu.memory_space<vmem_shared>> -> memref<48x128xf32, #tpu.memory_space<vmem_shared>>
      %dma_wait3A_749 = arith.constant 0 : i32
      %dma_wait3A_750 = tpu.memref_slice %arg12[%add3A_62, %dma_wait3A_749] : memref<10000x128xf32, #tpu.memory_space<vmem_shared>> -> memref<48x128xf32, #tpu.memory_space<vmem_shared>>
      tpu.wait_dma2 semaphore(%run_scoped3A : memref<!tpu.dma_semaphore, #tpu.memory_space<semaphore_mem>>) src(%arg7 : memref<48x128xf32, #tpu.memory_space<vmem>>) dst(%dma_wait3A_750 : memref<48x128xf32, #tpu.memory_space<vmem_shared>>)
      tpu.yield
    }) : () -> ()
    %add3A_63 = arith.constant 48 : i32
    %add3A_64 = arith.addi %mul3A_2, %add3A_63 : i32
    "tpu.region"() ({
      %run_scoped3A = tpu.sem_alloc : memref<!tpu.dma_semaphore, #tpu.memory_space<semaphore_mem>>
      %dma_start3A_743 = arith.constant 0 : i32
      %dma_start3A_744 = tpu.memref_slice %arg12[%add3A_64, %dma_start3A_743] : memref<10000x128xf32, #tpu.memory_space<vmem_shared>> -> memref<48x128xf32, #tpu.memory_space<vmem_shared>>
      %dma_start3A_745 = arith.constant 0 : i32
      %dma_start3A_746 = tpu.memref_slice %arg12[%add3A_64, %dma_start3A_745] : memref<10000x128xf32, #tpu.memory_space<vmem_shared>> -> memref<48x128xf32, #tpu.memory_space<vmem_shared>>
      tpu.enqueue_dma source(%arg7 : memref<48x128xf32, #tpu.memory_space<vmem>>) target(%dma_start3A_746 : memref<48x128xf32, #tpu.memory_space<vmem_shared>>) target_semaphore(%run_scoped3A : memref<!tpu.dma_semaphore, #tpu.memory_space<semaphore_mem>>)
      %dma_wait3A_747 = arith.constant 0 : i32
      %dma_wait3A_748 = tpu.memref_slice %arg12[%add3A_64, %dma_wait3A_747] : memref<10000x128xf32, #tpu.memory_space<vmem_shared>> -> memref<48x128xf32, #tpu.memory_space<vmem_shared>>
      %dma_wait3A_749 = arith.constant 0 : i32
      %dma_wait3A_750 = tpu.memref_slice %arg12[%add3A_64, %dma_wait3A_749] : memref<10000x128xf32, #tpu.memory_space<vmem_shared>> -> memref<48x128xf32, #tpu.memory_space<vmem_shared>>
      tpu.wait_dma2 semaphore(%run_scoped3A : memref<!tpu.dma_semaphore, #tpu.memory_space<semaphore_mem>>) src(%arg7 : memref<48x128xf32, #tpu.memory_space<vmem>>) dst(%dma_wait3A_750 : memref<48x128xf32, #tpu.memory_space<vmem_shared>>)
      tpu.yield
    }) : () -> ()
    %add3A_65 = arith.constant 96 : i32
    %add3A_66 = arith.addi %mul3A_2, %add3A_65 : i32
    "tpu.region"() ({
      %run_scoped3A = tpu.sem_alloc : memref<!tpu.dma_semaphore, #tpu.memory_space<semaphore_mem>>
      %dma_start3A_743 = arith.constant 0 : i32
      %dma_start3A_744 = tpu.memref_slice %arg12[%add3A_66, %dma_start3A_743] : memref<10000x128xf32, #tpu.memory_space<vmem_shared>> -> memref<48x128xf32, #tpu.memory_space<vmem_shared>>
      %dma_start3A_745 = arith.constant 0 : i32
      %dma_start3A_746 = tpu.memref_slice %arg12[%add3A_66, %dma_start3A_745] : memref<10000x128xf32, #tpu.memory_space<vmem_shared>> -> memref<48x128xf32, #tpu.memory_space<vmem_shared>>
      tpu.enqueue_dma source(%arg7 : memref<48x128xf32, #tpu.memory_space<vmem>>) target(%dma_start3A_746 : memref<48x128xf32, #tpu.memory_space<vmem_shared>>) target_semaphore(%run_scoped3A : memref<!tpu.dma_semaphore, #tpu.memory_space<semaphore_mem>>)
      %dma_wait3A_747 = arith.constant 0 : i32
      %dma_wait3A_748 = tpu.memref_slice %arg12[%add3A_66, %dma_wait3A_747] : memref<10000x128xf32, #tpu.memory_space<vmem_shared>> -> memref<48x128xf32, #tpu.memory_space<vmem_shared>>
      %dma_wait3A_749 = arith.constant 0 : i32
      %dma_wait3A_750 = tpu.memref_slice %arg12[%add3A_66, %dma_wait3A_749] : memref<10000x128xf32, #tpu.memory_space<vmem_shared>> -> memref<48x128xf32, #tpu.memory_space<vmem_shared>>
      tpu.wait_dma2 semaphore(%run_scoped3A : memref<!tpu.dma_semaphore, #tpu.memory_space<semaphore_mem>>) src(%arg7 : memref<48x128xf32, #tpu.memory_space<vmem>>) dst(%dma_wait3A_750 : memref<48x128xf32, #tpu.memory_space<vmem_shared>>)
      tpu.yield
    }) : () -> ()
    %add3A_67 = arith.constant 144 : i32
    %add3A_68 = arith.addi %mul3A_2, %add3A_67 : i32
    "tpu.region"() ({
      %run_scoped3A = tpu.sem_alloc : memref<!tpu.dma_semaphore, #tpu.memory_space<semaphore_mem>>
      %dma_start3A_743 = arith.constant 0 : i32
      %dma_start3A_744 = tpu.memref_slice %arg12[%add3A_68, %dma_start3A_743] : memref<10000x128xf32, #tpu.memory_space<vmem_shared>> -> memref<48x128xf32, #tpu.memory_space<vmem_shared>>
      %dma_start3A_745 = arith.constant 0 : i32
      %dma_start3A_746 = tpu.memref_slice %arg12[%add3A_68, %dma_start3A_745] : memref<10000x128xf32, #tpu.memory_space<vmem_shared>> -> memref<48x128xf32, #tpu.memory_space<vmem_shared>>
      tpu.enqueue_dma source(%arg7 : memref<48x128xf32, #tpu.memory_space<vmem>>) target(%dma_start3A_746 : memref<48x128xf32, #tpu.memory_space<vmem_shared>>) target_semaphore(%run_scoped3A : memref<!tpu.dma_semaphore, #tpu.memory_space<semaphore_mem>>)
      %dma_wait3A_747 = arith.constant 0 : i32
      %dma_wait3A_748 = tpu.memref_slice %arg12[%add3A_68, %dma_wait3A_747] : memref<10000x128xf32, #tpu.memory_space<vmem_shared>> -> memref<48x128xf32, #tpu.memory_space<vmem_shared>>
      %dma_wait3A_749 = arith.constant 0 : i32
      %dma_wait3A_750 = tpu.memref_slice %arg12[%add3A_68, %dma_wait3A_749] : memref<10000x128xf32, #tpu.memory_space<vmem_shared>> -> memref<48x128xf32, #tpu.memory_space<vmem_shared>>
      tpu.wait_dma2 semaphore(%run_scoped3A : memref<!tpu.dma_semaphore, #tpu.memory_space<semaphore_mem>>) src(%arg7 : memref<48x128xf32, #tpu.memory_space<vmem>>) dst(%dma_wait3A_750 : memref<48x128xf32, #tpu.memory_space<vmem_shared>>)
      tpu.yield
    }) : () -> ()
    %add3A_69 = arith.constant 192 : i32
    %add3A_70 = arith.addi %mul3A_2, %add3A_69 : i32
    "tpu.region"() ({
      %run_scoped3A = tpu.sem_alloc : memref<!tpu.dma_semaphore, #tpu.memory_space<semaphore_mem>>
      %dma_start3A_743 = arith.constant 0 : i32
      %dma_start3A_744 = tpu.memref_slice %arg12[%add3A_70, %dma_start3A_743] : memref<10000x128xf32, #tpu.memory_space<vmem_shared>> -> memref<48x128xf32, #tpu.memory_space<vmem_shared>>
      %dma_start3A_745 = arith.constant 0 : i32
      %dma_start3A_746 = tpu.memref_slice %arg12[%add3A_70, %dma_start3A_745] : memref<10000x128xf32, #tpu.memory_space<vmem_shared>> -> memref<48x128xf32, #tpu.memory_space<vmem_shared>>
      tpu.enqueue_dma source(%arg7 : memref<48x128xf32, #tpu.memory_space<vmem>>) target(%dma_start3A_746 : memref<48x128xf32, #tpu.memory_space<vmem_shared>>) target_semaphore(%run_scoped3A : memref<!tpu.dma_semaphore, #tpu.memory_space<semaphore_mem>>)
      %dma_wait3A_747 = arith.constant 0 : i32
      %dma_wait3A_748 = tpu.memref_slice %arg12[%add3A_70, %dma_wait3A_747] : memref<10000x128xf32, #tpu.memory_space<vmem_shared>> -> memref<48x128xf32, #tpu.memory_space<vmem_shared>>
      %dma_wait3A_749 = arith.constant 0 : i32
      %dma_wait3A_750 = tpu.memref_slice %arg12[%add3A_70, %dma_wait3A_749] : memref<10000x128xf32, #tpu.memory_space<vmem_shared>> -> memref<48x128xf32, #tpu.memory_space<vmem_shared>>
      tpu.wait_dma2 semaphore(%run_scoped3A : memref<!tpu.dma_semaphore, #tpu.memory_space<semaphore_mem>>) src(%arg7 : memref<48x128xf32, #tpu.memory_space<vmem>>) dst(%dma_wait3A_750 : memref<48x128xf32, #tpu.memory_space<vmem_shared>>)
      tpu.yield
    }) : () -> ()
    %add3A_71 = arith.constant 240 : i32
    %add3A_72 = arith.addi %mul3A_2, %add3A_71 : i32
    "tpu.region"() ({
      %run_scoped3A = tpu.sem_alloc : memref<!tpu.dma_semaphore, #tpu.memory_space<semaphore_mem>>
      %dma_start3A_743 = arith.constant 0 : i32
      %dma_start3A_744 = tpu.memref_slice %arg12[%add3A_72, %dma_start3A_743] : memref<10000x128xf32, #tpu.memory_space<vmem_shared>> -> memref<48x128xf32, #tpu.memory_space<vmem_shared>>
      %dma_start3A_745 = arith.constant 0 : i32
      %dma_start3A_746 = tpu.memref_slice %arg12[%add3A_72, %dma_start3A_745] : memref<10000x128xf32, #tpu.memory_space<vmem_shared>> -> memref<48x128xf32, #tpu.memory_space<vmem_shared>>
      tpu.enqueue_dma source(%arg7 : memref<48x128xf32, #tpu.memory_space<vmem>>) target(%dma_start3A_746 : memref<48x128xf32, #tpu.memory_space<vmem_shared>>) target_semaphore(%run_scoped3A : memref<!tpu.dma_semaphore, #tpu.memory_space<semaphore_mem>>)
      %dma_wait3A_747 = arith.constant 0 : i32
      %dma_wait3A_748 = tpu.memref_slice %arg12[%add3A_72, %dma_wait3A_747] : memref<10000x128xf32, #tpu.memory_space<vmem_shared>> -> memref<48x128xf32, #tpu.memory_space<vmem_shared>>
      %dma_wait3A_749 = arith.constant 0 : i32
      %dma_wait3A_750 = tpu.memref_slice %arg12[%add3A_72, %dma_wait3A_749] : memref<10000x128xf32, #tpu.memory_space<vmem_shared>> -> memref<48x128xf32, #tpu.memory_space<vmem_shared>>
      tpu.wait_dma2 semaphore(%run_scoped3A : memref<!tpu.dma_semaphore, #tpu.memory_space<semaphore_mem>>) src(%arg7 : memref<48x128xf32, #tpu.memory_space<vmem>>) dst(%dma_wait3A_750 : memref<48x128xf32, #tpu.memory_space<vmem_shared>>)
      tpu.yield
    }) : () -> ()
    %add3A_73 = arith.constant 288 : i32
    %add3A_74 = arith.addi %mul3A_2, %add3A_73 : i32
    "tpu.region"() ({
      %run_scoped3A = tpu.sem_alloc : memref<!tpu.dma_semaphore, #tpu.memory_space<semaphore_mem>>
      %dma_start3A_743 = arith.constant 0 : i32
      %dma_start3A_744 = tpu.memref_slice %arg12[%add3A_74, %dma_start3A_743] : memref<10000x128xf32, #tpu.memory_space<vmem_shared>> -> memref<48x128xf32, #tpu.memory_space<vmem_shared>>
      %dma_start3A_745 = arith.constant 0 : i32
      %dma_start3A_746 = tpu.memref_slice %arg12[%add3A_74, %dma_start3A_745] : memref<10000x128xf32, #tpu.memory_space<vmem_shared>> -> memref<48x128xf32, #tpu.memory_space<vmem_shared>>
      tpu.enqueue_dma source(%arg7 : memref<48x128xf32, #tpu.memory_space<vmem>>) target(%dma_start3A_746 : memref<48x128xf32, #tpu.memory_space<vmem_shared>>) target_semaphore(%run_scoped3A : memref<!tpu.dma_semaphore, #tpu.memory_space<semaphore_mem>>)
      %dma_wait3A_747 = arith.constant 0 : i32
      %dma_wait3A_748 = tpu.memref_slice %arg12[%add3A_74, %dma_wait3A_747] : memref<10000x128xf32, #tpu.memory_space<vmem_shared>> -> memref<48x128xf32, #tpu.memory_space<vmem_shared>>
      %dma_wait3A_749 = arith.constant 0 : i32
      %dma_wait3A_750 = tpu.memref_slice %arg12[%add3A_74, %dma_wait3A_749] : memref<10000x128xf32, #tpu.memory_space<vmem_shared>> -> memref<48x128xf32, #tpu.memory_space<vmem_shared>>
      tpu.wait_dma2 semaphore(%run_scoped3A : memref<!tpu.dma_semaphore, #tpu.memory_space<semaphore_mem>>) src(%arg7 : memref<48x128xf32, #tpu.memory_space<vmem>>) dst(%dma_wait3A_750 : memref<48x128xf32, #tpu.memory_space<vmem_shared>>)
      tpu.yield
    }) : () -> ()
    %add3A_75 = arith.constant 336 : i32
    %add3A_76 = arith.addi %mul3A_2, %add3A_75 : i32
    "tpu.region"() ({
      %run_scoped3A = tpu.sem_alloc : memref<!tpu.dma_semaphore, #tpu.memory_space<semaphore_mem>>
      %dma_start3A_743 = arith.constant 0 : i32
      %dma_start3A_744 = tpu.memref_slice %arg12[%add3A_76, %dma_start3A_743] : memref<10000x128xf32, #tpu.memory_space<vmem_shared>> -> memref<48x128xf32, #tpu.memory_space<vmem_shared>>
      %dma_start3A_745 = arith.constant 0 : i32
      %dma_start3A_746 = tpu.memref_slice %arg12[%add3A_76, %dma_start3A_745] : memref<10000x128xf32, #tpu.memory_space<vmem_shared>> -> memref<48x128xf32, #tpu.memory_space<vmem_shared>>
      tpu.enqueue_dma source(%arg7 : memref<48x128xf32, #tpu.memory_space<vmem>>) target(%dma_start3A_746 : memref<48x128xf32, #tpu.memory_space<vmem_shared>>) target_semaphore(%run_scoped3A : memref<!tpu.dma_semaphore, #tpu.memory_space<semaphore_mem>>)
      %dma_wait3A_747 = arith.constant 0 : i32
      %dma_wait3A_748 = tpu.memref_slice %arg12[%add3A_76, %dma_wait3A_747] : memref<10000x128xf32, #tpu.memory_space<vmem_shared>> -> memref<48x128xf32, #tpu.memory_space<vmem_shared>>
      %dma_wait3A_749 = arith.constant 0 : i32
      %dma_wait3A_750 = tpu.memref_slice %arg12[%add3A_76, %dma_wait3A_749] : memref<10000x128xf32, #tpu.memory_space<vmem_shared>> -> memref<48x128xf32, #tpu.memory_space<vmem_shared>>
      tpu.wait_dma2 semaphore(%run_scoped3A : memref<!tpu.dma_semaphore, #tpu.memory_space<semaphore_mem>>) src(%arg7 : memref<48x128xf32, #tpu.memory_space<vmem>>) dst(%dma_wait3A_750 : memref<48x128xf32, #tpu.memory_space<vmem_shared>>)
      tpu.yield
    }) : () -> ()
    %add3A_77 = arith.constant 384 : i32
    %add3A_78 = arith.addi %mul3A_2, %add3A_77 : i32
    "tpu.region"() ({
      %run_scoped3A = tpu.sem_alloc : memref<!tpu.dma_semaphore, #tpu.memory_space<semaphore_mem>>
      %dma_start3A_743 = arith.constant 0 : i32
      %dma_start3A_744 = tpu.memref_slice %arg12[%add3A_78, %dma_start3A_743] : memref<10000x128xf32, #tpu.memory_space<vmem_shared>> -> memref<48x128xf32, #tpu.memory_space<vmem_shared>>
      %dma_start3A_745 = arith.constant 0 : i32
      %dma_start3A_746 = tpu.memref_slice %arg12[%add3A_78, %dma_start3A_745] : memref<10000x128xf32, #tpu.memory_space<vmem_shared>> -> memref<48x128xf32, #tpu.memory_space<vmem_shared>>
      tpu.enqueue_dma source(%arg7 : memref<48x128xf32, #tpu.memory_space<vmem>>) target(%dma_start3A_746 : memref<48x128xf32, #tpu.memory_space<vmem_shared>>) target_semaphore(%run_scoped3A : memref<!tpu.dma_semaphore, #tpu.memory_space<semaphore_mem>>)
      %dma_wait3A_747 = arith.constant 0 : i32
      %dma_wait3A_748 = tpu.memref_slice %arg12[%add3A_78, %dma_wait3A_747] : memref<10000x128xf32, #tpu.memory_space<vmem_shared>> -> memref<48x128xf32, #tpu.memory_space<vmem_shared>>
      %dma_wait3A_749 = arith.constant 0 : i32
      %dma_wait3A_750 = tpu.memref_slice %arg12[%add3A_78, %dma_wait3A_749] : memref<10000x128xf32, #tpu.memory_space<vmem_shared>> -> memref<48x128xf32, #tpu.memory_space<vmem_shared>>
      tpu.wait_dma2 semaphore(%run_scoped3A : memref<!tpu.dma_semaphore, #tpu.memory_space<semaphore_mem>>) src(%arg7 : memref<48x128xf32, #tpu.memory_space<vmem>>) dst(%dma_wait3A_750 : memref<48x128xf32, #tpu.memory_space<vmem_shared>>)
      tpu.yield
    }) : () -> ()
    %add3A_79 = arith.constant 432 : i32
    %add3A_80 = arith.addi %mul3A_2, %add3A_79 : i32
    "tpu.region"() ({
      %run_scoped3A = tpu.sem_alloc : memref<!tpu.dma_semaphore, #tpu.memory_space<semaphore_mem>>
      %dma_start3A_743 = arith.constant 0 : i32
      %dma_start3A_744 = tpu.memref_slice %arg12[%add3A_80, %dma_start3A_743] : memref<10000x128xf32, #tpu.memory_space<vmem_shared>> -> memref<48x128xf32, #tpu.memory_space<vmem_shared>>
      %dma_start3A_745 = arith.constant 0 : i32
      %dma_start3A_746 = tpu.memref_slice %arg12[%add3A_80, %dma_start3A_745] : memref<10000x128xf32, #tpu.memory_space<vmem_shared>> -> memref<48x128xf32, #tpu.memory_space<vmem_shared>>
      tpu.enqueue_dma source(%arg7 : memref<48x128xf32, #tpu.memory_space<vmem>>) target(%dma_start3A_746 : memref<48x128xf32, #tpu.memory_space<vmem_shared>>) target_semaphore(%run_scoped3A : memref<!tpu.dma_semaphore, #tpu.memory_space<semaphore_mem>>)
      %dma_wait3A_747 = arith.constant 0 : i32
      %dma_wait3A_748 = tpu.memref_slice %arg12[%add3A_80, %dma_wait3A_747] : memref<10000x128xf32, #tpu.memory_space<vmem_shared>> -> memref<48x128xf32, #tpu.memory_space<vmem_shared>>
      %dma_wait3A_749 = arith.constant 0 : i32
      %dma_wait3A_750 = tpu.memref_slice %arg12[%add3A_80, %dma_wait3A_749] : memref<10000x128xf32, #tpu.memory_space<vmem_shared>> -> memref<48x128xf32, #tpu.memory_space<vmem_shared>>
      tpu.wait_dma2 semaphore(%run_scoped3A : memref<!tpu.dma_semaphore, #tpu.memory_space<semaphore_mem>>) src(%arg7 : memref<48x128xf32, #tpu.memory_space<vmem>>) dst(%dma_wait3A_750 : memref<48x128xf32, #tpu.memory_space<vmem_shared>>)
      tpu.yield
    }) : () -> ()
    %add3A_81 = arith.constant 480 : i32
    %add3A_82 = arith.addi %mul3A_2, %add3A_81 : i32
    "tpu.region"() ({
      %run_scoped3A = tpu.sem_alloc : memref<!tpu.dma_semaphore, #tpu.memory_space<semaphore_mem>>
      %dma_start3A_743 = arith.constant 0 : i32
      %dma_start3A_744 = tpu.memref_slice %arg12[%add3A_82, %dma_start3A_743] : memref<10000x128xf32, #tpu.memory_space<vmem_shared>> -> memref<48x128xf32, #tpu.memory_space<vmem_shared>>
      %dma_start3A_745 = arith.constant 0 : i32
      %dma_start3A_746 = tpu.memref_slice %arg12[%add3A_82, %dma_start3A_745] : memref<10000x128xf32, #tpu.memory_space<vmem_shared>> -> memref<48x128xf32, #tpu.memory_space<vmem_shared>>
      tpu.enqueue_dma source(%arg7 : memref<48x128xf32, #tpu.memory_space<vmem>>) target(%dma_start3A_746 : memref<48x128xf32, #tpu.memory_space<vmem_shared>>) target_semaphore(%run_scoped3A : memref<!tpu.dma_semaphore, #tpu.memory_space<semaphore_mem>>)
      %dma_wait3A_747 = arith.constant 0 : i32
      %dma_wait3A_748 = tpu.memref_slice %arg12[%add3A_82, %dma_wait3A_747] : memref<10000x128xf32, #tpu.memory_space<vmem_shared>> -> memref<48x128xf32, #tpu.memory_space<vmem_shared>>
      %dma_wait3A_749 = arith.constant 0 : i32
      %dma_wait3A_750 = tpu.memref_slice %arg12[%add3A_82, %dma_wait3A_749] : memref<10000x128xf32, #tpu.memory_space<vmem_shared>> -> memref<48x128xf32, #tpu.memory_space<vmem_shared>>
      tpu.wait_dma2 semaphore(%run_scoped3A : memref<!tpu.dma_semaphore, #tpu.memory_space<semaphore_mem>>) src(%arg7 : memref<48x128xf32, #tpu.memory_space<vmem>>) dst(%dma_wait3A_750 : memref<48x128xf32, #tpu.memory_space<vmem_shared>>)
      tpu.yield
    }) : () -> ()
    %add3A_83 = arith.constant 528 : i32
    %add3A_84 = arith.addi %mul3A_2, %add3A_83 : i32
    "tpu.region"() ({
      %run_scoped3A = tpu.sem_alloc : memref<!tpu.dma_semaphore, #tpu.memory_space<semaphore_mem>>
      %dma_start3A_743 = arith.constant 0 : i32
      %dma_start3A_744 = tpu.memref_slice %arg12[%add3A_84, %dma_start3A_743] : memref<10000x128xf32, #tpu.memory_space<vmem_shared>> -> memref<48x128xf32, #tpu.memory_space<vmem_shared>>
      %dma_start3A_745 = arith.constant 0 : i32
      %dma_start3A_746 = tpu.memref_slice %arg12[%add3A_84, %dma_start3A_745] : memref<10000x128xf32, #tpu.memory_space<vmem_shared>> -> memref<48x128xf32, #tpu.memory_space<vmem_shared>>
      tpu.enqueue_dma source(%arg7 : memref<48x128xf32, #tpu.memory_space<vmem>>) target(%dma_start3A_746 : memref<48x128xf32, #tpu.memory_space<vmem_shared>>) target_semaphore(%run_scoped3A : memref<!tpu.dma_semaphore, #tpu.memory_space<semaphore_mem>>)
      %dma_wait3A_747 = arith.constant 0 : i32
      %dma_wait3A_748 = tpu.memref_slice %arg12[%add3A_84, %dma_wait3A_747] : memref<10000x128xf32, #tpu.memory_space<vmem_shared>> -> memref<48x128xf32, #tpu.memory_space<vmem_shared>>
      %dma_wait3A_749 = arith.constant 0 : i32
      %dma_wait3A_750 = tpu.memref_slice %arg12[%add3A_84, %dma_wait3A_749] : memref<10000x128xf32, #tpu.memory_space<vmem_shared>> -> memref<48x128xf32, #tpu.memory_space<vmem_shared>>
      tpu.wait_dma2 semaphore(%run_scoped3A : memref<!tpu.dma_semaphore, #tpu.memory_space<semaphore_mem>>) src(%arg7 : memref<48x128xf32, #tpu.memory_space<vmem>>) dst(%dma_wait3A_750 : memref<48x128xf32, #tpu.memory_space<vmem_shared>>)
      tpu.yield
    }) : () -> ()
    %add3A_85 = arith.constant 576 : i32
    %add3A_86 = arith.addi %mul3A_2, %add3A_85 : i32
    "tpu.region"() ({
      %run_scoped3A = tpu.sem_alloc : memref<!tpu.dma_semaphore, #tpu.memory_space<semaphore_mem>>
      %dma_start3A_743 = arith.constant 0 : i32
      %dma_start3A_744 = tpu.memref_slice %arg12[%add3A_86, %dma_start3A_743] : memref<10000x128xf32, #tpu.memory_space<vmem_shared>> -> memref<48x128xf32, #tpu.memory_space<vmem_shared>>
      %dma_start3A_745 = arith.constant 0 : i32
      %dma_start3A_746 = tpu.memref_slice %arg12[%add3A_86, %dma_start3A_745] : memref<10000x128xf32, #tpu.memory_space<vmem_shared>> -> memref<48x128xf32, #tpu.memory_space<vmem_shared>>
      tpu.enqueue_dma source(%arg7 : memref<48x128xf32, #tpu.memory_space<vmem>>) target(%dma_start3A_746 : memref<48x128xf32, #tpu.memory_space<vmem_shared>>) target_semaphore(%run_scoped3A : memref<!tpu.dma_semaphore, #tpu.memory_space<semaphore_mem>>)
      %dma_wait3A_747 = arith.constant 0 : i32
      %dma_wait3A_748 = tpu.memref_slice %arg12[%add3A_86, %dma_wait3A_747] : memref<10000x128xf32, #tpu.memory_space<vmem_shared>> -> memref<48x128xf32, #tpu.memory_space<vmem_shared>>
      %dma_wait3A_749 = arith.constant 0 : i32
      %dma_wait3A_750 = tpu.memref_slice %arg12[%add3A_86, %dma_wait3A_749] : memref<10000x128xf32, #tpu.memory_space<vmem_shared>> -> memref<48x128xf32, #tpu.memory_space<vmem_shared>>
      tpu.wait_dma2 semaphore(%run_scoped3A : memref<!tpu.dma_semaphore, #tpu.memory_space<semaphore_mem>>) src(%arg7 : memref<48x128xf32, #tpu.memory_space<vmem>>) dst(%dma_wait3A_750 : memref<48x128xf32, #tpu.memory_space<vmem_shared>>)
      tpu.yield
    }) : () -> ()
    %convert_element_type3A_87 = arith.extui %eq3A_3 : i1 to i32
    %cond3A_88 = arith.constant 0 : i32
    %cond3A_89 = arith.cmpi ne, %convert_element_type3A_87, %cond3A_88 : i32
    scf.if %cond3A_89 {
      %add3A_743 = arith.constant 624 : i32
      %add3A_744 = arith.addi %mul3A_2, %add3A_743 : i32
      "tpu.region"() ({
        %run_scoped3A = tpu.sem_alloc : memref<!tpu.dma_semaphore, #tpu.memory_space<semaphore_mem>>
        %dma_start3A_745 = arith.constant 0 : i32
        %dma_start3A_746 = arith.constant 0 : i32
        %dma_start3A_747 = tpu.memref_slice %arg7[%dma_start3A_745, %dma_start3A_746] : memref<48x128xf32, #tpu.memory_space<vmem>> -> memref<16x128xf32, #tpu.memory_space<vmem>>
        %dma_start3A_748 = arith.constant 0 : i32
        %dma_start3A_749 = tpu.memref_slice %arg12[%add3A_744, %dma_start3A_748] : memref<10000x128xf32, #tpu.memory_space<vmem_shared>> -> memref<16x128xf32, #tpu.memory_space<vmem_shared>>
        %dma_start3A_750 = arith.constant 0 : i32
        %dma_start3A_751 = tpu.memref_slice %arg12[%add3A_744, %dma_start3A_750] : memref<10000x128xf32, #tpu.memory_space<vmem_shared>> -> memref<16x128xf32, #tpu.memory_space<vmem_shared>>
        %dma_start3A_752 = arith.constant 0 : i32
        %dma_start3A_753 = arith.constant 0 : i32
        %dma_start3A_754 = tpu.memref_slice %arg7[%dma_start3A_752, %dma_start3A_753] : memref<48x128xf32, #tpu.memory_space<vmem>> -> memref<16x128xf32, #tpu.memory_space<vmem>>
        tpu.enqueue_dma source(%dma_start3A_754 : memref<16x128xf32, #tpu.memory_space<vmem>>) target(%dma_start3A_751 : memref<16x128xf32, #tpu.memory_space<vmem_shared>>) target_semaphore(%run_scoped3A : memref<!tpu.dma_semaphore, #tpu.memory_space<semaphore_mem>>)
        %dma_wait3A_755 = arith.constant 0 : i32
        %dma_wait3A_756 = arith.constant 0 : i32
        %dma_wait3A_757 = tpu.memref_slice %arg7[%dma_wait3A_755, %dma_wait3A_756] : memref<48x128xf32, #tpu.memory_space<vmem>> -> memref<16x128xf32, #tpu.memory_space<vmem>>
        %dma_wait3A_758 = arith.constant 0 : i32
        %dma_wait3A_759 = tpu.memref_slice %arg12[%add3A_744, %dma_wait3A_758] : memref<10000x128xf32, #tpu.memory_space<vmem_shared>> -> memref<16x128xf32, #tpu.memory_space<vmem_shared>>
        %dma_wait3A_760 = arith.constant 0 : i32
        %dma_wait3A_761 = tpu.memref_slice %arg12[%add3A_744, %dma_wait3A_760] : memref<10000x128xf32, #tpu.memory_space<vmem_shared>> -> memref<16x128xf32, #tpu.memory_space<vmem_shared>>
        %dma_wait3A_762 = arith.constant 0 : i32
        %dma_wait3A_763 = arith.constant 0 : i32
        %dma_wait3A_764 = tpu.memref_slice %arg7[%dma_wait3A_762, %dma_wait3A_763] : memref<48x128xf32, #tpu.memory_space<vmem>> -> memref<16x128xf32, #tpu.memory_space<vmem>>
        tpu.wait_dma2 semaphore(%run_scoped3A : memref<!tpu.dma_semaphore, #tpu.memory_space<semaphore_mem>>) src(%dma_wait3A_764 : memref<16x128xf32, #tpu.memory_space<vmem>>) dst(%dma_wait3A_761 : memref<16x128xf32, #tpu.memory_space<vmem_shared>>)
        tpu.yield
      }) : () -> ()
    } else {
    }
    %barrier3A = arith.constant 0 : index
    tpu.barrier barrier_id(%barrier3A)
    %mul3A_90 = arith.constant 1250 : i32
    %mul3A_91 = arith.muli %arg1, %mul3A_90 : i32
    %add3A_92 = arith.constant 0 : i32
    %add3A_93 = arith.addi %mul3A_91, %add3A_92 : i32
    %add3A_94 = arith.constant 0 : i32
    %add3A_95 = arith.addi %add3A_93, %add3A_94 : i32
    %dma_start3A = arith.constant 0 : i32
    %dma_start3A_96 = arith.constant 0 : i32
    %dma_start3A_97 = tpu.memref_slice %arg7[%dma_start3A, %dma_start3A_96] : memref<48x128xf32, #tpu.memory_space<vmem>> -> memref<8x128xf32, #tpu.memory_space<vmem>>
    %dma_start3A_98 = arith.constant 0 : i32
    %dma_start3A_99 = arith.constant 0 : i32
    %dma_start3A_100 = tpu.memref_slice %arg2[%add3A_95, %add3A_51, %dma_start3A_98, %dma_start3A_99] : memref<20000x4x8x128xf32, #tpu.memory_space<hbm>> -> memref<1x1x8x128xf32, #tpu.memory_space<hbm>>
    %dma_start3A_101 = tpu.memref_squeeze %dma_start3A_100 : memref<1x1x8x128xf32, #tpu.memory_space<hbm>> -> memref<8x128xf32, #tpu.memory_space<hbm>>
    %dma_start3A_102 = arith.constant 0 : i32
    %dma_start3A_103 = arith.constant 0 : i32
    %dma_start3A_104 = tpu.memref_slice %arg7[%dma_start3A_102, %dma_start3A_103] : memref<48x128xf32, #tpu.memory_space<vmem>> -> memref<8x128xf32, #tpu.memory_space<vmem>>
    %dma_start3A_105 = arith.constant 0 : i32
    %dma_start3A_106 = arith.constant 0 : i32
    %dma_start3A_107 = tpu.memref_slice %arg2[%add3A_95, %add3A_51, %dma_start3A_105, %dma_start3A_106] : memref<20000x4x8x128xf32, #tpu.memory_space<hbm>> -> memref<1x1x8x128xf32, #tpu.memory_space<hbm>>
    %dma_start3A_108 = tpu.memref_squeeze %dma_start3A_107 : memref<1x1x8x128xf32, #tpu.memory_space<hbm>> -> memref<8x128xf32, #tpu.memory_space<hbm>>
    tpu.enqueue_dma source(%dma_start3A_108 : memref<8x128xf32, #tpu.memory_space<hbm>>) target(%dma_start3A_104 : memref<8x128xf32, #tpu.memory_space<vmem>>) target_semaphore(%arg14 : memref<!tpu.dma_semaphore, #tpu.memory_space<semaphore_mem>>)
    %mul3A_109 = arith.constant 1250 : i32
    %mul3A_110 = arith.muli %arg1, %mul3A_109 : i32
    %add3A_111 = arith.constant 0 : i32
    %add3A_112 = arith.addi %mul3A_110, %add3A_111 : i32
    %add3A_113 = arith.constant 1 : i32
    %add3A_114 = arith.addi %add3A_112, %add3A_113 : i32
    %dma_start3A_115 = arith.constant 8 : i32
    %dma_start3A_116 = arith.constant 0 : i32
    %dma_start3A_117 = tpu.memref_slice %arg7[%dma_start3A_115, %dma_start3A_116] : memref<48x128xf32, #tpu.memory_space<vmem>> -> memref<8x128xf32, #tpu.memory_space<vmem>>
    %dma_start3A_118 = arith.constant 0 : i32
    %dma_start3A_119 = arith.constant 0 : i32
    %dma_start3A_120 = tpu.memref_slice %arg2[%add3A_114, %add3A_51, %dma_start3A_118, %dma_start3A_119] : memref<20000x4x8x128xf32, #tpu.memory_space<hbm>> -> memref<1x1x8x128xf32, #tpu.memory_space<hbm>>
    %dma_start3A_121 = tpu.memref_squeeze %dma_start3A_120 : memref<1x1x8x128xf32, #tpu.memory_space<hbm>> -> memref<8x128xf32, #tpu.memory_space<hbm>>
    %dma_start3A_122 = arith.constant 8 : i32
    %dma_start3A_123 = arith.constant 0 : i32
    %dma_start3A_124 = tpu.memref_slice %arg7[%dma_start3A_122, %dma_start3A_123] : memref<48x128xf32, #tpu.memory_space<vmem>> -> memref<8x128xf32, #tpu.memory_space<vmem>>
    %dma_start3A_125 = arith.constant 0 : i32
    %dma_start3A_126 = arith.constant 0 : i32
    %dma_start3A_127 = tpu.memref_slice %arg2[%add3A_114, %add3A_51, %dma_start3A_125, %dma_start3A_126] : memref<20000x4x8x128xf32, #tpu.memory_space<hbm>> -> memref<1x1x8x128xf32, #tpu.memory_space<hbm>>
    %dma_start3A_128 = tpu.memref_squeeze %dma_start3A_127 : memref<1x1x8x128xf32, #tpu.memory_space<hbm>> -> memref<8x128xf32, #tpu.memory_space<hbm>>
    tpu.enqueue_dma source(%dma_start3A_128 : memref<8x128xf32, #tpu.memory_space<hbm>>) target(%dma_start3A_124 : memref<8x128xf32, #tpu.memory_space<vmem>>) target_semaphore(%arg14 : memref<!tpu.dma_semaphore, #tpu.memory_space<semaphore_mem>>)
    %mul3A_129 = arith.constant 1250 : i32
    %mul3A_130 = arith.muli %arg1, %mul3A_129 : i32
    %add3A_131 = arith.constant 0 : i32
    %add3A_132 = arith.addi %mul3A_130, %add3A_131 : i32
    %add3A_133 = arith.constant 2 : i32
    %add3A_134 = arith.addi %add3A_132, %add3A_133 : i32
    %dma_start3A_135 = arith.constant 16 : i32
    %dma_start3A_136 = arith.constant 0 : i32
    %dma_start3A_137 = tpu.memref_slice %arg7[%dma_start3A_135, %dma_start3A_136] : memref<48x128xf32, #tpu.memory_space<vmem>> -> memref<8x128xf32, #tpu.memory_space<vmem>>
    %dma_start3A_138 = arith.constant 0 : i32
    %dma_start3A_139 = arith.constant 0 : i32
    %dma_start3A_140 = tpu.memref_slice %arg2[%add3A_134, %add3A_51, %dma_start3A_138, %dma_start3A_139] : memref<20000x4x8x128xf32, #tpu.memory_space<hbm>> -> memref<1x1x8x128xf32, #tpu.memory_space<hbm>>
    %dma_start3A_141 = tpu.memref_squeeze %dma_start3A_140 : memref<1x1x8x128xf32, #tpu.memory_space<hbm>> -> memref<8x128xf32, #tpu.memory_space<hbm>>
    %dma_start3A_142 = arith.constant 16 : i32
    %dma_start3A_143 = arith.constant 0 : i32
    %dma_start3A_144 = tpu.memref_slice %arg7[%dma_start3A_142, %dma_start3A_143] : memref<48x128xf32, #tpu.memory_space<vmem>> -> memref<8x128xf32, #tpu.memory_space<vmem>>
    %dma_start3A_145 = arith.constant 0 : i32
    %dma_start3A_146 = arith.constant 0 : i32
    %dma_start3A_147 = tpu.memref_slice %arg2[%add3A_134, %add3A_51, %dma_start3A_145, %dma_start3A_146] : memref<20000x4x8x128xf32, #tpu.memory_space<hbm>> -> memref<1x1x8x128xf32, #tpu.memory_space<hbm>>
    %dma_start3A_148 = tpu.memref_squeeze %dma_start3A_147 : memref<1x1x8x128xf32, #tpu.memory_space<hbm>> -> memref<8x128xf32, #tpu.memory_space<hbm>>
    tpu.enqueue_dma source(%dma_start3A_148 : memref<8x128xf32, #tpu.memory_space<hbm>>) target(%dma_start3A_144 : memref<8x128xf32, #tpu.memory_space<vmem>>) target_semaphore(%arg14 : memref<!tpu.dma_semaphore, #tpu.memory_space<semaphore_mem>>)
    %mul3A_149 = arith.constant 1250 : i32
    %mul3A_150 = arith.muli %arg1, %mul3A_149 : i32
    %add3A_151 = arith.constant 0 : i32
    %add3A_152 = arith.addi %mul3A_150, %add3A_151 : i32
    %add3A_153 = arith.constant 3 : i32
    %add3A_154 = arith.addi %add3A_152, %add3A_153 : i32
    %dma_start3A_155 = arith.constant 24 : i32
    %dma_start3A_156 = arith.constant 0 : i32
    %dma_start3A_157 = tpu.memref_slice %arg7[%dma_start3A_155, %dma_start3A_156] : memref<48x128xf32, #tpu.memory_space<vmem>> -> memref<8x128xf32, #tpu.memory_space<vmem>>
    %dma_start3A_158 = arith.constant 0 : i32
    %dma_start3A_159 = arith.constant 0 : i32
    %dma_start3A_160 = tpu.memref_slice %arg2[%add3A_154, %add3A_51, %dma_start3A_158, %dma_start3A_159] : memref<20000x4x8x128xf32, #tpu.memory_space<hbm>> -> memref<1x1x8x128xf32, #tpu.memory_space<hbm>>
    %dma_start3A_161 = tpu.memref_squeeze %dma_start3A_160 : memref<1x1x8x128xf32, #tpu.memory_space<hbm>> -> memref<8x128xf32, #tpu.memory_space<hbm>>
    %dma_start3A_162 = arith.constant 24 : i32
    %dma_start3A_163 = arith.constant 0 : i32
    %dma_start3A_164 = tpu.memref_slice %arg7[%dma_start3A_162, %dma_start3A_163] : memref<48x128xf32, #tpu.memory_space<vmem>> -> memref<8x128xf32, #tpu.memory_space<vmem>>
    %dma_start3A_165 = arith.constant 0 : i32
    %dma_start3A_166 = arith.constant 0 : i32
    %dma_start3A_167 = tpu.memref_slice %arg2[%add3A_154, %add3A_51, %dma_start3A_165, %dma_start3A_166] : memref<20000x4x8x128xf32, #tpu.memory_space<hbm>> -> memref<1x1x8x128xf32, #tpu.memory_space<hbm>>
    %dma_start3A_168 = tpu.memref_squeeze %dma_start3A_167 : memref<1x1x8x128xf32, #tpu.memory_space<hbm>> -> memref<8x128xf32, #tpu.memory_space<hbm>>
    tpu.enqueue_dma source(%dma_start3A_168 : memref<8x128xf32, #tpu.memory_space<hbm>>) target(%dma_start3A_164 : memref<8x128xf32, #tpu.memory_space<vmem>>) target_semaphore(%arg14 : memref<!tpu.dma_semaphore, #tpu.memory_space<semaphore_mem>>)
    %mul3A_169 = arith.constant 1250 : i32
    %mul3A_170 = arith.muli %arg1, %mul3A_169 : i32
    %add3A_171 = arith.constant 0 : i32
    %add3A_172 = arith.addi %mul3A_170, %add3A_171 : i32
    %add3A_173 = arith.constant 4 : i32
    %add3A_174 = arith.addi %add3A_172, %add3A_173 : i32
    %dma_start3A_175 = arith.constant 32 : i32
    %dma_start3A_176 = arith.constant 0 : i32
    %dma_start3A_177 = tpu.memref_slice %arg7[%dma_start3A_175, %dma_start3A_176] : memref<48x128xf32, #tpu.memory_space<vmem>> -> memref<8x128xf32, #tpu.memory_space<vmem>>
    %dma_start3A_178 = arith.constant 0 : i32
    %dma_start3A_179 = arith.constant 0 : i32
    %dma_start3A_180 = tpu.memref_slice %arg2[%add3A_174, %add3A_51, %dma_start3A_178, %dma_start3A_179] : memref<20000x4x8x128xf32, #tpu.memory_space<hbm>> -> memref<1x1x8x128xf32, #tpu.memory_space<hbm>>
    %dma_start3A_181 = tpu.memref_squeeze %dma_start3A_180 : memref<1x1x8x128xf32, #tpu.memory_space<hbm>> -> memref<8x128xf32, #tpu.memory_space<hbm>>
    %dma_start3A_182 = arith.constant 32 : i32
    %dma_start3A_183 = arith.constant 0 : i32
    %dma_start3A_184 = tpu.memref_slice %arg7[%dma_start3A_182, %dma_start3A_183] : memref<48x128xf32, #tpu.memory_space<vmem>> -> memref<8x128xf32, #tpu.memory_space<vmem>>
    %dma_start3A_185 = arith.constant 0 : i32
    %dma_start3A_186 = arith.constant 0 : i32
    %dma_start3A_187 = tpu.memref_slice %arg2[%add3A_174, %add3A_51, %dma_start3A_185, %dma_start3A_186] : memref<20000x4x8x128xf32, #tpu.memory_space<hbm>> -> memref<1x1x8x128xf32, #tpu.memory_space<hbm>>
    %dma_start3A_188 = tpu.memref_squeeze %dma_start3A_187 : memref<1x1x8x128xf32, #tpu.memory_space<hbm>> -> memref<8x128xf32, #tpu.memory_space<hbm>>
    tpu.enqueue_dma source(%dma_start3A_188 : memref<8x128xf32, #tpu.memory_space<hbm>>) target(%dma_start3A_184 : memref<8x128xf32, #tpu.memory_space<vmem>>) target_semaphore(%arg14 : memref<!tpu.dma_semaphore, #tpu.memory_space<semaphore_mem>>)
    %mul3A_189 = arith.constant 1250 : i32
    %mul3A_190 = arith.muli %arg1, %mul3A_189 : i32
    %add3A_191 = arith.constant 0 : i32
    %add3A_192 = arith.addi %mul3A_190, %add3A_191 : i32
    %add3A_193 = arith.constant 5 : i32
    %add3A_194 = arith.addi %add3A_192, %add3A_193 : i32
    %dma_start3A_195 = arith.constant 40 : i32
    %dma_start3A_196 = arith.constant 0 : i32
    %dma_start3A_197 = tpu.memref_slice %arg7[%dma_start3A_195, %dma_start3A_196] : memref<48x128xf32, #tpu.memory_space<vmem>> -> memref<8x128xf32, #tpu.memory_space<vmem>>
    %dma_start3A_198 = arith.constant 0 : i32
    %dma_start3A_199 = arith.constant 0 : i32
    %dma_start3A_200 = tpu.memref_slice %arg2[%add3A_194, %add3A_51, %dma_start3A_198, %dma_start3A_199] : memref<20000x4x8x128xf32, #tpu.memory_space<hbm>> -> memref<1x1x8x128xf32, #tpu.memory_space<hbm>>
    %dma_start3A_201 = tpu.memref_squeeze %dma_start3A_200 : memref<1x1x8x128xf32, #tpu.memory_space<hbm>> -> memref<8x128xf32, #tpu.memory_space<hbm>>
    %dma_start3A_202 = arith.constant 40 : i32
    %dma_start3A_203 = arith.constant 0 : i32
    %dma_start3A_204 = tpu.memref_slice %arg7[%dma_start3A_202, %dma_start3A_203] : memref<48x128xf32, #tpu.memory_space<vmem>> -> memref<8x128xf32, #tpu.memory_space<vmem>>
    %dma_start3A_205 = arith.constant 0 : i32
    %dma_start3A_206 = arith.constant 0 : i32
    %dma_start3A_207 = tpu.memref_slice %arg2[%add3A_194, %add3A_51, %dma_start3A_205, %dma_start3A_206] : memref<20000x4x8x128xf32, #tpu.memory_space<hbm>> -> memref<1x1x8x128xf32, #tpu.memory_space<hbm>>
    %dma_start3A_208 = tpu.memref_squeeze %dma_start3A_207 : memref<1x1x8x128xf32, #tpu.memory_space<hbm>> -> memref<8x128xf32, #tpu.memory_space<hbm>>
    tpu.enqueue_dma source(%dma_start3A_208 : memref<8x128xf32, #tpu.memory_space<hbm>>) target(%dma_start3A_204 : memref<8x128xf32, #tpu.memory_space<vmem>>) target_semaphore(%arg14 : memref<!tpu.dma_semaphore, #tpu.memory_space<semaphore_mem>>)
    %mul3A_209 = arith.constant 1250 : i32
    %mul3A_210 = arith.muli %arg1, %mul3A_209 : i32
    %add3A_211 = arith.constant 6 : i32
    %add3A_212 = arith.addi %mul3A_210, %add3A_211 : i32
    %add3A_213 = arith.constant 0 : i32
    %add3A_214 = arith.addi %add3A_212, %add3A_213 : i32
    %dma_start3A_215 = arith.constant 0 : i32
    %dma_start3A_216 = arith.constant 0 : i32
    %dma_start3A_217 = tpu.memref_slice %arg8[%dma_start3A_215, %dma_start3A_216] : memref<48x128xf32, #tpu.memory_space<vmem>> -> memref<8x128xf32, #tpu.memory_space<vmem>>
    %dma_start3A_218 = arith.constant 0 : i32
    %dma_start3A_219 = arith.constant 0 : i32
    %dma_start3A_220 = tpu.memref_slice %arg2[%add3A_214, %add3A_51, %dma_start3A_218, %dma_start3A_219] : memref<20000x4x8x128xf32, #tpu.memory_space<hbm>> -> memref<1x1x8x128xf32, #tpu.memory_space<hbm>>
    %dma_start3A_221 = tpu.memref_squeeze %dma_start3A_220 : memref<1x1x8x128xf32, #tpu.memory_space<hbm>> -> memref<8x128xf32, #tpu.memory_space<hbm>>
    %dma_start3A_222 = arith.constant 0 : i32
    %dma_start3A_223 = arith.constant 0 : i32
    %dma_start3A_224 = tpu.memref_slice %arg8[%dma_start3A_222, %dma_start3A_223] : memref<48x128xf32, #tpu.memory_space<vmem>> -> memref<8x128xf32, #tpu.memory_space<vmem>>
    %dma_start3A_225 = arith.constant 0 : i32
    %dma_start3A_226 = arith.constant 0 : i32
    %dma_start3A_227 = tpu.memref_slice %arg2[%add3A_214, %add3A_51, %dma_start3A_225, %dma_start3A_226] : memref<20000x4x8x128xf32, #tpu.memory_space<hbm>> -> memref<1x1x8x128xf32, #tpu.memory_space<hbm>>
    %dma_start3A_228 = tpu.memref_squeeze %dma_start3A_227 : memref<1x1x8x128xf32, #tpu.memory_space<hbm>> -> memref<8x128xf32, #tpu.memory_space<hbm>>
    tpu.enqueue_dma source(%dma_start3A_228 : memref<8x128xf32, #tpu.memory_space<hbm>>) target(%dma_start3A_224 : memref<8x128xf32, #tpu.memory_space<vmem>>) target_semaphore(%arg15 : memref<!tpu.dma_semaphore, #tpu.memory_space<semaphore_mem>>)
    %mul3A_229 = arith.constant 1250 : i32
    %mul3A_230 = arith.muli %arg1, %mul3A_229 : i32
    %add3A_231 = arith.constant 6 : i32
    %add3A_232 = arith.addi %mul3A_230, %add3A_231 : i32
    %add3A_233 = arith.constant 1 : i32
    %add3A_234 = arith.addi %add3A_232, %add3A_233 : i32
    %dma_start3A_235 = arith.constant 8 : i32
    %dma_start3A_236 = arith.constant 0 : i32
    %dma_start3A_237 = tpu.memref_slice %arg8[%dma_start3A_235, %dma_start3A_236] : memref<48x128xf32, #tpu.memory_space<vmem>> -> memref<8x128xf32, #tpu.memory_space<vmem>>
    %dma_start3A_238 = arith.constant 0 : i32
    %dma_start3A_239 = arith.constant 0 : i32
    %dma_start3A_240 = tpu.memref_slice %arg2[%add3A_234, %add3A_51, %dma_start3A_238, %dma_start3A_239] : memref<20000x4x8x128xf32, #tpu.memory_space<hbm>> -> memref<1x1x8x128xf32, #tpu.memory_space<hbm>>
    %dma_start3A_241 = tpu.memref_squeeze %dma_start3A_240 : memref<1x1x8x128xf32, #tpu.memory_space<hbm>> -> memref<8x128xf32, #tpu.memory_space<hbm>>
    %dma_start3A_242 = arith.constant 8 : i32
    %dma_start3A_243 = arith.constant 0 : i32
    %dma_start3A_244 = tpu.memref_slice %arg8[%dma_start3A_242, %dma_start3A_243] : memref<48x128xf32, #tpu.memory_space<vmem>> -> memref<8x128xf32, #tpu.memory_space<vmem>>
    %dma_start3A_245 = arith.constant 0 : i32
    %dma_start3A_246 = arith.constant 0 : i32
    %dma_start3A_247 = tpu.memref_slice %arg2[%add3A_234, %add3A_51, %dma_start3A_245, %dma_start3A_246] : memref<20000x4x8x128xf32, #tpu.memory_space<hbm>> -> memref<1x1x8x128xf32, #tpu.memory_space<hbm>>
    %dma_start3A_248 = tpu.memref_squeeze %dma_start3A_247 : memref<1x1x8x128xf32, #tpu.memory_space<hbm>> -> memref<8x128xf32, #tpu.memory_space<hbm>>
    tpu.enqueue_dma source(%dma_start3A_248 : memref<8x128xf32, #tpu.memory_space<hbm>>) target(%dma_start3A_244 : memref<8x128xf32, #tpu.memory_space<vmem>>) target_semaphore(%arg15 : memref<!tpu.dma_semaphore, #tpu.memory_space<semaphore_mem>>)
    %mul3A_249 = arith.constant 1250 : i32
    %mul3A_250 = arith.muli %arg1, %mul3A_249 : i32
    %add3A_251 = arith.constant 6 : i32
    %add3A_252 = arith.addi %mul3A_250, %add3A_251 : i32
    %add3A_253 = arith.constant 2 : i32
    %add3A_254 = arith.addi %add3A_252, %add3A_253 : i32
    %dma_start3A_255 = arith.constant 16 : i32
    %dma_start3A_256 = arith.constant 0 : i32
    %dma_start3A_257 = tpu.memref_slice %arg8[%dma_start3A_255, %dma_start3A_256] : memref<48x128xf32, #tpu.memory_space<vmem>> -> memref<8x128xf32, #tpu.memory_space<vmem>>
    %dma_start3A_258 = arith.constant 0 : i32
    %dma_start3A_259 = arith.constant 0 : i32
    %dma_start3A_260 = tpu.memref_slice %arg2[%add3A_254, %add3A_51, %dma_start3A_258, %dma_start3A_259] : memref<20000x4x8x128xf32, #tpu.memory_space<hbm>> -> memref<1x1x8x128xf32, #tpu.memory_space<hbm>>
    %dma_start3A_261 = tpu.memref_squeeze %dma_start3A_260 : memref<1x1x8x128xf32, #tpu.memory_space<hbm>> -> memref<8x128xf32, #tpu.memory_space<hbm>>
    %dma_start3A_262 = arith.constant 16 : i32
    %dma_start3A_263 = arith.constant 0 : i32
    %dma_start3A_264 = tpu.memref_slice %arg8[%dma_start3A_262, %dma_start3A_263] : memref<48x128xf32, #tpu.memory_space<vmem>> -> memref<8x128xf32, #tpu.memory_space<vmem>>
    %dma_start3A_265 = arith.constant 0 : i32
    %dma_start3A_266 = arith.constant 0 : i32
    %dma_start3A_267 = tpu.memref_slice %arg2[%add3A_254, %add3A_51, %dma_start3A_265, %dma_start3A_266] : memref<20000x4x8x128xf32, #tpu.memory_space<hbm>> -> memref<1x1x8x128xf32, #tpu.memory_space<hbm>>
    %dma_start3A_268 = tpu.memref_squeeze %dma_start3A_267 : memref<1x1x8x128xf32, #tpu.memory_space<hbm>> -> memref<8x128xf32, #tpu.memory_space<hbm>>
    tpu.enqueue_dma source(%dma_start3A_268 : memref<8x128xf32, #tpu.memory_space<hbm>>) target(%dma_start3A_264 : memref<8x128xf32, #tpu.memory_space<vmem>>) target_semaphore(%arg15 : memref<!tpu.dma_semaphore, #tpu.memory_space<semaphore_mem>>)
    %mul3A_269 = arith.constant 1250 : i32
    %mul3A_270 = arith.muli %arg1, %mul3A_269 : i32
    %add3A_271 = arith.constant 6 : i32
    %add3A_272 = arith.addi %mul3A_270, %add3A_271 : i32
    %add3A_273 = arith.constant 3 : i32
    %add3A_274 = arith.addi %add3A_272, %add3A_273 : i32
    %dma_start3A_275 = arith.constant 24 : i32
    %dma_start3A_276 = arith.constant 0 : i32
    %dma_start3A_277 = tpu.memref_slice %arg8[%dma_start3A_275, %dma_start3A_276] : memref<48x128xf32, #tpu.memory_space<vmem>> -> memref<8x128xf32, #tpu.memory_space<vmem>>
    %dma_start3A_278 = arith.constant 0 : i32
    %dma_start3A_279 = arith.constant 0 : i32
    %dma_start3A_280 = tpu.memref_slice %arg2[%add3A_274, %add3A_51, %dma_start3A_278, %dma_start3A_279] : memref<20000x4x8x128xf32, #tpu.memory_space<hbm>> -> memref<1x1x8x128xf32, #tpu.memory_space<hbm>>
    %dma_start3A_281 = tpu.memref_squeeze %dma_start3A_280 : memref<1x1x8x128xf32, #tpu.memory_space<hbm>> -> memref<8x128xf32, #tpu.memory_space<hbm>>
    %dma_start3A_282 = arith.constant 24 : i32
    %dma_start3A_283 = arith.constant 0 : i32
    %dma_start3A_284 = tpu.memref_slice %arg8[%dma_start3A_282, %dma_start3A_283] : memref<48x128xf32, #tpu.memory_space<vmem>> -> memref<8x128xf32, #tpu.memory_space<vmem>>
    %dma_start3A_285 = arith.constant 0 : i32
    %dma_start3A_286 = arith.constant 0 : i32
    %dma_start3A_287 = tpu.memref_slice %arg2[%add3A_274, %add3A_51, %dma_start3A_285, %dma_start3A_286] : memref<20000x4x8x128xf32, #tpu.memory_space<hbm>> -> memref<1x1x8x128xf32, #tpu.memory_space<hbm>>
    %dma_start3A_288 = tpu.memref_squeeze %dma_start3A_287 : memref<1x1x8x128xf32, #tpu.memory_space<hbm>> -> memref<8x128xf32, #tpu.memory_space<hbm>>
    tpu.enqueue_dma source(%dma_start3A_288 : memref<8x128xf32, #tpu.memory_space<hbm>>) target(%dma_start3A_284 : memref<8x128xf32, #tpu.memory_space<vmem>>) target_semaphore(%arg15 : memref<!tpu.dma_semaphore, #tpu.memory_space<semaphore_mem>>)
    %mul3A_289 = arith.constant 1250 : i32
    %mul3A_290 = arith.muli %arg1, %mul3A_289 : i32
    %add3A_291 = arith.constant 6 : i32
    %add3A_292 = arith.addi %mul3A_290, %add3A_291 : i32
    %add3A_293 = arith.constant 4 : i32
    %add3A_294 = arith.addi %add3A_292, %add3A_293 : i32
    %dma_start3A_295 = arith.constant 32 : i32
    %dma_start3A_296 = arith.constant 0 : i32
    %dma_start3A_297 = tpu.memref_slice %arg8[%dma_start3A_295, %dma_start3A_296] : memref<48x128xf32, #tpu.memory_space<vmem>> -> memref<8x128xf32, #tpu.memory_space<vmem>>
    %dma_start3A_298 = arith.constant 0 : i32
    %dma_start3A_299 = arith.constant 0 : i32
    %dma_start3A_300 = tpu.memref_slice %arg2[%add3A_294, %add3A_51, %dma_start3A_298, %dma_start3A_299] : memref<20000x4x8x128xf32, #tpu.memory_space<hbm>> -> memref<1x1x8x128xf32, #tpu.memory_space<hbm>>
    %dma_start3A_301 = tpu.memref_squeeze %dma_start3A_300 : memref<1x1x8x128xf32, #tpu.memory_space<hbm>> -> memref<8x128xf32, #tpu.memory_space<hbm>>
    %dma_start3A_302 = arith.constant 32 : i32
    %dma_start3A_303 = arith.constant 0 : i32
    %dma_start3A_304 = tpu.memref_slice %arg8[%dma_start3A_302, %dma_start3A_303] : memref<48x128xf32, #tpu.memory_space<vmem>> -> memref<8x128xf32, #tpu.memory_space<vmem>>
    %dma_start3A_305 = arith.constant 0 : i32
    %dma_start3A_306 = arith.constant 0 : i32
    %dma_start3A_307 = tpu.memref_slice %arg2[%add3A_294, %add3A_51, %dma_start3A_305, %dma_start3A_306] : memref<20000x4x8x128xf32, #tpu.memory_space<hbm>> -> memref<1x1x8x128xf32, #tpu.memory_space<hbm>>
    %dma_start3A_308 = tpu.memref_squeeze %dma_start3A_307 : memref<1x1x8x128xf32, #tpu.memory_space<hbm>> -> memref<8x128xf32, #tpu.memory_space<hbm>>
    tpu.enqueue_dma source(%dma_start3A_308 : memref<8x128xf32, #tpu.memory_space<hbm>>) target(%dma_start3A_304 : memref<8x128xf32, #tpu.memory_space<vmem>>) target_semaphore(%arg15 : memref<!tpu.dma_semaphore, #tpu.memory_space<semaphore_mem>>)
    %mul3A_309 = arith.constant 1250 : i32
    %mul3A_310 = arith.muli %arg1, %mul3A_309 : i32
    %add3A_311 = arith.constant 6 : i32
    %add3A_312 = arith.addi %mul3A_310, %add3A_311 : i32
    %add3A_313 = arith.constant 5 : i32
    %add3A_314 = arith.addi %add3A_312, %add3A_313 : i32
    %dma_start3A_315 = arith.constant 40 : i32
    %dma_start3A_316 = arith.constant 0 : i32
    %dma_start3A_317 = tpu.memref_slice %arg8[%dma_start3A_315, %dma_start3A_316] : memref<48x128xf32, #tpu.memory_space<vmem>> -> memref<8x128xf32, #tpu.memory_space<vmem>>
    %dma_start3A_318 = arith.constant 0 : i32
    %dma_start3A_319 = arith.constant 0 : i32
    %dma_start3A_320 = tpu.memref_slice %arg2[%add3A_314, %add3A_51, %dma_start3A_318, %dma_start3A_319] : memref<20000x4x8x128xf32, #tpu.memory_space<hbm>> -> memref<1x1x8x128xf32, #tpu.memory_space<hbm>>
    %dma_start3A_321 = tpu.memref_squeeze %dma_start3A_320 : memref<1x1x8x128xf32, #tpu.memory_space<hbm>> -> memref<8x128xf32, #tpu.memory_space<hbm>>
    %dma_start3A_322 = arith.constant 40 : i32
    %dma_start3A_323 = arith.constant 0 : i32
    %dma_start3A_324 = tpu.memref_slice %arg8[%dma_start3A_322, %dma_start3A_323] : memref<48x128xf32, #tpu.memory_space<vmem>> -> memref<8x128xf32, #tpu.memory_space<vmem>>
    %dma_start3A_325 = arith.constant 0 : i32
    %dma_start3A_326 = arith.constant 0 : i32
    %dma_start3A_327 = tpu.memref_slice %arg2[%add3A_314, %add3A_51, %dma_start3A_325, %dma_start3A_326] : memref<20000x4x8x128xf32, #tpu.memory_space<hbm>> -> memref<1x1x8x128xf32, #tpu.memory_space<hbm>>
    %dma_start3A_328 = tpu.memref_squeeze %dma_start3A_327 : memref<1x1x8x128xf32, #tpu.memory_space<hbm>> -> memref<8x128xf32, #tpu.memory_space<hbm>>
    tpu.enqueue_dma source(%dma_start3A_328 : memref<8x128xf32, #tpu.memory_space<hbm>>) target(%dma_start3A_324 : memref<8x128xf32, #tpu.memory_space<vmem>>) target_semaphore(%arg15 : memref<!tpu.dma_semaphore, #tpu.memory_space<semaphore_mem>>)
    %scan3A_329 = arith.constant 0 : i32
    %scan3A_330 = arith.constant 0 : i32
    %scan3A_331 = arith.constant 52 : i32
    %scan3A_332 = arith.addi %scan3A_330, %scan3A_331 : i32
    %scan3A_333 = arith.constant 1 : i32
    %scan3A_334 = scf.for %scan3A_743 = %scan3A_330 to %scan3A_332 step %scan3A_333 iter_args(%scan3A_744 = %scan3A_329) -> (i32)  : i32 {
      %mul3A_745 = arith.constant 4 : i32
      %mul3A_746 = arith.muli %mul3A_745, %scan3A_743 : i32
      %add3A_747 = arith.constant 0 : i32
      %add3A_748 = arith.addi %mul3A_746, %add3A_747 : i32
      %mul3A_749 = arith.constant 1250 : i32
      %mul3A_750 = arith.muli %arg1, %mul3A_749 : i32
      %mul3A_751 = arith.constant 6 : i32
      %mul3A_752 = arith.muli %add3A_748, %mul3A_751 : i32
      %add3A_753 = arith.addi %mul3A_750, %mul3A_752 : i32
      %add3A_754 = arith.constant 0 : i32
      %add3A_755 = arith.addi %add3A_753, %add3A_754 : i32
      %dma_wait3A_756 = arith.constant 0 : i32
      %dma_wait3A_757 = arith.constant 0 : i32
      %dma_wait3A_758 = tpu.memref_slice %arg7[%dma_wait3A_756, %dma_wait3A_757] : memref<48x128xf32, #tpu.memory_space<vmem>> -> memref<8x128xf32, #tpu.memory_space<vmem>>
      %dma_wait3A_759 = arith.constant 0 : i32
      %dma_wait3A_760 = arith.constant 0 : i32
      %dma_wait3A_761 = tpu.memref_slice %arg2[%add3A_755, %add3A_51, %dma_wait3A_759, %dma_wait3A_760] : memref<20000x4x8x128xf32, #tpu.memory_space<hbm>> -> memref<1x1x8x128xf32, #tpu.memory_space<hbm>>
      %dma_wait3A_762 = tpu.memref_squeeze %dma_wait3A_761 : memref<1x1x8x128xf32, #tpu.memory_space<hbm>> -> memref<8x128xf32, #tpu.memory_space<hbm>>
      %dma_wait3A_763 = arith.constant 0 : i32
      %dma_wait3A_764 = arith.constant 0 : i32
      %dma_wait3A_765 = tpu.memref_slice %arg7[%dma_wait3A_763, %dma_wait3A_764] : memref<48x128xf32, #tpu.memory_space<vmem>> -> memref<8x128xf32, #tpu.memory_space<vmem>>
      %dma_wait3A_766 = arith.constant 0 : i32
      %dma_wait3A_767 = arith.constant 0 : i32
      %dma_wait3A_768 = tpu.memref_slice %arg2[%add3A_755, %add3A_51, %dma_wait3A_766, %dma_wait3A_767] : memref<20000x4x8x128xf32, #tpu.memory_space<hbm>> -> memref<1x1x8x128xf32, #tpu.memory_space<hbm>>
      %dma_wait3A_769 = tpu.memref_squeeze %dma_wait3A_768 : memref<1x1x8x128xf32, #tpu.memory_space<hbm>> -> memref<8x128xf32, #tpu.memory_space<hbm>>
      tpu.wait_dma2 semaphore(%arg14 : memref<!tpu.dma_semaphore, #tpu.memory_space<semaphore_mem>>) src(%dma_wait3A_769 : memref<8x128xf32, #tpu.memory_space<hbm>>) dst(%dma_wait3A_765 : memref<8x128xf32, #tpu.memory_space<vmem>>)
      %mul3A_770 = arith.constant 1250 : i32
      %mul3A_771 = arith.muli %arg1, %mul3A_770 : i32
      %mul3A_772 = arith.constant 6 : i32
      %mul3A_773 = arith.muli %add3A_748, %mul3A_772 : i32
      %add3A_774 = arith.addi %mul3A_771, %mul3A_773 : i32
      %add3A_775 = arith.constant 1 : i32
      %add3A_776 = arith.addi %add3A_774, %add3A_775 : i32
      %dma_wait3A_777 = arith.constant 8 : i32
      %dma_wait3A_778 = arith.constant 0 : i32
      %dma_wait3A_779 = tpu.memref_slice %arg7[%dma_wait3A_777, %dma_wait3A_778] : memref<48x128xf32, #tpu.memory_space<vmem>> -> memref<8x128xf32, #tpu.memory_space<vmem>>
      %dma_wait3A_780 = arith.constant 0 : i32
      %dma_wait3A_781 = arith.constant 0 : i32
      %dma_wait3A_782 = tpu.memref_slice %arg2[%add3A_776, %add3A_51, %dma_wait3A_780, %dma_wait3A_781] : memref<20000x4x8x128xf32, #tpu.memory_space<hbm>> -> memref<1x1x8x128xf32, #tpu.memory_space<hbm>>
      %dma_wait3A_783 = tpu.memref_squeeze %dma_wait3A_782 : memref<1x1x8x128xf32, #tpu.memory_space<hbm>> -> memref<8x128xf32, #tpu.memory_space<hbm>>
      %dma_wait3A_784 = arith.constant 8 : i32
      %dma_wait3A_785 = arith.constant 0 : i32
      %dma_wait3A_786 = tpu.memref_slice %arg7[%dma_wait3A_784, %dma_wait3A_785] : memref<48x128xf32, #tpu.memory_space<vmem>> -> memref<8x128xf32, #tpu.memory_space<vmem>>
      %dma_wait3A_787 = arith.constant 0 : i32
      %dma_wait3A_788 = arith.constant 0 : i32
      %dma_wait3A_789 = tpu.memref_slice %arg2[%add3A_776, %add3A_51, %dma_wait3A_787, %dma_wait3A_788] : memref<20000x4x8x128xf32, #tpu.memory_space<hbm>> -> memref<1x1x8x128xf32, #tpu.memory_space<hbm>>
      %dma_wait3A_790 = tpu.memref_squeeze %dma_wait3A_789 : memref<1x1x8x128xf32, #tpu.memory_space<hbm>> -> memref<8x128xf32, #tpu.memory_space<hbm>>
      tpu.wait_dma2 semaphore(%arg14 : memref<!tpu.dma_semaphore, #tpu.memory_space<semaphore_mem>>) src(%dma_wait3A_790 : memref<8x128xf32, #tpu.memory_space<hbm>>) dst(%dma_wait3A_786 : memref<8x128xf32, #tpu.memory_space<vmem>>)
      %mul3A_791 = arith.constant 1250 : i32
      %mul3A_792 = arith.muli %arg1, %mul3A_791 : i32
      %mul3A_793 = arith.constant 6 : i32
      %mul3A_794 = arith.muli %add3A_748, %mul3A_793 : i32
      %add3A_795 = arith.addi %mul3A_792, %mul3A_794 : i32
      %add3A_796 = arith.constant 2 : i32
      %add3A_797 = arith.addi %add3A_795, %add3A_796 : i32
      %dma_wait3A_798 = arith.constant 16 : i32
      %dma_wait3A_799 = arith.constant 0 : i32
      %dma_wait3A_800 = tpu.memref_slice %arg7[%dma_wait3A_798, %dma_wait3A_799] : memref<48x128xf32, #tpu.memory_space<vmem>> -> memref<8x128xf32, #tpu.memory_space<vmem>>
      %dma_wait3A_801 = arith.constant 0 : i32
      %dma_wait3A_802 = arith.constant 0 : i32
      %dma_wait3A_803 = tpu.memref_slice %arg2[%add3A_797, %add3A_51, %dma_wait3A_801, %dma_wait3A_802] : memref<20000x4x8x128xf32, #tpu.memory_space<hbm>> -> memref<1x1x8x128xf32, #tpu.memory_space<hbm>>
      %dma_wait3A_804 = tpu.memref_squeeze %dma_wait3A_803 : memref<1x1x8x128xf32, #tpu.memory_space<hbm>> -> memref<8x128xf32, #tpu.memory_space<hbm>>
      %dma_wait3A_805 = arith.constant 16 : i32
      %dma_wait3A_806 = arith.constant 0 : i32
      %dma_wait3A_807 = tpu.memref_slice %arg7[%dma_wait3A_805, %dma_wait3A_806] : memref<48x128xf32, #tpu.memory_space<vmem>> -> memref<8x128xf32, #tpu.memory_space<vmem>>
      %dma_wait3A_808 = arith.constant 0 : i32
      %dma_wait3A_809 = arith.constant 0 : i32
      %dma_wait3A_810 = tpu.memref_slice %arg2[%add3A_797, %add3A_51, %dma_wait3A_808, %dma_wait3A_809] : memref<20000x4x8x128xf32, #tpu.memory_space<hbm>> -> memref<1x1x8x128xf32, #tpu.memory_space<hbm>>
      %dma_wait3A_811 = tpu.memref_squeeze %dma_wait3A_810 : memref<1x1x8x128xf32, #tpu.memory_space<hbm>> -> memref<8x128xf32, #tpu.memory_space<hbm>>
      tpu.wait_dma2 semaphore(%arg14 : memref<!tpu.dma_semaphore, #tpu.memory_space<semaphore_mem>>) src(%dma_wait3A_811 : memref<8x128xf32, #tpu.memory_space<hbm>>) dst(%dma_wait3A_807 : memref<8x128xf32, #tpu.memory_space<vmem>>)
      %mul3A_812 = arith.constant 1250 : i32
      %mul3A_813 = arith.muli %arg1, %mul3A_812 : i32
      %mul3A_814 = arith.constant 6 : i32
      %mul3A_815 = arith.muli %add3A_748, %mul3A_814 : i32
      %add3A_816 = arith.addi %mul3A_813, %mul3A_815 : i32
      %add3A_817 = arith.constant 3 : i32
      %add3A_818 = arith.addi %add3A_816, %add3A_817 : i32
      %dma_wait3A_819 = arith.constant 24 : i32
      %dma_wait3A_820 = arith.constant 0 : i32
      %dma_wait3A_821 = tpu.memref_slice %arg7[%dma_wait3A_819, %dma_wait3A_820] : memref<48x128xf32, #tpu.memory_space<vmem>> -> memref<8x128xf32, #tpu.memory_space<vmem>>
      %dma_wait3A_822 = arith.constant 0 : i32
      %dma_wait3A_823 = arith.constant 0 : i32
      %dma_wait3A_824 = tpu.memref_slice %arg2[%add3A_818, %add3A_51, %dma_wait3A_822, %dma_wait3A_823] : memref<20000x4x8x128xf32, #tpu.memory_space<hbm>> -> memref<1x1x8x128xf32, #tpu.memory_space<hbm>>
      %dma_wait3A_825 = tpu.memref_squeeze %dma_wait3A_824 : memref<1x1x8x128xf32, #tpu.memory_space<hbm>> -> memref<8x128xf32, #tpu.memory_space<hbm>>
      %dma_wait3A_826 = arith.constant 24 : i32
      %dma_wait3A_827 = arith.constant 0 : i32
      %dma_wait3A_828 = tpu.memref_slice %arg7[%dma_wait3A_826, %dma_wait3A_827] : memref<48x128xf32, #tpu.memory_space<vmem>> -> memref<8x128xf32, #tpu.memory_space<vmem>>
      %dma_wait3A_829 = arith.constant 0 : i32
      %dma_wait3A_830 = arith.constant 0 : i32
      %dma_wait3A_831 = tpu.memref_slice %arg2[%add3A_818, %add3A_51, %dma_wait3A_829, %dma_wait3A_830] : memref<20000x4x8x128xf32, #tpu.memory_space<hbm>> -> memref<1x1x8x128xf32, #tpu.memory_space<hbm>>
      %dma_wait3A_832 = tpu.memref_squeeze %dma_wait3A_831 : memref<1x1x8x128xf32, #tpu.memory_space<hbm>> -> memref<8x128xf32, #tpu.memory_space<hbm>>
      tpu.wait_dma2 semaphore(%arg14 : memref<!tpu.dma_semaphore, #tpu.memory_space<semaphore_mem>>) src(%dma_wait3A_832 : memref<8x128xf32, #tpu.memory_space<hbm>>) dst(%dma_wait3A_828 : memref<8x128xf32, #tpu.memory_space<vmem>>)
      %mul3A_833 = arith.constant 1250 : i32
      %mul3A_834 = arith.muli %arg1, %mul3A_833 : i32
      %mul3A_835 = arith.constant 6 : i32
      %mul3A_836 = arith.muli %add3A_748, %mul3A_835 : i32
      %add3A_837 = arith.addi %mul3A_834, %mul3A_836 : i32
      %add3A_838 = arith.constant 4 : i32
      %add3A_839 = arith.addi %add3A_837, %add3A_838 : i32
      %dma_wait3A_840 = arith.constant 32 : i32
      %dma_wait3A_841 = arith.constant 0 : i32
      %dma_wait3A_842 = tpu.memref_slice %arg7[%dma_wait3A_840, %dma_wait3A_841] : memref<48x128xf32, #tpu.memory_space<vmem>> -> memref<8x128xf32, #tpu.memory_space<vmem>>
      %dma_wait3A_843 = arith.constant 0 : i32
      %dma_wait3A_844 = arith.constant 0 : i32
      %dma_wait3A_845 = tpu.memref_slice %arg2[%add3A_839, %add3A_51, %dma_wait3A_843, %dma_wait3A_844] : memref<20000x4x8x128xf32, #tpu.memory_space<hbm>> -> memref<1x1x8x128xf32, #tpu.memory_space<hbm>>
      %dma_wait3A_846 = tpu.memref_squeeze %dma_wait3A_845 : memref<1x1x8x128xf32, #tpu.memory_space<hbm>> -> memref<8x128xf32, #tpu.memory_space<hbm>>
      %dma_wait3A_847 = arith.constant 32 : i32
      %dma_wait3A_848 = arith.constant 0 : i32
      %dma_wait3A_849 = tpu.memref_slice %arg7[%dma_wait3A_847, %dma_wait3A_848] : memref<48x128xf32, #tpu.memory_space<vmem>> -> memref<8x128xf32, #tpu.memory_space<vmem>>
      %dma_wait3A_850 = arith.constant 0 : i32
      %dma_wait3A_851 = arith.constant 0 : i32
      %dma_wait3A_852 = tpu.memref_slice %arg2[%add3A_839, %add3A_51, %dma_wait3A_850, %dma_wait3A_851] : memref<20000x4x8x128xf32, #tpu.memory_space<hbm>> -> memref<1x1x8x128xf32, #tpu.memory_space<hbm>>
      %dma_wait3A_853 = tpu.memref_squeeze %dma_wait3A_852 : memref<1x1x8x128xf32, #tpu.memory_space<hbm>> -> memref<8x128xf32, #tpu.memory_space<hbm>>
      tpu.wait_dma2 semaphore(%arg14 : memref<!tpu.dma_semaphore, #tpu.memory_space<semaphore_mem>>) src(%dma_wait3A_853 : memref<8x128xf32, #tpu.memory_space<hbm>>) dst(%dma_wait3A_849 : memref<8x128xf32, #tpu.memory_space<vmem>>)
      %mul3A_854 = arith.constant 1250 : i32
      %mul3A_855 = arith.muli %arg1, %mul3A_854 : i32
      %mul3A_856 = arith.constant 6 : i32
      %mul3A_857 = arith.muli %add3A_748, %mul3A_856 : i32
      %add3A_858 = arith.addi %mul3A_855, %mul3A_857 : i32
      %add3A_859 = arith.constant 5 : i32
      %add3A_860 = arith.addi %add3A_858, %add3A_859 : i32
      %dma_wait3A_861 = arith.constant 40 : i32
      %dma_wait3A_862 = arith.constant 0 : i32
      %dma_wait3A_863 = tpu.memref_slice %arg7[%dma_wait3A_861, %dma_wait3A_862] : memref<48x128xf32, #tpu.memory_space<vmem>> -> memref<8x128xf32, #tpu.memory_space<vmem>>
      %dma_wait3A_864 = arith.constant 0 : i32
      %dma_wait3A_865 = arith.constant 0 : i32
      %dma_wait3A_866 = tpu.memref_slice %arg2[%add3A_860, %add3A_51, %dma_wait3A_864, %dma_wait3A_865] : memref<20000x4x8x128xf32, #tpu.memory_space<hbm>> -> memref<1x1x8x128xf32, #tpu.memory_space<hbm>>
      %dma_wait3A_867 = tpu.memref_squeeze %dma_wait3A_866 : memref<1x1x8x128xf32, #tpu.memory_space<hbm>> -> memref<8x128xf32, #tpu.memory_space<hbm>>
      %dma_wait3A_868 = arith.constant 40 : i32
      %dma_wait3A_869 = arith.constant 0 : i32
      %dma_wait3A_870 = tpu.memref_slice %arg7[%dma_wait3A_868, %dma_wait3A_869] : memref<48x128xf32, #tpu.memory_space<vmem>> -> memref<8x128xf32, #tpu.memory_space<vmem>>
      %dma_wait3A_871 = arith.constant 0 : i32
      %dma_wait3A_872 = arith.constant 0 : i32
      %dma_wait3A_873 = tpu.memref_slice %arg2[%add3A_860, %add3A_51, %dma_wait3A_871, %dma_wait3A_872] : memref<20000x4x8x128xf32, #tpu.memory_space<hbm>> -> memref<1x1x8x128xf32, #tpu.memory_space<hbm>>
      %dma_wait3A_874 = tpu.memref_squeeze %dma_wait3A_873 : memref<1x1x8x128xf32, #tpu.memory_space<hbm>> -> memref<8x128xf32, #tpu.memory_space<hbm>>
      tpu.wait_dma2 semaphore(%arg14 : memref<!tpu.dma_semaphore, #tpu.memory_space<semaphore_mem>>) src(%dma_wait3A_874 : memref<8x128xf32, #tpu.memory_space<hbm>>) dst(%dma_wait3A_870 : memref<8x128xf32, #tpu.memory_space<vmem>>)
      %mul3A_875 = arith.constant 48 : i32
      %mul3A_876 = arith.muli %add3A_748, %mul3A_875 : i32
      %dma_start3A_877 = tpu.memref_slice %arg6[%mul3A_876] : memref<10000xi32, #tpu.memory_space<vmem>> -> memref<48xi32, #tpu.memory_space<vmem>>
      %dma_start3A_878 = arith.constant 0 : i32
      %dma_start3A_879 = arith.constant 0 : i32
      %dma_start3A_880 = tpu.memref_slice %arg12[%dma_start3A_878, %dma_start3A_879] : memref<10000x128xf32, #tpu.memory_space<vmem_shared>> -> memref<10000x128xf32, #tpu.memory_space<vmem_shared>>
      tpu.enqueue_indirect_dma source(%arg7 : memref<48x128xf32, #tpu.memory_space<vmem>>) target(%dma_start3A_880 : memref<10000x128xf32, #tpu.memory_space<vmem_shared>>) offsets(%dma_start3A_877 : memref<48xi32, #tpu.memory_space<vmem>>) semaphore(%arg18 : memref<!tpu.dma_semaphore, #tpu.memory_space<semaphore_mem>>) {add = true}
      %ge3A = arith.constant 2 : i32
      %ge3A_881 = arith.cmpi sge, %add3A_748, %ge3A : i32
      %convert_element_type3A_882 = arith.extui %ge3A_881 : i1 to i32
      %cond3A_883 = arith.constant 0 : i32
      %cond3A_884 = arith.cmpi ne, %convert_element_type3A_882, %cond3A_883 : i32
      scf.if %cond3A_884 {
        %sub3A = arith.constant 2 : i32
        %sub3A_1361 = arith.subi %add3A_748, %sub3A : i32
        %mul3A_1362 = arith.constant 48 : i32
        %mul3A_1363 = arith.muli %sub3A_1361, %mul3A_1362 : i32
        %dma_wait3A_1364 = tpu.memref_slice %arg6[%mul3A_1363] : memref<10000xi32, #tpu.memory_space<vmem>> -> memref<48xi32, #tpu.memory_space<vmem>>
        %dma_wait3A_1365 = arith.constant 0 : i32
        %dma_wait3A_1366 = arith.constant 0 : i32
        %dma_wait3A_1367 = tpu.memref_slice %arg12[%dma_wait3A_1365, %dma_wait3A_1366] : memref<10000x128xf32, #tpu.memory_space<vmem_shared>> -> memref<10000x128xf32, #tpu.memory_space<vmem_shared>>
        tpu.wait_indirect_dma semaphore(%arg20 : memref<!tpu.dma_semaphore, #tpu.memory_space<semaphore_mem>>) src(%arg9 : memref<48x128xf32, #tpu.memory_space<vmem>>) dst(%dma_wait3A_1367 : memref<10000x128xf32, #tpu.memory_space<vmem_shared>>)
      } else {
      }
      %add3A_885 = arith.constant 2 : i32
      %add3A_886 = arith.addi %add3A_748, %add3A_885 : i32
      %lt3A = arith.constant 208 : i32
      %lt3A_887 = arith.cmpi slt, %add3A_886, %lt3A : i32
      %convert_element_type3A_888 = arith.extui %lt3A_887 : i1 to i32
      %cond3A_889 = arith.constant 0 : i32
      %cond3A_890 = arith.cmpi ne, %convert_element_type3A_888, %cond3A_889 : i32
      scf.if %cond3A_890 {
        %add3A_1361 = arith.constant 2 : i32
        %add3A_1362 = arith.addi %add3A_748, %add3A_1361 : i32
        %mul3A_1363 = arith.constant 1250 : i32
        %mul3A_1364 = arith.muli %arg1, %mul3A_1363 : i32
        %mul3A_1365 = arith.constant 6 : i32
        %mul3A_1366 = arith.muli %add3A_1362, %mul3A_1365 : i32
        %add3A_1367 = arith.addi %mul3A_1364, %mul3A_1366 : i32
        %add3A_1368 = arith.constant 0 : i32
        %add3A_1369 = arith.addi %add3A_1367, %add3A_1368 : i32
        %dma_start3A_1370 = arith.constant 0 : i32
        %dma_start3A_1371 = arith.constant 0 : i32
        %dma_start3A_1372 = tpu.memref_slice %arg9[%dma_start3A_1370, %dma_start3A_1371] : memref<48x128xf32, #tpu.memory_space<vmem>> -> memref<8x128xf32, #tpu.memory_space<vmem>>
        %dma_start3A_1373 = arith.constant 0 : i32
        %dma_start3A_1374 = arith.constant 0 : i32
        %dma_start3A_1375 = tpu.memref_slice %arg2[%add3A_1369, %add3A_51, %dma_start3A_1373, %dma_start3A_1374] : memref<20000x4x8x128xf32, #tpu.memory_space<hbm>> -> memref<1x1x8x128xf32, #tpu.memory_space<hbm>>
        %dma_start3A_1376 = tpu.memref_squeeze %dma_start3A_1375 : memref<1x1x8x128xf32, #tpu.memory_space<hbm>> -> memref<8x128xf32, #tpu.memory_space<hbm>>
        %dma_start3A_1377 = arith.constant 0 : i32
        %dma_start3A_1378 = arith.constant 0 : i32
        %dma_start3A_1379 = tpu.memref_slice %arg9[%dma_start3A_1377, %dma_start3A_1378] : memref<48x128xf32, #tpu.memory_space<vmem>> -> memref<8x128xf32, #tpu.memory_space<vmem>>
        %dma_start3A_1380 = arith.constant 0 : i32
        %dma_start3A_1381 = arith.constant 0 : i32
        %dma_start3A_1382 = tpu.memref_slice %arg2[%add3A_1369, %add3A_51, %dma_start3A_1380, %dma_start3A_1381] : memref<20000x4x8x128xf32, #tpu.memory_space<hbm>> -> memref<1x1x8x128xf32, #tpu.memory_space<hbm>>
        %dma_start3A_1383 = tpu.memref_squeeze %dma_start3A_1382 : memref<1x1x8x128xf32, #tpu.memory_space<hbm>> -> memref<8x128xf32, #tpu.memory_space<hbm>>
        tpu.enqueue_dma source(%dma_start3A_1383 : memref<8x128xf32, #tpu.memory_space<hbm>>) target(%dma_start3A_1379 : memref<8x128xf32, #tpu.memory_space<vmem>>) target_semaphore(%arg16 : memref<!tpu.dma_semaphore, #tpu.memory_space<semaphore_mem>>)
        %mul3A_1384 = arith.constant 1250 : i32
        %mul3A_1385 = arith.muli %arg1, %mul3A_1384 : i32
        %mul3A_1386 = arith.constant 6 : i32
        %mul3A_1387 = arith.muli %add3A_1362, %mul3A_1386 : i32
        %add3A_1388 = arith.addi %mul3A_1385, %mul3A_1387 : i32
        %add3A_1389 = arith.constant 1 : i32
        %add3A_1390 = arith.addi %add3A_1388, %add3A_1389 : i32
        %dma_start3A_1391 = arith.constant 8 : i32
        %dma_start3A_1392 = arith.constant 0 : i32
        %dma_start3A_1393 = tpu.memref_slice %arg9[%dma_start3A_1391, %dma_start3A_1392] : memref<48x128xf32, #tpu.memory_space<vmem>> -> memref<8x128xf32, #tpu.memory_space<vmem>>
        %dma_start3A_1394 = arith.constant 0 : i32
        %dma_start3A_1395 = arith.constant 0 : i32
        %dma_start3A_1396 = tpu.memref_slice %arg2[%add3A_1390, %add3A_51, %dma_start3A_1394, %dma_start3A_1395] : memref<20000x4x8x128xf32, #tpu.memory_space<hbm>> -> memref<1x1x8x128xf32, #tpu.memory_space<hbm>>
        %dma_start3A_1397 = tpu.memref_squeeze %dma_start3A_1396 : memref<1x1x8x128xf32, #tpu.memory_space<hbm>> -> memref<8x128xf32, #tpu.memory_space<hbm>>
        %dma_start3A_1398 = arith.constant 8 : i32
        %dma_start3A_1399 = arith.constant 0 : i32
        %dma_start3A_1400 = tpu.memref_slice %arg9[%dma_start3A_1398, %dma_start3A_1399] : memref<48x128xf32, #tpu.memory_space<vmem>> -> memref<8x128xf32, #tpu.memory_space<vmem>>
        %dma_start3A_1401 = arith.constant 0 : i32
        %dma_start3A_1402 = arith.constant 0 : i32
        %dma_start3A_1403 = tpu.memref_slice %arg2[%add3A_1390, %add3A_51, %dma_start3A_1401, %dma_start3A_1402] : memref<20000x4x8x128xf32, #tpu.memory_space<hbm>> -> memref<1x1x8x128xf32, #tpu.memory_space<hbm>>
        %dma_start3A_1404 = tpu.memref_squeeze %dma_start3A_1403 : memref<1x1x8x128xf32, #tpu.memory_space<hbm>> -> memref<8x128xf32, #tpu.memory_space<hbm>>
        tpu.enqueue_dma source(%dma_start3A_1404 : memref<8x128xf32, #tpu.memory_space<hbm>>) target(%dma_start3A_1400 : memref<8x128xf32, #tpu.memory_space<vmem>>) target_semaphore(%arg16 : memref<!tpu.dma_semaphore, #tpu.memory_space<semaphore_mem>>)
        %mul3A_1405 = arith.constant 1250 : i32
        %mul3A_1406 = arith.muli %arg1, %mul3A_1405 : i32
        %mul3A_1407 = arith.constant 6 : i32
        %mul3A_1408 = arith.muli %add3A_1362, %mul3A_1407 : i32
        %add3A_1409 = arith.addi %mul3A_1406, %mul3A_1408 : i32
        %add3A_1410 = arith.constant 2 : i32
        %add3A_1411 = arith.addi %add3A_1409, %add3A_1410 : i32
        %dma_start3A_1412 = arith.constant 16 : i32
        %dma_start3A_1413 = arith.constant 0 : i32
        %dma_start3A_1414 = tpu.memref_slice %arg9[%dma_start3A_1412, %dma_start3A_1413] : memref<48x128xf32, #tpu.memory_space<vmem>> -> memref<8x128xf32, #tpu.memory_space<vmem>>
        %dma_start3A_1415 = arith.constant 0 : i32
        %dma_start3A_1416 = arith.constant 0 : i32
        %dma_start3A_1417 = tpu.memref_slice %arg2[%add3A_1411, %add3A_51, %dma_start3A_1415, %dma_start3A_1416] : memref<20000x4x8x128xf32, #tpu.memory_space<hbm>> -> memref<1x1x8x128xf32, #tpu.memory_space<hbm>>
        %dma_start3A_1418 = tpu.memref_squeeze %dma_start3A_1417 : memref<1x1x8x128xf32, #tpu.memory_space<hbm>> -> memref<8x128xf32, #tpu.memory_space<hbm>>
        %dma_start3A_1419 = arith.constant 16 : i32
        %dma_start3A_1420 = arith.constant 0 : i32
        %dma_start3A_1421 = tpu.memref_slice %arg9[%dma_start3A_1419, %dma_start3A_1420] : memref<48x128xf32, #tpu.memory_space<vmem>> -> memref<8x128xf32, #tpu.memory_space<vmem>>
        %dma_start3A_1422 = arith.constant 0 : i32
        %dma_start3A_1423 = arith.constant 0 : i32
        %dma_start3A_1424 = tpu.memref_slice %arg2[%add3A_1411, %add3A_51, %dma_start3A_1422, %dma_start3A_1423] : memref<20000x4x8x128xf32, #tpu.memory_space<hbm>> -> memref<1x1x8x128xf32, #tpu.memory_space<hbm>>
        %dma_start3A_1425 = tpu.memref_squeeze %dma_start3A_1424 : memref<1x1x8x128xf32, #tpu.memory_space<hbm>> -> memref<8x128xf32, #tpu.memory_space<hbm>>
        tpu.enqueue_dma source(%dma_start3A_1425 : memref<8x128xf32, #tpu.memory_space<hbm>>) target(%dma_start3A_1421 : memref<8x128xf32, #tpu.memory_space<vmem>>) target_semaphore(%arg16 : memref<!tpu.dma_semaphore, #tpu.memory_space<semaphore_mem>>)
        %mul3A_1426 = arith.constant 1250 : i32
        %mul3A_1427 = arith.muli %arg1, %mul3A_1426 : i32
        %mul3A_1428 = arith.constant 6 : i32
        %mul3A_1429 = arith.muli %add3A_1362, %mul3A_1428 : i32
        %add3A_1430 = arith.addi %mul3A_1427, %mul3A_1429 : i32
        %add3A_1431 = arith.constant 3 : i32
        %add3A_1432 = arith.addi %add3A_1430, %add3A_1431 : i32
        %dma_start3A_1433 = arith.constant 24 : i32
        %dma_start3A_1434 = arith.constant 0 : i32
        %dma_start3A_1435 = tpu.memref_slice %arg9[%dma_start3A_1433, %dma_start3A_1434] : memref<48x128xf32, #tpu.memory_space<vmem>> -> memref<8x128xf32, #tpu.memory_space<vmem>>
        %dma_start3A_1436 = arith.constant 0 : i32
        %dma_start3A_1437 = arith.constant 0 : i32
        %dma_start3A_1438 = tpu.memref_slice %arg2[%add3A_1432, %add3A_51, %dma_start3A_1436, %dma_start3A_1437] : memref<20000x4x8x128xf32, #tpu.memory_space<hbm>> -> memref<1x1x8x128xf32, #tpu.memory_space<hbm>>
        %dma_start3A_1439 = tpu.memref_squeeze %dma_start3A_1438 : memref<1x1x8x128xf32, #tpu.memory_space<hbm>> -> memref<8x128xf32, #tpu.memory_space<hbm>>
        %dma_start3A_1440 = arith.constant 24 : i32
        %dma_start3A_1441 = arith.constant 0 : i32
        %dma_start3A_1442 = tpu.memref_slice %arg9[%dma_start3A_1440, %dma_start3A_1441] : memref<48x128xf32, #tpu.memory_space<vmem>> -> memref<8x128xf32, #tpu.memory_space<vmem>>
        %dma_start3A_1443 = arith.constant 0 : i32
        %dma_start3A_1444 = arith.constant 0 : i32
        %dma_start3A_1445 = tpu.memref_slice %arg2[%add3A_1432, %add3A_51, %dma_start3A_1443, %dma_start3A_1444] : memref<20000x4x8x128xf32, #tpu.memory_space<hbm>> -> memref<1x1x8x128xf32, #tpu.memory_space<hbm>>
        %dma_start3A_1446 = tpu.memref_squeeze %dma_start3A_1445 : memref<1x1x8x128xf32, #tpu.memory_space<hbm>> -> memref<8x128xf32, #tpu.memory_space<hbm>>
        tpu.enqueue_dma source(%dma_start3A_1446 : memref<8x128xf32, #tpu.memory_space<hbm>>) target(%dma_start3A_1442 : memref<8x128xf32, #tpu.memory_space<vmem>>) target_semaphore(%arg16 : memref<!tpu.dma_semaphore, #tpu.memory_space<semaphore_mem>>)
        %mul3A_1447 = arith.constant 1250 : i32
        %mul3A_1448 = arith.muli %arg1, %mul3A_1447 : i32
        %mul3A_1449 = arith.constant 6 : i32
        %mul3A_1450 = arith.muli %add3A_1362, %mul3A_1449 : i32
        %add3A_1451 = arith.addi %mul3A_1448, %mul3A_1450 : i32
        %add3A_1452 = arith.constant 4 : i32
        %add3A_1453 = arith.addi %add3A_1451, %add3A_1452 : i32
        %dma_start3A_1454 = arith.constant 32 : i32
        %dma_start3A_1455 = arith.constant 0 : i32
        %dma_start3A_1456 = tpu.memref_slice %arg9[%dma_start3A_1454, %dma_start3A_1455] : memref<48x128xf32, #tpu.memory_space<vmem>> -> memref<8x128xf32, #tpu.memory_space<vmem>>
        %dma_start3A_1457 = arith.constant 0 : i32
        %dma_start3A_1458 = arith.constant 0 : i32
        %dma_start3A_1459 = tpu.memref_slice %arg2[%add3A_1453, %add3A_51, %dma_start3A_1457, %dma_start3A_1458] : memref<20000x4x8x128xf32, #tpu.memory_space<hbm>> -> memref<1x1x8x128xf32, #tpu.memory_space<hbm>>
        %dma_start3A_1460 = tpu.memref_squeeze %dma_start3A_1459 : memref<1x1x8x128xf32, #tpu.memory_space<hbm>> -> memref<8x128xf32, #tpu.memory_space<hbm>>
        %dma_start3A_1461 = arith.constant 32 : i32
        %dma_start3A_1462 = arith.constant 0 : i32
        %dma_start3A_1463 = tpu.memref_slice %arg9[%dma_start3A_1461, %dma_start3A_1462] : memref<48x128xf32, #tpu.memory_space<vmem>> -> memref<8x128xf32, #tpu.memory_space<vmem>>
        %dma_start3A_1464 = arith.constant 0 : i32
        %dma_start3A_1465 = arith.constant 0 : i32
        %dma_start3A_1466 = tpu.memref_slice %arg2[%add3A_1453, %add3A_51, %dma_start3A_1464, %dma_start3A_1465] : memref<20000x4x8x128xf32, #tpu.memory_space<hbm>> -> memref<1x1x8x128xf32, #tpu.memory_space<hbm>>
        %dma_start3A_1467 = tpu.memref_squeeze %dma_start3A_1466 : memref<1x1x8x128xf32, #tpu.memory_space<hbm>> -> memref<8x128xf32, #tpu.memory_space<hbm>>
        tpu.enqueue_dma source(%dma_start3A_1467 : memref<8x128xf32, #tpu.memory_space<hbm>>) target(%dma_start3A_1463 : memref<8x128xf32, #tpu.memory_space<vmem>>) target_semaphore(%arg16 : memref<!tpu.dma_semaphore, #tpu.memory_space<semaphore_mem>>)
        %mul3A_1468 = arith.constant 1250 : i32
        %mul3A_1469 = arith.muli %arg1, %mul3A_1468 : i32
        %mul3A_1470 = arith.constant 6 : i32
        %mul3A_1471 = arith.muli %add3A_1362, %mul3A_1470 : i32
        %add3A_1472 = arith.addi %mul3A_1469, %mul3A_1471 : i32
        %add3A_1473 = arith.constant 5 : i32
        %add3A_1474 = arith.addi %add3A_1472, %add3A_1473 : i32
        %dma_start3A_1475 = arith.constant 40 : i32
        %dma_start3A_1476 = arith.constant 0 : i32
        %dma_start3A_1477 = tpu.memref_slice %arg9[%dma_start3A_1475, %dma_start3A_1476] : memref<48x128xf32, #tpu.memory_space<vmem>> -> memref<8x128xf32, #tpu.memory_space<vmem>>
        %dma_start3A_1478 = arith.constant 0 : i32
        %dma_start3A_1479 = arith.constant 0 : i32
        %dma_start3A_1480 = tpu.memref_slice %arg2[%add3A_1474, %add3A_51, %dma_start3A_1478, %dma_start3A_1479] : memref<20000x4x8x128xf32, #tpu.memory_space<hbm>> -> memref<1x1x8x128xf32, #tpu.memory_space<hbm>>
        %dma_start3A_1481 = tpu.memref_squeeze %dma_start3A_1480 : memref<1x1x8x128xf32, #tpu.memory_space<hbm>> -> memref<8x128xf32, #tpu.memory_space<hbm>>
        %dma_start3A_1482 = arith.constant 40 : i32
        %dma_start3A_1483 = arith.constant 0 : i32
        %dma_start3A_1484 = tpu.memref_slice %arg9[%dma_start3A_1482, %dma_start3A_1483] : memref<48x128xf32, #tpu.memory_space<vmem>> -> memref<8x128xf32, #tpu.memory_space<vmem>>
        %dma_start3A_1485 = arith.constant 0 : i32
        %dma_start3A_1486 = arith.constant 0 : i32
        %dma_start3A_1487 = tpu.memref_slice %arg2[%add3A_1474, %add3A_51, %dma_start3A_1485, %dma_start3A_1486] : memref<20000x4x8x128xf32, #tpu.memory_space<hbm>> -> memref<1x1x8x128xf32, #tpu.memory_space<hbm>>
        %dma_start3A_1488 = tpu.memref_squeeze %dma_start3A_1487 : memref<1x1x8x128xf32, #tpu.memory_space<hbm>> -> memref<8x128xf32, #tpu.memory_space<hbm>>
        tpu.enqueue_dma source(%dma_start3A_1488 : memref<8x128xf32, #tpu.memory_space<hbm>>) target(%dma_start3A_1484 : memref<8x128xf32, #tpu.memory_space<vmem>>) target_semaphore(%arg16 : memref<!tpu.dma_semaphore, #tpu.memory_space<semaphore_mem>>)
      } else {
      }
      %mul3A_891 = arith.constant 4 : i32
      %mul3A_892 = arith.muli %mul3A_891, %scan3A_743 : i32
      %add3A_893 = arith.constant 1 : i32
      %add3A_894 = arith.addi %mul3A_892, %add3A_893 : i32
      %mul3A_895 = arith.constant 1250 : i32
      %mul3A_896 = arith.muli %arg1, %mul3A_895 : i32
      %mul3A_897 = arith.constant 6 : i32
      %mul3A_898 = arith.muli %add3A_894, %mul3A_897 : i32
      %add3A_899 = arith.addi %mul3A_896, %mul3A_898 : i32
      %add3A_900 = arith.constant 0 : i32
      %add3A_901 = arith.addi %add3A_899, %add3A_900 : i32
      %dma_wait3A_902 = arith.constant 0 : i32
      %dma_wait3A_903 = arith.constant 0 : i32
      %dma_wait3A_904 = tpu.memref_slice %arg8[%dma_wait3A_902, %dma_wait3A_903] : memref<48x128xf32, #tpu.memory_space<vmem>> -> memref<8x128xf32, #tpu.memory_space<vmem>>
      %dma_wait3A_905 = arith.constant 0 : i32
      %dma_wait3A_906 = arith.constant 0 : i32
      %dma_wait3A_907 = tpu.memref_slice %arg2[%add3A_901, %add3A_51, %dma_wait3A_905, %dma_wait3A_906] : memref<20000x4x8x128xf32, #tpu.memory_space<hbm>> -> memref<1x1x8x128xf32, #tpu.memory_space<hbm>>
      %dma_wait3A_908 = tpu.memref_squeeze %dma_wait3A_907 : memref<1x1x8x128xf32, #tpu.memory_space<hbm>> -> memref<8x128xf32, #tpu.memory_space<hbm>>
      %dma_wait3A_909 = arith.constant 0 : i32
      %dma_wait3A_910 = arith.constant 0 : i32
      %dma_wait3A_911 = tpu.memref_slice %arg8[%dma_wait3A_909, %dma_wait3A_910] : memref<48x128xf32, #tpu.memory_space<vmem>> -> memref<8x128xf32, #tpu.memory_space<vmem>>
      %dma_wait3A_912 = arith.constant 0 : i32
      %dma_wait3A_913 = arith.constant 0 : i32
      %dma_wait3A_914 = tpu.memref_slice %arg2[%add3A_901, %add3A_51, %dma_wait3A_912, %dma_wait3A_913] : memref<20000x4x8x128xf32, #tpu.memory_space<hbm>> -> memref<1x1x8x128xf32, #tpu.memory_space<hbm>>
      %dma_wait3A_915 = tpu.memref_squeeze %dma_wait3A_914 : memref<1x1x8x128xf32, #tpu.memory_space<hbm>> -> memref<8x128xf32, #tpu.memory_space<hbm>>
      tpu.wait_dma2 semaphore(%arg15 : memref<!tpu.dma_semaphore, #tpu.memory_space<semaphore_mem>>) src(%dma_wait3A_915 : memref<8x128xf32, #tpu.memory_space<hbm>>) dst(%dma_wait3A_911 : memref<8x128xf32, #tpu.memory_space<vmem>>)
      %mul3A_916 = arith.constant 1250 : i32
      %mul3A_917 = arith.muli %arg1, %mul3A_916 : i32
      %mul3A_918 = arith.constant 6 : i32
      %mul3A_919 = arith.muli %add3A_894, %mul3A_918 : i32
      %add3A_920 = arith.addi %mul3A_917, %mul3A_919 : i32
      %add3A_921 = arith.constant 1 : i32
      %add3A_922 = arith.addi %add3A_920, %add3A_921 : i32
      %dma_wait3A_923 = arith.constant 8 : i32
      %dma_wait3A_924 = arith.constant 0 : i32
      %dma_wait3A_925 = tpu.memref_slice %arg8[%dma_wait3A_923, %dma_wait3A_924] : memref<48x128xf32, #tpu.memory_space<vmem>> -> memref<8x128xf32, #tpu.memory_space<vmem>>
      %dma_wait3A_926 = arith.constant 0 : i32
      %dma_wait3A_927 = arith.constant 0 : i32
      %dma_wait3A_928 = tpu.memref_slice %arg2[%add3A_922, %add3A_51, %dma_wait3A_926, %dma_wait3A_927] : memref<20000x4x8x128xf32, #tpu.memory_space<hbm>> -> memref<1x1x8x128xf32, #tpu.memory_space<hbm>>
      %dma_wait3A_929 = tpu.memref_squeeze %dma_wait3A_928 : memref<1x1x8x128xf32, #tpu.memory_space<hbm>> -> memref<8x128xf32, #tpu.memory_space<hbm>>
      %dma_wait3A_930 = arith.constant 8 : i32
      %dma_wait3A_931 = arith.constant 0 : i32
      %dma_wait3A_932 = tpu.memref_slice %arg8[%dma_wait3A_930, %dma_wait3A_931] : memref<48x128xf32, #tpu.memory_space<vmem>> -> memref<8x128xf32, #tpu.memory_space<vmem>>
      %dma_wait3A_933 = arith.constant 0 : i32
      %dma_wait3A_934 = arith.constant 0 : i32
      %dma_wait3A_935 = tpu.memref_slice %arg2[%add3A_922, %add3A_51, %dma_wait3A_933, %dma_wait3A_934] : memref<20000x4x8x128xf32, #tpu.memory_space<hbm>> -> memref<1x1x8x128xf32, #tpu.memory_space<hbm>>
      %dma_wait3A_936 = tpu.memref_squeeze %dma_wait3A_935 : memref<1x1x8x128xf32, #tpu.memory_space<hbm>> -> memref<8x128xf32, #tpu.memory_space<hbm>>
      tpu.wait_dma2 semaphore(%arg15 : memref<!tpu.dma_semaphore, #tpu.memory_space<semaphore_mem>>) src(%dma_wait3A_936 : memref<8x128xf32, #tpu.memory_space<hbm>>) dst(%dma_wait3A_932 : memref<8x128xf32, #tpu.memory_space<vmem>>)
      %mul3A_937 = arith.constant 1250 : i32
      %mul3A_938 = arith.muli %arg1, %mul3A_937 : i32
      %mul3A_939 = arith.constant 6 : i32
      %mul3A_940 = arith.muli %add3A_894, %mul3A_939 : i32
      %add3A_941 = arith.addi %mul3A_938, %mul3A_940 : i32
      %add3A_942 = arith.constant 2 : i32
      %add3A_943 = arith.addi %add3A_941, %add3A_942 : i32
      %dma_wait3A_944 = arith.constant 16 : i32
      %dma_wait3A_945 = arith.constant 0 : i32
      %dma_wait3A_946 = tpu.memref_slice %arg8[%dma_wait3A_944, %dma_wait3A_945] : memref<48x128xf32, #tpu.memory_space<vmem>> -> memref<8x128xf32, #tpu.memory_space<vmem>>
      %dma_wait3A_947 = arith.constant 0 : i32
      %dma_wait3A_948 = arith.constant 0 : i32
      %dma_wait3A_949 = tpu.memref_slice %arg2[%add3A_943, %add3A_51, %dma_wait3A_947, %dma_wait3A_948] : memref<20000x4x8x128xf32, #tpu.memory_space<hbm>> -> memref<1x1x8x128xf32, #tpu.memory_space<hbm>>
      %dma_wait3A_950 = tpu.memref_squeeze %dma_wait3A_949 : memref<1x1x8x128xf32, #tpu.memory_space<hbm>> -> memref<8x128xf32, #tpu.memory_space<hbm>>
      %dma_wait3A_951 = arith.constant 16 : i32
      %dma_wait3A_952 = arith.constant 0 : i32
      %dma_wait3A_953 = tpu.memref_slice %arg8[%dma_wait3A_951, %dma_wait3A_952] : memref<48x128xf32, #tpu.memory_space<vmem>> -> memref<8x128xf32, #tpu.memory_space<vmem>>
      %dma_wait3A_954 = arith.constant 0 : i32
      %dma_wait3A_955 = arith.constant 0 : i32
      %dma_wait3A_956 = tpu.memref_slice %arg2[%add3A_943, %add3A_51, %dma_wait3A_954, %dma_wait3A_955] : memref<20000x4x8x128xf32, #tpu.memory_space<hbm>> -> memref<1x1x8x128xf32, #tpu.memory_space<hbm>>
      %dma_wait3A_957 = tpu.memref_squeeze %dma_wait3A_956 : memref<1x1x8x128xf32, #tpu.memory_space<hbm>> -> memref<8x128xf32, #tpu.memory_space<hbm>>
      tpu.wait_dma2 semaphore(%arg15 : memref<!tpu.dma_semaphore, #tpu.memory_space<semaphore_mem>>) src(%dma_wait3A_957 : memref<8x128xf32, #tpu.memory_space<hbm>>) dst(%dma_wait3A_953 : memref<8x128xf32, #tpu.memory_space<vmem>>)
      %mul3A_958 = arith.constant 1250 : i32
      %mul3A_959 = arith.muli %arg1, %mul3A_958 : i32
      %mul3A_960 = arith.constant 6 : i32
      %mul3A_961 = arith.muli %add3A_894, %mul3A_960 : i32
      %add3A_962 = arith.addi %mul3A_959, %mul3A_961 : i32
      %add3A_963 = arith.constant 3 : i32
      %add3A_964 = arith.addi %add3A_962, %add3A_963 : i32
      %dma_wait3A_965 = arith.constant 24 : i32
      %dma_wait3A_966 = arith.constant 0 : i32
      %dma_wait3A_967 = tpu.memref_slice %arg8[%dma_wait3A_965, %dma_wait3A_966] : memref<48x128xf32, #tpu.memory_space<vmem>> -> memref<8x128xf32, #tpu.memory_space<vmem>>
      %dma_wait3A_968 = arith.constant 0 : i32
      %dma_wait3A_969 = arith.constant 0 : i32
      %dma_wait3A_970 = tpu.memref_slice %arg2[%add3A_964, %add3A_51, %dma_wait3A_968, %dma_wait3A_969] : memref<20000x4x8x128xf32, #tpu.memory_space<hbm>> -> memref<1x1x8x128xf32, #tpu.memory_space<hbm>>
      %dma_wait3A_971 = tpu.memref_squeeze %dma_wait3A_970 : memref<1x1x8x128xf32, #tpu.memory_space<hbm>> -> memref<8x128xf32, #tpu.memory_space<hbm>>
      %dma_wait3A_972 = arith.constant 24 : i32
      %dma_wait3A_973 = arith.constant 0 : i32
      %dma_wait3A_974 = tpu.memref_slice %arg8[%dma_wait3A_972, %dma_wait3A_973] : memref<48x128xf32, #tpu.memory_space<vmem>> -> memref<8x128xf32, #tpu.memory_space<vmem>>
      %dma_wait3A_975 = arith.constant 0 : i32
      %dma_wait3A_976 = arith.constant 0 : i32
      %dma_wait3A_977 = tpu.memref_slice %arg2[%add3A_964, %add3A_51, %dma_wait3A_975, %dma_wait3A_976] : memref<20000x4x8x128xf32, #tpu.memory_space<hbm>> -> memref<1x1x8x128xf32, #tpu.memory_space<hbm>>
      %dma_wait3A_978 = tpu.memref_squeeze %dma_wait3A_977 : memref<1x1x8x128xf32, #tpu.memory_space<hbm>> -> memref<8x128xf32, #tpu.memory_space<hbm>>
      tpu.wait_dma2 semaphore(%arg15 : memref<!tpu.dma_semaphore, #tpu.memory_space<semaphore_mem>>) src(%dma_wait3A_978 : memref<8x128xf32, #tpu.memory_space<hbm>>) dst(%dma_wait3A_974 : memref<8x128xf32, #tpu.memory_space<vmem>>)
      %mul3A_979 = arith.constant 1250 : i32
      %mul3A_980 = arith.muli %arg1, %mul3A_979 : i32
      %mul3A_981 = arith.constant 6 : i32
      %mul3A_982 = arith.muli %add3A_894, %mul3A_981 : i32
      %add3A_983 = arith.addi %mul3A_980, %mul3A_982 : i32
      %add3A_984 = arith.constant 4 : i32
      %add3A_985 = arith.addi %add3A_983, %add3A_984 : i32
      %dma_wait3A_986 = arith.constant 32 : i32
      %dma_wait3A_987 = arith.constant 0 : i32
      %dma_wait3A_988 = tpu.memref_slice %arg8[%dma_wait3A_986, %dma_wait3A_987] : memref<48x128xf32, #tpu.memory_space<vmem>> -> memref<8x128xf32, #tpu.memory_space<vmem>>
      %dma_wait3A_989 = arith.constant 0 : i32
      %dma_wait3A_990 = arith.constant 0 : i32
      %dma_wait3A_991 = tpu.memref_slice %arg2[%add3A_985, %add3A_51, %dma_wait3A_989, %dma_wait3A_990] : memref<20000x4x8x128xf32, #tpu.memory_space<hbm>> -> memref<1x1x8x128xf32, #tpu.memory_space<hbm>>
      %dma_wait3A_992 = tpu.memref_squeeze %dma_wait3A_991 : memref<1x1x8x128xf32, #tpu.memory_space<hbm>> -> memref<8x128xf32, #tpu.memory_space<hbm>>
      %dma_wait3A_993 = arith.constant 32 : i32
      %dma_wait3A_994 = arith.constant 0 : i32
      %dma_wait3A_995 = tpu.memref_slice %arg8[%dma_wait3A_993, %dma_wait3A_994] : memref<48x128xf32, #tpu.memory_space<vmem>> -> memref<8x128xf32, #tpu.memory_space<vmem>>
      %dma_wait3A_996 = arith.constant 0 : i32
      %dma_wait3A_997 = arith.constant 0 : i32
      %dma_wait3A_998 = tpu.memref_slice %arg2[%add3A_985, %add3A_51, %dma_wait3A_996, %dma_wait3A_997] : memref<20000x4x8x128xf32, #tpu.memory_space<hbm>> -> memref<1x1x8x128xf32, #tpu.memory_space<hbm>>
      %dma_wait3A_999 = tpu.memref_squeeze %dma_wait3A_998 : memref<1x1x8x128xf32, #tpu.memory_space<hbm>> -> memref<8x128xf32, #tpu.memory_space<hbm>>
      tpu.wait_dma2 semaphore(%arg15 : memref<!tpu.dma_semaphore, #tpu.memory_space<semaphore_mem>>) src(%dma_wait3A_999 : memref<8x128xf32, #tpu.memory_space<hbm>>) dst(%dma_wait3A_995 : memref<8x128xf32, #tpu.memory_space<vmem>>)
      %mul3A_1000 = arith.constant 1250 : i32
      %mul3A_1001 = arith.muli %arg1, %mul3A_1000 : i32
      %mul3A_1002 = arith.constant 6 : i32
      %mul3A_1003 = arith.muli %add3A_894, %mul3A_1002 : i32
      %add3A_1004 = arith.addi %mul3A_1001, %mul3A_1003 : i32
      %add3A_1005 = arith.constant 5 : i32
      %add3A_1006 = arith.addi %add3A_1004, %add3A_1005 : i32
      %dma_wait3A_1007 = arith.constant 40 : i32
      %dma_wait3A_1008 = arith.constant 0 : i32
      %dma_wait3A_1009 = tpu.memref_slice %arg8[%dma_wait3A_1007, %dma_wait3A_1008] : memref<48x128xf32, #tpu.memory_space<vmem>> -> memref<8x128xf32, #tpu.memory_space<vmem>>
      %dma_wait3A_1010 = arith.constant 0 : i32
      %dma_wait3A_1011 = arith.constant 0 : i32
      %dma_wait3A_1012 = tpu.memref_slice %arg2[%add3A_1006, %add3A_51, %dma_wait3A_1010, %dma_wait3A_1011] : memref<20000x4x8x128xf32, #tpu.memory_space<hbm>> -> memref<1x1x8x128xf32, #tpu.memory_space<hbm>>
      %dma_wait3A_1013 = tpu.memref_squeeze %dma_wait3A_1012 : memref<1x1x8x128xf32, #tpu.memory_space<hbm>> -> memref<8x128xf32, #tpu.memory_space<hbm>>
      %dma_wait3A_1014 = arith.constant 40 : i32
      %dma_wait3A_1015 = arith.constant 0 : i32
      %dma_wait3A_1016 = tpu.memref_slice %arg8[%dma_wait3A_1014, %dma_wait3A_1015] : memref<48x128xf32, #tpu.memory_space<vmem>> -> memref<8x128xf32, #tpu.memory_space<vmem>>
      %dma_wait3A_1017 = arith.constant 0 : i32
      %dma_wait3A_1018 = arith.constant 0 : i32
      %dma_wait3A_1019 = tpu.memref_slice %arg2[%add3A_1006, %add3A_51, %dma_wait3A_1017, %dma_wait3A_1018] : memref<20000x4x8x128xf32, #tpu.memory_space<hbm>> -> memref<1x1x8x128xf32, #tpu.memory_space<hbm>>
      %dma_wait3A_1020 = tpu.memref_squeeze %dma_wait3A_1019 : memref<1x1x8x128xf32, #tpu.memory_space<hbm>> -> memref<8x128xf32, #tpu.memory_space<hbm>>
      tpu.wait_dma2 semaphore(%arg15 : memref<!tpu.dma_semaphore, #tpu.memory_space<semaphore_mem>>) src(%dma_wait3A_1020 : memref<8x128xf32, #tpu.memory_space<hbm>>) dst(%dma_wait3A_1016 : memref<8x128xf32, #tpu.memory_space<vmem>>)
      %mul3A_1021 = arith.constant 48 : i32
      %mul3A_1022 = arith.muli %add3A_894, %mul3A_1021 : i32
      %dma_start3A_1023 = tpu.memref_slice %arg6[%mul3A_1022] : memref<10000xi32, #tpu.memory_space<vmem>> -> memref<48xi32, #tpu.memory_space<vmem>>
      %dma_start3A_1024 = arith.constant 0 : i32
      %dma_start3A_1025 = arith.constant 0 : i32
      %dma_start3A_1026 = tpu.memref_slice %arg12[%dma_start3A_1024, %dma_start3A_1025] : memref<10000x128xf32, #tpu.memory_space<vmem_shared>> -> memref<10000x128xf32, #tpu.memory_space<vmem_shared>>
      tpu.enqueue_indirect_dma source(%arg8 : memref<48x128xf32, #tpu.memory_space<vmem>>) target(%dma_start3A_1026 : memref<10000x128xf32, #tpu.memory_space<vmem_shared>>) offsets(%dma_start3A_1023 : memref<48xi32, #tpu.memory_space<vmem>>) semaphore(%arg19 : memref<!tpu.dma_semaphore, #tpu.memory_space<semaphore_mem>>) {add = true}
      %ge3A_1027 = arith.constant 2 : i32
      %ge3A_1028 = arith.cmpi sge, %add3A_894, %ge3A_1027 : i32
      %convert_element_type3A_1029 = arith.extui %ge3A_1028 : i1 to i32
      %cond3A_1030 = arith.constant 0 : i32
      %cond3A_1031 = arith.cmpi ne, %convert_element_type3A_1029, %cond3A_1030 : i32
      scf.if %cond3A_1031 {
        %sub3A = arith.constant 2 : i32
        %sub3A_1361 = arith.subi %add3A_894, %sub3A : i32
        %mul3A_1362 = arith.constant 48 : i32
        %mul3A_1363 = arith.muli %sub3A_1361, %mul3A_1362 : i32
        %dma_wait3A_1364 = tpu.memref_slice %arg6[%mul3A_1363] : memref<10000xi32, #tpu.memory_space<vmem>> -> memref<48xi32, #tpu.memory_space<vmem>>
        %dma_wait3A_1365 = arith.constant 0 : i32
        %dma_wait3A_1366 = arith.constant 0 : i32
        %dma_wait3A_1367 = tpu.memref_slice %arg12[%dma_wait3A_1365, %dma_wait3A_1366] : memref<10000x128xf32, #tpu.memory_space<vmem_shared>> -> memref<10000x128xf32, #tpu.memory_space<vmem_shared>>
        tpu.wait_indirect_dma semaphore(%arg21 : memref<!tpu.dma_semaphore, #tpu.memory_space<semaphore_mem>>) src(%arg10 : memref<48x128xf32, #tpu.memory_space<vmem>>) dst(%dma_wait3A_1367 : memref<10000x128xf32, #tpu.memory_space<vmem_shared>>)
      } else {
      }
      %add3A_1032 = arith.constant 2 : i32
      %add3A_1033 = arith.addi %add3A_894, %add3A_1032 : i32
      %lt3A_1034 = arith.constant 208 : i32
      %lt3A_1035 = arith.cmpi slt, %add3A_1033, %lt3A_1034 : i32
      %convert_element_type3A_1036 = arith.extui %lt3A_1035 : i1 to i32
      %cond3A_1037 = arith.constant 0 : i32
      %cond3A_1038 = arith.cmpi ne, %convert_element_type3A_1036, %cond3A_1037 : i32
      scf.if %cond3A_1038 {
        %add3A_1361 = arith.constant 2 : i32
        %add3A_1362 = arith.addi %add3A_894, %add3A_1361 : i32
        %mul3A_1363 = arith.constant 1250 : i32
        %mul3A_1364 = arith.muli %arg1, %mul3A_1363 : i32
        %mul3A_1365 = arith.constant 6 : i32
        %mul3A_1366 = arith.muli %add3A_1362, %mul3A_1365 : i32
        %add3A_1367 = arith.addi %mul3A_1364, %mul3A_1366 : i32
        %add3A_1368 = arith.constant 0 : i32
        %add3A_1369 = arith.addi %add3A_1367, %add3A_1368 : i32
        %dma_start3A_1370 = arith.constant 0 : i32
        %dma_start3A_1371 = arith.constant 0 : i32
        %dma_start3A_1372 = tpu.memref_slice %arg10[%dma_start3A_1370, %dma_start3A_1371] : memref<48x128xf32, #tpu.memory_space<vmem>> -> memref<8x128xf32, #tpu.memory_space<vmem>>
        %dma_start3A_1373 = arith.constant 0 : i32
        %dma_start3A_1374 = arith.constant 0 : i32
        %dma_start3A_1375 = tpu.memref_slice %arg2[%add3A_1369, %add3A_51, %dma_start3A_1373, %dma_start3A_1374] : memref<20000x4x8x128xf32, #tpu.memory_space<hbm>> -> memref<1x1x8x128xf32, #tpu.memory_space<hbm>>
        %dma_start3A_1376 = tpu.memref_squeeze %dma_start3A_1375 : memref<1x1x8x128xf32, #tpu.memory_space<hbm>> -> memref<8x128xf32, #tpu.memory_space<hbm>>
        %dma_start3A_1377 = arith.constant 0 : i32
        %dma_start3A_1378 = arith.constant 0 : i32
        %dma_start3A_1379 = tpu.memref_slice %arg10[%dma_start3A_1377, %dma_start3A_1378] : memref<48x128xf32, #tpu.memory_space<vmem>> -> memref<8x128xf32, #tpu.memory_space<vmem>>
        %dma_start3A_1380 = arith.constant 0 : i32
        %dma_start3A_1381 = arith.constant 0 : i32
        %dma_start3A_1382 = tpu.memref_slice %arg2[%add3A_1369, %add3A_51, %dma_start3A_1380, %dma_start3A_1381] : memref<20000x4x8x128xf32, #tpu.memory_space<hbm>> -> memref<1x1x8x128xf32, #tpu.memory_space<hbm>>
        %dma_start3A_1383 = tpu.memref_squeeze %dma_start3A_1382 : memref<1x1x8x128xf32, #tpu.memory_space<hbm>> -> memref<8x128xf32, #tpu.memory_space<hbm>>
        tpu.enqueue_dma source(%dma_start3A_1383 : memref<8x128xf32, #tpu.memory_space<hbm>>) target(%dma_start3A_1379 : memref<8x128xf32, #tpu.memory_space<vmem>>) target_semaphore(%arg17 : memref<!tpu.dma_semaphore, #tpu.memory_space<semaphore_mem>>)
        %mul3A_1384 = arith.constant 1250 : i32
        %mul3A_1385 = arith.muli %arg1, %mul3A_1384 : i32
        %mul3A_1386 = arith.constant 6 : i32
        %mul3A_1387 = arith.muli %add3A_1362, %mul3A_1386 : i32
        %add3A_1388 = arith.addi %mul3A_1385, %mul3A_1387 : i32
        %add3A_1389 = arith.constant 1 : i32
        %add3A_1390 = arith.addi %add3A_1388, %add3A_1389 : i32
        %dma_start3A_1391 = arith.constant 8 : i32
        %dma_start3A_1392 = arith.constant 0 : i32
        %dma_start3A_1393 = tpu.memref_slice %arg10[%dma_start3A_1391, %dma_start3A_1392] : memref<48x128xf32, #tpu.memory_space<vmem>> -> memref<8x128xf32, #tpu.memory_space<vmem>>
        %dma_start3A_1394 = arith.constant 0 : i32
        %dma_start3A_1395 = arith.constant 0 : i32
        %dma_start3A_1396 = tpu.memref_slice %arg2[%add3A_1390, %add3A_51, %dma_start3A_1394, %dma_start3A_1395] : memref<20000x4x8x128xf32, #tpu.memory_space<hbm>> -> memref<1x1x8x128xf32, #tpu.memory_space<hbm>>
        %dma_start3A_1397 = tpu.memref_squeeze %dma_start3A_1396 : memref<1x1x8x128xf32, #tpu.memory_space<hbm>> -> memref<8x128xf32, #tpu.memory_space<hbm>>
        %dma_start3A_1398 = arith.constant 8 : i32
        %dma_start3A_1399 = arith.constant 0 : i32
        %dma_start3A_1400 = tpu.memref_slice %arg10[%dma_start3A_1398, %dma_start3A_1399] : memref<48x128xf32, #tpu.memory_space<vmem>> -> memref<8x128xf32, #tpu.memory_space<vmem>>
        %dma_start3A_1401 = arith.constant 0 : i32
        %dma_start3A_1402 = arith.constant 0 : i32
        %dma_start3A_1403 = tpu.memref_slice %arg2[%add3A_1390, %add3A_51, %dma_start3A_1401, %dma_start3A_1402] : memref<20000x4x8x128xf32, #tpu.memory_space<hbm>> -> memref<1x1x8x128xf32, #tpu.memory_space<hbm>>
        %dma_start3A_1404 = tpu.memref_squeeze %dma_start3A_1403 : memref<1x1x8x128xf32, #tpu.memory_space<hbm>> -> memref<8x128xf32, #tpu.memory_space<hbm>>
        tpu.enqueue_dma source(%dma_start3A_1404 : memref<8x128xf32, #tpu.memory_space<hbm>>) target(%dma_start3A_1400 : memref<8x128xf32, #tpu.memory_space<vmem>>) target_semaphore(%arg17 : memref<!tpu.dma_semaphore, #tpu.memory_space<semaphore_mem>>)
        %mul3A_1405 = arith.constant 1250 : i32
        %mul3A_1406 = arith.muli %arg1, %mul3A_1405 : i32
        %mul3A_1407 = arith.constant 6 : i32
        %mul3A_1408 = arith.muli %add3A_1362, %mul3A_1407 : i32
        %add3A_1409 = arith.addi %mul3A_1406, %mul3A_1408 : i32
        %add3A_1410 = arith.constant 2 : i32
        %add3A_1411 = arith.addi %add3A_1409, %add3A_1410 : i32
        %dma_start3A_1412 = arith.constant 16 : i32
        %dma_start3A_1413 = arith.constant 0 : i32
        %dma_start3A_1414 = tpu.memref_slice %arg10[%dma_start3A_1412, %dma_start3A_1413] : memref<48x128xf32, #tpu.memory_space<vmem>> -> memref<8x128xf32, #tpu.memory_space<vmem>>
        %dma_start3A_1415 = arith.constant 0 : i32
        %dma_start3A_1416 = arith.constant 0 : i32
        %dma_start3A_1417 = tpu.memref_slice %arg2[%add3A_1411, %add3A_51, %dma_start3A_1415, %dma_start3A_1416] : memref<20000x4x8x128xf32, #tpu.memory_space<hbm>> -> memref<1x1x8x128xf32, #tpu.memory_space<hbm>>
        %dma_start3A_1418 = tpu.memref_squeeze %dma_start3A_1417 : memref<1x1x8x128xf32, #tpu.memory_space<hbm>> -> memref<8x128xf32, #tpu.memory_space<hbm>>
        %dma_start3A_1419 = arith.constant 16 : i32
        %dma_start3A_1420 = arith.constant 0 : i32
        %dma_start3A_1421 = tpu.memref_slice %arg10[%dma_start3A_1419, %dma_start3A_1420] : memref<48x128xf32, #tpu.memory_space<vmem>> -> memref<8x128xf32, #tpu.memory_space<vmem>>
        %dma_start3A_1422 = arith.constant 0 : i32
        %dma_start3A_1423 = arith.constant 0 : i32
        %dma_start3A_1424 = tpu.memref_slice %arg2[%add3A_1411, %add3A_51, %dma_start3A_1422, %dma_start3A_1423] : memref<20000x4x8x128xf32, #tpu.memory_space<hbm>> -> memref<1x1x8x128xf32, #tpu.memory_space<hbm>>
        %dma_start3A_1425 = tpu.memref_squeeze %dma_start3A_1424 : memref<1x1x8x128xf32, #tpu.memory_space<hbm>> -> memref<8x128xf32, #tpu.memory_space<hbm>>
        tpu.enqueue_dma source(%dma_start3A_1425 : memref<8x128xf32, #tpu.memory_space<hbm>>) target(%dma_start3A_1421 : memref<8x128xf32, #tpu.memory_space<vmem>>) target_semaphore(%arg17 : memref<!tpu.dma_semaphore, #tpu.memory_space<semaphore_mem>>)
        %mul3A_1426 = arith.constant 1250 : i32
        %mul3A_1427 = arith.muli %arg1, %mul3A_1426 : i32
        %mul3A_1428 = arith.constant 6 : i32
        %mul3A_1429 = arith.muli %add3A_1362, %mul3A_1428 : i32
        %add3A_1430 = arith.addi %mul3A_1427, %mul3A_1429 : i32
        %add3A_1431 = arith.constant 3 : i32
        %add3A_1432 = arith.addi %add3A_1430, %add3A_1431 : i32
        %dma_start3A_1433 = arith.constant 24 : i32
        %dma_start3A_1434 = arith.constant 0 : i32
        %dma_start3A_1435 = tpu.memref_slice %arg10[%dma_start3A_1433, %dma_start3A_1434] : memref<48x128xf32, #tpu.memory_space<vmem>> -> memref<8x128xf32, #tpu.memory_space<vmem>>
        %dma_start3A_1436 = arith.constant 0 : i32
        %dma_start3A_1437 = arith.constant 0 : i32
        %dma_start3A_1438 = tpu.memref_slice %arg2[%add3A_1432, %add3A_51, %dma_start3A_1436, %dma_start3A_1437] : memref<20000x4x8x128xf32, #tpu.memory_space<hbm>> -> memref<1x1x8x128xf32, #tpu.memory_space<hbm>>
        %dma_start3A_1439 = tpu.memref_squeeze %dma_start3A_1438 : memref<1x1x8x128xf32, #tpu.memory_space<hbm>> -> memref<8x128xf32, #tpu.memory_space<hbm>>
        %dma_start3A_1440 = arith.constant 24 : i32
        %dma_start3A_1441 = arith.constant 0 : i32
        %dma_start3A_1442 = tpu.memref_slice %arg10[%dma_start3A_1440, %dma_start3A_1441] : memref<48x128xf32, #tpu.memory_space<vmem>> -> memref<8x128xf32, #tpu.memory_space<vmem>>
        %dma_start3A_1443 = arith.constant 0 : i32
        %dma_start3A_1444 = arith.constant 0 : i32
        %dma_start3A_1445 = tpu.memref_slice %arg2[%add3A_1432, %add3A_51, %dma_start3A_1443, %dma_start3A_1444] : memref<20000x4x8x128xf32, #tpu.memory_space<hbm>> -> memref<1x1x8x128xf32, #tpu.memory_space<hbm>>
        %dma_start3A_1446 = tpu.memref_squeeze %dma_start3A_1445 : memref<1x1x8x128xf32, #tpu.memory_space<hbm>> -> memref<8x128xf32, #tpu.memory_space<hbm>>
        tpu.enqueue_dma source(%dma_start3A_1446 : memref<8x128xf32, #tpu.memory_space<hbm>>) target(%dma_start3A_1442 : memref<8x128xf32, #tpu.memory_space<vmem>>) target_semaphore(%arg17 : memref<!tpu.dma_semaphore, #tpu.memory_space<semaphore_mem>>)
        %mul3A_1447 = arith.constant 1250 : i32
        %mul3A_1448 = arith.muli %arg1, %mul3A_1447 : i32
        %mul3A_1449 = arith.constant 6 : i32
        %mul3A_1450 = arith.muli %add3A_1362, %mul3A_1449 : i32
        %add3A_1451 = arith.addi %mul3A_1448, %mul3A_1450 : i32
        %add3A_1452 = arith.constant 4 : i32
        %add3A_1453 = arith.addi %add3A_1451, %add3A_1452 : i32
        %dma_start3A_1454 = arith.constant 32 : i32
        %dma_start3A_1455 = arith.constant 0 : i32
        %dma_start3A_1456 = tpu.memref_slice %arg10[%dma_start3A_1454, %dma_start3A_1455] : memref<48x128xf32, #tpu.memory_space<vmem>> -> memref<8x128xf32, #tpu.memory_space<vmem>>
        %dma_start3A_1457 = arith.constant 0 : i32
        %dma_start3A_1458 = arith.constant 0 : i32
        %dma_start3A_1459 = tpu.memref_slice %arg2[%add3A_1453, %add3A_51, %dma_start3A_1457, %dma_start3A_1458] : memref<20000x4x8x128xf32, #tpu.memory_space<hbm>> -> memref<1x1x8x128xf32, #tpu.memory_space<hbm>>
        %dma_start3A_1460 = tpu.memref_squeeze %dma_start3A_1459 : memref<1x1x8x128xf32, #tpu.memory_space<hbm>> -> memref<8x128xf32, #tpu.memory_space<hbm>>
        %dma_start3A_1461 = arith.constant 32 : i32
        %dma_start3A_1462 = arith.constant 0 : i32
        %dma_start3A_1463 = tpu.memref_slice %arg10[%dma_start3A_1461, %dma_start3A_1462] : memref<48x128xf32, #tpu.memory_space<vmem>> -> memref<8x128xf32, #tpu.memory_space<vmem>>
        %dma_start3A_1464 = arith.constant 0 : i32
        %dma_start3A_1465 = arith.constant 0 : i32
        %dma_start3A_1466 = tpu.memref_slice %arg2[%add3A_1453, %add3A_51, %dma_start3A_1464, %dma_start3A_1465] : memref<20000x4x8x128xf32, #tpu.memory_space<hbm>> -> memref<1x1x8x128xf32, #tpu.memory_space<hbm>>
        %dma_start3A_1467 = tpu.memref_squeeze %dma_start3A_1466 : memref<1x1x8x128xf32, #tpu.memory_space<hbm>> -> memref<8x128xf32, #tpu.memory_space<hbm>>
        tpu.enqueue_dma source(%dma_start3A_1467 : memref<8x128xf32, #tpu.memory_space<hbm>>) target(%dma_start3A_1463 : memref<8x128xf32, #tpu.memory_space<vmem>>) target_semaphore(%arg17 : memref<!tpu.dma_semaphore, #tpu.memory_space<semaphore_mem>>)
        %mul3A_1468 = arith.constant 1250 : i32
        %mul3A_1469 = arith.muli %arg1, %mul3A_1468 : i32
        %mul3A_1470 = arith.constant 6 : i32
        %mul3A_1471 = arith.muli %add3A_1362, %mul3A_1470 : i32
        %add3A_1472 = arith.addi %mul3A_1469, %mul3A_1471 : i32
        %add3A_1473 = arith.constant 5 : i32
        %add3A_1474 = arith.addi %add3A_1472, %add3A_1473 : i32
        %dma_start3A_1475 = arith.constant 40 : i32
        %dma_start3A_1476 = arith.constant 0 : i32
        %dma_start3A_1477 = tpu.memref_slice %arg10[%dma_start3A_1475, %dma_start3A_1476] : memref<48x128xf32, #tpu.memory_space<vmem>> -> memref<8x128xf32, #tpu.memory_space<vmem>>
        %dma_start3A_1478 = arith.constant 0 : i32
        %dma_start3A_1479 = arith.constant 0 : i32
        %dma_start3A_1480 = tpu.memref_slice %arg2[%add3A_1474, %add3A_51, %dma_start3A_1478, %dma_start3A_1479] : memref<20000x4x8x128xf32, #tpu.memory_space<hbm>> -> memref<1x1x8x128xf32, #tpu.memory_space<hbm>>
        %dma_start3A_1481 = tpu.memref_squeeze %dma_start3A_1480 : memref<1x1x8x128xf32, #tpu.memory_space<hbm>> -> memref<8x128xf32, #tpu.memory_space<hbm>>
        %dma_start3A_1482 = arith.constant 40 : i32
        %dma_start3A_1483 = arith.constant 0 : i32
        %dma_start3A_1484 = tpu.memref_slice %arg10[%dma_start3A_1482, %dma_start3A_1483] : memref<48x128xf32, #tpu.memory_space<vmem>> -> memref<8x128xf32, #tpu.memory_space<vmem>>
        %dma_start3A_1485 = arith.constant 0 : i32
        %dma_start3A_1486 = arith.constant 0 : i32
        %dma_start3A_1487 = tpu.memref_slice %arg2[%add3A_1474, %add3A_51, %dma_start3A_1485, %dma_start3A_1486] : memref<20000x4x8x128xf32, #tpu.memory_space<hbm>> -> memref<1x1x8x128xf32, #tpu.memory_space<hbm>>
        %dma_start3A_1488 = tpu.memref_squeeze %dma_start3A_1487 : memref<1x1x8x128xf32, #tpu.memory_space<hbm>> -> memref<8x128xf32, #tpu.memory_space<hbm>>
        tpu.enqueue_dma source(%dma_start3A_1488 : memref<8x128xf32, #tpu.memory_space<hbm>>) target(%dma_start3A_1484 : memref<8x128xf32, #tpu.memory_space<vmem>>) target_semaphore(%arg17 : memref<!tpu.dma_semaphore, #tpu.memory_space<semaphore_mem>>)
      } else {
      }
      %mul3A_1039 = arith.constant 4 : i32
      %mul3A_1040 = arith.muli %mul3A_1039, %scan3A_743 : i32
      %add3A_1041 = arith.constant 2 : i32
      %add3A_1042 = arith.addi %mul3A_1040, %add3A_1041 : i32
      %mul3A_1043 = arith.constant 1250 : i32
      %mul3A_1044 = arith.muli %arg1, %mul3A_1043 : i32
      %mul3A_1045 = arith.constant 6 : i32
      %mul3A_1046 = arith.muli %add3A_1042, %mul3A_1045 : i32
      %add3A_1047 = arith.addi %mul3A_1044, %mul3A_1046 : i32
      %add3A_1048 = arith.constant 0 : i32
      %add3A_1049 = arith.addi %add3A_1047, %add3A_1048 : i32
      %dma_wait3A_1050 = arith.constant 0 : i32
      %dma_wait3A_1051 = arith.constant 0 : i32
      %dma_wait3A_1052 = tpu.memref_slice %arg9[%dma_wait3A_1050, %dma_wait3A_1051] : memref<48x128xf32, #tpu.memory_space<vmem>> -> memref<8x128xf32, #tpu.memory_space<vmem>>
      %dma_wait3A_1053 = arith.constant 0 : i32
      %dma_wait3A_1054 = arith.constant 0 : i32
      %dma_wait3A_1055 = tpu.memref_slice %arg2[%add3A_1049, %add3A_51, %dma_wait3A_1053, %dma_wait3A_1054] : memref<20000x4x8x128xf32, #tpu.memory_space<hbm>> -> memref<1x1x8x128xf32, #tpu.memory_space<hbm>>
      %dma_wait3A_1056 = tpu.memref_squeeze %dma_wait3A_1055 : memref<1x1x8x128xf32, #tpu.memory_space<hbm>> -> memref<8x128xf32, #tpu.memory_space<hbm>>
      %dma_wait3A_1057 = arith.constant 0 : i32
      %dma_wait3A_1058 = arith.constant 0 : i32
      %dma_wait3A_1059 = tpu.memref_slice %arg9[%dma_wait3A_1057, %dma_wait3A_1058] : memref<48x128xf32, #tpu.memory_space<vmem>> -> memref<8x128xf32, #tpu.memory_space<vmem>>
      %dma_wait3A_1060 = arith.constant 0 : i32
      %dma_wait3A_1061 = arith.constant 0 : i32
      %dma_wait3A_1062 = tpu.memref_slice %arg2[%add3A_1049, %add3A_51, %dma_wait3A_1060, %dma_wait3A_1061] : memref<20000x4x8x128xf32, #tpu.memory_space<hbm>> -> memref<1x1x8x128xf32, #tpu.memory_space<hbm>>
      %dma_wait3A_1063 = tpu.memref_squeeze %dma_wait3A_1062 : memref<1x1x8x128xf32, #tpu.memory_space<hbm>> -> memref<8x128xf32, #tpu.memory_space<hbm>>
      tpu.wait_dma2 semaphore(%arg16 : memref<!tpu.dma_semaphore, #tpu.memory_space<semaphore_mem>>) src(%dma_wait3A_1063 : memref<8x128xf32, #tpu.memory_space<hbm>>) dst(%dma_wait3A_1059 : memref<8x128xf32, #tpu.memory_space<vmem>>)
      %mul3A_1064 = arith.constant 1250 : i32
      %mul3A_1065 = arith.muli %arg1, %mul3A_1064 : i32
      %mul3A_1066 = arith.constant 6 : i32
      %mul3A_1067 = arith.muli %add3A_1042, %mul3A_1066 : i32
      %add3A_1068 = arith.addi %mul3A_1065, %mul3A_1067 : i32
      %add3A_1069 = arith.constant 1 : i32
      %add3A_1070 = arith.addi %add3A_1068, %add3A_1069 : i32
      %dma_wait3A_1071 = arith.constant 8 : i32
      %dma_wait3A_1072 = arith.constant 0 : i32
      %dma_wait3A_1073 = tpu.memref_slice %arg9[%dma_wait3A_1071, %dma_wait3A_1072] : memref<48x128xf32, #tpu.memory_space<vmem>> -> memref<8x128xf32, #tpu.memory_space<vmem>>
      %dma_wait3A_1074 = arith.constant 0 : i32
      %dma_wait3A_1075 = arith.constant 0 : i32
      %dma_wait3A_1076 = tpu.memref_slice %arg2[%add3A_1070, %add3A_51, %dma_wait3A_1074, %dma_wait3A_1075] : memref<20000x4x8x128xf32, #tpu.memory_space<hbm>> -> memref<1x1x8x128xf32, #tpu.memory_space<hbm>>
      %dma_wait3A_1077 = tpu.memref_squeeze %dma_wait3A_1076 : memref<1x1x8x128xf32, #tpu.memory_space<hbm>> -> memref<8x128xf32, #tpu.memory_space<hbm>>
      %dma_wait3A_1078 = arith.constant 8 : i32
      %dma_wait3A_1079 = arith.constant 0 : i32
      %dma_wait3A_1080 = tpu.memref_slice %arg9[%dma_wait3A_1078, %dma_wait3A_1079] : memref<48x128xf32, #tpu.memory_space<vmem>> -> memref<8x128xf32, #tpu.memory_space<vmem>>
      %dma_wait3A_1081 = arith.constant 0 : i32
      %dma_wait3A_1082 = arith.constant 0 : i32
      %dma_wait3A_1083 = tpu.memref_slice %arg2[%add3A_1070, %add3A_51, %dma_wait3A_1081, %dma_wait3A_1082] : memref<20000x4x8x128xf32, #tpu.memory_space<hbm>> -> memref<1x1x8x128xf32, #tpu.memory_space<hbm>>
      %dma_wait3A_1084 = tpu.memref_squeeze %dma_wait3A_1083 : memref<1x1x8x128xf32, #tpu.memory_space<hbm>> -> memref<8x128xf32, #tpu.memory_space<hbm>>
      tpu.wait_dma2 semaphore(%arg16 : memref<!tpu.dma_semaphore, #tpu.memory_space<semaphore_mem>>) src(%dma_wait3A_1084 : memref<8x128xf32, #tpu.memory_space<hbm>>) dst(%dma_wait3A_1080 : memref<8x128xf32, #tpu.memory_space<vmem>>)
      %mul3A_1085 = arith.constant 1250 : i32
      %mul3A_1086 = arith.muli %arg1, %mul3A_1085 : i32
      %mul3A_1087 = arith.constant 6 : i32
      %mul3A_1088 = arith.muli %add3A_1042, %mul3A_1087 : i32
      %add3A_1089 = arith.addi %mul3A_1086, %mul3A_1088 : i32
      %add3A_1090 = arith.constant 2 : i32
      %add3A_1091 = arith.addi %add3A_1089, %add3A_1090 : i32
      %dma_wait3A_1092 = arith.constant 16 : i32
      %dma_wait3A_1093 = arith.constant 0 : i32
      %dma_wait3A_1094 = tpu.memref_slice %arg9[%dma_wait3A_1092, %dma_wait3A_1093] : memref<48x128xf32, #tpu.memory_space<vmem>> -> memref<8x128xf32, #tpu.memory_space<vmem>>
      %dma_wait3A_1095 = arith.constant 0 : i32
      %dma_wait3A_1096 = arith.constant 0 : i32
      %dma_wait3A_1097 = tpu.memref_slice %arg2[%add3A_1091, %add3A_51, %dma_wait3A_1095, %dma_wait3A_1096] : memref<20000x4x8x128xf32, #tpu.memory_space<hbm>> -> memref<1x1x8x128xf32, #tpu.memory_space<hbm>>
      %dma_wait3A_1098 = tpu.memref_squeeze %dma_wait3A_1097 : memref<1x1x8x128xf32, #tpu.memory_space<hbm>> -> memref<8x128xf32, #tpu.memory_space<hbm>>
      %dma_wait3A_1099 = arith.constant 16 : i32
      %dma_wait3A_1100 = arith.constant 0 : i32
      %dma_wait3A_1101 = tpu.memref_slice %arg9[%dma_wait3A_1099, %dma_wait3A_1100] : memref<48x128xf32, #tpu.memory_space<vmem>> -> memref<8x128xf32, #tpu.memory_space<vmem>>
      %dma_wait3A_1102 = arith.constant 0 : i32
      %dma_wait3A_1103 = arith.constant 0 : i32
      %dma_wait3A_1104 = tpu.memref_slice %arg2[%add3A_1091, %add3A_51, %dma_wait3A_1102, %dma_wait3A_1103] : memref<20000x4x8x128xf32, #tpu.memory_space<hbm>> -> memref<1x1x8x128xf32, #tpu.memory_space<hbm>>
      %dma_wait3A_1105 = tpu.memref_squeeze %dma_wait3A_1104 : memref<1x1x8x128xf32, #tpu.memory_space<hbm>> -> memref<8x128xf32, #tpu.memory_space<hbm>>
      tpu.wait_dma2 semaphore(%arg16 : memref<!tpu.dma_semaphore, #tpu.memory_space<semaphore_mem>>) src(%dma_wait3A_1105 : memref<8x128xf32, #tpu.memory_space<hbm>>) dst(%dma_wait3A_1101 : memref<8x128xf32, #tpu.memory_space<vmem>>)
      %mul3A_1106 = arith.constant 1250 : i32
      %mul3A_1107 = arith.muli %arg1, %mul3A_1106 : i32
      %mul3A_1108 = arith.constant 6 : i32
      %mul3A_1109 = arith.muli %add3A_1042, %mul3A_1108 : i32
      %add3A_1110 = arith.addi %mul3A_1107, %mul3A_1109 : i32
      %add3A_1111 = arith.constant 3 : i32
      %add3A_1112 = arith.addi %add3A_1110, %add3A_1111 : i32
      %dma_wait3A_1113 = arith.constant 24 : i32
      %dma_wait3A_1114 = arith.constant 0 : i32
      %dma_wait3A_1115 = tpu.memref_slice %arg9[%dma_wait3A_1113, %dma_wait3A_1114] : memref<48x128xf32, #tpu.memory_space<vmem>> -> memref<8x128xf32, #tpu.memory_space<vmem>>
      %dma_wait3A_1116 = arith.constant 0 : i32
      %dma_wait3A_1117 = arith.constant 0 : i32
      %dma_wait3A_1118 = tpu.memref_slice %arg2[%add3A_1112, %add3A_51, %dma_wait3A_1116, %dma_wait3A_1117] : memref<20000x4x8x128xf32, #tpu.memory_space<hbm>> -> memref<1x1x8x128xf32, #tpu.memory_space<hbm>>
      %dma_wait3A_1119 = tpu.memref_squeeze %dma_wait3A_1118 : memref<1x1x8x128xf32, #tpu.memory_space<hbm>> -> memref<8x128xf32, #tpu.memory_space<hbm>>
      %dma_wait3A_1120 = arith.constant 24 : i32
      %dma_wait3A_1121 = arith.constant 0 : i32
      %dma_wait3A_1122 = tpu.memref_slice %arg9[%dma_wait3A_1120, %dma_wait3A_1121] : memref<48x128xf32, #tpu.memory_space<vmem>> -> memref<8x128xf32, #tpu.memory_space<vmem>>
      %dma_wait3A_1123 = arith.constant 0 : i32
      %dma_wait3A_1124 = arith.constant 0 : i32
      %dma_wait3A_1125 = tpu.memref_slice %arg2[%add3A_1112, %add3A_51, %dma_wait3A_1123, %dma_wait3A_1124] : memref<20000x4x8x128xf32, #tpu.memory_space<hbm>> -> memref<1x1x8x128xf32, #tpu.memory_space<hbm>>
      %dma_wait3A_1126 = tpu.memref_squeeze %dma_wait3A_1125 : memref<1x1x8x128xf32, #tpu.memory_space<hbm>> -> memref<8x128xf32, #tpu.memory_space<hbm>>
      tpu.wait_dma2 semaphore(%arg16 : memref<!tpu.dma_semaphore, #tpu.memory_space<semaphore_mem>>) src(%dma_wait3A_1126 : memref<8x128xf32, #tpu.memory_space<hbm>>) dst(%dma_wait3A_1122 : memref<8x128xf32, #tpu.memory_space<vmem>>)
      %mul3A_1127 = arith.constant 1250 : i32
      %mul3A_1128 = arith.muli %arg1, %mul3A_1127 : i32
      %mul3A_1129 = arith.constant 6 : i32
      %mul3A_1130 = arith.muli %add3A_1042, %mul3A_1129 : i32
      %add3A_1131 = arith.addi %mul3A_1128, %mul3A_1130 : i32
      %add3A_1132 = arith.constant 4 : i32
      %add3A_1133 = arith.addi %add3A_1131, %add3A_1132 : i32
      %dma_wait3A_1134 = arith.constant 32 : i32
      %dma_wait3A_1135 = arith.constant 0 : i32
      %dma_wait3A_1136 = tpu.memref_slice %arg9[%dma_wait3A_1134, %dma_wait3A_1135] : memref<48x128xf32, #tpu.memory_space<vmem>> -> memref<8x128xf32, #tpu.memory_space<vmem>>
      %dma_wait3A_1137 = arith.constant 0 : i32
      %dma_wait3A_1138 = arith.constant 0 : i32
      %dma_wait3A_1139 = tpu.memref_slice %arg2[%add3A_1133, %add3A_51, %dma_wait3A_1137, %dma_wait3A_1138] : memref<20000x4x8x128xf32, #tpu.memory_space<hbm>> -> memref<1x1x8x128xf32, #tpu.memory_space<hbm>>
      %dma_wait3A_1140 = tpu.memref_squeeze %dma_wait3A_1139 : memref<1x1x8x128xf32, #tpu.memory_space<hbm>> -> memref<8x128xf32, #tpu.memory_space<hbm>>
      %dma_wait3A_1141 = arith.constant 32 : i32
      %dma_wait3A_1142 = arith.constant 0 : i32
      %dma_wait3A_1143 = tpu.memref_slice %arg9[%dma_wait3A_1141, %dma_wait3A_1142] : memref<48x128xf32, #tpu.memory_space<vmem>> -> memref<8x128xf32, #tpu.memory_space<vmem>>
      %dma_wait3A_1144 = arith.constant 0 : i32
      %dma_wait3A_1145 = arith.constant 0 : i32
      %dma_wait3A_1146 = tpu.memref_slice %arg2[%add3A_1133, %add3A_51, %dma_wait3A_1144, %dma_wait3A_1145] : memref<20000x4x8x128xf32, #tpu.memory_space<hbm>> -> memref<1x1x8x128xf32, #tpu.memory_space<hbm>>
      %dma_wait3A_1147 = tpu.memref_squeeze %dma_wait3A_1146 : memref<1x1x8x128xf32, #tpu.memory_space<hbm>> -> memref<8x128xf32, #tpu.memory_space<hbm>>
      tpu.wait_dma2 semaphore(%arg16 : memref<!tpu.dma_semaphore, #tpu.memory_space<semaphore_mem>>) src(%dma_wait3A_1147 : memref<8x128xf32, #tpu.memory_space<hbm>>) dst(%dma_wait3A_1143 : memref<8x128xf32, #tpu.memory_space<vmem>>)
      %mul3A_1148 = arith.constant 1250 : i32
      %mul3A_1149 = arith.muli %arg1, %mul3A_1148 : i32
      %mul3A_1150 = arith.constant 6 : i32
      %mul3A_1151 = arith.muli %add3A_1042, %mul3A_1150 : i32
      %add3A_1152 = arith.addi %mul3A_1149, %mul3A_1151 : i32
      %add3A_1153 = arith.constant 5 : i32
      %add3A_1154 = arith.addi %add3A_1152, %add3A_1153 : i32
      %dma_wait3A_1155 = arith.constant 40 : i32
      %dma_wait3A_1156 = arith.constant 0 : i32
      %dma_wait3A_1157 = tpu.memref_slice %arg9[%dma_wait3A_1155, %dma_wait3A_1156] : memref<48x128xf32, #tpu.memory_space<vmem>> -> memref<8x128xf32, #tpu.memory_space<vmem>>
      %dma_wait3A_1158 = arith.constant 0 : i32
      %dma_wait3A_1159 = arith.constant 0 : i32
      %dma_wait3A_1160 = tpu.memref_slice %arg2[%add3A_1154, %add3A_51, %dma_wait3A_1158, %dma_wait3A_1159] : memref<20000x4x8x128xf32, #tpu.memory_space<hbm>> -> memref<1x1x8x128xf32, #tpu.memory_space<hbm>>
      %dma_wait3A_1161 = tpu.memref_squeeze %dma_wait3A_1160 : memref<1x1x8x128xf32, #tpu.memory_space<hbm>> -> memref<8x128xf32, #tpu.memory_space<hbm>>
      %dma_wait3A_1162 = arith.constant 40 : i32
      %dma_wait3A_1163 = arith.constant 0 : i32
      %dma_wait3A_1164 = tpu.memref_slice %arg9[%dma_wait3A_1162, %dma_wait3A_1163] : memref<48x128xf32, #tpu.memory_space<vmem>> -> memref<8x128xf32, #tpu.memory_space<vmem>>
      %dma_wait3A_1165 = arith.constant 0 : i32
      %dma_wait3A_1166 = arith.constant 0 : i32
      %dma_wait3A_1167 = tpu.memref_slice %arg2[%add3A_1154, %add3A_51, %dma_wait3A_1165, %dma_wait3A_1166] : memref<20000x4x8x128xf32, #tpu.memory_space<hbm>> -> memref<1x1x8x128xf32, #tpu.memory_space<hbm>>
      %dma_wait3A_1168 = tpu.memref_squeeze %dma_wait3A_1167 : memref<1x1x8x128xf32, #tpu.memory_space<hbm>> -> memref<8x128xf32, #tpu.memory_space<hbm>>
      tpu.wait_dma2 semaphore(%arg16 : memref<!tpu.dma_semaphore, #tpu.memory_space<semaphore_mem>>) src(%dma_wait3A_1168 : memref<8x128xf32, #tpu.memory_space<hbm>>) dst(%dma_wait3A_1164 : memref<8x128xf32, #tpu.memory_space<vmem>>)
      %mul3A_1169 = arith.constant 48 : i32
      %mul3A_1170 = arith.muli %add3A_1042, %mul3A_1169 : i32
      %dma_start3A_1171 = tpu.memref_slice %arg6[%mul3A_1170] : memref<10000xi32, #tpu.memory_space<vmem>> -> memref<48xi32, #tpu.memory_space<vmem>>
      %dma_start3A_1172 = arith.constant 0 : i32
      %dma_start3A_1173 = arith.constant 0 : i32
      %dma_start3A_1174 = tpu.memref_slice %arg12[%dma_start3A_1172, %dma_start3A_1173] : memref<10000x128xf32, #tpu.memory_space<vmem_shared>> -> memref<10000x128xf32, #tpu.memory_space<vmem_shared>>
      tpu.enqueue_indirect_dma source(%arg9 : memref<48x128xf32, #tpu.memory_space<vmem>>) target(%dma_start3A_1174 : memref<10000x128xf32, #tpu.memory_space<vmem_shared>>) offsets(%dma_start3A_1171 : memref<48xi32, #tpu.memory_space<vmem>>) semaphore(%arg20 : memref<!tpu.dma_semaphore, #tpu.memory_space<semaphore_mem>>) {add = true}
      %ge3A_1175 = arith.constant 2 : i32
      %ge3A_1176 = arith.cmpi sge, %add3A_1042, %ge3A_1175 : i32
      %convert_element_type3A_1177 = arith.extui %ge3A_1176 : i1 to i32
      %cond3A_1178 = arith.constant 0 : i32
      %cond3A_1179 = arith.cmpi ne, %convert_element_type3A_1177, %cond3A_1178 : i32
      scf.if %cond3A_1179 {
        %sub3A = arith.constant 2 : i32
        %sub3A_1361 = arith.subi %add3A_1042, %sub3A : i32
        %mul3A_1362 = arith.constant 48 : i32
        %mul3A_1363 = arith.muli %sub3A_1361, %mul3A_1362 : i32
        %dma_wait3A_1364 = tpu.memref_slice %arg6[%mul3A_1363] : memref<10000xi32, #tpu.memory_space<vmem>> -> memref<48xi32, #tpu.memory_space<vmem>>
        %dma_wait3A_1365 = arith.constant 0 : i32
        %dma_wait3A_1366 = arith.constant 0 : i32
        %dma_wait3A_1367 = tpu.memref_slice %arg12[%dma_wait3A_1365, %dma_wait3A_1366] : memref<10000x128xf32, #tpu.memory_space<vmem_shared>> -> memref<10000x128xf32, #tpu.memory_space<vmem_shared>>
        tpu.wait_indirect_dma semaphore(%arg18 : memref<!tpu.dma_semaphore, #tpu.memory_space<semaphore_mem>>) src(%arg7 : memref<48x128xf32, #tpu.memory_space<vmem>>) dst(%dma_wait3A_1367 : memref<10000x128xf32, #tpu.memory_space<vmem_shared>>)
      } else {
      }
      %add3A_1180 = arith.constant 2 : i32
      %add3A_1181 = arith.addi %add3A_1042, %add3A_1180 : i32
      %lt3A_1182 = arith.constant 208 : i32
      %lt3A_1183 = arith.cmpi slt, %add3A_1181, %lt3A_1182 : i32
      %convert_element_type3A_1184 = arith.extui %lt3A_1183 : i1 to i32
      %cond3A_1185 = arith.constant 0 : i32
      %cond3A_1186 = arith.cmpi ne, %convert_element_type3A_1184, %cond3A_1185 : i32
      scf.if %cond3A_1186 {
        %add3A_1361 = arith.constant 2 : i32
        %add3A_1362 = arith.addi %add3A_1042, %add3A_1361 : i32
        %mul3A_1363 = arith.constant 1250 : i32
        %mul3A_1364 = arith.muli %arg1, %mul3A_1363 : i32
        %mul3A_1365 = arith.constant 6 : i32
        %mul3A_1366 = arith.muli %add3A_1362, %mul3A_1365 : i32
        %add3A_1367 = arith.addi %mul3A_1364, %mul3A_1366 : i32
        %add3A_1368 = arith.constant 0 : i32
        %add3A_1369 = arith.addi %add3A_1367, %add3A_1368 : i32
        %dma_start3A_1370 = arith.constant 0 : i32
        %dma_start3A_1371 = arith.constant 0 : i32
        %dma_start3A_1372 = tpu.memref_slice %arg7[%dma_start3A_1370, %dma_start3A_1371] : memref<48x128xf32, #tpu.memory_space<vmem>> -> memref<8x128xf32, #tpu.memory_space<vmem>>
        %dma_start3A_1373 = arith.constant 0 : i32
        %dma_start3A_1374 = arith.constant 0 : i32
        %dma_start3A_1375 = tpu.memref_slice %arg2[%add3A_1369, %add3A_51, %dma_start3A_1373, %dma_start3A_1374] : memref<20000x4x8x128xf32, #tpu.memory_space<hbm>> -> memref<1x1x8x128xf32, #tpu.memory_space<hbm>>
        %dma_start3A_1376 = tpu.memref_squeeze %dma_start3A_1375 : memref<1x1x8x128xf32, #tpu.memory_space<hbm>> -> memref<8x128xf32, #tpu.memory_space<hbm>>
        %dma_start3A_1377 = arith.constant 0 : i32
        %dma_start3A_1378 = arith.constant 0 : i32
        %dma_start3A_1379 = tpu.memref_slice %arg7[%dma_start3A_1377, %dma_start3A_1378] : memref<48x128xf32, #tpu.memory_space<vmem>> -> memref<8x128xf32, #tpu.memory_space<vmem>>
        %dma_start3A_1380 = arith.constant 0 : i32
        %dma_start3A_1381 = arith.constant 0 : i32
        %dma_start3A_1382 = tpu.memref_slice %arg2[%add3A_1369, %add3A_51, %dma_start3A_1380, %dma_start3A_1381] : memref<20000x4x8x128xf32, #tpu.memory_space<hbm>> -> memref<1x1x8x128xf32, #tpu.memory_space<hbm>>
        %dma_start3A_1383 = tpu.memref_squeeze %dma_start3A_1382 : memref<1x1x8x128xf32, #tpu.memory_space<hbm>> -> memref<8x128xf32, #tpu.memory_space<hbm>>
        tpu.enqueue_dma source(%dma_start3A_1383 : memref<8x128xf32, #tpu.memory_space<hbm>>) target(%dma_start3A_1379 : memref<8x128xf32, #tpu.memory_space<vmem>>) target_semaphore(%arg14 : memref<!tpu.dma_semaphore, #tpu.memory_space<semaphore_mem>>)
        %mul3A_1384 = arith.constant 1250 : i32
        %mul3A_1385 = arith.muli %arg1, %mul3A_1384 : i32
        %mul3A_1386 = arith.constant 6 : i32
        %mul3A_1387 = arith.muli %add3A_1362, %mul3A_1386 : i32
        %add3A_1388 = arith.addi %mul3A_1385, %mul3A_1387 : i32
        %add3A_1389 = arith.constant 1 : i32
        %add3A_1390 = arith.addi %add3A_1388, %add3A_1389 : i32
        %dma_start3A_1391 = arith.constant 8 : i32
        %dma_start3A_1392 = arith.constant 0 : i32
        %dma_start3A_1393 = tpu.memref_slice %arg7[%dma_start3A_1391, %dma_start3A_1392] : memref<48x128xf32, #tpu.memory_space<vmem>> -> memref<8x128xf32, #tpu.memory_space<vmem>>
        %dma_start3A_1394 = arith.constant 0 : i32
        %dma_start3A_1395 = arith.constant 0 : i32
        %dma_start3A_1396 = tpu.memref_slice %arg2[%add3A_1390, %add3A_51, %dma_start3A_1394, %dma_start3A_1395] : memref<20000x4x8x128xf32, #tpu.memory_space<hbm>> -> memref<1x1x8x128xf32, #tpu.memory_space<hbm>>
        %dma_start3A_1397 = tpu.memref_squeeze %dma_start3A_1396 : memref<1x1x8x128xf32, #tpu.memory_space<hbm>> -> memref<8x128xf32, #tpu.memory_space<hbm>>
        %dma_start3A_1398 = arith.constant 8 : i32
        %dma_start3A_1399 = arith.constant 0 : i32
        %dma_start3A_1400 = tpu.memref_slice %arg7[%dma_start3A_1398, %dma_start3A_1399] : memref<48x128xf32, #tpu.memory_space<vmem>> -> memref<8x128xf32, #tpu.memory_space<vmem>>
        %dma_start3A_1401 = arith.constant 0 : i32
        %dma_start3A_1402 = arith.constant 0 : i32
        %dma_start3A_1403 = tpu.memref_slice %arg2[%add3A_1390, %add3A_51, %dma_start3A_1401, %dma_start3A_1402] : memref<20000x4x8x128xf32, #tpu.memory_space<hbm>> -> memref<1x1x8x128xf32, #tpu.memory_space<hbm>>
        %dma_start3A_1404 = tpu.memref_squeeze %dma_start3A_1403 : memref<1x1x8x128xf32, #tpu.memory_space<hbm>> -> memref<8x128xf32, #tpu.memory_space<hbm>>
        tpu.enqueue_dma source(%dma_start3A_1404 : memref<8x128xf32, #tpu.memory_space<hbm>>) target(%dma_start3A_1400 : memref<8x128xf32, #tpu.memory_space<vmem>>) target_semaphore(%arg14 : memref<!tpu.dma_semaphore, #tpu.memory_space<semaphore_mem>>)
        %mul3A_1405 = arith.constant 1250 : i32
        %mul3A_1406 = arith.muli %arg1, %mul3A_1405 : i32
        %mul3A_1407 = arith.constant 6 : i32
        %mul3A_1408 = arith.muli %add3A_1362, %mul3A_1407 : i32
        %add3A_1409 = arith.addi %mul3A_1406, %mul3A_1408 : i32
        %add3A_1410 = arith.constant 2 : i32
        %add3A_1411 = arith.addi %add3A_1409, %add3A_1410 : i32
        %dma_start3A_1412 = arith.constant 16 : i32
        %dma_start3A_1413 = arith.constant 0 : i32
        %dma_start3A_1414 = tpu.memref_slice %arg7[%dma_start3A_1412, %dma_start3A_1413] : memref<48x128xf32, #tpu.memory_space<vmem>> -> memref<8x128xf32, #tpu.memory_space<vmem>>
        %dma_start3A_1415 = arith.constant 0 : i32
        %dma_start3A_1416 = arith.constant 0 : i32
        %dma_start3A_1417 = tpu.memref_slice %arg2[%add3A_1411, %add3A_51, %dma_start3A_1415, %dma_start3A_1416] : memref<20000x4x8x128xf32, #tpu.memory_space<hbm>> -> memref<1x1x8x128xf32, #tpu.memory_space<hbm>>
        %dma_start3A_1418 = tpu.memref_squeeze %dma_start3A_1417 : memref<1x1x8x128xf32, #tpu.memory_space<hbm>> -> memref<8x128xf32, #tpu.memory_space<hbm>>
        %dma_start3A_1419 = arith.constant 16 : i32
        %dma_start3A_1420 = arith.constant 0 : i32
        %dma_start3A_1421 = tpu.memref_slice %arg7[%dma_start3A_1419, %dma_start3A_1420] : memref<48x128xf32, #tpu.memory_space<vmem>> -> memref<8x128xf32, #tpu.memory_space<vmem>>
        %dma_start3A_1422 = arith.constant 0 : i32
        %dma_start3A_1423 = arith.constant 0 : i32
        %dma_start3A_1424 = tpu.memref_slice %arg2[%add3A_1411, %add3A_51, %dma_start3A_1422, %dma_start3A_1423] : memref<20000x4x8x128xf32, #tpu.memory_space<hbm>> -> memref<1x1x8x128xf32, #tpu.memory_space<hbm>>
        %dma_start3A_1425 = tpu.memref_squeeze %dma_start3A_1424 : memref<1x1x8x128xf32, #tpu.memory_space<hbm>> -> memref<8x128xf32, #tpu.memory_space<hbm>>
        tpu.enqueue_dma source(%dma_start3A_1425 : memref<8x128xf32, #tpu.memory_space<hbm>>) target(%dma_start3A_1421 : memref<8x128xf32, #tpu.memory_space<vmem>>) target_semaphore(%arg14 : memref<!tpu.dma_semaphore, #tpu.memory_space<semaphore_mem>>)
        %mul3A_1426 = arith.constant 1250 : i32
        %mul3A_1427 = arith.muli %arg1, %mul3A_1426 : i32
        %mul3A_1428 = arith.constant 6 : i32
        %mul3A_1429 = arith.muli %add3A_1362, %mul3A_1428 : i32
        %add3A_1430 = arith.addi %mul3A_1427, %mul3A_1429 : i32
        %add3A_1431 = arith.constant 3 : i32
        %add3A_1432 = arith.addi %add3A_1430, %add3A_1431 : i32
        %dma_start3A_1433 = arith.constant 24 : i32
        %dma_start3A_1434 = arith.constant 0 : i32
        %dma_start3A_1435 = tpu.memref_slice %arg7[%dma_start3A_1433, %dma_start3A_1434] : memref<48x128xf32, #tpu.memory_space<vmem>> -> memref<8x128xf32, #tpu.memory_space<vmem>>
        %dma_start3A_1436 = arith.constant 0 : i32
        %dma_start3A_1437 = arith.constant 0 : i32
        %dma_start3A_1438 = tpu.memref_slice %arg2[%add3A_1432, %add3A_51, %dma_start3A_1436, %dma_start3A_1437] : memref<20000x4x8x128xf32, #tpu.memory_space<hbm>> -> memref<1x1x8x128xf32, #tpu.memory_space<hbm>>
        %dma_start3A_1439 = tpu.memref_squeeze %dma_start3A_1438 : memref<1x1x8x128xf32, #tpu.memory_space<hbm>> -> memref<8x128xf32, #tpu.memory_space<hbm>>
        %dma_start3A_1440 = arith.constant 24 : i32
        %dma_start3A_1441 = arith.constant 0 : i32
        %dma_start3A_1442 = tpu.memref_slice %arg7[%dma_start3A_1440, %dma_start3A_1441] : memref<48x128xf32, #tpu.memory_space<vmem>> -> memref<8x128xf32, #tpu.memory_space<vmem>>
        %dma_start3A_1443 = arith.constant 0 : i32
        %dma_start3A_1444 = arith.constant 0 : i32
        %dma_start3A_1445 = tpu.memref_slice %arg2[%add3A_1432, %add3A_51, %dma_start3A_1443, %dma_start3A_1444] : memref<20000x4x8x128xf32, #tpu.memory_space<hbm>> -> memref<1x1x8x128xf32, #tpu.memory_space<hbm>>
        %dma_start3A_1446 = tpu.memref_squeeze %dma_start3A_1445 : memref<1x1x8x128xf32, #tpu.memory_space<hbm>> -> memref<8x128xf32, #tpu.memory_space<hbm>>
        tpu.enqueue_dma source(%dma_start3A_1446 : memref<8x128xf32, #tpu.memory_space<hbm>>) target(%dma_start3A_1442 : memref<8x128xf32, #tpu.memory_space<vmem>>) target_semaphore(%arg14 : memref<!tpu.dma_semaphore, #tpu.memory_space<semaphore_mem>>)
        %mul3A_1447 = arith.constant 1250 : i32
        %mul3A_1448 = arith.muli %arg1, %mul3A_1447 : i32
        %mul3A_1449 = arith.constant 6 : i32
        %mul3A_1450 = arith.muli %add3A_1362, %mul3A_1449 : i32
        %add3A_1451 = arith.addi %mul3A_1448, %mul3A_1450 : i32
        %add3A_1452 = arith.constant 4 : i32
        %add3A_1453 = arith.addi %add3A_1451, %add3A_1452 : i32
        %dma_start3A_1454 = arith.constant 32 : i32
        %dma_start3A_1455 = arith.constant 0 : i32
        %dma_start3A_1456 = tpu.memref_slice %arg7[%dma_start3A_1454, %dma_start3A_1455] : memref<48x128xf32, #tpu.memory_space<vmem>> -> memref<8x128xf32, #tpu.memory_space<vmem>>
        %dma_start3A_1457 = arith.constant 0 : i32
        %dma_start3A_1458 = arith.constant 0 : i32
        %dma_start3A_1459 = tpu.memref_slice %arg2[%add3A_1453, %add3A_51, %dma_start3A_1457, %dma_start3A_1458] : memref<20000x4x8x128xf32, #tpu.memory_space<hbm>> -> memref<1x1x8x128xf32, #tpu.memory_space<hbm>>
        %dma_start3A_1460 = tpu.memref_squeeze %dma_start3A_1459 : memref<1x1x8x128xf32, #tpu.memory_space<hbm>> -> memref<8x128xf32, #tpu.memory_space<hbm>>
        %dma_start3A_1461 = arith.constant 32 : i32
        %dma_start3A_1462 = arith.constant 0 : i32
        %dma_start3A_1463 = tpu.memref_slice %arg7[%dma_start3A_1461, %dma_start3A_1462] : memref<48x128xf32, #tpu.memory_space<vmem>> -> memref<8x128xf32, #tpu.memory_space<vmem>>
        %dma_start3A_1464 = arith.constant 0 : i32
        %dma_start3A_1465 = arith.constant 0 : i32
        %dma_start3A_1466 = tpu.memref_slice %arg2[%add3A_1453, %add3A_51, %dma_start3A_1464, %dma_start3A_1465] : memref<20000x4x8x128xf32, #tpu.memory_space<hbm>> -> memref<1x1x8x128xf32, #tpu.memory_space<hbm>>
        %dma_start3A_1467 = tpu.memref_squeeze %dma_start3A_1466 : memref<1x1x8x128xf32, #tpu.memory_space<hbm>> -> memref<8x128xf32, #tpu.memory_space<hbm>>
        tpu.enqueue_dma source(%dma_start3A_1467 : memref<8x128xf32, #tpu.memory_space<hbm>>) target(%dma_start3A_1463 : memref<8x128xf32, #tpu.memory_space<vmem>>) target_semaphore(%arg14 : memref<!tpu.dma_semaphore, #tpu.memory_space<semaphore_mem>>)
        %mul3A_1468 = arith.constant 1250 : i32
        %mul3A_1469 = arith.muli %arg1, %mul3A_1468 : i32
        %mul3A_1470 = arith.constant 6 : i32
        %mul3A_1471 = arith.muli %add3A_1362, %mul3A_1470 : i32
        %add3A_1472 = arith.addi %mul3A_1469, %mul3A_1471 : i32
        %add3A_1473 = arith.constant 5 : i32
        %add3A_1474 = arith.addi %add3A_1472, %add3A_1473 : i32
        %dma_start3A_1475 = arith.constant 40 : i32
        %dma_start3A_1476 = arith.constant 0 : i32
        %dma_start3A_1477 = tpu.memref_slice %arg7[%dma_start3A_1475, %dma_start3A_1476] : memref<48x128xf32, #tpu.memory_space<vmem>> -> memref<8x128xf32, #tpu.memory_space<vmem>>
        %dma_start3A_1478 = arith.constant 0 : i32
        %dma_start3A_1479 = arith.constant 0 : i32
        %dma_start3A_1480 = tpu.memref_slice %arg2[%add3A_1474, %add3A_51, %dma_start3A_1478, %dma_start3A_1479] : memref<20000x4x8x128xf32, #tpu.memory_space<hbm>> -> memref<1x1x8x128xf32, #tpu.memory_space<hbm>>
        %dma_start3A_1481 = tpu.memref_squeeze %dma_start3A_1480 : memref<1x1x8x128xf32, #tpu.memory_space<hbm>> -> memref<8x128xf32, #tpu.memory_space<hbm>>
        %dma_start3A_1482 = arith.constant 40 : i32
        %dma_start3A_1483 = arith.constant 0 : i32
        %dma_start3A_1484 = tpu.memref_slice %arg7[%dma_start3A_1482, %dma_start3A_1483] : memref<48x128xf32, #tpu.memory_space<vmem>> -> memref<8x128xf32, #tpu.memory_space<vmem>>
        %dma_start3A_1485 = arith.constant 0 : i32
        %dma_start3A_1486 = arith.constant 0 : i32
        %dma_start3A_1487 = tpu.memref_slice %arg2[%add3A_1474, %add3A_51, %dma_start3A_1485, %dma_start3A_1486] : memref<20000x4x8x128xf32, #tpu.memory_space<hbm>> -> memref<1x1x8x128xf32, #tpu.memory_space<hbm>>
        %dma_start3A_1488 = tpu.memref_squeeze %dma_start3A_1487 : memref<1x1x8x128xf32, #tpu.memory_space<hbm>> -> memref<8x128xf32, #tpu.memory_space<hbm>>
        tpu.enqueue_dma source(%dma_start3A_1488 : memref<8x128xf32, #tpu.memory_space<hbm>>) target(%dma_start3A_1484 : memref<8x128xf32, #tpu.memory_space<vmem>>) target_semaphore(%arg14 : memref<!tpu.dma_semaphore, #tpu.memory_space<semaphore_mem>>)
      } else {
      }
      %mul3A_1187 = arith.constant 4 : i32
      %mul3A_1188 = arith.muli %mul3A_1187, %scan3A_743 : i32
      %add3A_1189 = arith.constant 3 : i32
      %add3A_1190 = arith.addi %mul3A_1188, %add3A_1189 : i32
      %mul3A_1191 = arith.constant 1250 : i32
      %mul3A_1192 = arith.muli %arg1, %mul3A_1191 : i32
      %mul3A_1193 = arith.constant 6 : i32
      %mul3A_1194 = arith.muli %add3A_1190, %mul3A_1193 : i32
      %add3A_1195 = arith.addi %mul3A_1192, %mul3A_1194 : i32
      %add3A_1196 = arith.constant 0 : i32
      %add3A_1197 = arith.addi %add3A_1195, %add3A_1196 : i32
      %dma_wait3A_1198 = arith.constant 0 : i32
      %dma_wait3A_1199 = arith.constant 0 : i32
      %dma_wait3A_1200 = tpu.memref_slice %arg10[%dma_wait3A_1198, %dma_wait3A_1199] : memref<48x128xf32, #tpu.memory_space<vmem>> -> memref<8x128xf32, #tpu.memory_space<vmem>>
      %dma_wait3A_1201 = arith.constant 0 : i32
      %dma_wait3A_1202 = arith.constant 0 : i32
      %dma_wait3A_1203 = tpu.memref_slice %arg2[%add3A_1197, %add3A_51, %dma_wait3A_1201, %dma_wait3A_1202] : memref<20000x4x8x128xf32, #tpu.memory_space<hbm>> -> memref<1x1x8x128xf32, #tpu.memory_space<hbm>>
      %dma_wait3A_1204 = tpu.memref_squeeze %dma_wait3A_1203 : memref<1x1x8x128xf32, #tpu.memory_space<hbm>> -> memref<8x128xf32, #tpu.memory_space<hbm>>
      %dma_wait3A_1205 = arith.constant 0 : i32
      %dma_wait3A_1206 = arith.constant 0 : i32
      %dma_wait3A_1207 = tpu.memref_slice %arg10[%dma_wait3A_1205, %dma_wait3A_1206] : memref<48x128xf32, #tpu.memory_space<vmem>> -> memref<8x128xf32, #tpu.memory_space<vmem>>
      %dma_wait3A_1208 = arith.constant 0 : i32
      %dma_wait3A_1209 = arith.constant 0 : i32
      %dma_wait3A_1210 = tpu.memref_slice %arg2[%add3A_1197, %add3A_51, %dma_wait3A_1208, %dma_wait3A_1209] : memref<20000x4x8x128xf32, #tpu.memory_space<hbm>> -> memref<1x1x8x128xf32, #tpu.memory_space<hbm>>
      %dma_wait3A_1211 = tpu.memref_squeeze %dma_wait3A_1210 : memref<1x1x8x128xf32, #tpu.memory_space<hbm>> -> memref<8x128xf32, #tpu.memory_space<hbm>>
      tpu.wait_dma2 semaphore(%arg17 : memref<!tpu.dma_semaphore, #tpu.memory_space<semaphore_mem>>) src(%dma_wait3A_1211 : memref<8x128xf32, #tpu.memory_space<hbm>>) dst(%dma_wait3A_1207 : memref<8x128xf32, #tpu.memory_space<vmem>>)
      %mul3A_1212 = arith.constant 1250 : i32
      %mul3A_1213 = arith.muli %arg1, %mul3A_1212 : i32
      %mul3A_1214 = arith.constant 6 : i32
      %mul3A_1215 = arith.muli %add3A_1190, %mul3A_1214 : i32
      %add3A_1216 = arith.addi %mul3A_1213, %mul3A_1215 : i32
      %add3A_1217 = arith.constant 1 : i32
      %add3A_1218 = arith.addi %add3A_1216, %add3A_1217 : i32
      %dma_wait3A_1219 = arith.constant 8 : i32
      %dma_wait3A_1220 = arith.constant 0 : i32
      %dma_wait3A_1221 = tpu.memref_slice %arg10[%dma_wait3A_1219, %dma_wait3A_1220] : memref<48x128xf32, #tpu.memory_space<vmem>> -> memref<8x128xf32, #tpu.memory_space<vmem>>
      %dma_wait3A_1222 = arith.constant 0 : i32
      %dma_wait3A_1223 = arith.constant 0 : i32
      %dma_wait3A_1224 = tpu.memref_slice %arg2[%add3A_1218, %add3A_51, %dma_wait3A_1222, %dma_wait3A_1223] : memref<20000x4x8x128xf32, #tpu.memory_space<hbm>> -> memref<1x1x8x128xf32, #tpu.memory_space<hbm>>
      %dma_wait3A_1225 = tpu.memref_squeeze %dma_wait3A_1224 : memref<1x1x8x128xf32, #tpu.memory_space<hbm>> -> memref<8x128xf32, #tpu.memory_space<hbm>>
      %dma_wait3A_1226 = arith.constant 8 : i32
      %dma_wait3A_1227 = arith.constant 0 : i32
      %dma_wait3A_1228 = tpu.memref_slice %arg10[%dma_wait3A_1226, %dma_wait3A_1227] : memref<48x128xf32, #tpu.memory_space<vmem>> -> memref<8x128xf32, #tpu.memory_space<vmem>>
      %dma_wait3A_1229 = arith.constant 0 : i32
      %dma_wait3A_1230 = arith.constant 0 : i32
      %dma_wait3A_1231 = tpu.memref_slice %arg2[%add3A_1218, %add3A_51, %dma_wait3A_1229, %dma_wait3A_1230] : memref<20000x4x8x128xf32, #tpu.memory_space<hbm>> -> memref<1x1x8x128xf32, #tpu.memory_space<hbm>>
      %dma_wait3A_1232 = tpu.memref_squeeze %dma_wait3A_1231 : memref<1x1x8x128xf32, #tpu.memory_space<hbm>> -> memref<8x128xf32, #tpu.memory_space<hbm>>
      tpu.wait_dma2 semaphore(%arg17 : memref<!tpu.dma_semaphore, #tpu.memory_space<semaphore_mem>>) src(%dma_wait3A_1232 : memref<8x128xf32, #tpu.memory_space<hbm>>) dst(%dma_wait3A_1228 : memref<8x128xf32, #tpu.memory_space<vmem>>)
      %mul3A_1233 = arith.constant 1250 : i32
      %mul3A_1234 = arith.muli %arg1, %mul3A_1233 : i32
      %mul3A_1235 = arith.constant 6 : i32
      %mul3A_1236 = arith.muli %add3A_1190, %mul3A_1235 : i32
      %add3A_1237 = arith.addi %mul3A_1234, %mul3A_1236 : i32
      %add3A_1238 = arith.constant 2 : i32
      %add3A_1239 = arith.addi %add3A_1237, %add3A_1238 : i32
      %dma_wait3A_1240 = arith.constant 16 : i32
      %dma_wait3A_1241 = arith.constant 0 : i32
      %dma_wait3A_1242 = tpu.memref_slice %arg10[%dma_wait3A_1240, %dma_wait3A_1241] : memref<48x128xf32, #tpu.memory_space<vmem>> -> memref<8x128xf32, #tpu.memory_space<vmem>>
      %dma_wait3A_1243 = arith.constant 0 : i32
      %dma_wait3A_1244 = arith.constant 0 : i32
      %dma_wait3A_1245 = tpu.memref_slice %arg2[%add3A_1239, %add3A_51, %dma_wait3A_1243, %dma_wait3A_1244] : memref<20000x4x8x128xf32, #tpu.memory_space<hbm>> -> memref<1x1x8x128xf32, #tpu.memory_space<hbm>>
      %dma_wait3A_1246 = tpu.memref_squeeze %dma_wait3A_1245 : memref<1x1x8x128xf32, #tpu.memory_space<hbm>> -> memref<8x128xf32, #tpu.memory_space<hbm>>
      %dma_wait3A_1247 = arith.constant 16 : i32
      %dma_wait3A_1248 = arith.constant 0 : i32
      %dma_wait3A_1249 = tpu.memref_slice %arg10[%dma_wait3A_1247, %dma_wait3A_1248] : memref<48x128xf32, #tpu.memory_space<vmem>> -> memref<8x128xf32, #tpu.memory_space<vmem>>
      %dma_wait3A_1250 = arith.constant 0 : i32
      %dma_wait3A_1251 = arith.constant 0 : i32
      %dma_wait3A_1252 = tpu.memref_slice %arg2[%add3A_1239, %add3A_51, %dma_wait3A_1250, %dma_wait3A_1251] : memref<20000x4x8x128xf32, #tpu.memory_space<hbm>> -> memref<1x1x8x128xf32, #tpu.memory_space<hbm>>
      %dma_wait3A_1253 = tpu.memref_squeeze %dma_wait3A_1252 : memref<1x1x8x128xf32, #tpu.memory_space<hbm>> -> memref<8x128xf32, #tpu.memory_space<hbm>>
      tpu.wait_dma2 semaphore(%arg17 : memref<!tpu.dma_semaphore, #tpu.memory_space<semaphore_mem>>) src(%dma_wait3A_1253 : memref<8x128xf32, #tpu.memory_space<hbm>>) dst(%dma_wait3A_1249 : memref<8x128xf32, #tpu.memory_space<vmem>>)
      %mul3A_1254 = arith.constant 1250 : i32
      %mul3A_1255 = arith.muli %arg1, %mul3A_1254 : i32
      %mul3A_1256 = arith.constant 6 : i32
      %mul3A_1257 = arith.muli %add3A_1190, %mul3A_1256 : i32
      %add3A_1258 = arith.addi %mul3A_1255, %mul3A_1257 : i32
      %add3A_1259 = arith.constant 3 : i32
      %add3A_1260 = arith.addi %add3A_1258, %add3A_1259 : i32
      %dma_wait3A_1261 = arith.constant 24 : i32
      %dma_wait3A_1262 = arith.constant 0 : i32
      %dma_wait3A_1263 = tpu.memref_slice %arg10[%dma_wait3A_1261, %dma_wait3A_1262] : memref<48x128xf32, #tpu.memory_space<vmem>> -> memref<8x128xf32, #tpu.memory_space<vmem>>
      %dma_wait3A_1264 = arith.constant 0 : i32
      %dma_wait3A_1265 = arith.constant 0 : i32
      %dma_wait3A_1266 = tpu.memref_slice %arg2[%add3A_1260, %add3A_51, %dma_wait3A_1264, %dma_wait3A_1265] : memref<20000x4x8x128xf32, #tpu.memory_space<hbm>> -> memref<1x1x8x128xf32, #tpu.memory_space<hbm>>
      %dma_wait3A_1267 = tpu.memref_squeeze %dma_wait3A_1266 : memref<1x1x8x128xf32, #tpu.memory_space<hbm>> -> memref<8x128xf32, #tpu.memory_space<hbm>>
      %dma_wait3A_1268 = arith.constant 24 : i32
      %dma_wait3A_1269 = arith.constant 0 : i32
      %dma_wait3A_1270 = tpu.memref_slice %arg10[%dma_wait3A_1268, %dma_wait3A_1269] : memref<48x128xf32, #tpu.memory_space<vmem>> -> memref<8x128xf32, #tpu.memory_space<vmem>>
      %dma_wait3A_1271 = arith.constant 0 : i32
      %dma_wait3A_1272 = arith.constant 0 : i32
      %dma_wait3A_1273 = tpu.memref_slice %arg2[%add3A_1260, %add3A_51, %dma_wait3A_1271, %dma_wait3A_1272] : memref<20000x4x8x128xf32, #tpu.memory_space<hbm>> -> memref<1x1x8x128xf32, #tpu.memory_space<hbm>>
      %dma_wait3A_1274 = tpu.memref_squeeze %dma_wait3A_1273 : memref<1x1x8x128xf32, #tpu.memory_space<hbm>> -> memref<8x128xf32, #tpu.memory_space<hbm>>
      tpu.wait_dma2 semaphore(%arg17 : memref<!tpu.dma_semaphore, #tpu.memory_space<semaphore_mem>>) src(%dma_wait3A_1274 : memref<8x128xf32, #tpu.memory_space<hbm>>) dst(%dma_wait3A_1270 : memref<8x128xf32, #tpu.memory_space<vmem>>)
      %mul3A_1275 = arith.constant 1250 : i32
      %mul3A_1276 = arith.muli %arg1, %mul3A_1275 : i32
      %mul3A_1277 = arith.constant 6 : i32
      %mul3A_1278 = arith.muli %add3A_1190, %mul3A_1277 : i32
      %add3A_1279 = arith.addi %mul3A_1276, %mul3A_1278 : i32
      %add3A_1280 = arith.constant 4 : i32
      %add3A_1281 = arith.addi %add3A_1279, %add3A_1280 : i32
      %dma_wait3A_1282 = arith.constant 32 : i32
      %dma_wait3A_1283 = arith.constant 0 : i32
      %dma_wait3A_1284 = tpu.memref_slice %arg10[%dma_wait3A_1282, %dma_wait3A_1283] : memref<48x128xf32, #tpu.memory_space<vmem>> -> memref<8x128xf32, #tpu.memory_space<vmem>>
      %dma_wait3A_1285 = arith.constant 0 : i32
      %dma_wait3A_1286 = arith.constant 0 : i32
      %dma_wait3A_1287 = tpu.memref_slice %arg2[%add3A_1281, %add3A_51, %dma_wait3A_1285, %dma_wait3A_1286] : memref<20000x4x8x128xf32, #tpu.memory_space<hbm>> -> memref<1x1x8x128xf32, #tpu.memory_space<hbm>>
      %dma_wait3A_1288 = tpu.memref_squeeze %dma_wait3A_1287 : memref<1x1x8x128xf32, #tpu.memory_space<hbm>> -> memref<8x128xf32, #tpu.memory_space<hbm>>
      %dma_wait3A_1289 = arith.constant 32 : i32
      %dma_wait3A_1290 = arith.constant 0 : i32
      %dma_wait3A_1291 = tpu.memref_slice %arg10[%dma_wait3A_1289, %dma_wait3A_1290] : memref<48x128xf32, #tpu.memory_space<vmem>> -> memref<8x128xf32, #tpu.memory_space<vmem>>
      %dma_wait3A_1292 = arith.constant 0 : i32
      %dma_wait3A_1293 = arith.constant 0 : i32
      %dma_wait3A_1294 = tpu.memref_slice %arg2[%add3A_1281, %add3A_51, %dma_wait3A_1292, %dma_wait3A_1293] : memref<20000x4x8x128xf32, #tpu.memory_space<hbm>> -> memref<1x1x8x128xf32, #tpu.memory_space<hbm>>
      %dma_wait3A_1295 = tpu.memref_squeeze %dma_wait3A_1294 : memref<1x1x8x128xf32, #tpu.memory_space<hbm>> -> memref<8x128xf32, #tpu.memory_space<hbm>>
      tpu.wait_dma2 semaphore(%arg17 : memref<!tpu.dma_semaphore, #tpu.memory_space<semaphore_mem>>) src(%dma_wait3A_1295 : memref<8x128xf32, #tpu.memory_space<hbm>>) dst(%dma_wait3A_1291 : memref<8x128xf32, #tpu.memory_space<vmem>>)
      %mul3A_1296 = arith.constant 1250 : i32
      %mul3A_1297 = arith.muli %arg1, %mul3A_1296 : i32
      %mul3A_1298 = arith.constant 6 : i32
      %mul3A_1299 = arith.muli %add3A_1190, %mul3A_1298 : i32
      %add3A_1300 = arith.addi %mul3A_1297, %mul3A_1299 : i32
      %add3A_1301 = arith.constant 5 : i32
      %add3A_1302 = arith.addi %add3A_1300, %add3A_1301 : i32
      %dma_wait3A_1303 = arith.constant 40 : i32
      %dma_wait3A_1304 = arith.constant 0 : i32
      %dma_wait3A_1305 = tpu.memref_slice %arg10[%dma_wait3A_1303, %dma_wait3A_1304] : memref<48x128xf32, #tpu.memory_space<vmem>> -> memref<8x128xf32, #tpu.memory_space<vmem>>
      %dma_wait3A_1306 = arith.constant 0 : i32
      %dma_wait3A_1307 = arith.constant 0 : i32
      %dma_wait3A_1308 = tpu.memref_slice %arg2[%add3A_1302, %add3A_51, %dma_wait3A_1306, %dma_wait3A_1307] : memref<20000x4x8x128xf32, #tpu.memory_space<hbm>> -> memref<1x1x8x128xf32, #tpu.memory_space<hbm>>
      %dma_wait3A_1309 = tpu.memref_squeeze %dma_wait3A_1308 : memref<1x1x8x128xf32, #tpu.memory_space<hbm>> -> memref<8x128xf32, #tpu.memory_space<hbm>>
      %dma_wait3A_1310 = arith.constant 40 : i32
      %dma_wait3A_1311 = arith.constant 0 : i32
      %dma_wait3A_1312 = tpu.memref_slice %arg10[%dma_wait3A_1310, %dma_wait3A_1311] : memref<48x128xf32, #tpu.memory_space<vmem>> -> memref<8x128xf32, #tpu.memory_space<vmem>>
      %dma_wait3A_1313 = arith.constant 0 : i32
      %dma_wait3A_1314 = arith.constant 0 : i32
      %dma_wait3A_1315 = tpu.memref_slice %arg2[%add3A_1302, %add3A_51, %dma_wait3A_1313, %dma_wait3A_1314] : memref<20000x4x8x128xf32, #tpu.memory_space<hbm>> -> memref<1x1x8x128xf32, #tpu.memory_space<hbm>>
      %dma_wait3A_1316 = tpu.memref_squeeze %dma_wait3A_1315 : memref<1x1x8x128xf32, #tpu.memory_space<hbm>> -> memref<8x128xf32, #tpu.memory_space<hbm>>
      tpu.wait_dma2 semaphore(%arg17 : memref<!tpu.dma_semaphore, #tpu.memory_space<semaphore_mem>>) src(%dma_wait3A_1316 : memref<8x128xf32, #tpu.memory_space<hbm>>) dst(%dma_wait3A_1312 : memref<8x128xf32, #tpu.memory_space<vmem>>)
      %mul3A_1317 = arith.constant 48 : i32
      %mul3A_1318 = arith.muli %add3A_1190, %mul3A_1317 : i32
      %dma_start3A_1319 = tpu.memref_slice %arg6[%mul3A_1318] : memref<10000xi32, #tpu.memory_space<vmem>> -> memref<48xi32, #tpu.memory_space<vmem>>
      %dma_start3A_1320 = arith.constant 0 : i32
      %dma_start3A_1321 = arith.constant 0 : i32
      %dma_start3A_1322 = tpu.memref_slice %arg12[%dma_start3A_1320, %dma_start3A_1321] : memref<10000x128xf32, #tpu.memory_space<vmem_shared>> -> memref<10000x128xf32, #tpu.memory_space<vmem_shared>>
      tpu.enqueue_indirect_dma source(%arg10 : memref<48x128xf32, #tpu.memory_space<vmem>>) target(%dma_start3A_1322 : memref<10000x128xf32, #tpu.memory_space<vmem_shared>>) offsets(%dma_start3A_1319 : memref<48xi32, #tpu.memory_space<vmem>>) semaphore(%arg21 : memref<!tpu.dma_semaphore, #tpu.memory_space<semaphore_mem>>) {add = true}
      %ge3A_1323 = arith.constant 2 : i32
      %ge3A_1324 = arith.cmpi sge, %add3A_1190, %ge3A_1323 : i32
      %convert_element_type3A_1325 = arith.extui %ge3A_1324 : i1 to i32
      %cond3A_1326 = arith.constant 0 : i32
      %cond3A_1327 = arith.cmpi ne, %convert_element_type3A_1325, %cond3A_1326 : i32
      scf.if %cond3A_1327 {
        %sub3A = arith.constant 2 : i32
        %sub3A_1361 = arith.subi %add3A_1190, %sub3A : i32
        %mul3A_1362 = arith.constant 48 : i32
        %mul3A_1363 = arith.muli %sub3A_1361, %mul3A_1362 : i32
        %dma_wait3A_1364 = tpu.memref_slice %arg6[%mul3A_1363] : memref<10000xi32, #tpu.memory_space<vmem>> -> memref<48xi32, #tpu.memory_space<vmem>>
        %dma_wait3A_1365 = arith.constant 0 : i32
        %dma_wait3A_1366 = arith.constant 0 : i32
        %dma_wait3A_1367 = tpu.memref_slice %arg12[%dma_wait3A_1365, %dma_wait3A_1366] : memref<10000x128xf32, #tpu.memory_space<vmem_shared>> -> memref<10000x128xf32, #tpu.memory_space<vmem_shared>>
        tpu.wait_indirect_dma semaphore(%arg19 : memref<!tpu.dma_semaphore, #tpu.memory_space<semaphore_mem>>) src(%arg8 : memref<48x128xf32, #tpu.memory_space<vmem>>) dst(%dma_wait3A_1367 : memref<10000x128xf32, #tpu.memory_space<vmem_shared>>)
      } else {
      }
      %add3A_1328 = arith.constant 2 : i32
      %add3A_1329 = arith.addi %add3A_1190, %add3A_1328 : i32
      %lt3A_1330 = arith.constant 208 : i32
      %lt3A_1331 = arith.cmpi slt, %add3A_1329, %lt3A_1330 : i32
      %convert_element_type3A_1332 = arith.extui %lt3A_1331 : i1 to i32
      %cond3A_1333 = arith.constant 0 : i32
      %cond3A_1334 = arith.cmpi ne, %convert_element_type3A_1332, %cond3A_1333 : i32
      scf.if %cond3A_1334 {
        %add3A_1361 = arith.constant 2 : i32
        %add3A_1362 = arith.addi %add3A_1190, %add3A_1361 : i32
        %mul3A_1363 = arith.constant 1250 : i32
        %mul3A_1364 = arith.muli %arg1, %mul3A_1363 : i32
        %mul3A_1365 = arith.constant 6 : i32
        %mul3A_1366 = arith.muli %add3A_1362, %mul3A_1365 : i32
        %add3A_1367 = arith.addi %mul3A_1364, %mul3A_1366 : i32
        %add3A_1368 = arith.constant 0 : i32
        %add3A_1369 = arith.addi %add3A_1367, %add3A_1368 : i32
        %dma_start3A_1370 = arith.constant 0 : i32
        %dma_start3A_1371 = arith.constant 0 : i32
        %dma_start3A_1372 = tpu.memref_slice %arg8[%dma_start3A_1370, %dma_start3A_1371] : memref<48x128xf32, #tpu.memory_space<vmem>> -> memref<8x128xf32, #tpu.memory_space<vmem>>
        %dma_start3A_1373 = arith.constant 0 : i32
        %dma_start3A_1374 = arith.constant 0 : i32
        %dma_start3A_1375 = tpu.memref_slice %arg2[%add3A_1369, %add3A_51, %dma_start3A_1373, %dma_start3A_1374] : memref<20000x4x8x128xf32, #tpu.memory_space<hbm>> -> memref<1x1x8x128xf32, #tpu.memory_space<hbm>>
        %dma_start3A_1376 = tpu.memref_squeeze %dma_start3A_1375 : memref<1x1x8x128xf32, #tpu.memory_space<hbm>> -> memref<8x128xf32, #tpu.memory_space<hbm>>
        %dma_start3A_1377 = arith.constant 0 : i32
        %dma_start3A_1378 = arith.constant 0 : i32
        %dma_start3A_1379 = tpu.memref_slice %arg8[%dma_start3A_1377, %dma_start3A_1378] : memref<48x128xf32, #tpu.memory_space<vmem>> -> memref<8x128xf32, #tpu.memory_space<vmem>>
        %dma_start3A_1380 = arith.constant 0 : i32
        %dma_start3A_1381 = arith.constant 0 : i32
        %dma_start3A_1382 = tpu.memref_slice %arg2[%add3A_1369, %add3A_51, %dma_start3A_1380, %dma_start3A_1381] : memref<20000x4x8x128xf32, #tpu.memory_space<hbm>> -> memref<1x1x8x128xf32, #tpu.memory_space<hbm>>
        %dma_start3A_1383 = tpu.memref_squeeze %dma_start3A_1382 : memref<1x1x8x128xf32, #tpu.memory_space<hbm>> -> memref<8x128xf32, #tpu.memory_space<hbm>>
        tpu.enqueue_dma source(%dma_start3A_1383 : memref<8x128xf32, #tpu.memory_space<hbm>>) target(%dma_start3A_1379 : memref<8x128xf32, #tpu.memory_space<vmem>>) target_semaphore(%arg15 : memref<!tpu.dma_semaphore, #tpu.memory_space<semaphore_mem>>)
        %mul3A_1384 = arith.constant 1250 : i32
        %mul3A_1385 = arith.muli %arg1, %mul3A_1384 : i32
        %mul3A_1386 = arith.constant 6 : i32
        %mul3A_1387 = arith.muli %add3A_1362, %mul3A_1386 : i32
        %add3A_1388 = arith.addi %mul3A_1385, %mul3A_1387 : i32
        %add3A_1389 = arith.constant 1 : i32
        %add3A_1390 = arith.addi %add3A_1388, %add3A_1389 : i32
        %dma_start3A_1391 = arith.constant 8 : i32
        %dma_start3A_1392 = arith.constant 0 : i32
        %dma_start3A_1393 = tpu.memref_slice %arg8[%dma_start3A_1391, %dma_start3A_1392] : memref<48x128xf32, #tpu.memory_space<vmem>> -> memref<8x128xf32, #tpu.memory_space<vmem>>
        %dma_start3A_1394 = arith.constant 0 : i32
        %dma_start3A_1395 = arith.constant 0 : i32
        %dma_start3A_1396 = tpu.memref_slice %arg2[%add3A_1390, %add3A_51, %dma_start3A_1394, %dma_start3A_1395] : memref<20000x4x8x128xf32, #tpu.memory_space<hbm>> -> memref<1x1x8x128xf32, #tpu.memory_space<hbm>>
        %dma_start3A_1397 = tpu.memref_squeeze %dma_start3A_1396 : memref<1x1x8x128xf32, #tpu.memory_space<hbm>> -> memref<8x128xf32, #tpu.memory_space<hbm>>
        %dma_start3A_1398 = arith.constant 8 : i32
        %dma_start3A_1399 = arith.constant 0 : i32
        %dma_start3A_1400 = tpu.memref_slice %arg8[%dma_start3A_1398, %dma_start3A_1399] : memref<48x128xf32, #tpu.memory_space<vmem>> -> memref<8x128xf32, #tpu.memory_space<vmem>>
        %dma_start3A_1401 = arith.constant 0 : i32
        %dma_start3A_1402 = arith.constant 0 : i32
        %dma_start3A_1403 = tpu.memref_slice %arg2[%add3A_1390, %add3A_51, %dma_start3A_1401, %dma_start3A_1402] : memref<20000x4x8x128xf32, #tpu.memory_space<hbm>> -> memref<1x1x8x128xf32, #tpu.memory_space<hbm>>
        %dma_start3A_1404 = tpu.memref_squeeze %dma_start3A_1403 : memref<1x1x8x128xf32, #tpu.memory_space<hbm>> -> memref<8x128xf32, #tpu.memory_space<hbm>>
        tpu.enqueue_dma source(%dma_start3A_1404 : memref<8x128xf32, #tpu.memory_space<hbm>>) target(%dma_start3A_1400 : memref<8x128xf32, #tpu.memory_space<vmem>>) target_semaphore(%arg15 : memref<!tpu.dma_semaphore, #tpu.memory_space<semaphore_mem>>)
        %mul3A_1405 = arith.constant 1250 : i32
        %mul3A_1406 = arith.muli %arg1, %mul3A_1405 : i32
        %mul3A_1407 = arith.constant 6 : i32
        %mul3A_1408 = arith.muli %add3A_1362, %mul3A_1407 : i32
        %add3A_1409 = arith.addi %mul3A_1406, %mul3A_1408 : i32
        %add3A_1410 = arith.constant 2 : i32
        %add3A_1411 = arith.addi %add3A_1409, %add3A_1410 : i32
        %dma_start3A_1412 = arith.constant 16 : i32
        %dma_start3A_1413 = arith.constant 0 : i32
        %dma_start3A_1414 = tpu.memref_slice %arg8[%dma_start3A_1412, %dma_start3A_1413] : memref<48x128xf32, #tpu.memory_space<vmem>> -> memref<8x128xf32, #tpu.memory_space<vmem>>
        %dma_start3A_1415 = arith.constant 0 : i32
        %dma_start3A_1416 = arith.constant 0 : i32
        %dma_start3A_1417 = tpu.memref_slice %arg2[%add3A_1411, %add3A_51, %dma_start3A_1415, %dma_start3A_1416] : memref<20000x4x8x128xf32, #tpu.memory_space<hbm>> -> memref<1x1x8x128xf32, #tpu.memory_space<hbm>>
        %dma_start3A_1418 = tpu.memref_squeeze %dma_start3A_1417 : memref<1x1x8x128xf32, #tpu.memory_space<hbm>> -> memref<8x128xf32, #tpu.memory_space<hbm>>
        %dma_start3A_1419 = arith.constant 16 : i32
        %dma_start3A_1420 = arith.constant 0 : i32
        %dma_start3A_1421 = tpu.memref_slice %arg8[%dma_start3A_1419, %dma_start3A_1420] : memref<48x128xf32, #tpu.memory_space<vmem>> -> memref<8x128xf32, #tpu.memory_space<vmem>>
        %dma_start3A_1422 = arith.constant 0 : i32
        %dma_start3A_1423 = arith.constant 0 : i32
        %dma_start3A_1424 = tpu.memref_slice %arg2[%add3A_1411, %add3A_51, %dma_start3A_1422, %dma_start3A_1423] : memref<20000x4x8x128xf32, #tpu.memory_space<hbm>> -> memref<1x1x8x128xf32, #tpu.memory_space<hbm>>
        %dma_start3A_1425 = tpu.memref_squeeze %dma_start3A_1424 : memref<1x1x8x128xf32, #tpu.memory_space<hbm>> -> memref<8x128xf32, #tpu.memory_space<hbm>>
        tpu.enqueue_dma source(%dma_start3A_1425 : memref<8x128xf32, #tpu.memory_space<hbm>>) target(%dma_start3A_1421 : memref<8x128xf32, #tpu.memory_space<vmem>>) target_semaphore(%arg15 : memref<!tpu.dma_semaphore, #tpu.memory_space<semaphore_mem>>)
        %mul3A_1426 = arith.constant 1250 : i32
        %mul3A_1427 = arith.muli %arg1, %mul3A_1426 : i32
        %mul3A_1428 = arith.constant 6 : i32
        %mul3A_1429 = arith.muli %add3A_1362, %mul3A_1428 : i32
        %add3A_1430 = arith.addi %mul3A_1427, %mul3A_1429 : i32
        %add3A_1431 = arith.constant 3 : i32
        %add3A_1432 = arith.addi %add3A_1430, %add3A_1431 : i32
        %dma_start3A_1433 = arith.constant 24 : i32
        %dma_start3A_1434 = arith.constant 0 : i32
        %dma_start3A_1435 = tpu.memref_slice %arg8[%dma_start3A_1433, %dma_start3A_1434] : memref<48x128xf32, #tpu.memory_space<vmem>> -> memref<8x128xf32, #tpu.memory_space<vmem>>
        %dma_start3A_1436 = arith.constant 0 : i32
        %dma_start3A_1437 = arith.constant 0 : i32
        %dma_start3A_1438 = tpu.memref_slice %arg2[%add3A_1432, %add3A_51, %dma_start3A_1436, %dma_start3A_1437] : memref<20000x4x8x128xf32, #tpu.memory_space<hbm>> -> memref<1x1x8x128xf32, #tpu.memory_space<hbm>>
        %dma_start3A_1439 = tpu.memref_squeeze %dma_start3A_1438 : memref<1x1x8x128xf32, #tpu.memory_space<hbm>> -> memref<8x128xf32, #tpu.memory_space<hbm>>
        %dma_start3A_1440 = arith.constant 24 : i32
        %dma_start3A_1441 = arith.constant 0 : i32
        %dma_start3A_1442 = tpu.memref_slice %arg8[%dma_start3A_1440, %dma_start3A_1441] : memref<48x128xf32, #tpu.memory_space<vmem>> -> memref<8x128xf32, #tpu.memory_space<vmem>>
        %dma_start3A_1443 = arith.constant 0 : i32
        %dma_start3A_1444 = arith.constant 0 : i32
        %dma_start3A_1445 = tpu.memref_slice %arg2[%add3A_1432, %add3A_51, %dma_start3A_1443, %dma_start3A_1444] : memref<20000x4x8x128xf32, #tpu.memory_space<hbm>> -> memref<1x1x8x128xf32, #tpu.memory_space<hbm>>
        %dma_start3A_1446 = tpu.memref_squeeze %dma_start3A_1445 : memref<1x1x8x128xf32, #tpu.memory_space<hbm>> -> memref<8x128xf32, #tpu.memory_space<hbm>>
        tpu.enqueue_dma source(%dma_start3A_1446 : memref<8x128xf32, #tpu.memory_space<hbm>>) target(%dma_start3A_1442 : memref<8x128xf32, #tpu.memory_space<vmem>>) target_semaphore(%arg15 : memref<!tpu.dma_semaphore, #tpu.memory_space<semaphore_mem>>)
        %mul3A_1447 = arith.constant 1250 : i32
        %mul3A_1448 = arith.muli %arg1, %mul3A_1447 : i32
        %mul3A_1449 = arith.constant 6 : i32
        %mul3A_1450 = arith.muli %add3A_1362, %mul3A_1449 : i32
        %add3A_1451 = arith.addi %mul3A_1448, %mul3A_1450 : i32
        %add3A_1452 = arith.constant 4 : i32
        %add3A_1453 = arith.addi %add3A_1451, %add3A_1452 : i32
        %dma_start3A_1454 = arith.constant 32 : i32
        %dma_start3A_1455 = arith.constant 0 : i32
        %dma_start3A_1456 = tpu.memref_slice %arg8[%dma_start3A_1454, %dma_start3A_1455] : memref<48x128xf32, #tpu.memory_space<vmem>> -> memref<8x128xf32, #tpu.memory_space<vmem>>
        %dma_start3A_1457 = arith.constant 0 : i32
        %dma_start3A_1458 = arith.constant 0 : i32
        %dma_start3A_1459 = tpu.memref_slice %arg2[%add3A_1453, %add3A_51, %dma_start3A_1457, %dma_start3A_1458] : memref<20000x4x8x128xf32, #tpu.memory_space<hbm>> -> memref<1x1x8x128xf32, #tpu.memory_space<hbm>>
        %dma_start3A_1460 = tpu.memref_squeeze %dma_start3A_1459 : memref<1x1x8x128xf32, #tpu.memory_space<hbm>> -> memref<8x128xf32, #tpu.memory_space<hbm>>
        %dma_start3A_1461 = arith.constant 32 : i32
        %dma_start3A_1462 = arith.constant 0 : i32
        %dma_start3A_1463 = tpu.memref_slice %arg8[%dma_start3A_1461, %dma_start3A_1462] : memref<48x128xf32, #tpu.memory_space<vmem>> -> memref<8x128xf32, #tpu.memory_space<vmem>>
        %dma_start3A_1464 = arith.constant 0 : i32
        %dma_start3A_1465 = arith.constant 0 : i32
        %dma_start3A_1466 = tpu.memref_slice %arg2[%add3A_1453, %add3A_51, %dma_start3A_1464, %dma_start3A_1465] : memref<20000x4x8x128xf32, #tpu.memory_space<hbm>> -> memref<1x1x8x128xf32, #tpu.memory_space<hbm>>
        %dma_start3A_1467 = tpu.memref_squeeze %dma_start3A_1466 : memref<1x1x8x128xf32, #tpu.memory_space<hbm>> -> memref<8x128xf32, #tpu.memory_space<hbm>>
        tpu.enqueue_dma source(%dma_start3A_1467 : memref<8x128xf32, #tpu.memory_space<hbm>>) target(%dma_start3A_1463 : memref<8x128xf32, #tpu.memory_space<vmem>>) target_semaphore(%arg15 : memref<!tpu.dma_semaphore, #tpu.memory_space<semaphore_mem>>)
        %mul3A_1468 = arith.constant 1250 : i32
        %mul3A_1469 = arith.muli %arg1, %mul3A_1468 : i32
        %mul3A_1470 = arith.constant 6 : i32
        %mul3A_1471 = arith.muli %add3A_1362, %mul3A_1470 : i32
        %add3A_1472 = arith.addi %mul3A_1469, %mul3A_1471 : i32
        %add3A_1473 = arith.constant 5 : i32
        %add3A_1474 = arith.addi %add3A_1472, %add3A_1473 : i32
        %dma_start3A_1475 = arith.constant 40 : i32
        %dma_start3A_1476 = arith.constant 0 : i32
        %dma_start3A_1477 = tpu.memref_slice %arg8[%dma_start3A_1475, %dma_start3A_1476] : memref<48x128xf32, #tpu.memory_space<vmem>> -> memref<8x128xf32, #tpu.memory_space<vmem>>
        %dma_start3A_1478 = arith.constant 0 : i32
        %dma_start3A_1479 = arith.constant 0 : i32
        %dma_start3A_1480 = tpu.memref_slice %arg2[%add3A_1474, %add3A_51, %dma_start3A_1478, %dma_start3A_1479] : memref<20000x4x8x128xf32, #tpu.memory_space<hbm>> -> memref<1x1x8x128xf32, #tpu.memory_space<hbm>>
        %dma_start3A_1481 = tpu.memref_squeeze %dma_start3A_1480 : memref<1x1x8x128xf32, #tpu.memory_space<hbm>> -> memref<8x128xf32, #tpu.memory_space<hbm>>
        %dma_start3A_1482 = arith.constant 40 : i32
        %dma_start3A_1483 = arith.constant 0 : i32
        %dma_start3A_1484 = tpu.memref_slice %arg8[%dma_start3A_1482, %dma_start3A_1483] : memref<48x128xf32, #tpu.memory_space<vmem>> -> memref<8x128xf32, #tpu.memory_space<vmem>>
        %dma_start3A_1485 = arith.constant 0 : i32
        %dma_start3A_1486 = arith.constant 0 : i32
        %dma_start3A_1487 = tpu.memref_slice %arg2[%add3A_1474, %add3A_51, %dma_start3A_1485, %dma_start3A_1486] : memref<20000x4x8x128xf32, #tpu.memory_space<hbm>> -> memref<1x1x8x128xf32, #tpu.memory_space<hbm>>
        %dma_start3A_1488 = tpu.memref_squeeze %dma_start3A_1487 : memref<1x1x8x128xf32, #tpu.memory_space<hbm>> -> memref<8x128xf32, #tpu.memory_space<hbm>>
        tpu.enqueue_dma source(%dma_start3A_1488 : memref<8x128xf32, #tpu.memory_space<hbm>>) target(%dma_start3A_1484 : memref<8x128xf32, #tpu.memory_space<vmem>>) target_semaphore(%arg15 : memref<!tpu.dma_semaphore, #tpu.memory_space<semaphore_mem>>)
      } else {
      }
      %mul3A_1335 = arith.constant 2 : i32
      %mul3A_1336 = arith.muli %mul3A_1335, %scan3A_743 : i32
      %mul3A_1337 = arith.constant 48 : i32
      %mul3A_1338 = arith.muli %mul3A_1336, %mul3A_1337 : i32
      %add3A_1339 = arith.addi %mul3A_47, %mul3A_1338 : i32
      %dma_start3A_1340 = tpu.memref_slice %arg6[%add3A_1339] : memref<10000xi32, #tpu.memory_space<vmem>> -> memref<48xi32, #tpu.memory_space<vmem>>
      %dma_start3A_1341 = arith.constant 0 : i32
      %dma_start3A_1342 = arith.constant 0 : i32
      %dma_start3A_1343 = tpu.memref_slice %arg13[%dma_start3A_1341, %dma_start3A_1342] : memref<10000x16xf32, #tpu.memory_space<vmem_shared>> -> memref<10000x16xf32, #tpu.memory_space<vmem_shared>>
      tpu.enqueue_indirect_dma source(%arg11 : memref<48x16xf32, #tpu.memory_space<vmem>>) target(%dma_start3A_1343 : memref<10000x16xf32, #tpu.memory_space<vmem_shared>>) offsets(%dma_start3A_1340 : memref<48xi32, #tpu.memory_space<vmem>>) semaphore(%arg22 : memref<!tpu.dma_semaphore, #tpu.memory_space<semaphore_mem>>) {add = true}
      %mul3A_1344 = arith.constant 2 : i32
      %mul3A_1345 = arith.muli %mul3A_1344, %scan3A_743 : i32
      %add3A_1346 = arith.constant 1 : i32
      %add3A_1347 = arith.addi %mul3A_1345, %add3A_1346 : i32
      %mul3A_1348 = arith.constant 48 : i32
      %mul3A_1349 = arith.muli %add3A_1347, %mul3A_1348 : i32
      %add3A_1350 = arith.addi %mul3A_47, %mul3A_1349 : i32
      %dma_start3A_1351 = tpu.memref_slice %arg6[%add3A_1350] : memref<10000xi32, #tpu.memory_space<vmem>> -> memref<48xi32, #tpu.memory_space<vmem>>
      %dma_start3A_1352 = arith.constant 0 : i32
      %dma_start3A_1353 = arith.constant 0 : i32
      %dma_start3A_1354 = tpu.memref_slice %arg13[%dma_start3A_1352, %dma_start3A_1353] : memref<10000x16xf32, #tpu.memory_space<vmem_shared>> -> memref<10000x16xf32, #tpu.memory_space<vmem_shared>>
      tpu.enqueue_indirect_dma source(%arg11 : memref<48x16xf32, #tpu.memory_space<vmem>>) target(%dma_start3A_1354 : memref<10000x16xf32, #tpu.memory_space<vmem_shared>>) offsets(%dma_start3A_1351 : memref<48xi32, #tpu.memory_space<vmem>>) semaphore(%arg22 : memref<!tpu.dma_semaphore, #tpu.memory_space<semaphore_mem>>) {add = true}
      %ge3A_1355 = arith.constant 2 : i32
      %ge3A_1356 = arith.cmpi sge, %scan3A_743, %ge3A_1355 : i32
      %convert_element_type3A_1357 = arith.extui %ge3A_1356 : i1 to i32
      %cond3A_1358 = arith.constant 0 : i32
      %cond3A_1359 = arith.cmpi ne, %convert_element_type3A_1357, %cond3A_1358 : i32
      scf.if %cond3A_1359 {
        %sub3A = arith.constant 2 : i32
        %sub3A_1361 = arith.subi %scan3A_743, %sub3A : i32
        %mul3A_1362 = arith.constant 2 : i32
        %mul3A_1363 = arith.muli %mul3A_1362, %sub3A_1361 : i32
        %mul3A_1364 = arith.constant 48 : i32
        %mul3A_1365 = arith.muli %mul3A_1363, %mul3A_1364 : i32
        %add3A_1366 = arith.addi %mul3A_47, %mul3A_1365 : i32
        %dma_wait3A_1367 = tpu.memref_slice %arg6[%add3A_1366] : memref<10000xi32, #tpu.memory_space<vmem>> -> memref<48xi32, #tpu.memory_space<vmem>>
        %dma_wait3A_1368 = arith.constant 0 : i32
        %dma_wait3A_1369 = arith.constant 0 : i32
        %dma_wait3A_1370 = tpu.memref_slice %arg13[%dma_wait3A_1368, %dma_wait3A_1369] : memref<10000x16xf32, #tpu.memory_space<vmem_shared>> -> memref<10000x16xf32, #tpu.memory_space<vmem_shared>>
        tpu.wait_indirect_dma semaphore(%arg22 : memref<!tpu.dma_semaphore, #tpu.memory_space<semaphore_mem>>) src(%arg11 : memref<48x16xf32, #tpu.memory_space<vmem>>) dst(%dma_wait3A_1370 : memref<10000x16xf32, #tpu.memory_space<vmem_shared>>)
        %sub3A_1371 = arith.constant 2 : i32
        %sub3A_1372 = arith.subi %scan3A_743, %sub3A_1371 : i32
        %mul3A_1373 = arith.constant 2 : i32
        %mul3A_1374 = arith.muli %mul3A_1373, %sub3A_1372 : i32
        %add3A_1375 = arith.constant 1 : i32
        %add3A_1376 = arith.addi %mul3A_1374, %add3A_1375 : i32
        %mul3A_1377 = arith.constant 48 : i32
        %mul3A_1378 = arith.muli %add3A_1376, %mul3A_1377 : i32
        %add3A_1379 = arith.addi %mul3A_47, %mul3A_1378 : i32
        %dma_wait3A_1380 = tpu.memref_slice %arg6[%add3A_1379] : memref<10000xi32, #tpu.memory_space<vmem>> -> memref<48xi32, #tpu.memory_space<vmem>>
        %dma_wait3A_1381 = arith.constant 0 : i32
        %dma_wait3A_1382 = arith.constant 0 : i32
        %dma_wait3A_1383 = tpu.memref_slice %arg13[%dma_wait3A_1381, %dma_wait3A_1382] : memref<10000x16xf32, #tpu.memory_space<vmem_shared>> -> memref<10000x16xf32, #tpu.memory_space<vmem_shared>>
        tpu.wait_indirect_dma semaphore(%arg22 : memref<!tpu.dma_semaphore, #tpu.memory_space<semaphore_mem>>) src(%arg11 : memref<48x16xf32, #tpu.memory_space<vmem>>) dst(%dma_wait3A_1383 : memref<10000x16xf32, #tpu.memory_space<vmem_shared>>)
      } else {
      }
      %scan3A_1360 = arith.constant 0 : i32
      scf.yield %scan3A_1360 : i32
    }
    %scan3A_335 = arith.constant 52 : i32
    %dma_wait3A = arith.constant 9888 : i32
    %dma_wait3A_336 = tpu.memref_slice %arg6[%dma_wait3A] : memref<10000xi32, #tpu.memory_space<vmem>> -> memref<48xi32, #tpu.memory_space<vmem>>
    %dma_wait3A_337 = arith.constant 0 : i32
    %dma_wait3A_338 = arith.constant 0 : i32
    %dma_wait3A_339 = tpu.memref_slice %arg12[%dma_wait3A_337, %dma_wait3A_338] : memref<10000x128xf32, #tpu.memory_space<vmem_shared>> -> memref<10000x128xf32, #tpu.memory_space<vmem_shared>>
    tpu.wait_indirect_dma semaphore(%arg20 : memref<!tpu.dma_semaphore, #tpu.memory_space<semaphore_mem>>) src(%arg9 : memref<48x128xf32, #tpu.memory_space<vmem>>) dst(%dma_wait3A_339 : memref<10000x128xf32, #tpu.memory_space<vmem_shared>>)
    %dma_wait3A_340 = arith.constant 9936 : i32
    %dma_wait3A_341 = tpu.memref_slice %arg6[%dma_wait3A_340] : memref<10000xi32, #tpu.memory_space<vmem>> -> memref<48xi32, #tpu.memory_space<vmem>>
    %dma_wait3A_342 = arith.constant 0 : i32
    %dma_wait3A_343 = arith.constant 0 : i32
    %dma_wait3A_344 = tpu.memref_slice %arg12[%dma_wait3A_342, %dma_wait3A_343] : memref<10000x128xf32, #tpu.memory_space<vmem_shared>> -> memref<10000x128xf32, #tpu.memory_space<vmem_shared>>
    tpu.wait_indirect_dma semaphore(%arg21 : memref<!tpu.dma_semaphore, #tpu.memory_space<semaphore_mem>>) src(%arg10 : memref<48x128xf32, #tpu.memory_space<vmem>>) dst(%dma_wait3A_344 : memref<10000x128xf32, #tpu.memory_space<vmem_shared>>)
    %add3A_345 = arith.constant 4800 : i32
    %add3A_346 = arith.addi %mul3A_47, %add3A_345 : i32
    %dma_wait3A_347 = tpu.memref_slice %arg6[%add3A_346] : memref<10000xi32, #tpu.memory_space<vmem>> -> memref<48xi32, #tpu.memory_space<vmem>>
    %dma_wait3A_348 = arith.constant 0 : i32
    %dma_wait3A_349 = arith.constant 0 : i32
    %dma_wait3A_350 = tpu.memref_slice %arg13[%dma_wait3A_348, %dma_wait3A_349] : memref<10000x16xf32, #tpu.memory_space<vmem_shared>> -> memref<10000x16xf32, #tpu.memory_space<vmem_shared>>
    tpu.wait_indirect_dma semaphore(%arg22 : memref<!tpu.dma_semaphore, #tpu.memory_space<semaphore_mem>>) src(%arg11 : memref<48x16xf32, #tpu.memory_space<vmem>>) dst(%dma_wait3A_350 : memref<10000x16xf32, #tpu.memory_space<vmem_shared>>)
    %add3A_351 = arith.constant 4848 : i32
    %add3A_352 = arith.addi %mul3A_47, %add3A_351 : i32
    %dma_wait3A_353 = tpu.memref_slice %arg6[%add3A_352] : memref<10000xi32, #tpu.memory_space<vmem>> -> memref<48xi32, #tpu.memory_space<vmem>>
    %dma_wait3A_354 = arith.constant 0 : i32
    %dma_wait3A_355 = arith.constant 0 : i32
    %dma_wait3A_356 = tpu.memref_slice %arg13[%dma_wait3A_354, %dma_wait3A_355] : memref<10000x16xf32, #tpu.memory_space<vmem_shared>> -> memref<10000x16xf32, #tpu.memory_space<vmem_shared>>
    tpu.wait_indirect_dma semaphore(%arg22 : memref<!tpu.dma_semaphore, #tpu.memory_space<semaphore_mem>>) src(%arg11 : memref<48x16xf32, #tpu.memory_space<vmem>>) dst(%dma_wait3A_356 : memref<10000x16xf32, #tpu.memory_space<vmem_shared>>)
    %add3A_357 = arith.constant 4896 : i32
    %add3A_358 = arith.addi %mul3A_47, %add3A_357 : i32
    %dma_wait3A_359 = tpu.memref_slice %arg6[%add3A_358] : memref<10000xi32, #tpu.memory_space<vmem>> -> memref<48xi32, #tpu.memory_space<vmem>>
    %dma_wait3A_360 = arith.constant 0 : i32
    %dma_wait3A_361 = arith.constant 0 : i32
    %dma_wait3A_362 = tpu.memref_slice %arg13[%dma_wait3A_360, %dma_wait3A_361] : memref<10000x16xf32, #tpu.memory_space<vmem_shared>> -> memref<10000x16xf32, #tpu.memory_space<vmem_shared>>
    tpu.wait_indirect_dma semaphore(%arg22 : memref<!tpu.dma_semaphore, #tpu.memory_space<semaphore_mem>>) src(%arg11 : memref<48x16xf32, #tpu.memory_space<vmem>>) dst(%dma_wait3A_362 : memref<10000x16xf32, #tpu.memory_space<vmem_shared>>)
    %add3A_363 = arith.constant 4944 : i32
    %add3A_364 = arith.addi %mul3A_47, %add3A_363 : i32
    %dma_wait3A_365 = tpu.memref_slice %arg6[%add3A_364] : memref<10000xi32, #tpu.memory_space<vmem>> -> memref<48xi32, #tpu.memory_space<vmem>>
    %dma_wait3A_366 = arith.constant 0 : i32
    %dma_wait3A_367 = arith.constant 0 : i32
    %dma_wait3A_368 = tpu.memref_slice %arg13[%dma_wait3A_366, %dma_wait3A_367] : memref<10000x16xf32, #tpu.memory_space<vmem_shared>> -> memref<10000x16xf32, #tpu.memory_space<vmem_shared>>
    tpu.wait_indirect_dma semaphore(%arg22 : memref<!tpu.dma_semaphore, #tpu.memory_space<semaphore_mem>>) src(%arg11 : memref<48x16xf32, #tpu.memory_space<vmem>>) dst(%dma_wait3A_368 : memref<10000x16xf32, #tpu.memory_space<vmem_shared>>)
    %add3A_369 = arith.constant 4992 : i32
    %add3A_370 = arith.addi %mul3A_47, %add3A_369 : i32
    "tpu.region"() ({
      %run_scoped3A = tpu.sem_alloc : memref<!tpu.dma_semaphore, #tpu.memory_space<semaphore_mem>>
      %dma_start3A_743 = arith.constant 0 : i32
      %dma_start3A_744 = arith.constant 0 : i32
      %dma_start3A_745 = tpu.memref_slice %arg11[%dma_start3A_743, %dma_start3A_744] : memref<48x16xf32, #tpu.memory_space<vmem>> -> memref<8x16xf32, #tpu.memory_space<vmem>>
      %dma_start3A_746 = tpu.memref_slice %arg6[%add3A_370] : memref<10000xi32, #tpu.memory_space<vmem>> -> memref<8xi32, #tpu.memory_space<vmem>>
      %dma_start3A_747 = arith.constant 0 : i32
      %dma_start3A_748 = arith.constant 0 : i32
      %dma_start3A_749 = tpu.memref_slice %arg13[%dma_start3A_747, %dma_start3A_748] : memref<10000x16xf32, #tpu.memory_space<vmem_shared>> -> memref<10000x16xf32, #tpu.memory_space<vmem_shared>>
      tpu.enqueue_indirect_dma source(%dma_start3A_745 : memref<8x16xf32, #tpu.memory_space<vmem>>) target(%dma_start3A_749 : memref<10000x16xf32, #tpu.memory_space<vmem_shared>>) offsets(%dma_start3A_746 : memref<8xi32, #tpu.memory_space<vmem>>) semaphore(%run_scoped3A : memref<!tpu.dma_semaphore, #tpu.memory_space<semaphore_mem>>) {add = true}
      %dma_wait3A_750 = arith.constant 0 : i32
      %dma_wait3A_751 = arith.constant 0 : i32
      %dma_wait3A_752 = tpu.memref_slice %arg11[%dma_wait3A_750, %dma_wait3A_751] : memref<48x16xf32, #tpu.memory_space<vmem>> -> memref<8x16xf32, #tpu.memory_space<vmem>>
      %dma_wait3A_753 = tpu.memref_slice %arg6[%add3A_370] : memref<10000xi32, #tpu.memory_space<vmem>> -> memref<8xi32, #tpu.memory_space<vmem>>
      %dma_wait3A_754 = arith.constant 0 : i32
      %dma_wait3A_755 = arith.constant 0 : i32
      %dma_wait3A_756 = tpu.memref_slice %arg13[%dma_wait3A_754, %dma_wait3A_755] : memref<10000x16xf32, #tpu.memory_space<vmem_shared>> -> memref<10000x16xf32, #tpu.memory_space<vmem_shared>>
      tpu.wait_indirect_dma semaphore(%run_scoped3A : memref<!tpu.dma_semaphore, #tpu.memory_space<semaphore_mem>>) src(%dma_wait3A_752 : memref<8x16xf32, #tpu.memory_space<vmem>>) dst(%dma_wait3A_756 : memref<10000x16xf32, #tpu.memory_space<vmem_shared>>)
      tpu.yield
    }) : () -> ()
    %mul3A_371 = arith.constant 1250 : i32
    %mul3A_372 = arith.muli %arg1, %mul3A_371 : i32
    %add3A_373 = arith.constant 1248 : i32
    %add3A_374 = arith.addi %mul3A_372, %add3A_373 : i32
    "tpu.region"() ({
      %run_scoped3A = tpu.sem_alloc : memref<!tpu.dma_semaphore, #tpu.memory_space<semaphore_mem>>
      %dma_start3A_743 = arith.constant 0 : i32
      %dma_start3A_744 = arith.constant 0 : i32
      %dma_start3A_745 = tpu.memref_slice %arg7[%dma_start3A_743, %dma_start3A_744] : memref<48x128xf32, #tpu.memory_space<vmem>> -> memref<8x128xf32, #tpu.memory_space<vmem>>
      %dma_start3A_746 = arith.constant 0 : i32
      %dma_start3A_747 = arith.constant 0 : i32
      %dma_start3A_748 = tpu.memref_slice %arg2[%add3A_374, %add3A_51, %dma_start3A_746, %dma_start3A_747] : memref<20000x4x8x128xf32, #tpu.memory_space<hbm>> -> memref<1x1x8x128xf32, #tpu.memory_space<hbm>>
      %dma_start3A_749 = tpu.memref_squeeze %dma_start3A_748 : memref<1x1x8x128xf32, #tpu.memory_space<hbm>> -> memref<8x128xf32, #tpu.memory_space<hbm>>
      %dma_start3A_750 = arith.constant 0 : i32
      %dma_start3A_751 = arith.constant 0 : i32
      %dma_start3A_752 = tpu.memref_slice %arg7[%dma_start3A_750, %dma_start3A_751] : memref<48x128xf32, #tpu.memory_space<vmem>> -> memref<8x128xf32, #tpu.memory_space<vmem>>
      %dma_start3A_753 = arith.constant 0 : i32
      %dma_start3A_754 = arith.constant 0 : i32
      %dma_start3A_755 = tpu.memref_slice %arg2[%add3A_374, %add3A_51, %dma_start3A_753, %dma_start3A_754] : memref<20000x4x8x128xf32, #tpu.memory_space<hbm>> -> memref<1x1x8x128xf32, #tpu.memory_space<hbm>>
      %dma_start3A_756 = tpu.memref_squeeze %dma_start3A_755 : memref<1x1x8x128xf32, #tpu.memory_space<hbm>> -> memref<8x128xf32, #tpu.memory_space<hbm>>
      tpu.enqueue_dma source(%dma_start3A_756 : memref<8x128xf32, #tpu.memory_space<hbm>>) target(%dma_start3A_752 : memref<8x128xf32, #tpu.memory_space<vmem>>) target_semaphore(%run_scoped3A : memref<!tpu.dma_semaphore, #tpu.memory_space<semaphore_mem>>)
      %dma_wait3A_757 = arith.constant 0 : i32
      %dma_wait3A_758 = arith.constant 0 : i32
      %dma_wait3A_759 = tpu.memref_slice %arg7[%dma_wait3A_757, %dma_wait3A_758] : memref<48x128xf32, #tpu.memory_space<vmem>> -> memref<8x128xf32, #tpu.memory_space<vmem>>
      %dma_wait3A_760 = arith.constant 0 : i32
      %dma_wait3A_761 = arith.constant 0 : i32
      %dma_wait3A_762 = tpu.memref_slice %arg2[%add3A_374, %add3A_51, %dma_wait3A_760, %dma_wait3A_761] : memref<20000x4x8x128xf32, #tpu.memory_space<hbm>> -> memref<1x1x8x128xf32, #tpu.memory_space<hbm>>
      %dma_wait3A_763 = tpu.memref_squeeze %dma_wait3A_762 : memref<1x1x8x128xf32, #tpu.memory_space<hbm>> -> memref<8x128xf32, #tpu.memory_space<hbm>>
      %dma_wait3A_764 = arith.constant 0 : i32
      %dma_wait3A_765 = arith.constant 0 : i32
      %dma_wait3A_766 = tpu.memref_slice %arg7[%dma_wait3A_764, %dma_wait3A_765] : memref<48x128xf32, #tpu.memory_space<vmem>> -> memref<8x128xf32, #tpu.memory_space<vmem>>
      %dma_wait3A_767 = arith.constant 0 : i32
      %dma_wait3A_768 = arith.constant 0 : i32
      %dma_wait3A_769 = tpu.memref_slice %arg2[%add3A_374, %add3A_51, %dma_wait3A_767, %dma_wait3A_768] : memref<20000x4x8x128xf32, #tpu.memory_space<hbm>> -> memref<1x1x8x128xf32, #tpu.memory_space<hbm>>
      %dma_wait3A_770 = tpu.memref_squeeze %dma_wait3A_769 : memref<1x1x8x128xf32, #tpu.memory_space<hbm>> -> memref<8x128xf32, #tpu.memory_space<hbm>>
      tpu.wait_dma2 semaphore(%run_scoped3A : memref<!tpu.dma_semaphore, #tpu.memory_space<semaphore_mem>>) src(%dma_wait3A_770 : memref<8x128xf32, #tpu.memory_space<hbm>>) dst(%dma_wait3A_766 : memref<8x128xf32, #tpu.memory_space<vmem>>)
      tpu.yield
    }) : () -> ()
    %add3A_375 = arith.constant 1 : i32
    %add3A_376 = arith.addi %add3A_374, %add3A_375 : i32
    "tpu.region"() ({
      %run_scoped3A = tpu.sem_alloc : memref<!tpu.dma_semaphore, #tpu.memory_space<semaphore_mem>>
      %dma_start3A_743 = arith.constant 8 : i32
      %dma_start3A_744 = arith.constant 0 : i32
      %dma_start3A_745 = tpu.memref_slice %arg7[%dma_start3A_743, %dma_start3A_744] : memref<48x128xf32, #tpu.memory_space<vmem>> -> memref<8x128xf32, #tpu.memory_space<vmem>>
      %dma_start3A_746 = arith.constant 0 : i32
      %dma_start3A_747 = arith.constant 0 : i32
      %dma_start3A_748 = tpu.memref_slice %arg2[%add3A_376, %add3A_51, %dma_start3A_746, %dma_start3A_747] : memref<20000x4x8x128xf32, #tpu.memory_space<hbm>> -> memref<1x1x8x128xf32, #tpu.memory_space<hbm>>
      %dma_start3A_749 = tpu.memref_squeeze %dma_start3A_748 : memref<1x1x8x128xf32, #tpu.memory_space<hbm>> -> memref<8x128xf32, #tpu.memory_space<hbm>>
      %dma_start3A_750 = arith.constant 8 : i32
      %dma_start3A_751 = arith.constant 0 : i32
      %dma_start3A_752 = tpu.memref_slice %arg7[%dma_start3A_750, %dma_start3A_751] : memref<48x128xf32, #tpu.memory_space<vmem>> -> memref<8x128xf32, #tpu.memory_space<vmem>>
      %dma_start3A_753 = arith.constant 0 : i32
      %dma_start3A_754 = arith.constant 0 : i32
      %dma_start3A_755 = tpu.memref_slice %arg2[%add3A_376, %add3A_51, %dma_start3A_753, %dma_start3A_754] : memref<20000x4x8x128xf32, #tpu.memory_space<hbm>> -> memref<1x1x8x128xf32, #tpu.memory_space<hbm>>
      %dma_start3A_756 = tpu.memref_squeeze %dma_start3A_755 : memref<1x1x8x128xf32, #tpu.memory_space<hbm>> -> memref<8x128xf32, #tpu.memory_space<hbm>>
      tpu.enqueue_dma source(%dma_start3A_756 : memref<8x128xf32, #tpu.memory_space<hbm>>) target(%dma_start3A_752 : memref<8x128xf32, #tpu.memory_space<vmem>>) target_semaphore(%run_scoped3A : memref<!tpu.dma_semaphore, #tpu.memory_space<semaphore_mem>>)
      %dma_wait3A_757 = arith.constant 8 : i32
      %dma_wait3A_758 = arith.constant 0 : i32
      %dma_wait3A_759 = tpu.memref_slice %arg7[%dma_wait3A_757, %dma_wait3A_758] : memref<48x128xf32, #tpu.memory_space<vmem>> -> memref<8x128xf32, #tpu.memory_space<vmem>>
      %dma_wait3A_760 = arith.constant 0 : i32
      %dma_wait3A_761 = arith.constant 0 : i32
      %dma_wait3A_762 = tpu.memref_slice %arg2[%add3A_376, %add3A_51, %dma_wait3A_760, %dma_wait3A_761] : memref<20000x4x8x128xf32, #tpu.memory_space<hbm>> -> memref<1x1x8x128xf32, #tpu.memory_space<hbm>>
      %dma_wait3A_763 = tpu.memref_squeeze %dma_wait3A_762 : memref<1x1x8x128xf32, #tpu.memory_space<hbm>> -> memref<8x128xf32, #tpu.memory_space<hbm>>
      %dma_wait3A_764 = arith.constant 8 : i32
      %dma_wait3A_765 = arith.constant 0 : i32
      %dma_wait3A_766 = tpu.memref_slice %arg7[%dma_wait3A_764, %dma_wait3A_765] : memref<48x128xf32, #tpu.memory_space<vmem>> -> memref<8x128xf32, #tpu.memory_space<vmem>>
      %dma_wait3A_767 = arith.constant 0 : i32
      %dma_wait3A_768 = arith.constant 0 : i32
      %dma_wait3A_769 = tpu.memref_slice %arg2[%add3A_376, %add3A_51, %dma_wait3A_767, %dma_wait3A_768] : memref<20000x4x8x128xf32, #tpu.memory_space<hbm>> -> memref<1x1x8x128xf32, #tpu.memory_space<hbm>>
      %dma_wait3A_770 = tpu.memref_squeeze %dma_wait3A_769 : memref<1x1x8x128xf32, #tpu.memory_space<hbm>> -> memref<8x128xf32, #tpu.memory_space<hbm>>
      tpu.wait_dma2 semaphore(%run_scoped3A : memref<!tpu.dma_semaphore, #tpu.memory_space<semaphore_mem>>) src(%dma_wait3A_770 : memref<8x128xf32, #tpu.memory_space<hbm>>) dst(%dma_wait3A_766 : memref<8x128xf32, #tpu.memory_space<vmem>>)
      tpu.yield
    }) : () -> ()
    "tpu.region"() ({
      %run_scoped3A = tpu.sem_alloc : memref<!tpu.dma_semaphore, #tpu.memory_space<semaphore_mem>>
      %dma_start3A_743 = arith.constant 0 : i32
      %dma_start3A_744 = arith.constant 0 : i32
      %dma_start3A_745 = tpu.memref_slice %arg7[%dma_start3A_743, %dma_start3A_744] : memref<48x128xf32, #tpu.memory_space<vmem>> -> memref<16x128xf32, #tpu.memory_space<vmem>>
      %dma_start3A_746 = arith.constant 9984 : i32
      %dma_start3A_747 = tpu.memref_slice %arg6[%dma_start3A_746] : memref<10000xi32, #tpu.memory_space<vmem>> -> memref<16xi32, #tpu.memory_space<vmem>>
      %dma_start3A_748 = arith.constant 0 : i32
      %dma_start3A_749 = arith.constant 0 : i32
      %dma_start3A_750 = tpu.memref_slice %arg12[%dma_start3A_748, %dma_start3A_749] : memref<10000x128xf32, #tpu.memory_space<vmem_shared>> -> memref<10000x128xf32, #tpu.memory_space<vmem_shared>>
      tpu.enqueue_indirect_dma source(%dma_start3A_745 : memref<16x128xf32, #tpu.memory_space<vmem>>) target(%dma_start3A_750 : memref<10000x128xf32, #tpu.memory_space<vmem_shared>>) offsets(%dma_start3A_747 : memref<16xi32, #tpu.memory_space<vmem>>) semaphore(%run_scoped3A : memref<!tpu.dma_semaphore, #tpu.memory_space<semaphore_mem>>) {add = true}
      %dma_wait3A_751 = arith.constant 0 : i32
      %dma_wait3A_752 = arith.constant 0 : i32
      %dma_wait3A_753 = tpu.memref_slice %arg7[%dma_wait3A_751, %dma_wait3A_752] : memref<48x128xf32, #tpu.memory_space<vmem>> -> memref<16x128xf32, #tpu.memory_space<vmem>>
      %dma_wait3A_754 = arith.constant 9984 : i32
      %dma_wait3A_755 = tpu.memref_slice %arg6[%dma_wait3A_754] : memref<10000xi32, #tpu.memory_space<vmem>> -> memref<16xi32, #tpu.memory_space<vmem>>
      %dma_wait3A_756 = arith.constant 0 : i32
      %dma_wait3A_757 = arith.constant 0 : i32
      %dma_wait3A_758 = tpu.memref_slice %arg12[%dma_wait3A_756, %dma_wait3A_757] : memref<10000x128xf32, #tpu.memory_space<vmem_shared>> -> memref<10000x128xf32, #tpu.memory_space<vmem_shared>>
      tpu.wait_indirect_dma semaphore(%run_scoped3A : memref<!tpu.dma_semaphore, #tpu.memory_space<semaphore_mem>>) src(%dma_wait3A_753 : memref<16x128xf32, #tpu.memory_space<vmem>>) dst(%dma_wait3A_758 : memref<10000x128xf32, #tpu.memory_space<vmem_shared>>)
      tpu.yield
    }) : () -> ()
    %barrier3A_377 = arith.constant 0 : index
    tpu.barrier barrier_id(%barrier3A_377)
    %not3A = arith.constant true
    %not3A_378 = arith.xori %eq3A_3, %not3A : i1
    %convert_element_type3A_379 = arith.extui %not3A_378 : i1 to i32
    %cond3A_380 = arith.constant 0 : i32
    %cond3A_381 = arith.cmpi ne, %convert_element_type3A_379, %cond3A_380 : i32
    scf.if %cond3A_381 {
      "tpu.region"() ({
        %run_scoped3A = tpu.sem_alloc : memref<!tpu.dma_semaphore, #tpu.memory_space<semaphore_mem>>
        %dma_start3A_743 = arith.constant 0 : i32
        %dma_start3A_744 = tpu.memref_slice %arg5[%arg0, %mul3A_2, %dma_start3A_743] : memref<2x10000x16xf32, #tpu.memory_space<hbm>> -> memref<1x624x16xf32, #tpu.memory_space<hbm>>
        %dma_start3A_745 = tpu.memref_squeeze %dma_start3A_744 : memref<1x624x16xf32, #tpu.memory_space<hbm>> -> memref<624x16xf32, #tpu.memory_space<hbm>>
        %dma_start3A_746 = arith.constant 0 : i32
        %dma_start3A_747 = tpu.memref_slice %arg13[%mul3A_2, %dma_start3A_746] : memref<10000x16xf32, #tpu.memory_space<vmem_shared>> -> memref<624x16xf32, #tpu.memory_space<vmem_shared>>
        tpu.enqueue_dma source(%dma_start3A_747 : memref<624x16xf32, #tpu.memory_space<vmem_shared>>) target(%dma_start3A_745 : memref<624x16xf32, #tpu.memory_space<hbm>>) target_semaphore(%run_scoped3A : memref<!tpu.dma_semaphore, #tpu.memory_space<semaphore_mem>>)
        %dma_wait3A_748 = arith.constant 0 : i32
        %dma_wait3A_749 = tpu.memref_slice %arg5[%arg0, %mul3A_2, %dma_wait3A_748] : memref<2x10000x16xf32, #tpu.memory_space<hbm>> -> memref<1x624x16xf32, #tpu.memory_space<hbm>>
        %dma_wait3A_750 = tpu.memref_squeeze %dma_wait3A_749 : memref<1x624x16xf32, #tpu.memory_space<hbm>> -> memref<624x16xf32, #tpu.memory_space<hbm>>
        %dma_wait3A_751 = arith.constant 0 : i32
        %dma_wait3A_752 = tpu.memref_slice %arg13[%mul3A_2, %dma_wait3A_751] : memref<10000x16xf32, #tpu.memory_space<vmem_shared>> -> memref<624x16xf32, #tpu.memory_space<vmem_shared>>
        tpu.wait_dma2 semaphore(%run_scoped3A : memref<!tpu.dma_semaphore, #tpu.memory_space<semaphore_mem>>) src(%dma_wait3A_752 : memref<624x16xf32, #tpu.memory_space<vmem_shared>>) dst(%dma_wait3A_750 : memref<624x16xf32, #tpu.memory_space<hbm>>)
        tpu.yield
      }) : () -> ()
    } else {
    }
    %convert_element_type3A_382 = arith.extui %eq3A_3 : i1 to i32
    %cond3A_383 = arith.constant 0 : i32
    %cond3A_384 = arith.cmpi ne, %convert_element_type3A_382, %cond3A_383 : i32
    scf.if %cond3A_384 {
      "tpu.region"() ({
        %run_scoped3A = tpu.sem_alloc : memref<!tpu.dma_semaphore, #tpu.memory_space<semaphore_mem>>
        %dma_start3A_743 = arith.constant 0 : i32
        %dma_start3A_744 = tpu.memref_slice %arg5[%arg0, %mul3A_2, %dma_start3A_743] : memref<2x10000x16xf32, #tpu.memory_space<hbm>> -> memref<1x640x16xf32, #tpu.memory_space<hbm>>
        %dma_start3A_745 = tpu.memref_squeeze %dma_start3A_744 : memref<1x640x16xf32, #tpu.memory_space<hbm>> -> memref<640x16xf32, #tpu.memory_space<hbm>>
        %dma_start3A_746 = arith.constant 0 : i32
        %dma_start3A_747 = tpu.memref_slice %arg13[%mul3A_2, %dma_start3A_746] : memref<10000x16xf32, #tpu.memory_space<vmem_shared>> -> memref<640x16xf32, #tpu.memory_space<vmem_shared>>
        tpu.enqueue_dma source(%dma_start3A_747 : memref<640x16xf32, #tpu.memory_space<vmem_shared>>) target(%dma_start3A_745 : memref<640x16xf32, #tpu.memory_space<hbm>>) target_semaphore(%run_scoped3A : memref<!tpu.dma_semaphore, #tpu.memory_space<semaphore_mem>>)
        %dma_wait3A_748 = arith.constant 0 : i32
        %dma_wait3A_749 = tpu.memref_slice %arg5[%arg0, %mul3A_2, %dma_wait3A_748] : memref<2x10000x16xf32, #tpu.memory_space<hbm>> -> memref<1x640x16xf32, #tpu.memory_space<hbm>>
        %dma_wait3A_750 = tpu.memref_squeeze %dma_wait3A_749 : memref<1x640x16xf32, #tpu.memory_space<hbm>> -> memref<640x16xf32, #tpu.memory_space<hbm>>
        %dma_wait3A_751 = arith.constant 0 : i32
        %dma_wait3A_752 = tpu.memref_slice %arg13[%mul3A_2, %dma_wait3A_751] : memref<10000x16xf32, #tpu.memory_space<vmem_shared>> -> memref<640x16xf32, #tpu.memory_space<vmem_shared>>
        tpu.wait_dma2 semaphore(%run_scoped3A : memref<!tpu.dma_semaphore, #tpu.memory_space<semaphore_mem>>) src(%dma_wait3A_752 : memref<640x16xf32, #tpu.memory_space<vmem_shared>>) dst(%dma_wait3A_750 : memref<640x16xf32, #tpu.memory_space<hbm>>)
        tpu.yield
      }) : () -> ()
    } else {
    }
    %jit3A = arith.constant 80 : i32
    %jit3A_385 = arith.constant 78 : i32
    %select_n3A = arith.select %eq3A_3, %jit3A, %jit3A_385 : i32
    %while3A = arith.constant 0 : i32
    %while3A_386 = arith.constant 0 : i32
    %while3A_387 = arith.subi %select_n3A, %while3A : i32
    %while3A_388 = arith.addi %while3A, %while3A_387 : i32
    %while3A_389 = arith.constant 1 : i32
    %while3A_390 = arith.divsi %while3A_387, %while3A_389 : i32
    %while3A_391 = arith.muli %while3A_390, %while3A_389 : i32
    %while3A_392 = arith.addi %while3A, %while3A_391 : i32
    %while3A_393 = arith.constant 1 : i32
    %while3A_394 = scf.for %while3A_743 = %while3A to %while3A_392 step %while3A_393 iter_args(%while3A_744 = %while3A_386) -> (i32)  : i32 {
      %mul3A_745 = arith.constant 8 : i32
      %mul3A_746 = arith.muli %while3A_743, %mul3A_745 : i32
      %add3A_747 = arith.addi %mul3A_2, %mul3A_746 : i32
      %mul3A_748 = arith.constant 78 : i32
      %mul3A_749 = arith.muli %arg1, %mul3A_748 : i32
      %add3A_750 = arith.addi %mul3A_749, %while3A_743 : i32
      %dma_start3A_751 = arith.constant 0 : i32
      %dma_start3A_752 = arith.constant 0 : i32
      %dma_start3A_753 = tpu.memref_slice %arg4[%add3A_750, %add3A_51, %dma_start3A_751, %dma_start3A_752] : memref<1250x4x8x128xf32, #tpu.memory_space<hbm>> -> memref<1x1x8x128xf32, #tpu.memory_space<hbm>>
      %dma_start3A_754 = tpu.memref_squeeze %dma_start3A_753 : memref<1x1x8x128xf32, #tpu.memory_space<hbm>> -> memref<8x128xf32, #tpu.memory_space<hbm>>
      %dma_start3A_755 = arith.constant 0 : i32
      %dma_start3A_756 = tpu.memref_slice %arg12[%add3A_747, %dma_start3A_755] : memref<10000x128xf32, #tpu.memory_space<vmem_shared>> -> memref<8x128xf32, #tpu.memory_space<vmem_shared>>
      tpu.enqueue_dma source(%dma_start3A_756 : memref<8x128xf32, #tpu.memory_space<vmem_shared>>) target(%dma_start3A_754 : memref<8x128xf32, #tpu.memory_space<hbm>>) target_semaphore(%arg22 : memref<!tpu.dma_semaphore, #tpu.memory_space<semaphore_mem>>)
      %while3A_757 = arith.constant 0 : i32
      scf.yield %while3A_757 : i32
    }
    %while3A_395 = arith.constant 1 : i32
    %while3A_396 = scf.for %while3A_743 = %while3A_392 to %while3A_388 step %while3A_395 iter_args(%while3A_744 = %while3A_394) -> (i32)  : i32 {
      %mul3A_745 = arith.constant 8 : i32
      %mul3A_746 = arith.muli %while3A_743, %mul3A_745 : i32
      %add3A_747 = arith.addi %mul3A_2, %mul3A_746 : i32
      %mul3A_748 = arith.constant 78 : i32
      %mul3A_749 = arith.muli %arg1, %mul3A_748 : i32
      %add3A_750 = arith.addi %mul3A_749, %while3A_743 : i32
      %dma_start3A_751 = arith.constant 0 : i32
      %dma_start3A_752 = arith.constant 0 : i32
      %dma_start3A_753 = tpu.memref_slice %arg4[%add3A_750, %add3A_51, %dma_start3A_751, %dma_start3A_752] : memref<1250x4x8x128xf32, #tpu.memory_space<hbm>> -> memref<1x1x8x128xf32, #tpu.memory_space<hbm>>
      %dma_start3A_754 = tpu.memref_squeeze %dma_start3A_753 : memref<1x1x8x128xf32, #tpu.memory_space<hbm>> -> memref<8x128xf32, #tpu.memory_space<hbm>>
      %dma_start3A_755 = arith.constant 0 : i32
      %dma_start3A_756 = tpu.memref_slice %arg12[%add3A_747, %dma_start3A_755] : memref<10000x128xf32, #tpu.memory_space<vmem_shared>> -> memref<8x128xf32, #tpu.memory_space<vmem_shared>>
      tpu.enqueue_dma source(%dma_start3A_756 : memref<8x128xf32, #tpu.memory_space<vmem_shared>>) target(%dma_start3A_754 : memref<8x128xf32, #tpu.memory_space<hbm>>) target_semaphore(%arg22 : memref<!tpu.dma_semaphore, #tpu.memory_space<semaphore_mem>>)
      %while3A_757 = arith.constant 0 : i32
      scf.yield %while3A_757 : i32
    }
    %while3A_397 = arith.constant 0 : i32
    %while3A_398 = arith.constant 0 : i32
    %while3A_399 = arith.subi %select_n3A, %while3A_397 : i32
    %while3A_400 = arith.addi %while3A_397, %while3A_399 : i32
    %while3A_401 = arith.constant 1 : i32
    %while3A_402 = arith.divsi %while3A_399, %while3A_401 : i32
    %while3A_403 = arith.muli %while3A_402, %while3A_401 : i32
    %while3A_404 = arith.addi %while3A_397, %while3A_403 : i32
    %while3A_405 = arith.constant 1 : i32
    %while3A_406 = scf.for %while3A_743 = %while3A_397 to %while3A_404 step %while3A_405 iter_args(%while3A_744 = %while3A_398) -> (i32)  : i32 {
      %mul3A_745 = arith.constant 8 : i32
      %mul3A_746 = arith.muli %while3A_743, %mul3A_745 : i32
      %add3A_747 = arith.addi %mul3A_2, %mul3A_746 : i32
      %mul3A_748 = arith.constant 78 : i32
      %mul3A_749 = arith.muli %arg1, %mul3A_748 : i32
      %add3A_750 = arith.addi %mul3A_749, %while3A_743 : i32
      %dma_wait3A_751 = arith.constant 0 : i32
      %dma_wait3A_752 = arith.constant 0 : i32
      %dma_wait3A_753 = tpu.memref_slice %arg4[%add3A_750, %add3A_51, %dma_wait3A_751, %dma_wait3A_752] : memref<1250x4x8x128xf32, #tpu.memory_space<hbm>> -> memref<1x1x8x128xf32, #tpu.memory_space<hbm>>
      %dma_wait3A_754 = tpu.memref_squeeze %dma_wait3A_753 : memref<1x1x8x128xf32, #tpu.memory_space<hbm>> -> memref<8x128xf32, #tpu.memory_space<hbm>>
      %dma_wait3A_755 = arith.constant 0 : i32
      %dma_wait3A_756 = tpu.memref_slice %arg12[%add3A_747, %dma_wait3A_755] : memref<10000x128xf32, #tpu.memory_space<vmem_shared>> -> memref<8x128xf32, #tpu.memory_space<vmem_shared>>
      tpu.wait_dma2 semaphore(%arg22 : memref<!tpu.dma_semaphore, #tpu.memory_space<semaphore_mem>>) src(%dma_wait3A_756 : memref<8x128xf32, #tpu.memory_space<vmem_shared>>) dst(%dma_wait3A_754 : memref<8x128xf32, #tpu.memory_space<hbm>>)
      %while3A_757 = arith.constant 0 : i32
      scf.yield %while3A_757 : i32
    }
    %while3A_407 = arith.constant 1 : i32
    %while3A_408 = scf.for %while3A_743 = %while3A_404 to %while3A_400 step %while3A_407 iter_args(%while3A_744 = %while3A_406) -> (i32)  : i32 {
      %mul3A_745 = arith.constant 8 : i32
      %mul3A_746 = arith.muli %while3A_743, %mul3A_745 : i32
      %add3A_747 = arith.addi %mul3A_2, %mul3A_746 : i32
      %mul3A_748 = arith.constant 78 : i32
      %mul3A_749 = arith.muli %arg1, %mul3A_748 : i32
      %add3A_750 = arith.addi %mul3A_749, %while3A_743 : i32
      %dma_wait3A_751 = arith.constant 0 : i32
      %dma_wait3A_752 = arith.constant 0 : i32
      %dma_wait3A_753 = tpu.memref_slice %arg4[%add3A_750, %add3A_51, %dma_wait3A_751, %dma_wait3A_752] : memref<1250x4x8x128xf32, #tpu.memory_space<hbm>> -> memref<1x1x8x128xf32, #tpu.memory_space<hbm>>
      %dma_wait3A_754 = tpu.memref_squeeze %dma_wait3A_753 : memref<1x1x8x128xf32, #tpu.memory_space<hbm>> -> memref<8x128xf32, #tpu.memory_space<hbm>>
      %dma_wait3A_755 = arith.constant 0 : i32
      %dma_wait3A_756 = tpu.memref_slice %arg12[%add3A_747, %dma_wait3A_755] : memref<10000x128xf32, #tpu.memory_space<vmem_shared>> -> memref<8x128xf32, #tpu.memory_space<vmem_shared>>
      tpu.wait_dma2 semaphore(%arg22 : memref<!tpu.dma_semaphore, #tpu.memory_space<semaphore_mem>>) src(%dma_wait3A_756 : memref<8x128xf32, #tpu.memory_space<vmem_shared>>) dst(%dma_wait3A_754 : memref<8x128xf32, #tpu.memory_space<hbm>>)
      %while3A_757 = arith.constant 0 : i32
      scf.yield %while3A_757 : i32
    }
    %mul3A_409 = arith.constant 2 : i32
    %mul3A_410 = arith.muli %mul3A_409, %arg0 : i32
    %add3A_411 = arith.constant 1 : i32
    %add3A_412 = arith.addi %mul3A_410, %add3A_411 : i32
    %broadcast_in_dim3A_413 = arith.constant 0.000000e+00 : f32
    %broadcast_in_dim3A_414 = vector.broadcast %broadcast_in_dim3A_413 : f32 to vector<16xf32>
    %scan3A_415 = arith.constant 0 : i32
    %scan3A_416 = arith.constant 0 : i32
    %scan3A_417 = arith.constant 384 : i32
    %scan3A_418 = arith.addi %scan3A_416, %scan3A_417 : i32
    %scan3A_419 = arith.constant 1 : i32
    %scan3A_420 = scf.for %scan3A_743 = %scan3A_416 to %scan3A_418 step %scan3A_419 iter_args(%scan3A_744 = %scan3A_415) -> (i32)  : i32 {
      %jit3A_745 = arith.constant 8 : i32
      %div3A = arith.divsi %scan3A_743, %jit3A_745 : i32
      %sign3A = arith.constant 0 : i32
      %sign3A_746 = arith.cmpi sgt, %scan3A_743, %sign3A : i32
      %sign3A_747 = arith.extui %sign3A_746 : i1 to i32
      %sign3A_748 = arith.constant 0 : i32
      %sign3A_749 = arith.cmpi slt, %scan3A_743, %sign3A_748 : i32
      %sign3A_750 = arith.extui %sign3A_749 : i1 to i32
      %sign3A_751 = arith.subi %sign3A_747, %sign3A_750 : i32
      %sign3A_752 = arith.constant 0 : i32
      %sign3A_753 = arith.cmpi sgt, %jit3A_745, %sign3A_752 : i32
      %sign3A_754 = arith.extui %sign3A_753 : i1 to i32
      %sign3A_755 = arith.constant 0 : i32
      %sign3A_756 = arith.cmpi slt, %jit3A_745, %sign3A_755 : i32
      %sign3A_757 = arith.extui %sign3A_756 : i1 to i32
      %sign3A_758 = arith.subi %sign3A_754, %sign3A_757 : i32
      %ne3A = arith.cmpi ne, %sign3A_751, %sign3A_758 : i32
      %rem3A = arith.remsi %scan3A_743, %jit3A_745 : i32
      %ne3A_759 = arith.constant 0 : i32
      %ne3A_760 = arith.cmpi ne, %rem3A, %ne3A_759 : i32
      %and3A = arith.andi %ne3A, %ne3A_760 : i1
      %sub3A = arith.constant 1 : i32
      %sub3A_761 = arith.subi %div3A, %sub3A : i32
      %select_n3A_762 = arith.select %and3A, %sub3A_761, %div3A : i32
      %jit3A_763 = arith.constant 8 : i32
      %eq3A_764 = arith.constant 0 : i32
      %eq3A_765 = arith.cmpi eq, %jit3A_763, %eq3A_764 : i32
      %jit3A_766 = arith.constant 1 : i32
      %select_n3A_767 = arith.select %eq3A_765, %jit3A_766, %jit3A_763 : i32
      %rem3A_768 = arith.remsi %scan3A_743, %select_n3A_767 : i32
      %ne3A_769 = arith.constant 0 : i32
      %ne3A_770 = arith.cmpi ne, %rem3A_768, %ne3A_769 : i32
      %lt3A = arith.constant 0 : i32
      %lt3A_771 = arith.cmpi slt, %rem3A_768, %lt3A : i32
      %lt3A_772 = arith.constant 0 : i32
      %lt3A_773 = arith.cmpi slt, %select_n3A_767, %lt3A_772 : i32
      %ne3A_774 = arith.xori %lt3A_771, %lt3A_773 : i1
      %and3A_775 = arith.andi %ne3A_774, %ne3A_770 : i1
      %add3A_776 = arith.addi %rem3A_768, %select_n3A_767 : i32
      %select_n3A_777 = arith.select %and3A_775, %add3A_776, %rem3A_768 : i32
      %mul3A_778 = arith.constant 16 : i32
      %mul3A_779 = arith.muli %select_n3A_777, %mul3A_778 : i32
      %swap3A = arith.index_cast %select_n3A_762 : i32 to index
      %swap3A_780 = arith.index_cast %mul3A_779 : i32 to index
      %swap3A_781 = tpu.vector_load %arg7[%swap3A, %swap3A_780] {strides = array<i32>} : memref<48x128xf32, #tpu.memory_space<vmem>>, vector<1x16xf32>,
      %swap3A_782 = vector.shape_cast %swap3A_781 : vector<1x16xf32> to vector<16xf32>
      %swap3A_783 = vector.shape_cast %broadcast_in_dim3A_414 : vector<16xf32> to vector<1x16xf32>
      tpu.vector_store %arg7[%swap3A, %swap3A_780], %swap3A_783 {strides = array<i32>} : memref<48x128xf32, #tpu.memory_space<vmem>>, vector<1x16xf32>,
      %scan3A_784 = arith.constant 0 : i32
      scf.yield %scan3A_784 : i32
    }
    %scan3A_421 = arith.constant 384 : i32
    %add3A_422 = arith.constant 0 : i32
    %add3A_423 = arith.addi %mul3A_2, %add3A_422 : i32
    "tpu.region"() ({
      %run_scoped3A = tpu.sem_alloc : memref<!tpu.dma_semaphore, #tpu.memory_space<semaphore_mem>>
      %dma_start3A_743 = arith.constant 0 : i32
      %dma_start3A_744 = tpu.memref_slice %arg12[%add3A_423, %dma_start3A_743] : memref<10000x128xf32, #tpu.memory_space<vmem_shared>> -> memref<48x128xf32, #tpu.memory_space<vmem_shared>>
      %dma_start3A_745 = arith.constant 0 : i32
      %dma_start3A_746 = tpu.memref_slice %arg12[%add3A_423, %dma_start3A_745] : memref<10000x128xf32, #tpu.memory_space<vmem_shared>> -> memref<48x128xf32, #tpu.memory_space<vmem_shared>>
      tpu.enqueue_dma source(%arg7 : memref<48x128xf32, #tpu.memory_space<vmem>>) target(%dma_start3A_746 : memref<48x128xf32, #tpu.memory_space<vmem_shared>>) target_semaphore(%run_scoped3A : memref<!tpu.dma_semaphore, #tpu.memory_space<semaphore_mem>>)
      %dma_wait3A_747 = arith.constant 0 : i32
      %dma_wait3A_748 = tpu.memref_slice %arg12[%add3A_423, %dma_wait3A_747] : memref<10000x128xf32, #tpu.memory_space<vmem_shared>> -> memref<48x128xf32, #tpu.memory_space<vmem_shared>>
      %dma_wait3A_749 = arith.constant 0 : i32
      %dma_wait3A_750 = tpu.memref_slice %arg12[%add3A_423, %dma_wait3A_749] : memref<10000x128xf32, #tpu.memory_space<vmem_shared>> -> memref<48x128xf32, #tpu.memory_space<vmem_shared>>
      tpu.wait_dma2 semaphore(%run_scoped3A : memref<!tpu.dma_semaphore, #tpu.memory_space<semaphore_mem>>) src(%arg7 : memref<48x128xf32, #tpu.memory_space<vmem>>) dst(%dma_wait3A_750 : memref<48x128xf32, #tpu.memory_space<vmem_shared>>)
      tpu.yield
    }) : () -> ()
    %add3A_424 = arith.constant 48 : i32
    %add3A_425 = arith.addi %mul3A_2, %add3A_424 : i32
    "tpu.region"() ({
      %run_scoped3A = tpu.sem_alloc : memref<!tpu.dma_semaphore, #tpu.memory_space<semaphore_mem>>
      %dma_start3A_743 = arith.constant 0 : i32
      %dma_start3A_744 = tpu.memref_slice %arg12[%add3A_425, %dma_start3A_743] : memref<10000x128xf32, #tpu.memory_space<vmem_shared>> -> memref<48x128xf32, #tpu.memory_space<vmem_shared>>
      %dma_start3A_745 = arith.constant 0 : i32
      %dma_start3A_746 = tpu.memref_slice %arg12[%add3A_425, %dma_start3A_745] : memref<10000x128xf32, #tpu.memory_space<vmem_shared>> -> memref<48x128xf32, #tpu.memory_space<vmem_shared>>
      tpu.enqueue_dma source(%arg7 : memref<48x128xf32, #tpu.memory_space<vmem>>) target(%dma_start3A_746 : memref<48x128xf32, #tpu.memory_space<vmem_shared>>) target_semaphore(%run_scoped3A : memref<!tpu.dma_semaphore, #tpu.memory_space<semaphore_mem>>)
      %dma_wait3A_747 = arith.constant 0 : i32
      %dma_wait3A_748 = tpu.memref_slice %arg12[%add3A_425, %dma_wait3A_747] : memref<10000x128xf32, #tpu.memory_space<vmem_shared>> -> memref<48x128xf32, #tpu.memory_space<vmem_shared>>
      %dma_wait3A_749 = arith.constant 0 : i32
      %dma_wait3A_750 = tpu.memref_slice %arg12[%add3A_425, %dma_wait3A_749] : memref<10000x128xf32, #tpu.memory_space<vmem_shared>> -> memref<48x128xf32, #tpu.memory_space<vmem_shared>>
      tpu.wait_dma2 semaphore(%run_scoped3A : memref<!tpu.dma_semaphore, #tpu.memory_space<semaphore_mem>>) src(%arg7 : memref<48x128xf32, #tpu.memory_space<vmem>>) dst(%dma_wait3A_750 : memref<48x128xf32, #tpu.memory_space<vmem_shared>>)
      tpu.yield
    }) : () -> ()
    %add3A_426 = arith.constant 96 : i32
    %add3A_427 = arith.addi %mul3A_2, %add3A_426 : i32
    "tpu.region"() ({
      %run_scoped3A = tpu.sem_alloc : memref<!tpu.dma_semaphore, #tpu.memory_space<semaphore_mem>>
      %dma_start3A_743 = arith.constant 0 : i32
      %dma_start3A_744 = tpu.memref_slice %arg12[%add3A_427, %dma_start3A_743] : memref<10000x128xf32, #tpu.memory_space<vmem_shared>> -> memref<48x128xf32, #tpu.memory_space<vmem_shared>>
      %dma_start3A_745 = arith.constant 0 : i32
      %dma_start3A_746 = tpu.memref_slice %arg12[%add3A_427, %dma_start3A_745] : memref<10000x128xf32, #tpu.memory_space<vmem_shared>> -> memref<48x128xf32, #tpu.memory_space<vmem_shared>>
      tpu.enqueue_dma source(%arg7 : memref<48x128xf32, #tpu.memory_space<vmem>>) target(%dma_start3A_746 : memref<48x128xf32, #tpu.memory_space<vmem_shared>>) target_semaphore(%run_scoped3A : memref<!tpu.dma_semaphore, #tpu.memory_space<semaphore_mem>>)
      %dma_wait3A_747 = arith.constant 0 : i32
      %dma_wait3A_748 = tpu.memref_slice %arg12[%add3A_427, %dma_wait3A_747] : memref<10000x128xf32, #tpu.memory_space<vmem_shared>> -> memref<48x128xf32, #tpu.memory_space<vmem_shared>>
      %dma_wait3A_749 = arith.constant 0 : i32
      %dma_wait3A_750 = tpu.memref_slice %arg12[%add3A_427, %dma_wait3A_749] : memref<10000x128xf32, #tpu.memory_space<vmem_shared>> -> memref<48x128xf32, #tpu.memory_space<vmem_shared>>
      tpu.wait_dma2 semaphore(%run_scoped3A : memref<!tpu.dma_semaphore, #tpu.memory_space<semaphore_mem>>) src(%arg7 : memref<48x128xf32, #tpu.memory_space<vmem>>) dst(%dma_wait3A_750 : memref<48x128xf32, #tpu.memory_space<vmem_shared>>)
      tpu.yield
    }) : () -> ()
    %add3A_428 = arith.constant 144 : i32
    %add3A_429 = arith.addi %mul3A_2, %add3A_428 : i32
    "tpu.region"() ({
      %run_scoped3A = tpu.sem_alloc : memref<!tpu.dma_semaphore, #tpu.memory_space<semaphore_mem>>
      %dma_start3A_743 = arith.constant 0 : i32
      %dma_start3A_744 = tpu.memref_slice %arg12[%add3A_429, %dma_start3A_743] : memref<10000x128xf32, #tpu.memory_space<vmem_shared>> -> memref<48x128xf32, #tpu.memory_space<vmem_shared>>
      %dma_start3A_745 = arith.constant 0 : i32
      %dma_start3A_746 = tpu.memref_slice %arg12[%add3A_429, %dma_start3A_745] : memref<10000x128xf32, #tpu.memory_space<vmem_shared>> -> memref<48x128xf32, #tpu.memory_space<vmem_shared>>
      tpu.enqueue_dma source(%arg7 : memref<48x128xf32, #tpu.memory_space<vmem>>) target(%dma_start3A_746 : memref<48x128xf32, #tpu.memory_space<vmem_shared>>) target_semaphore(%run_scoped3A : memref<!tpu.dma_semaphore, #tpu.memory_space<semaphore_mem>>)
      %dma_wait3A_747 = arith.constant 0 : i32
      %dma_wait3A_748 = tpu.memref_slice %arg12[%add3A_429, %dma_wait3A_747] : memref<10000x128xf32, #tpu.memory_space<vmem_shared>> -> memref<48x128xf32, #tpu.memory_space<vmem_shared>>
      %dma_wait3A_749 = arith.constant 0 : i32
      %dma_wait3A_750 = tpu.memref_slice %arg12[%add3A_429, %dma_wait3A_749] : memref<10000x128xf32, #tpu.memory_space<vmem_shared>> -> memref<48x128xf32, #tpu.memory_space<vmem_shared>>
      tpu.wait_dma2 semaphore(%run_scoped3A : memref<!tpu.dma_semaphore, #tpu.memory_space<semaphore_mem>>) src(%arg7 : memref<48x128xf32, #tpu.memory_space<vmem>>) dst(%dma_wait3A_750 : memref<48x128xf32, #tpu.memory_space<vmem_shared>>)
      tpu.yield
    }) : () -> ()
    %add3A_430 = arith.constant 192 : i32
    %add3A_431 = arith.addi %mul3A_2, %add3A_430 : i32
    "tpu.region"() ({
      %run_scoped3A = tpu.sem_alloc : memref<!tpu.dma_semaphore, #tpu.memory_space<semaphore_mem>>
      %dma_start3A_743 = arith.constant 0 : i32
      %dma_start3A_744 = tpu.memref_slice %arg12[%add3A_431, %dma_start3A_743] : memref<10000x128xf32, #tpu.memory_space<vmem_shared>> -> memref<48x128xf32, #tpu.memory_space<vmem_shared>>
      %dma_start3A_745 = arith.constant 0 : i32
      %dma_start3A_746 = tpu.memref_slice %arg12[%add3A_431, %dma_start3A_745] : memref<10000x128xf32, #tpu.memory_space<vmem_shared>> -> memref<48x128xf32, #tpu.memory_space<vmem_shared>>
      tpu.enqueue_dma source(%arg7 : memref<48x128xf32, #tpu.memory_space<vmem>>) target(%dma_start3A_746 : memref<48x128xf32, #tpu.memory_space<vmem_shared>>) target_semaphore(%run_scoped3A : memref<!tpu.dma_semaphore, #tpu.memory_space<semaphore_mem>>)
      %dma_wait3A_747 = arith.constant 0 : i32
      %dma_wait3A_748 = tpu.memref_slice %arg12[%add3A_431, %dma_wait3A_747] : memref<10000x128xf32, #tpu.memory_space<vmem_shared>> -> memref<48x128xf32, #tpu.memory_space<vmem_shared>>
      %dma_wait3A_749 = arith.constant 0 : i32
      %dma_wait3A_750 = tpu.memref_slice %arg12[%add3A_431, %dma_wait3A_749] : memref<10000x128xf32, #tpu.memory_space<vmem_shared>> -> memref<48x128xf32, #tpu.memory_space<vmem_shared>>
      tpu.wait_dma2 semaphore(%run_scoped3A : memref<!tpu.dma_semaphore, #tpu.memory_space<semaphore_mem>>) src(%arg7 : memref<48x128xf32, #tpu.memory_space<vmem>>) dst(%dma_wait3A_750 : memref<48x128xf32, #tpu.memory_space<vmem_shared>>)
      tpu.yield
    }) : () -> ()
    %add3A_432 = arith.constant 240 : i32
    %add3A_433 = arith.addi %mul3A_2, %add3A_432 : i32
    "tpu.region"() ({
      %run_scoped3A = tpu.sem_alloc : memref<!tpu.dma_semaphore, #tpu.memory_space<semaphore_mem>>
      %dma_start3A_743 = arith.constant 0 : i32
      %dma_start3A_744 = tpu.memref_slice %arg12[%add3A_433, %dma_start3A_743] : memref<10000x128xf32, #tpu.memory_space<vmem_shared>> -> memref<48x128xf32, #tpu.memory_space<vmem_shared>>
      %dma_start3A_745 = arith.constant 0 : i32
      %dma_start3A_746 = tpu.memref_slice %arg12[%add3A_433, %dma_start3A_745] : memref<10000x128xf32, #tpu.memory_space<vmem_shared>> -> memref<48x128xf32, #tpu.memory_space<vmem_shared>>
      tpu.enqueue_dma source(%arg7 : memref<48x128xf32, #tpu.memory_space<vmem>>) target(%dma_start3A_746 : memref<48x128xf32, #tpu.memory_space<vmem_shared>>) target_semaphore(%run_scoped3A : memref<!tpu.dma_semaphore, #tpu.memory_space<semaphore_mem>>)
      %dma_wait3A_747 = arith.constant 0 : i32
      %dma_wait3A_748 = tpu.memref_slice %arg12[%add3A_433, %dma_wait3A_747] : memref<10000x128xf32, #tpu.memory_space<vmem_shared>> -> memref<48x128xf32, #tpu.memory_space<vmem_shared>>
      %dma_wait3A_749 = arith.constant 0 : i32
      %dma_wait3A_750 = tpu.memref_slice %arg12[%add3A_433, %dma_wait3A_749] : memref<10000x128xf32, #tpu.memory_space<vmem_shared>> -> memref<48x128xf32, #tpu.memory_space<vmem_shared>>
      tpu.wait_dma2 semaphore(%run_scoped3A : memref<!tpu.dma_semaphore, #tpu.memory_space<semaphore_mem>>) src(%arg7 : memref<48x128xf32, #tpu.memory_space<vmem>>) dst(%dma_wait3A_750 : memref<48x128xf32, #tpu.memory_space<vmem_shared>>)
      tpu.yield
    }) : () -> ()
    %add3A_434 = arith.constant 288 : i32
    %add3A_435 = arith.addi %mul3A_2, %add3A_434 : i32
    "tpu.region"() ({
      %run_scoped3A = tpu.sem_alloc : memref<!tpu.dma_semaphore, #tpu.memory_space<semaphore_mem>>
      %dma_start3A_743 = arith.constant 0 : i32
      %dma_start3A_744 = tpu.memref_slice %arg12[%add3A_435, %dma_start3A_743] : memref<10000x128xf32, #tpu.memory_space<vmem_shared>> -> memref<48x128xf32, #tpu.memory_space<vmem_shared>>
      %dma_start3A_745 = arith.constant 0 : i32
      %dma_start3A_746 = tpu.memref_slice %arg12[%add3A_435, %dma_start3A_745] : memref<10000x128xf32, #tpu.memory_space<vmem_shared>> -> memref<48x128xf32, #tpu.memory_space<vmem_shared>>
      tpu.enqueue_dma source(%arg7 : memref<48x128xf32, #tpu.memory_space<vmem>>) target(%dma_start3A_746 : memref<48x128xf32, #tpu.memory_space<vmem_shared>>) target_semaphore(%run_scoped3A : memref<!tpu.dma_semaphore, #tpu.memory_space<semaphore_mem>>)
      %dma_wait3A_747 = arith.constant 0 : i32
      %dma_wait3A_748 = tpu.memref_slice %arg12[%add3A_435, %dma_wait3A_747] : memref<10000x128xf32, #tpu.memory_space<vmem_shared>> -> memref<48x128xf32, #tpu.memory_space<vmem_shared>>
      %dma_wait3A_749 = arith.constant 0 : i32
      %dma_wait3A_750 = tpu.memref_slice %arg12[%add3A_435, %dma_wait3A_749] : memref<10000x128xf32, #tpu.memory_space<vmem_shared>> -> memref<48x128xf32, #tpu.memory_space<vmem_shared>>
      tpu.wait_dma2 semaphore(%run_scoped3A : memref<!tpu.dma_semaphore, #tpu.memory_space<semaphore_mem>>) src(%arg7 : memref<48x128xf32, #tpu.memory_space<vmem>>) dst(%dma_wait3A_750 : memref<48x128xf32, #tpu.memory_space<vmem_shared>>)
      tpu.yield
    }) : () -> ()
    %add3A_436 = arith.constant 336 : i32
    %add3A_437 = arith.addi %mul3A_2, %add3A_436 : i32
    "tpu.region"() ({
      %run_scoped3A = tpu.sem_alloc : memref<!tpu.dma_semaphore, #tpu.memory_space<semaphore_mem>>
      %dma_start3A_743 = arith.constant 0 : i32
      %dma_start3A_744 = tpu.memref_slice %arg12[%add3A_437, %dma_start3A_743] : memref<10000x128xf32, #tpu.memory_space<vmem_shared>> -> memref<48x128xf32, #tpu.memory_space<vmem_shared>>
      %dma_start3A_745 = arith.constant 0 : i32
      %dma_start3A_746 = tpu.memref_slice %arg12[%add3A_437, %dma_start3A_745] : memref<10000x128xf32, #tpu.memory_space<vmem_shared>> -> memref<48x128xf32, #tpu.memory_space<vmem_shared>>
      tpu.enqueue_dma source(%arg7 : memref<48x128xf32, #tpu.memory_space<vmem>>) target(%dma_start3A_746 : memref<48x128xf32, #tpu.memory_space<vmem_shared>>) target_semaphore(%run_scoped3A : memref<!tpu.dma_semaphore, #tpu.memory_space<semaphore_mem>>)
      %dma_wait3A_747 = arith.constant 0 : i32
      %dma_wait3A_748 = tpu.memref_slice %arg12[%add3A_437, %dma_wait3A_747] : memref<10000x128xf32, #tpu.memory_space<vmem_shared>> -> memref<48x128xf32, #tpu.memory_space<vmem_shared>>
      %dma_wait3A_749 = arith.constant 0 : i32
      %dma_wait3A_750 = tpu.memref_slice %arg12[%add3A_437, %dma_wait3A_749] : memref<10000x128xf32, #tpu.memory_space<vmem_shared>> -> memref<48x128xf32, #tpu.memory_space<vmem_shared>>
      tpu.wait_dma2 semaphore(%run_scoped3A : memref<!tpu.dma_semaphore, #tpu.memory_space<semaphore_mem>>) src(%arg7 : memref<48x128xf32, #tpu.memory_space<vmem>>) dst(%dma_wait3A_750 : memref<48x128xf32, #tpu.memory_space<vmem_shared>>)
      tpu.yield
    }) : () -> ()
    %add3A_438 = arith.constant 384 : i32
    %add3A_439 = arith.addi %mul3A_2, %add3A_438 : i32
    "tpu.region"() ({
      %run_scoped3A = tpu.sem_alloc : memref<!tpu.dma_semaphore, #tpu.memory_space<semaphore_mem>>
      %dma_start3A_743 = arith.constant 0 : i32
      %dma_start3A_744 = tpu.memref_slice %arg12[%add3A_439, %dma_start3A_743] : memref<10000x128xf32, #tpu.memory_space<vmem_shared>> -> memref<48x128xf32, #tpu.memory_space<vmem_shared>>
      %dma_start3A_745 = arith.constant 0 : i32
      %dma_start3A_746 = tpu.memref_slice %arg12[%add3A_439, %dma_start3A_745] : memref<10000x128xf32, #tpu.memory_space<vmem_shared>> -> memref<48x128xf32, #tpu.memory_space<vmem_shared>>
      tpu.enqueue_dma source(%arg7 : memref<48x128xf32, #tpu.memory_space<vmem>>) target(%dma_start3A_746 : memref<48x128xf32, #tpu.memory_space<vmem_shared>>) target_semaphore(%run_scoped3A : memref<!tpu.dma_semaphore, #tpu.memory_space<semaphore_mem>>)
      %dma_wait3A_747 = arith.constant 0 : i32
      %dma_wait3A_748 = tpu.memref_slice %arg12[%add3A_439, %dma_wait3A_747] : memref<10000x128xf32, #tpu.memory_space<vmem_shared>> -> memref<48x128xf32, #tpu.memory_space<vmem_shared>>
      %dma_wait3A_749 = arith.constant 0 : i32
      %dma_wait3A_750 = tpu.memref_slice %arg12[%add3A_439, %dma_wait3A_749] : memref<10000x128xf32, #tpu.memory_space<vmem_shared>> -> memref<48x128xf32, #tpu.memory_space<vmem_shared>>
      tpu.wait_dma2 semaphore(%run_scoped3A : memref<!tpu.dma_semaphore, #tpu.memory_space<semaphore_mem>>) src(%arg7 : memref<48x128xf32, #tpu.memory_space<vmem>>) dst(%dma_wait3A_750 : memref<48x128xf32, #tpu.memory_space<vmem_shared>>)
      tpu.yield
    }) : () -> ()
    %add3A_440 = arith.constant 432 : i32
    %add3A_441 = arith.addi %mul3A_2, %add3A_440 : i32
    "tpu.region"() ({
      %run_scoped3A = tpu.sem_alloc : memref<!tpu.dma_semaphore, #tpu.memory_space<semaphore_mem>>
      %dma_start3A_743 = arith.constant 0 : i32
      %dma_start3A_744 = tpu.memref_slice %arg12[%add3A_441, %dma_start3A_743] : memref<10000x128xf32, #tpu.memory_space<vmem_shared>> -> memref<48x128xf32, #tpu.memory_space<vmem_shared>>
      %dma_start3A_745 = arith.constant 0 : i32
      %dma_start3A_746 = tpu.memref_slice %arg12[%add3A_441, %dma_start3A_745] : memref<10000x128xf32, #tpu.memory_space<vmem_shared>> -> memref<48x128xf32, #tpu.memory_space<vmem_shared>>
      tpu.enqueue_dma source(%arg7 : memref<48x128xf32, #tpu.memory_space<vmem>>) target(%dma_start3A_746 : memref<48x128xf32, #tpu.memory_space<vmem_shared>>) target_semaphore(%run_scoped3A : memref<!tpu.dma_semaphore, #tpu.memory_space<semaphore_mem>>)
      %dma_wait3A_747 = arith.constant 0 : i32
      %dma_wait3A_748 = tpu.memref_slice %arg12[%add3A_441, %dma_wait3A_747] : memref<10000x128xf32, #tpu.memory_space<vmem_shared>> -> memref<48x128xf32, #tpu.memory_space<vmem_shared>>
      %dma_wait3A_749 = arith.constant 0 : i32
      %dma_wait3A_750 = tpu.memref_slice %arg12[%add3A_441, %dma_wait3A_749] : memref<10000x128xf32, #tpu.memory_space<vmem_shared>> -> memref<48x128xf32, #tpu.memory_space<vmem_shared>>
      tpu.wait_dma2 semaphore(%run_scoped3A : memref<!tpu.dma_semaphore, #tpu.memory_space<semaphore_mem>>) src(%arg7 : memref<48x128xf32, #tpu.memory_space<vmem>>) dst(%dma_wait3A_750 : memref<48x128xf32, #tpu.memory_space<vmem_shared>>)
      tpu.yield
    }) : () -> ()
    %add3A_442 = arith.constant 480 : i32
    %add3A_443 = arith.addi %mul3A_2, %add3A_442 : i32
    "tpu.region"() ({
      %run_scoped3A = tpu.sem_alloc : memref<!tpu.dma_semaphore, #tpu.memory_space<semaphore_mem>>
      %dma_start3A_743 = arith.constant 0 : i32
      %dma_start3A_744 = tpu.memref_slice %arg12[%add3A_443, %dma_start3A_743] : memref<10000x128xf32, #tpu.memory_space<vmem_shared>> -> memref<48x128xf32, #tpu.memory_space<vmem_shared>>
      %dma_start3A_745 = arith.constant 0 : i32
      %dma_start3A_746 = tpu.memref_slice %arg12[%add3A_443, %dma_start3A_745] : memref<10000x128xf32, #tpu.memory_space<vmem_shared>> -> memref<48x128xf32, #tpu.memory_space<vmem_shared>>
      tpu.enqueue_dma source(%arg7 : memref<48x128xf32, #tpu.memory_space<vmem>>) target(%dma_start3A_746 : memref<48x128xf32, #tpu.memory_space<vmem_shared>>) target_semaphore(%run_scoped3A : memref<!tpu.dma_semaphore, #tpu.memory_space<semaphore_mem>>)
      %dma_wait3A_747 = arith.constant 0 : i32
      %dma_wait3A_748 = tpu.memref_slice %arg12[%add3A_443, %dma_wait3A_747] : memref<10000x128xf32, #tpu.memory_space<vmem_shared>> -> memref<48x128xf32, #tpu.memory_space<vmem_shared>>
      %dma_wait3A_749 = arith.constant 0 : i32
      %dma_wait3A_750 = tpu.memref_slice %arg12[%add3A_443, %dma_wait3A_749] : memref<10000x128xf32, #tpu.memory_space<vmem_shared>> -> memref<48x128xf32, #tpu.memory_space<vmem_shared>>
      tpu.wait_dma2 semaphore(%run_scoped3A : memref<!tpu.dma_semaphore, #tpu.memory_space<semaphore_mem>>) src(%arg7 : memref<48x128xf32, #tpu.memory_space<vmem>>) dst(%dma_wait3A_750 : memref<48x128xf32, #tpu.memory_space<vmem_shared>>)
      tpu.yield
    }) : () -> ()
    %add3A_444 = arith.constant 528 : i32
    %add3A_445 = arith.addi %mul3A_2, %add3A_444 : i32
    "tpu.region"() ({
      %run_scoped3A = tpu.sem_alloc : memref<!tpu.dma_semaphore, #tpu.memory_space<semaphore_mem>>
      %dma_start3A_743 = arith.constant 0 : i32
      %dma_start3A_744 = tpu.memref_slice %arg12[%add3A_445, %dma_start3A_743] : memref<10000x128xf32, #tpu.memory_space<vmem_shared>> -> memref<48x128xf32, #tpu.memory_space<vmem_shared>>
      %dma_start3A_745 = arith.constant 0 : i32
      %dma_start3A_746 = tpu.memref_slice %arg12[%add3A_445, %dma_start3A_745] : memref<10000x128xf32, #tpu.memory_space<vmem_shared>> -> memref<48x128xf32, #tpu.memory_space<vmem_shared>>
      tpu.enqueue_dma source(%arg7 : memref<48x128xf32, #tpu.memory_space<vmem>>) target(%dma_start3A_746 : memref<48x128xf32, #tpu.memory_space<vmem_shared>>) target_semaphore(%run_scoped3A : memref<!tpu.dma_semaphore, #tpu.memory_space<semaphore_mem>>)
      %dma_wait3A_747 = arith.constant 0 : i32
      %dma_wait3A_748 = tpu.memref_slice %arg12[%add3A_445, %dma_wait3A_747] : memref<10000x128xf32, #tpu.memory_space<vmem_shared>> -> memref<48x128xf32, #tpu.memory_space<vmem_shared>>
      %dma_wait3A_749 = arith.constant 0 : i32
      %dma_wait3A_750 = tpu.memref_slice %arg12[%add3A_445, %dma_wait3A_749] : memref<10000x128xf32, #tpu.memory_space<vmem_shared>> -> memref<48x128xf32, #tpu.memory_space<vmem_shared>>
      tpu.wait_dma2 semaphore(%run_scoped3A : memref<!tpu.dma_semaphore, #tpu.memory_space<semaphore_mem>>) src(%arg7 : memref<48x128xf32, #tpu.memory_space<vmem>>) dst(%dma_wait3A_750 : memref<48x128xf32, #tpu.memory_space<vmem_shared>>)
      tpu.yield
    }) : () -> ()
    %add3A_446 = arith.constant 576 : i32
    %add3A_447 = arith.addi %mul3A_2, %add3A_446 : i32
    "tpu.region"() ({
      %run_scoped3A = tpu.sem_alloc : memref<!tpu.dma_semaphore, #tpu.memory_space<semaphore_mem>>
      %dma_start3A_743 = arith.constant 0 : i32
      %dma_start3A_744 = tpu.memref_slice %arg12[%add3A_447, %dma_start3A_743] : memref<10000x128xf32, #tpu.memory_space<vmem_shared>> -> memref<48x128xf32, #tpu.memory_space<vmem_shared>>
      %dma_start3A_745 = arith.constant 0 : i32
      %dma_start3A_746 = tpu.memref_slice %arg12[%add3A_447, %dma_start3A_745] : memref<10000x128xf32, #tpu.memory_space<vmem_shared>> -> memref<48x128xf32, #tpu.memory_space<vmem_shared>>
      tpu.enqueue_dma source(%arg7 : memref<48x128xf32, #tpu.memory_space<vmem>>) target(%dma_start3A_746 : memref<48x128xf32, #tpu.memory_space<vmem_shared>>) target_semaphore(%run_scoped3A : memref<!tpu.dma_semaphore, #tpu.memory_space<semaphore_mem>>)
      %dma_wait3A_747 = arith.constant 0 : i32
      %dma_wait3A_748 = tpu.memref_slice %arg12[%add3A_447, %dma_wait3A_747] : memref<10000x128xf32, #tpu.memory_space<vmem_shared>> -> memref<48x128xf32, #tpu.memory_space<vmem_shared>>
      %dma_wait3A_749 = arith.constant 0 : i32
      %dma_wait3A_750 = tpu.memref_slice %arg12[%add3A_447, %dma_wait3A_749] : memref<10000x128xf32, #tpu.memory_space<vmem_shared>> -> memref<48x128xf32, #tpu.memory_space<vmem_shared>>
      tpu.wait_dma2 semaphore(%run_scoped3A : memref<!tpu.dma_semaphore, #tpu.memory_space<semaphore_mem>>) src(%arg7 : memref<48x128xf32, #tpu.memory_space<vmem>>) dst(%dma_wait3A_750 : memref<48x128xf32, #tpu.memory_space<vmem_shared>>)
      tpu.yield
    }) : () -> ()
    %convert_element_type3A_448 = arith.extui %eq3A_3 : i1 to i32
    %cond3A_449 = arith.constant 0 : i32
    %cond3A_450 = arith.cmpi ne, %convert_element_type3A_448, %cond3A_449 : i32
    scf.if %cond3A_450 {
      %add3A_743 = arith.constant 624 : i32
      %add3A_744 = arith.addi %mul3A_2, %add3A_743 : i32
      "tpu.region"() ({
        %run_scoped3A = tpu.sem_alloc : memref<!tpu.dma_semaphore, #tpu.memory_space<semaphore_mem>>
        %dma_start3A_745 = arith.constant 0 : i32
        %dma_start3A_746 = arith.constant 0 : i32
        %dma_start3A_747 = tpu.memref_slice %arg7[%dma_start3A_745, %dma_start3A_746] : memref<48x128xf32, #tpu.memory_space<vmem>> -> memref<16x128xf32, #tpu.memory_space<vmem>>
        %dma_start3A_748 = arith.constant 0 : i32
        %dma_start3A_749 = tpu.memref_slice %arg12[%add3A_744, %dma_start3A_748] : memref<10000x128xf32, #tpu.memory_space<vmem_shared>> -> memref<16x128xf32, #tpu.memory_space<vmem_shared>>
        %dma_start3A_750 = arith.constant 0 : i32
        %dma_start3A_751 = tpu.memref_slice %arg12[%add3A_744, %dma_start3A_750] : memref<10000x128xf32, #tpu.memory_space<vmem_shared>> -> memref<16x128xf32, #tpu.memory_space<vmem_shared>>
        %dma_start3A_752 = arith.constant 0 : i32
        %dma_start3A_753 = arith.constant 0 : i32
        %dma_start3A_754 = tpu.memref_slice %arg7[%dma_start3A_752, %dma_start3A_753] : memref<48x128xf32, #tpu.memory_space<vmem>> -> memref<16x128xf32, #tpu.memory_space<vmem>>
        tpu.enqueue_dma source(%dma_start3A_754 : memref<16x128xf32, #tpu.memory_space<vmem>>) target(%dma_start3A_751 : memref<16x128xf32, #tpu.memory_space<vmem_shared>>) target_semaphore(%run_scoped3A : memref<!tpu.dma_semaphore, #tpu.memory_space<semaphore_mem>>)
        %dma_wait3A_755 = arith.constant 0 : i32
        %dma_wait3A_756 = arith.constant 0 : i32
        %dma_wait3A_757 = tpu.memref_slice %arg7[%dma_wait3A_755, %dma_wait3A_756] : memref<48x128xf32, #tpu.memory_space<vmem>> -> memref<16x128xf32, #tpu.memory_space<vmem>>
        %dma_wait3A_758 = arith.constant 0 : i32
        %dma_wait3A_759 = tpu.memref_slice %arg12[%add3A_744, %dma_wait3A_758] : memref<10000x128xf32, #tpu.memory_space<vmem_shared>> -> memref<16x128xf32, #tpu.memory_space<vmem_shared>>
        %dma_wait3A_760 = arith.constant 0 : i32
        %dma_wait3A_761 = tpu.memref_slice %arg12[%add3A_744, %dma_wait3A_760] : memref<10000x128xf32, #tpu.memory_space<vmem_shared>> -> memref<16x128xf32, #tpu.memory_space<vmem_shared>>
        %dma_wait3A_762 = arith.constant 0 : i32
        %dma_wait3A_763 = arith.constant 0 : i32
        %dma_wait3A_764 = tpu.memref_slice %arg7[%dma_wait3A_762, %dma_wait3A_763] : memref<48x128xf32, #tpu.memory_space<vmem>> -> memref<16x128xf32, #tpu.memory_space<vmem>>
        tpu.wait_dma2 semaphore(%run_scoped3A : memref<!tpu.dma_semaphore, #tpu.memory_space<semaphore_mem>>) src(%dma_wait3A_764 : memref<16x128xf32, #tpu.memory_space<vmem>>) dst(%dma_wait3A_761 : memref<16x128xf32, #tpu.memory_space<vmem_shared>>)
        tpu.yield
      }) : () -> ()
    } else {
    }
    %barrier3A_451 = arith.constant 0 : index
    tpu.barrier barrier_id(%barrier3A_451)
    %mul3A_452 = arith.constant 1250 : i32
    %mul3A_453 = arith.muli %arg1, %mul3A_452 : i32
    %add3A_454 = arith.constant 0 : i32
    %add3A_455 = arith.addi %mul3A_453, %add3A_454 : i32
    %add3A_456 = arith.constant 0 : i32
    %add3A_457 = arith.addi %add3A_455, %add3A_456 : i32
    %dma_start3A_458 = arith.constant 0 : i32
    %dma_start3A_459 = arith.constant 0 : i32
    %dma_start3A_460 = tpu.memref_slice %arg7[%dma_start3A_458, %dma_start3A_459] : memref<48x128xf32, #tpu.memory_space<vmem>> -> memref<8x128xf32, #tpu.memory_space<vmem>>
    %dma_start3A_461 = arith.constant 0 : i32
    %dma_start3A_462 = arith.constant 0 : i32
    %dma_start3A_463 = tpu.memref_slice %arg2[%add3A_457, %add3A_412, %dma_start3A_461, %dma_start3A_462] : memref<20000x4x8x128xf32, #tpu.memory_space<hbm>> -> memref<1x1x8x128xf32, #tpu.memory_space<hbm>>
    %dma_start3A_464 = tpu.memref_squeeze %dma_start3A_463 : memref<1x1x8x128xf32, #tpu.memory_space<hbm>> -> memref<8x128xf32, #tpu.memory_space<hbm>>
    %dma_start3A_465 = arith.constant 0 : i32
    %dma_start3A_466 = arith.constant 0 : i32
    %dma_start3A_467 = tpu.memref_slice %arg7[%dma_start3A_465, %dma_start3A_466] : memref<48x128xf32, #tpu.memory_space<vmem>> -> memref<8x128xf32, #tpu.memory_space<vmem>>
    %dma_start3A_468 = arith.constant 0 : i32
    %dma_start3A_469 = arith.constant 0 : i32
    %dma_start3A_470 = tpu.memref_slice %arg2[%add3A_457, %add3A_412, %dma_start3A_468, %dma_start3A_469] : memref<20000x4x8x128xf32, #tpu.memory_space<hbm>> -> memref<1x1x8x128xf32, #tpu.memory_space<hbm>>
    %dma_start3A_471 = tpu.memref_squeeze %dma_start3A_470 : memref<1x1x8x128xf32, #tpu.memory_space<hbm>> -> memref<8x128xf32, #tpu.memory_space<hbm>>
    tpu.enqueue_dma source(%dma_start3A_471 : memref<8x128xf32, #tpu.memory_space<hbm>>) target(%dma_start3A_467 : memref<8x128xf32, #tpu.memory_space<vmem>>) target_semaphore(%arg14 : memref<!tpu.dma_semaphore, #tpu.memory_space<semaphore_mem>>)
    %mul3A_472 = arith.constant 1250 : i32
    %mul3A_473 = arith.muli %arg1, %mul3A_472 : i32
    %add3A_474 = arith.constant 0 : i32
    %add3A_475 = arith.addi %mul3A_473, %add3A_474 : i32
    %add3A_476 = arith.constant 1 : i32
    %add3A_477 = arith.addi %add3A_475, %add3A_476 : i32
    %dma_start3A_478 = arith.constant 8 : i32
    %dma_start3A_479 = arith.constant 0 : i32
    %dma_start3A_480 = tpu.memref_slice %arg7[%dma_start3A_478, %dma_start3A_479] : memref<48x128xf32, #tpu.memory_space<vmem>> -> memref<8x128xf32, #tpu.memory_space<vmem>>
    %dma_start3A_481 = arith.constant 0 : i32
    %dma_start3A_482 = arith.constant 0 : i32
    %dma_start3A_483 = tpu.memref_slice %arg2[%add3A_477, %add3A_412, %dma_start3A_481, %dma_start3A_482] : memref<20000x4x8x128xf32, #tpu.memory_space<hbm>> -> memref<1x1x8x128xf32, #tpu.memory_space<hbm>>
    %dma_start3A_484 = tpu.memref_squeeze %dma_start3A_483 : memref<1x1x8x128xf32, #tpu.memory_space<hbm>> -> memref<8x128xf32, #tpu.memory_space<hbm>>
    %dma_start3A_485 = arith.constant 8 : i32
    %dma_start3A_486 = arith.constant 0 : i32
    %dma_start3A_487 = tpu.memref_slice %arg7[%dma_start3A_485, %dma_start3A_486] : memref<48x128xf32, #tpu.memory_space<vmem>> -> memref<8x128xf32, #tpu.memory_space<vmem>>
    %dma_start3A_488 = arith.constant 0 : i32
    %dma_start3A_489 = arith.constant 0 : i32
    %dma_start3A_490 = tpu.memref_slice %arg2[%add3A_477, %add3A_412, %dma_start3A_488, %dma_start3A_489] : memref<20000x4x8x128xf32, #tpu.memory_space<hbm>> -> memref<1x1x8x128xf32, #tpu.memory_space<hbm>>
    %dma_start3A_491 = tpu.memref_squeeze %dma_start3A_490 : memref<1x1x8x128xf32, #tpu.memory_space<hbm>> -> memref<8x128xf32, #tpu.memory_space<hbm>>
    tpu.enqueue_dma source(%dma_start3A_491 : memref<8x128xf32, #tpu.memory_space<hbm>>) target(%dma_start3A_487 : memref<8x128xf32, #tpu.memory_space<vmem>>) target_semaphore(%arg14 : memref<!tpu.dma_semaphore, #tpu.memory_space<semaphore_mem>>)
    %mul3A_492 = arith.constant 1250 : i32
    %mul3A_493 = arith.muli %arg1, %mul3A_492 : i32
    %add3A_494 = arith.constant 0 : i32
    %add3A_495 = arith.addi %mul3A_493, %add3A_494 : i32
    %add3A_496 = arith.constant 2 : i32
    %add3A_497 = arith.addi %add3A_495, %add3A_496 : i32
    %dma_start3A_498 = arith.constant 16 : i32
    %dma_start3A_499 = arith.constant 0 : i32
    %dma_start3A_500 = tpu.memref_slice %arg7[%dma_start3A_498, %dma_start3A_499] : memref<48x128xf32, #tpu.memory_space<vmem>> -> memref<8x128xf32, #tpu.memory_space<vmem>>
    %dma_start3A_501 = arith.constant 0 : i32
    %dma_start3A_502 = arith.constant 0 : i32
    %dma_start3A_503 = tpu.memref_slice %arg2[%add3A_497, %add3A_412, %dma_start3A_501, %dma_start3A_502] : memref<20000x4x8x128xf32, #tpu.memory_space<hbm>> -> memref<1x1x8x128xf32, #tpu.memory_space<hbm>>
    %dma_start3A_504 = tpu.memref_squeeze %dma_start3A_503 : memref<1x1x8x128xf32, #tpu.memory_space<hbm>> -> memref<8x128xf32, #tpu.memory_space<hbm>>
    %dma_start3A_505 = arith.constant 16 : i32
    %dma_start3A_506 = arith.constant 0 : i32
    %dma_start3A_507 = tpu.memref_slice %arg7[%dma_start3A_505, %dma_start3A_506] : memref<48x128xf32, #tpu.memory_space<vmem>> -> memref<8x128xf32, #tpu.memory_space<vmem>>
    %dma_start3A_508 = arith.constant 0 : i32
    %dma_start3A_509 = arith.constant 0 : i32
    %dma_start3A_510 = tpu.memref_slice %arg2[%add3A_497, %add3A_412, %dma_start3A_508, %dma_start3A_509] : memref<20000x4x8x128xf32, #tpu.memory_space<hbm>> -> memref<1x1x8x128xf32, #tpu.memory_space<hbm>>
    %dma_start3A_511 = tpu.memref_squeeze %dma_start3A_510 : memref<1x1x8x128xf32, #tpu.memory_space<hbm>> -> memref<8x128xf32, #tpu.memory_space<hbm>>
    tpu.enqueue_dma source(%dma_start3A_511 : memref<8x128xf32, #tpu.memory_space<hbm>>) target(%dma_start3A_507 : memref<8x128xf32, #tpu.memory_space<vmem>>) target_semaphore(%arg14 : memref<!tpu.dma_semaphore, #tpu.memory_space<semaphore_mem>>)
    %mul3A_512 = arith.constant 1250 : i32
    %mul3A_513 = arith.muli %arg1, %mul3A_512 : i32
    %add3A_514 = arith.constant 0 : i32
    %add3A_515 = arith.addi %mul3A_513, %add3A_514 : i32
    %add3A_516 = arith.constant 3 : i32
    %add3A_517 = arith.addi %add3A_515, %add3A_516 : i32
    %dma_start3A_518 = arith.constant 24 : i32
    %dma_start3A_519 = arith.constant 0 : i32
    %dma_start3A_520 = tpu.memref_slice %arg7[%dma_start3A_518, %dma_start3A_519] : memref<48x128xf32, #tpu.memory_space<vmem>> -> memref<8x128xf32, #tpu.memory_space<vmem>>
    %dma_start3A_521 = arith.constant 0 : i32
    %dma_start3A_522 = arith.constant 0 : i32
    %dma_start3A_523 = tpu.memref_slice %arg2[%add3A_517, %add3A_412, %dma_start3A_521, %dma_start3A_522] : memref<20000x4x8x128xf32, #tpu.memory_space<hbm>> -> memref<1x1x8x128xf32, #tpu.memory_space<hbm>>
    %dma_start3A_524 = tpu.memref_squeeze %dma_start3A_523 : memref<1x1x8x128xf32, #tpu.memory_space<hbm>> -> memref<8x128xf32, #tpu.memory_space<hbm>>
    %dma_start3A_525 = arith.constant 24 : i32
    %dma_start3A_526 = arith.constant 0 : i32
    %dma_start3A_527 = tpu.memref_slice %arg7[%dma_start3A_525, %dma_start3A_526] : memref<48x128xf32, #tpu.memory_space<vmem>> -> memref<8x128xf32, #tpu.memory_space<vmem>>
    %dma_start3A_528 = arith.constant 0 : i32
    %dma_start3A_529 = arith.constant 0 : i32
    %dma_start3A_530 = tpu.memref_slice %arg2[%add3A_517, %add3A_412, %dma_start3A_528, %dma_start3A_529] : memref<20000x4x8x128xf32, #tpu.memory_space<hbm>> -> memref<1x1x8x128xf32, #tpu.memory_space<hbm>>
    %dma_start3A_531 = tpu.memref_squeeze %dma_start3A_530 : memref<1x1x8x128xf32, #tpu.memory_space<hbm>> -> memref<8x128xf32, #tpu.memory_space<hbm>>
    tpu.enqueue_dma source(%dma_start3A_531 : memref<8x128xf32, #tpu.memory_space<hbm>>) target(%dma_start3A_527 : memref<8x128xf32, #tpu.memory_space<vmem>>) target_semaphore(%arg14 : memref<!tpu.dma_semaphore, #tpu.memory_space<semaphore_mem>>)
    %mul3A_532 = arith.constant 1250 : i32
    %mul3A_533 = arith.muli %arg1, %mul3A_532 : i32
    %add3A_534 = arith.constant 0 : i32
    %add3A_535 = arith.addi %mul3A_533, %add3A_534 : i32
    %add3A_536 = arith.constant 4 : i32
    %add3A_537 = arith.addi %add3A_535, %add3A_536 : i32
    %dma_start3A_538 = arith.constant 32 : i32
    %dma_start3A_539 = arith.constant 0 : i32
    %dma_start3A_540 = tpu.memref_slice %arg7[%dma_start3A_538, %dma_start3A_539] : memref<48x128xf32, #tpu.memory_space<vmem>> -> memref<8x128xf32, #tpu.memory_space<vmem>>
    %dma_start3A_541 = arith.constant 0 : i32
    %dma_start3A_542 = arith.constant 0 : i32
    %dma_start3A_543 = tpu.memref_slice %arg2[%add3A_537, %add3A_412, %dma_start3A_541, %dma_start3A_542] : memref<20000x4x8x128xf32, #tpu.memory_space<hbm>> -> memref<1x1x8x128xf32, #tpu.memory_space<hbm>>
    %dma_start3A_544 = tpu.memref_squeeze %dma_start3A_543 : memref<1x1x8x128xf32, #tpu.memory_space<hbm>> -> memref<8x128xf32, #tpu.memory_space<hbm>>
    %dma_start3A_545 = arith.constant 32 : i32
    %dma_start3A_546 = arith.constant 0 : i32
    %dma_start3A_547 = tpu.memref_slice %arg7[%dma_start3A_545, %dma_start3A_546] : memref<48x128xf32, #tpu.memory_space<vmem>> -> memref<8x128xf32, #tpu.memory_space<vmem>>
    %dma_start3A_548 = arith.constant 0 : i32
    %dma_start3A_549 = arith.constant 0 : i32
    %dma_start3A_550 = tpu.memref_slice %arg2[%add3A_537, %add3A_412, %dma_start3A_548, %dma_start3A_549] : memref<20000x4x8x128xf32, #tpu.memory_space<hbm>> -> memref<1x1x8x128xf32, #tpu.memory_space<hbm>>
    %dma_start3A_551 = tpu.memref_squeeze %dma_start3A_550 : memref<1x1x8x128xf32, #tpu.memory_space<hbm>> -> memref<8x128xf32, #tpu.memory_space<hbm>>
    tpu.enqueue_dma source(%dma_start3A_551 : memref<8x128xf32, #tpu.memory_space<hbm>>) target(%dma_start3A_547 : memref<8x128xf32, #tpu.memory_space<vmem>>) target_semaphore(%arg14 : memref<!tpu.dma_semaphore, #tpu.memory_space<semaphore_mem>>)
    %mul3A_552 = arith.constant 1250 : i32
    %mul3A_553 = arith.muli %arg1, %mul3A_552 : i32
    %add3A_554 = arith.constant 0 : i32
    %add3A_555 = arith.addi %mul3A_553, %add3A_554 : i32
    %add3A_556 = arith.constant 5 : i32
    %add3A_557 = arith.addi %add3A_555, %add3A_556 : i32
    %dma_start3A_558 = arith.constant 40 : i32
    %dma_start3A_559 = arith.constant 0 : i32
    %dma_start3A_560 = tpu.memref_slice %arg7[%dma_start3A_558, %dma_start3A_559] : memref<48x128xf32, #tpu.memory_space<vmem>> -> memref<8x128xf32, #tpu.memory_space<vmem>>
    %dma_start3A_561 = arith.constant 0 : i32
    %dma_start3A_562 = arith.constant 0 : i32
    %dma_start3A_563 = tpu.memref_slice %arg2[%add3A_557, %add3A_412, %dma_start3A_561, %dma_start3A_562] : memref<20000x4x8x128xf32, #tpu.memory_space<hbm>> -> memref<1x1x8x128xf32, #tpu.memory_space<hbm>>
    %dma_start3A_564 = tpu.memref_squeeze %dma_start3A_563 : memref<1x1x8x128xf32, #tpu.memory_space<hbm>> -> memref<8x128xf32, #tpu.memory_space<hbm>>
    %dma_start3A_565 = arith.constant 40 : i32
    %dma_start3A_566 = arith.constant 0 : i32
    %dma_start3A_567 = tpu.memref_slice %arg7[%dma_start3A_565, %dma_start3A_566] : memref<48x128xf32, #tpu.memory_space<vmem>> -> memref<8x128xf32, #tpu.memory_space<vmem>>
    %dma_start3A_568 = arith.constant 0 : i32
    %dma_start3A_569 = arith.constant 0 : i32
    %dma_start3A_570 = tpu.memref_slice %arg2[%add3A_557, %add3A_412, %dma_start3A_568, %dma_start3A_569] : memref<20000x4x8x128xf32, #tpu.memory_space<hbm>> -> memref<1x1x8x128xf32, #tpu.memory_space<hbm>>
    %dma_start3A_571 = tpu.memref_squeeze %dma_start3A_570 : memref<1x1x8x128xf32, #tpu.memory_space<hbm>> -> memref<8x128xf32, #tpu.memory_space<hbm>>
    tpu.enqueue_dma source(%dma_start3A_571 : memref<8x128xf32, #tpu.memory_space<hbm>>) target(%dma_start3A_567 : memref<8x128xf32, #tpu.memory_space<vmem>>) target_semaphore(%arg14 : memref<!tpu.dma_semaphore, #tpu.memory_space<semaphore_mem>>)
    %mul3A_572 = arith.constant 1250 : i32
    %mul3A_573 = arith.muli %arg1, %mul3A_572 : i32
    %add3A_574 = arith.constant 6 : i32
    %add3A_575 = arith.addi %mul3A_573, %add3A_574 : i32
    %add3A_576 = arith.constant 0 : i32
    %add3A_577 = arith.addi %add3A_575, %add3A_576 : i32
    %dma_start3A_578 = arith.constant 0 : i32
    %dma_start3A_579 = arith.constant 0 : i32
    %dma_start3A_580 = tpu.memref_slice %arg8[%dma_start3A_578, %dma_start3A_579] : memref<48x128xf32, #tpu.memory_space<vmem>> -> memref<8x128xf32, #tpu.memory_space<vmem>>
    %dma_start3A_581 = arith.constant 0 : i32
    %dma_start3A_582 = arith.constant 0 : i32
    %dma_start3A_583 = tpu.memref_slice %arg2[%add3A_577, %add3A_412, %dma_start3A_581, %dma_start3A_582] : memref<20000x4x8x128xf32, #tpu.memory_space<hbm>> -> memref<1x1x8x128xf32, #tpu.memory_space<hbm>>
    %dma_start3A_584 = tpu.memref_squeeze %dma_start3A_583 : memref<1x1x8x128xf32, #tpu.memory_space<hbm>> -> memref<8x128xf32, #tpu.memory_space<hbm>>
    %dma_start3A_585 = arith.constant 0 : i32
    %dma_start3A_586 = arith.constant 0 : i32
    %dma_start3A_587 = tpu.memref_slice %arg8[%dma_start3A_585, %dma_start3A_586] : memref<48x128xf32, #tpu.memory_space<vmem>> -> memref<8x128xf32, #tpu.memory_space<vmem>>
    %dma_start3A_588 = arith.constant 0 : i32
    %dma_start3A_589 = arith.constant 0 : i32
    %dma_start3A_590 = tpu.memref_slice %arg2[%add3A_577, %add3A_412, %dma_start3A_588, %dma_start3A_589] : memref<20000x4x8x128xf32, #tpu.memory_space<hbm>> -> memref<1x1x8x128xf32, #tpu.memory_space<hbm>>
    %dma_start3A_591 = tpu.memref_squeeze %dma_start3A_590 : memref<1x1x8x128xf32, #tpu.memory_space<hbm>> -> memref<8x128xf32, #tpu.memory_space<hbm>>
    tpu.enqueue_dma source(%dma_start3A_591 : memref<8x128xf32, #tpu.memory_space<hbm>>) target(%dma_start3A_587 : memref<8x128xf32, #tpu.memory_space<vmem>>) target_semaphore(%arg15 : memref<!tpu.dma_semaphore, #tpu.memory_space<semaphore_mem>>)
    %mul3A_592 = arith.constant 1250 : i32
    %mul3A_593 = arith.muli %arg1, %mul3A_592 : i32
    %add3A_594 = arith.constant 6 : i32
    %add3A_595 = arith.addi %mul3A_593, %add3A_594 : i32
    %add3A_596 = arith.constant 1 : i32
    %add3A_597 = arith.addi %add3A_595, %add3A_596 : i32
    %dma_start3A_598 = arith.constant 8 : i32
    %dma_start3A_599 = arith.constant 0 : i32
    %dma_start3A_600 = tpu.memref_slice %arg8[%dma_start3A_598, %dma_start3A_599] : memref<48x128xf32, #tpu.memory_space<vmem>> -> memref<8x128xf32, #tpu.memory_space<vmem>>
    %dma_start3A_601 = arith.constant 0 : i32
    %dma_start3A_602 = arith.constant 0 : i32
    %dma_start3A_603 = tpu.memref_slice %arg2[%add3A_597, %add3A_412, %dma_start3A_601, %dma_start3A_602] : memref<20000x4x8x128xf32, #tpu.memory_space<hbm>> -> memref<1x1x8x128xf32, #tpu.memory_space<hbm>>
    %dma_start3A_604 = tpu.memref_squeeze %dma_start3A_603 : memref<1x1x8x128xf32, #tpu.memory_space<hbm>> -> memref<8x128xf32, #tpu.memory_space<hbm>>
    %dma_start3A_605 = arith.constant 8 : i32
    %dma_start3A_606 = arith.constant 0 : i32
    %dma_start3A_607 = tpu.memref_slice %arg8[%dma_start3A_605, %dma_start3A_606] : memref<48x128xf32, #tpu.memory_space<vmem>> -> memref<8x128xf32, #tpu.memory_space<vmem>>
    %dma_start3A_608 = arith.constant 0 : i32
    %dma_start3A_609 = arith.constant 0 : i32
    %dma_start3A_610 = tpu.memref_slice %arg2[%add3A_597, %add3A_412, %dma_start3A_608, %dma_start3A_609] : memref<20000x4x8x128xf32, #tpu.memory_space<hbm>> -> memref<1x1x8x128xf32, #tpu.memory_space<hbm>>
    %dma_start3A_611 = tpu.memref_squeeze %dma_start3A_610 : memref<1x1x8x128xf32, #tpu.memory_space<hbm>> -> memref<8x128xf32, #tpu.memory_space<hbm>>
    tpu.enqueue_dma source(%dma_start3A_611 : memref<8x128xf32, #tpu.memory_space<hbm>>) target(%dma_start3A_607 : memref<8x128xf32, #tpu.memory_space<vmem>>) target_semaphore(%arg15 : memref<!tpu.dma_semaphore, #tpu.memory_space<semaphore_mem>>)
    %mul3A_612 = arith.constant 1250 : i32
    %mul3A_613 = arith.muli %arg1, %mul3A_612 : i32
    %add3A_614 = arith.constant 6 : i32
    %add3A_615 = arith.addi %mul3A_613, %add3A_614 : i32
    %add3A_616 = arith.constant 2 : i32
    %add3A_617 = arith.addi %add3A_615, %add3A_616 : i32
    %dma_start3A_618 = arith.constant 16 : i32
    %dma_start3A_619 = arith.constant 0 : i32
    %dma_start3A_620 = tpu.memref_slice %arg8[%dma_start3A_618, %dma_start3A_619] : memref<48x128xf32, #tpu.memory_space<vmem>> -> memref<8x128xf32, #tpu.memory_space<vmem>>
    %dma_start3A_621 = arith.constant 0 : i32
    %dma_start3A_622 = arith.constant 0 : i32
    %dma_start3A_623 = tpu.memref_slice %arg2[%add3A_617, %add3A_412, %dma_start3A_621, %dma_start3A_622] : memref<20000x4x8x128xf32, #tpu.memory_space<hbm>> -> memref<1x1x8x128xf32, #tpu.memory_space<hbm>>
    %dma_start3A_624 = tpu.memref_squeeze %dma_start3A_623 : memref<1x1x8x128xf32, #tpu.memory_space<hbm>> -> memref<8x128xf32, #tpu.memory_space<hbm>>
    %dma_start3A_625 = arith.constant 16 : i32
    %dma_start3A_626 = arith.constant 0 : i32
    %dma_start3A_627 = tpu.memref_slice %arg8[%dma_start3A_625, %dma_start3A_626] : memref<48x128xf32, #tpu.memory_space<vmem>> -> memref<8x128xf32, #tpu.memory_space<vmem>>
    %dma_start3A_628 = arith.constant 0 : i32
    %dma_start3A_629 = arith.constant 0 : i32
    %dma_start3A_630 = tpu.memref_slice %arg2[%add3A_617, %add3A_412, %dma_start3A_628, %dma_start3A_629] : memref<20000x4x8x128xf32, #tpu.memory_space<hbm>> -> memref<1x1x8x128xf32, #tpu.memory_space<hbm>>
    %dma_start3A_631 = tpu.memref_squeeze %dma_start3A_630 : memref<1x1x8x128xf32, #tpu.memory_space<hbm>> -> memref<8x128xf32, #tpu.memory_space<hbm>>
    tpu.enqueue_dma source(%dma_start3A_631 : memref<8x128xf32, #tpu.memory_space<hbm>>) target(%dma_start3A_627 : memref<8x128xf32, #tpu.memory_space<vmem>>) target_semaphore(%arg15 : memref<!tpu.dma_semaphore, #tpu.memory_space<semaphore_mem>>)
    %mul3A_632 = arith.constant 1250 : i32
    %mul3A_633 = arith.muli %arg1, %mul3A_632 : i32
    %add3A_634 = arith.constant 6 : i32
    %add3A_635 = arith.addi %mul3A_633, %add3A_634 : i32
    %add3A_636 = arith.constant 3 : i32
    %add3A_637 = arith.addi %add3A_635, %add3A_636 : i32
    %dma_start3A_638 = arith.constant 24 : i32
    %dma_start3A_639 = arith.constant 0 : i32
    %dma_start3A_640 = tpu.memref_slice %arg8[%dma_start3A_638, %dma_start3A_639] : memref<48x128xf32, #tpu.memory_space<vmem>> -> memref<8x128xf32, #tpu.memory_space<vmem>>
    %dma_start3A_641 = arith.constant 0 : i32
    %dma_start3A_642 = arith.constant 0 : i32
    %dma_start3A_643 = tpu.memref_slice %arg2[%add3A_637, %add3A_412, %dma_start3A_641, %dma_start3A_642] : memref<20000x4x8x128xf32, #tpu.memory_space<hbm>> -> memref<1x1x8x128xf32, #tpu.memory_space<hbm>>
    %dma_start3A_644 = tpu.memref_squeeze %dma_start3A_643 : memref<1x1x8x128xf32, #tpu.memory_space<hbm>> -> memref<8x128xf32, #tpu.memory_space<hbm>>
    %dma_start3A_645 = arith.constant 24 : i32
    %dma_start3A_646 = arith.constant 0 : i32
    %dma_start3A_647 = tpu.memref_slice %arg8[%dma_start3A_645, %dma_start3A_646] : memref<48x128xf32, #tpu.memory_space<vmem>> -> memref<8x128xf32, #tpu.memory_space<vmem>>
    %dma_start3A_648 = arith.constant 0 : i32
    %dma_start3A_649 = arith.constant 0 : i32
    %dma_start3A_650 = tpu.memref_slice %arg2[%add3A_637, %add3A_412, %dma_start3A_648, %dma_start3A_649] : memref<20000x4x8x128xf32, #tpu.memory_space<hbm>> -> memref<1x1x8x128xf32, #tpu.memory_space<hbm>>
    %dma_start3A_651 = tpu.memref_squeeze %dma_start3A_650 : memref<1x1x8x128xf32, #tpu.memory_space<hbm>> -> memref<8x128xf32, #tpu.memory_space<hbm>>
    tpu.enqueue_dma source(%dma_start3A_651 : memref<8x128xf32, #tpu.memory_space<hbm>>) target(%dma_start3A_647 : memref<8x128xf32, #tpu.memory_space<vmem>>) target_semaphore(%arg15 : memref<!tpu.dma_semaphore, #tpu.memory_space<semaphore_mem>>)
    %mul3A_652 = arith.constant 1250 : i32
    %mul3A_653 = arith.muli %arg1, %mul3A_652 : i32
    %add3A_654 = arith.constant 6 : i32
    %add3A_655 = arith.addi %mul3A_653, %add3A_654 : i32
    %add3A_656 = arith.constant 4 : i32
    %add3A_657 = arith.addi %add3A_655, %add3A_656 : i32
    %dma_start3A_658 = arith.constant 32 : i32
    %dma_start3A_659 = arith.constant 0 : i32
    %dma_start3A_660 = tpu.memref_slice %arg8[%dma_start3A_658, %dma_start3A_659] : memref<48x128xf32, #tpu.memory_space<vmem>> -> memref<8x128xf32, #tpu.memory_space<vmem>>
    %dma_start3A_661 = arith.constant 0 : i32
    %dma_start3A_662 = arith.constant 0 : i32
    %dma_start3A_663 = tpu.memref_slice %arg2[%add3A_657, %add3A_412, %dma_start3A_661, %dma_start3A_662] : memref<20000x4x8x128xf32, #tpu.memory_space<hbm>> -> memref<1x1x8x128xf32, #tpu.memory_space<hbm>>
    %dma_start3A_664 = tpu.memref_squeeze %dma_start3A_663 : memref<1x1x8x128xf32, #tpu.memory_space<hbm>> -> memref<8x128xf32, #tpu.memory_space<hbm>>
    %dma_start3A_665 = arith.constant 32 : i32
    %dma_start3A_666 = arith.constant 0 : i32
    %dma_start3A_667 = tpu.memref_slice %arg8[%dma_start3A_665, %dma_start3A_666] : memref<48x128xf32, #tpu.memory_space<vmem>> -> memref<8x128xf32, #tpu.memory_space<vmem>>
    %dma_start3A_668 = arith.constant 0 : i32
    %dma_start3A_669 = arith.constant 0 : i32
    %dma_start3A_670 = tpu.memref_slice %arg2[%add3A_657, %add3A_412, %dma_start3A_668, %dma_start3A_669] : memref<20000x4x8x128xf32, #tpu.memory_space<hbm>> -> memref<1x1x8x128xf32, #tpu.memory_space<hbm>>
    %dma_start3A_671 = tpu.memref_squeeze %dma_start3A_670 : memref<1x1x8x128xf32, #tpu.memory_space<hbm>> -> memref<8x128xf32, #tpu.memory_space<hbm>>
    tpu.enqueue_dma source(%dma_start3A_671 : memref<8x128xf32, #tpu.memory_space<hbm>>) target(%dma_start3A_667 : memref<8x128xf32, #tpu.memory_space<vmem>>) target_semaphore(%arg15 : memref<!tpu.dma_semaphore, #tpu.memory_space<semaphore_mem>>)
    %mul3A_672 = arith.constant 1250 : i32
    %mul3A_673 = arith.muli %arg1, %mul3A_672 : i32
    %add3A_674 = arith.constant 6 : i32
    %add3A_675 = arith.addi %mul3A_673, %add3A_674 : i32
    %add3A_676 = arith.constant 5 : i32
    %add3A_677 = arith.addi %add3A_675, %add3A_676 : i32
    %dma_start3A_678 = arith.constant 40 : i32
    %dma_start3A_679 = arith.constant 0 : i32
    %dma_start3A_680 = tpu.memref_slice %arg8[%dma_start3A_678, %dma_start3A_679] : memref<48x128xf32, #tpu.memory_space<vmem>> -> memref<8x128xf32, #tpu.memory_space<vmem>>
    %dma_start3A_681 = arith.constant 0 : i32
    %dma_start3A_682 = arith.constant 0 : i32
    %dma_start3A_683 = tpu.memref_slice %arg2[%add3A_677, %add3A_412, %dma_start3A_681, %dma_start3A_682] : memref<20000x4x8x128xf32, #tpu.memory_space<hbm>> -> memref<1x1x8x128xf32, #tpu.memory_space<hbm>>
    %dma_start3A_684 = tpu.memref_squeeze %dma_start3A_683 : memref<1x1x8x128xf32, #tpu.memory_space<hbm>> -> memref<8x128xf32, #tpu.memory_space<hbm>>
    %dma_start3A_685 = arith.constant 40 : i32
    %dma_start3A_686 = arith.constant 0 : i32
    %dma_start3A_687 = tpu.memref_slice %arg8[%dma_start3A_685, %dma_start3A_686] : memref<48x128xf32, #tpu.memory_space<vmem>> -> memref<8x128xf32, #tpu.memory_space<vmem>>
    %dma_start3A_688 = arith.constant 0 : i32
    %dma_start3A_689 = arith.constant 0 : i32
    %dma_start3A_690 = tpu.memref_slice %arg2[%add3A_677, %add3A_412, %dma_start3A_688, %dma_start3A_689] : memref<20000x4x8x128xf32, #tpu.memory_space<hbm>> -> memref<1x1x8x128xf32, #tpu.memory_space<hbm>>
    %dma_start3A_691 = tpu.memref_squeeze %dma_start3A_690 : memref<1x1x8x128xf32, #tpu.memory_space<hbm>> -> memref<8x128xf32, #tpu.memory_space<hbm>>
    tpu.enqueue_dma source(%dma_start3A_691 : memref<8x128xf32, #tpu.memory_space<hbm>>) target(%dma_start3A_687 : memref<8x128xf32, #tpu.memory_space<vmem>>) target_semaphore(%arg15 : memref<!tpu.dma_semaphore, #tpu.memory_space<semaphore_mem>>)
    %scan3A_692 = arith.constant 0 : i32
    %scan3A_693 = arith.constant 0 : i32
    %scan3A_694 = arith.constant 52 : i32
    %scan3A_695 = arith.addi %scan3A_693, %scan3A_694 : i32
    %scan3A_696 = arith.constant 1 : i32
    %scan3A_697 = scf.for %scan3A_743 = %scan3A_693 to %scan3A_695 step %scan3A_696 iter_args(%scan3A_744 = %scan3A_692) -> (i32)  : i32 {
      %mul3A_745 = arith.constant 4 : i32
      %mul3A_746 = arith.muli %mul3A_745, %scan3A_743 : i32
      %add3A_747 = arith.constant 0 : i32
      %add3A_748 = arith.addi %mul3A_746, %add3A_747 : i32
      %mul3A_749 = arith.constant 1250 : i32
      %mul3A_750 = arith.muli %arg1, %mul3A_749 : i32
      %mul3A_751 = arith.constant 6 : i32
      %mul3A_752 = arith.muli %add3A_748, %mul3A_751 : i32
      %add3A_753 = arith.addi %mul3A_750, %mul3A_752 : i32
      %add3A_754 = arith.constant 0 : i32
      %add3A_755 = arith.addi %add3A_753, %add3A_754 : i32
      %dma_wait3A_756 = arith.constant 0 : i32
      %dma_wait3A_757 = arith.constant 0 : i32
      %dma_wait3A_758 = tpu.memref_slice %arg7[%dma_wait3A_756, %dma_wait3A_757] : memref<48x128xf32, #tpu.memory_space<vmem>> -> memref<8x128xf32, #tpu.memory_space<vmem>>
      %dma_wait3A_759 = arith.constant 0 : i32
      %dma_wait3A_760 = arith.constant 0 : i32
      %dma_wait3A_761 = tpu.memref_slice %arg2[%add3A_755, %add3A_412, %dma_wait3A_759, %dma_wait3A_760] : memref<20000x4x8x128xf32, #tpu.memory_space<hbm>> -> memref<1x1x8x128xf32, #tpu.memory_space<hbm>>
      %dma_wait3A_762 = tpu.memref_squeeze %dma_wait3A_761 : memref<1x1x8x128xf32, #tpu.memory_space<hbm>> -> memref<8x128xf32, #tpu.memory_space<hbm>>
      %dma_wait3A_763 = arith.constant 0 : i32
      %dma_wait3A_764 = arith.constant 0 : i32
      %dma_wait3A_765 = tpu.memref_slice %arg7[%dma_wait3A_763, %dma_wait3A_764] : memref<48x128xf32, #tpu.memory_space<vmem>> -> memref<8x128xf32, #tpu.memory_space<vmem>>
      %dma_wait3A_766 = arith.constant 0 : i32
      %dma_wait3A_767 = arith.constant 0 : i32
      %dma_wait3A_768 = tpu.memref_slice %arg2[%add3A_755, %add3A_412, %dma_wait3A_766, %dma_wait3A_767] : memref<20000x4x8x128xf32, #tpu.memory_space<hbm>> -> memref<1x1x8x128xf32, #tpu.memory_space<hbm>>
      %dma_wait3A_769 = tpu.memref_squeeze %dma_wait3A_768 : memref<1x1x8x128xf32, #tpu.memory_space<hbm>> -> memref<8x128xf32, #tpu.memory_space<hbm>>
      tpu.wait_dma2 semaphore(%arg14 : memref<!tpu.dma_semaphore, #tpu.memory_space<semaphore_mem>>) src(%dma_wait3A_769 : memref<8x128xf32, #tpu.memory_space<hbm>>) dst(%dma_wait3A_765 : memref<8x128xf32, #tpu.memory_space<vmem>>)
      %mul3A_770 = arith.constant 1250 : i32
      %mul3A_771 = arith.muli %arg1, %mul3A_770 : i32
      %mul3A_772 = arith.constant 6 : i32
      %mul3A_773 = arith.muli %add3A_748, %mul3A_772 : i32
      %add3A_774 = arith.addi %mul3A_771, %mul3A_773 : i32
      %add3A_775 = arith.constant 1 : i32
      %add3A_776 = arith.addi %add3A_774, %add3A_775 : i32
      %dma_wait3A_777 = arith.constant 8 : i32
      %dma_wait3A_778 = arith.constant 0 : i32
      %dma_wait3A_779 = tpu.memref_slice %arg7[%dma_wait3A_777, %dma_wait3A_778] : memref<48x128xf32, #tpu.memory_space<vmem>> -> memref<8x128xf32, #tpu.memory_space<vmem>>
      %dma_wait3A_780 = arith.constant 0 : i32
      %dma_wait3A_781 = arith.constant 0 : i32
      %dma_wait3A_782 = tpu.memref_slice %arg2[%add3A_776, %add3A_412, %dma_wait3A_780, %dma_wait3A_781] : memref<20000x4x8x128xf32, #tpu.memory_space<hbm>> -> memref<1x1x8x128xf32, #tpu.memory_space<hbm>>
      %dma_wait3A_783 = tpu.memref_squeeze %dma_wait3A_782 : memref<1x1x8x128xf32, #tpu.memory_space<hbm>> -> memref<8x128xf32, #tpu.memory_space<hbm>>
      %dma_wait3A_784 = arith.constant 8 : i32
      %dma_wait3A_785 = arith.constant 0 : i32
      %dma_wait3A_786 = tpu.memref_slice %arg7[%dma_wait3A_784, %dma_wait3A_785] : memref<48x128xf32, #tpu.memory_space<vmem>> -> memref<8x128xf32, #tpu.memory_space<vmem>>
      %dma_wait3A_787 = arith.constant 0 : i32
      %dma_wait3A_788 = arith.constant 0 : i32
      %dma_wait3A_789 = tpu.memref_slice %arg2[%add3A_776, %add3A_412, %dma_wait3A_787, %dma_wait3A_788] : memref<20000x4x8x128xf32, #tpu.memory_space<hbm>> -> memref<1x1x8x128xf32, #tpu.memory_space<hbm>>
      %dma_wait3A_790 = tpu.memref_squeeze %dma_wait3A_789 : memref<1x1x8x128xf32, #tpu.memory_space<hbm>> -> memref<8x128xf32, #tpu.memory_space<hbm>>
      tpu.wait_dma2 semaphore(%arg14 : memref<!tpu.dma_semaphore, #tpu.memory_space<semaphore_mem>>) src(%dma_wait3A_790 : memref<8x128xf32, #tpu.memory_space<hbm>>) dst(%dma_wait3A_786 : memref<8x128xf32, #tpu.memory_space<vmem>>)
      %mul3A_791 = arith.constant 1250 : i32
      %mul3A_792 = arith.muli %arg1, %mul3A_791 : i32
      %mul3A_793 = arith.constant 6 : i32
      %mul3A_794 = arith.muli %add3A_748, %mul3A_793 : i32
      %add3A_795 = arith.addi %mul3A_792, %mul3A_794 : i32
      %add3A_796 = arith.constant 2 : i32
      %add3A_797 = arith.addi %add3A_795, %add3A_796 : i32
      %dma_wait3A_798 = arith.constant 16 : i32
      %dma_wait3A_799 = arith.constant 0 : i32
      %dma_wait3A_800 = tpu.memref_slice %arg7[%dma_wait3A_798, %dma_wait3A_799] : memref<48x128xf32, #tpu.memory_space<vmem>> -> memref<8x128xf32, #tpu.memory_space<vmem>>
      %dma_wait3A_801 = arith.constant 0 : i32
      %dma_wait3A_802 = arith.constant 0 : i32
      %dma_wait3A_803 = tpu.memref_slice %arg2[%add3A_797, %add3A_412, %dma_wait3A_801, %dma_wait3A_802] : memref<20000x4x8x128xf32, #tpu.memory_space<hbm>> -> memref<1x1x8x128xf32, #tpu.memory_space<hbm>>
      %dma_wait3A_804 = tpu.memref_squeeze %dma_wait3A_803 : memref<1x1x8x128xf32, #tpu.memory_space<hbm>> -> memref<8x128xf32, #tpu.memory_space<hbm>>
      %dma_wait3A_805 = arith.constant 16 : i32
      %dma_wait3A_806 = arith.constant 0 : i32
      %dma_wait3A_807 = tpu.memref_slice %arg7[%dma_wait3A_805, %dma_wait3A_806] : memref<48x128xf32, #tpu.memory_space<vmem>> -> memref<8x128xf32, #tpu.memory_space<vmem>>
      %dma_wait3A_808 = arith.constant 0 : i32
      %dma_wait3A_809 = arith.constant 0 : i32
      %dma_wait3A_810 = tpu.memref_slice %arg2[%add3A_797, %add3A_412, %dma_wait3A_808, %dma_wait3A_809] : memref<20000x4x8x128xf32, #tpu.memory_space<hbm>> -> memref<1x1x8x128xf32, #tpu.memory_space<hbm>>
      %dma_wait3A_811 = tpu.memref_squeeze %dma_wait3A_810 : memref<1x1x8x128xf32, #tpu.memory_space<hbm>> -> memref<8x128xf32, #tpu.memory_space<hbm>>
      tpu.wait_dma2 semaphore(%arg14 : memref<!tpu.dma_semaphore, #tpu.memory_space<semaphore_mem>>) src(%dma_wait3A_811 : memref<8x128xf32, #tpu.memory_space<hbm>>) dst(%dma_wait3A_807 : memref<8x128xf32, #tpu.memory_space<vmem>>)
      %mul3A_812 = arith.constant 1250 : i32
      %mul3A_813 = arith.muli %arg1, %mul3A_812 : i32
      %mul3A_814 = arith.constant 6 : i32
      %mul3A_815 = arith.muli %add3A_748, %mul3A_814 : i32
      %add3A_816 = arith.addi %mul3A_813, %mul3A_815 : i32
      %add3A_817 = arith.constant 3 : i32
      %add3A_818 = arith.addi %add3A_816, %add3A_817 : i32
      %dma_wait3A_819 = arith.constant 24 : i32
      %dma_wait3A_820 = arith.constant 0 : i32
      %dma_wait3A_821 = tpu.memref_slice %arg7[%dma_wait3A_819, %dma_wait3A_820] : memref<48x128xf32, #tpu.memory_space<vmem>> -> memref<8x128xf32, #tpu.memory_space<vmem>>
      %dma_wait3A_822 = arith.constant 0 : i32
      %dma_wait3A_823 = arith.constant 0 : i32
      %dma_wait3A_824 = tpu.memref_slice %arg2[%add3A_818, %add3A_412, %dma_wait3A_822, %dma_wait3A_823] : memref<20000x4x8x128xf32, #tpu.memory_space<hbm>> -> memref<1x1x8x128xf32, #tpu.memory_space<hbm>>
      %dma_wait3A_825 = tpu.memref_squeeze %dma_wait3A_824 : memref<1x1x8x128xf32, #tpu.memory_space<hbm>> -> memref<8x128xf32, #tpu.memory_space<hbm>>
      %dma_wait3A_826 = arith.constant 24 : i32
      %dma_wait3A_827 = arith.constant 0 : i32
      %dma_wait3A_828 = tpu.memref_slice %arg7[%dma_wait3A_826, %dma_wait3A_827] : memref<48x128xf32, #tpu.memory_space<vmem>> -> memref<8x128xf32, #tpu.memory_space<vmem>>
      %dma_wait3A_829 = arith.constant 0 : i32
      %dma_wait3A_830 = arith.constant 0 : i32
      %dma_wait3A_831 = tpu.memref_slice %arg2[%add3A_818, %add3A_412, %dma_wait3A_829, %dma_wait3A_830] : memref<20000x4x8x128xf32, #tpu.memory_space<hbm>> -> memref<1x1x8x128xf32, #tpu.memory_space<hbm>>
      %dma_wait3A_832 = tpu.memref_squeeze %dma_wait3A_831 : memref<1x1x8x128xf32, #tpu.memory_space<hbm>> -> memref<8x128xf32, #tpu.memory_space<hbm>>
      tpu.wait_dma2 semaphore(%arg14 : memref<!tpu.dma_semaphore, #tpu.memory_space<semaphore_mem>>) src(%dma_wait3A_832 : memref<8x128xf32, #tpu.memory_space<hbm>>) dst(%dma_wait3A_828 : memref<8x128xf32, #tpu.memory_space<vmem>>)
      %mul3A_833 = arith.constant 1250 : i32
      %mul3A_834 = arith.muli %arg1, %mul3A_833 : i32
      %mul3A_835 = arith.constant 6 : i32
      %mul3A_836 = arith.muli %add3A_748, %mul3A_835 : i32
      %add3A_837 = arith.addi %mul3A_834, %mul3A_836 : i32
      %add3A_838 = arith.constant 4 : i32
      %add3A_839 = arith.addi %add3A_837, %add3A_838 : i32
      %dma_wait3A_840 = arith.constant 32 : i32
      %dma_wait3A_841 = arith.constant 0 : i32
      %dma_wait3A_842 = tpu.memref_slice %arg7[%dma_wait3A_840, %dma_wait3A_841] : memref<48x128xf32, #tpu.memory_space<vmem>> -> memref<8x128xf32, #tpu.memory_space<vmem>>
      %dma_wait3A_843 = arith.constant 0 : i32
      %dma_wait3A_844 = arith.constant 0 : i32
      %dma_wait3A_845 = tpu.memref_slice %arg2[%add3A_839, %add3A_412, %dma_wait3A_843, %dma_wait3A_844] : memref<20000x4x8x128xf32, #tpu.memory_space<hbm>> -> memref<1x1x8x128xf32, #tpu.memory_space<hbm>>
      %dma_wait3A_846 = tpu.memref_squeeze %dma_wait3A_845 : memref<1x1x8x128xf32, #tpu.memory_space<hbm>> -> memref<8x128xf32, #tpu.memory_space<hbm>>
      %dma_wait3A_847 = arith.constant 32 : i32
      %dma_wait3A_848 = arith.constant 0 : i32
      %dma_wait3A_849 = tpu.memref_slice %arg7[%dma_wait3A_847, %dma_wait3A_848] : memref<48x128xf32, #tpu.memory_space<vmem>> -> memref<8x128xf32, #tpu.memory_space<vmem>>
      %dma_wait3A_850 = arith.constant 0 : i32
      %dma_wait3A_851 = arith.constant 0 : i32
      %dma_wait3A_852 = tpu.memref_slice %arg2[%add3A_839, %add3A_412, %dma_wait3A_850, %dma_wait3A_851] : memref<20000x4x8x128xf32, #tpu.memory_space<hbm>> -> memref<1x1x8x128xf32, #tpu.memory_space<hbm>>
      %dma_wait3A_853 = tpu.memref_squeeze %dma_wait3A_852 : memref<1x1x8x128xf32, #tpu.memory_space<hbm>> -> memref<8x128xf32, #tpu.memory_space<hbm>>
      tpu.wait_dma2 semaphore(%arg14 : memref<!tpu.dma_semaphore, #tpu.memory_space<semaphore_mem>>) src(%dma_wait3A_853 : memref<8x128xf32, #tpu.memory_space<hbm>>) dst(%dma_wait3A_849 : memref<8x128xf32, #tpu.memory_space<vmem>>)
      %mul3A_854 = arith.constant 1250 : i32
      %mul3A_855 = arith.muli %arg1, %mul3A_854 : i32
      %mul3A_856 = arith.constant 6 : i32
      %mul3A_857 = arith.muli %add3A_748, %mul3A_856 : i32
      %add3A_858 = arith.addi %mul3A_855, %mul3A_857 : i32
      %add3A_859 = arith.constant 5 : i32
      %add3A_860 = arith.addi %add3A_858, %add3A_859 : i32
      %dma_wait3A_861 = arith.constant 40 : i32
      %dma_wait3A_862 = arith.constant 0 : i32
      %dma_wait3A_863 = tpu.memref_slice %arg7[%dma_wait3A_861, %dma_wait3A_862] : memref<48x128xf32, #tpu.memory_space<vmem>> -> memref<8x128xf32, #tpu.memory_space<vmem>>
      %dma_wait3A_864 = arith.constant 0 : i32
      %dma_wait3A_865 = arith.constant 0 : i32
      %dma_wait3A_866 = tpu.memref_slice %arg2[%add3A_860, %add3A_412, %dma_wait3A_864, %dma_wait3A_865] : memref<20000x4x8x128xf32, #tpu.memory_space<hbm>> -> memref<1x1x8x128xf32, #tpu.memory_space<hbm>>
      %dma_wait3A_867 = tpu.memref_squeeze %dma_wait3A_866 : memref<1x1x8x128xf32, #tpu.memory_space<hbm>> -> memref<8x128xf32, #tpu.memory_space<hbm>>
      %dma_wait3A_868 = arith.constant 40 : i32
      %dma_wait3A_869 = arith.constant 0 : i32
      %dma_wait3A_870 = tpu.memref_slice %arg7[%dma_wait3A_868, %dma_wait3A_869] : memref<48x128xf32, #tpu.memory_space<vmem>> -> memref<8x128xf32, #tpu.memory_space<vmem>>
      %dma_wait3A_871 = arith.constant 0 : i32
      %dma_wait3A_872 = arith.constant 0 : i32
      %dma_wait3A_873 = tpu.memref_slice %arg2[%add3A_860, %add3A_412, %dma_wait3A_871, %dma_wait3A_872] : memref<20000x4x8x128xf32, #tpu.memory_space<hbm>> -> memref<1x1x8x128xf32, #tpu.memory_space<hbm>>
      %dma_wait3A_874 = tpu.memref_squeeze %dma_wait3A_873 : memref<1x1x8x128xf32, #tpu.memory_space<hbm>> -> memref<8x128xf32, #tpu.memory_space<hbm>>
      tpu.wait_dma2 semaphore(%arg14 : memref<!tpu.dma_semaphore, #tpu.memory_space<semaphore_mem>>) src(%dma_wait3A_874 : memref<8x128xf32, #tpu.memory_space<hbm>>) dst(%dma_wait3A_870 : memref<8x128xf32, #tpu.memory_space<vmem>>)
      %mul3A_875 = arith.constant 48 : i32
      %mul3A_876 = arith.muli %add3A_748, %mul3A_875 : i32
      %dma_start3A_877 = tpu.memref_slice %arg6[%mul3A_876] : memref<10000xi32, #tpu.memory_space<vmem>> -> memref<48xi32, #tpu.memory_space<vmem>>
      %dma_start3A_878 = arith.constant 0 : i32
      %dma_start3A_879 = arith.constant 0 : i32
      %dma_start3A_880 = tpu.memref_slice %arg12[%dma_start3A_878, %dma_start3A_879] : memref<10000x128xf32, #tpu.memory_space<vmem_shared>> -> memref<10000x128xf32, #tpu.memory_space<vmem_shared>>
      tpu.enqueue_indirect_dma source(%arg7 : memref<48x128xf32, #tpu.memory_space<vmem>>) target(%dma_start3A_880 : memref<10000x128xf32, #tpu.memory_space<vmem_shared>>) offsets(%dma_start3A_877 : memref<48xi32, #tpu.memory_space<vmem>>) semaphore(%arg18 : memref<!tpu.dma_semaphore, #tpu.memory_space<semaphore_mem>>) {add = true}
      %ge3A = arith.constant 2 : i32
      %ge3A_881 = arith.cmpi sge, %add3A_748, %ge3A : i32
      %convert_element_type3A_882 = arith.extui %ge3A_881 : i1 to i32
      %cond3A_883 = arith.constant 0 : i32
      %cond3A_884 = arith.cmpi ne, %convert_element_type3A_882, %cond3A_883 : i32
      scf.if %cond3A_884 {
        %sub3A = arith.constant 2 : i32
        %sub3A_1336 = arith.subi %add3A_748, %sub3A : i32
        %mul3A_1337 = arith.constant 48 : i32
        %mul3A_1338 = arith.muli %sub3A_1336, %mul3A_1337 : i32
        %dma_wait3A_1339 = tpu.memref_slice %arg6[%mul3A_1338] : memref<10000xi32, #tpu.memory_space<vmem>> -> memref<48xi32, #tpu.memory_space<vmem>>
        %dma_wait3A_1340 = arith.constant 0 : i32
        %dma_wait3A_1341 = arith.constant 0 : i32
        %dma_wait3A_1342 = tpu.memref_slice %arg12[%dma_wait3A_1340, %dma_wait3A_1341] : memref<10000x128xf32, #tpu.memory_space<vmem_shared>> -> memref<10000x128xf32, #tpu.memory_space<vmem_shared>>
        tpu.wait_indirect_dma semaphore(%arg20 : memref<!tpu.dma_semaphore, #tpu.memory_space<semaphore_mem>>) src(%arg9 : memref<48x128xf32, #tpu.memory_space<vmem>>) dst(%dma_wait3A_1342 : memref<10000x128xf32, #tpu.memory_space<vmem_shared>>)
      } else {
      }
      %add3A_885 = arith.constant 2 : i32
      %add3A_886 = arith.addi %add3A_748, %add3A_885 : i32
      %lt3A = arith.constant 208 : i32
      %lt3A_887 = arith.cmpi slt, %add3A_886, %lt3A : i32
      %convert_element_type3A_888 = arith.extui %lt3A_887 : i1 to i32
      %cond3A_889 = arith.constant 0 : i32
      %cond3A_890 = arith.cmpi ne, %convert_element_type3A_888, %cond3A_889 : i32
      scf.if %cond3A_890 {
        %add3A_1336 = arith.constant 2 : i32
        %add3A_1337 = arith.addi %add3A_748, %add3A_1336 : i32
        %mul3A_1338 = arith.constant 1250 : i32
        %mul3A_1339 = arith.muli %arg1, %mul3A_1338 : i32
        %mul3A_1340 = arith.constant 6 : i32
        %mul3A_1341 = arith.muli %add3A_1337, %mul3A_1340 : i32
        %add3A_1342 = arith.addi %mul3A_1339, %mul3A_1341 : i32
        %add3A_1343 = arith.constant 0 : i32
        %add3A_1344 = arith.addi %add3A_1342, %add3A_1343 : i32
        %dma_start3A_1345 = arith.constant 0 : i32
        %dma_start3A_1346 = arith.constant 0 : i32
        %dma_start3A_1347 = tpu.memref_slice %arg9[%dma_start3A_1345, %dma_start3A_1346] : memref<48x128xf32, #tpu.memory_space<vmem>> -> memref<8x128xf32, #tpu.memory_space<vmem>>
        %dma_start3A_1348 = arith.constant 0 : i32
        %dma_start3A_1349 = arith.constant 0 : i32
        %dma_start3A_1350 = tpu.memref_slice %arg2[%add3A_1344, %add3A_412, %dma_start3A_1348, %dma_start3A_1349] : memref<20000x4x8x128xf32, #tpu.memory_space<hbm>> -> memref<1x1x8x128xf32, #tpu.memory_space<hbm>>
        %dma_start3A_1351 = tpu.memref_squeeze %dma_start3A_1350 : memref<1x1x8x128xf32, #tpu.memory_space<hbm>> -> memref<8x128xf32, #tpu.memory_space<hbm>>
        %dma_start3A_1352 = arith.constant 0 : i32
        %dma_start3A_1353 = arith.constant 0 : i32
        %dma_start3A_1354 = tpu.memref_slice %arg9[%dma_start3A_1352, %dma_start3A_1353] : memref<48x128xf32, #tpu.memory_space<vmem>> -> memref<8x128xf32, #tpu.memory_space<vmem>>
        %dma_start3A_1355 = arith.constant 0 : i32
        %dma_start3A_1356 = arith.constant 0 : i32
        %dma_start3A_1357 = tpu.memref_slice %arg2[%add3A_1344, %add3A_412, %dma_start3A_1355, %dma_start3A_1356] : memref<20000x4x8x128xf32, #tpu.memory_space<hbm>> -> memref<1x1x8x128xf32, #tpu.memory_space<hbm>>
        %dma_start3A_1358 = tpu.memref_squeeze %dma_start3A_1357 : memref<1x1x8x128xf32, #tpu.memory_space<hbm>> -> memref<8x128xf32, #tpu.memory_space<hbm>>
        tpu.enqueue_dma source(%dma_start3A_1358 : memref<8x128xf32, #tpu.memory_space<hbm>>) target(%dma_start3A_1354 : memref<8x128xf32, #tpu.memory_space<vmem>>) target_semaphore(%arg16 : memref<!tpu.dma_semaphore, #tpu.memory_space<semaphore_mem>>)
        %mul3A_1359 = arith.constant 1250 : i32
        %mul3A_1360 = arith.muli %arg1, %mul3A_1359 : i32
        %mul3A_1361 = arith.constant 6 : i32
        %mul3A_1362 = arith.muli %add3A_1337, %mul3A_1361 : i32
        %add3A_1363 = arith.addi %mul3A_1360, %mul3A_1362 : i32
        %add3A_1364 = arith.constant 1 : i32
        %add3A_1365 = arith.addi %add3A_1363, %add3A_1364 : i32
        %dma_start3A_1366 = arith.constant 8 : i32
        %dma_start3A_1367 = arith.constant 0 : i32
        %dma_start3A_1368 = tpu.memref_slice %arg9[%dma_start3A_1366, %dma_start3A_1367] : memref<48x128xf32, #tpu.memory_space<vmem>> -> memref<8x128xf32, #tpu.memory_space<vmem>>
        %dma_start3A_1369 = arith.constant 0 : i32
        %dma_start3A_1370 = arith.constant 0 : i32
        %dma_start3A_1371 = tpu.memref_slice %arg2[%add3A_1365, %add3A_412, %dma_start3A_1369, %dma_start3A_1370] : memref<20000x4x8x128xf32, #tpu.memory_space<hbm>> -> memref<1x1x8x128xf32, #tpu.memory_space<hbm>>
        %dma_start3A_1372 = tpu.memref_squeeze %dma_start3A_1371 : memref<1x1x8x128xf32, #tpu.memory_space<hbm>> -> memref<8x128xf32, #tpu.memory_space<hbm>>
        %dma_start3A_1373 = arith.constant 8 : i32
        %dma_start3A_1374 = arith.constant 0 : i32
        %dma_start3A_1375 = tpu.memref_slice %arg9[%dma_start3A_1373, %dma_start3A_1374] : memref<48x128xf32, #tpu.memory_space<vmem>> -> memref<8x128xf32, #tpu.memory_space<vmem>>
        %dma_start3A_1376 = arith.constant 0 : i32
        %dma_start3A_1377 = arith.constant 0 : i32
        %dma_start3A_1378 = tpu.memref_slice %arg2[%add3A_1365, %add3A_412, %dma_start3A_1376, %dma_start3A_1377] : memref<20000x4x8x128xf32, #tpu.memory_space<hbm>> -> memref<1x1x8x128xf32, #tpu.memory_space<hbm>>
        %dma_start3A_1379 = tpu.memref_squeeze %dma_start3A_1378 : memref<1x1x8x128xf32, #tpu.memory_space<hbm>> -> memref<8x128xf32, #tpu.memory_space<hbm>>
        tpu.enqueue_dma source(%dma_start3A_1379 : memref<8x128xf32, #tpu.memory_space<hbm>>) target(%dma_start3A_1375 : memref<8x128xf32, #tpu.memory_space<vmem>>) target_semaphore(%arg16 : memref<!tpu.dma_semaphore, #tpu.memory_space<semaphore_mem>>)
        %mul3A_1380 = arith.constant 1250 : i32
        %mul3A_1381 = arith.muli %arg1, %mul3A_1380 : i32
        %mul3A_1382 = arith.constant 6 : i32
        %mul3A_1383 = arith.muli %add3A_1337, %mul3A_1382 : i32
        %add3A_1384 = arith.addi %mul3A_1381, %mul3A_1383 : i32
        %add3A_1385 = arith.constant 2 : i32
        %add3A_1386 = arith.addi %add3A_1384, %add3A_1385 : i32
        %dma_start3A_1387 = arith.constant 16 : i32
        %dma_start3A_1388 = arith.constant 0 : i32
        %dma_start3A_1389 = tpu.memref_slice %arg9[%dma_start3A_1387, %dma_start3A_1388] : memref<48x128xf32, #tpu.memory_space<vmem>> -> memref<8x128xf32, #tpu.memory_space<vmem>>
        %dma_start3A_1390 = arith.constant 0 : i32
        %dma_start3A_1391 = arith.constant 0 : i32
        %dma_start3A_1392 = tpu.memref_slice %arg2[%add3A_1386, %add3A_412, %dma_start3A_1390, %dma_start3A_1391] : memref<20000x4x8x128xf32, #tpu.memory_space<hbm>> -> memref<1x1x8x128xf32, #tpu.memory_space<hbm>>
        %dma_start3A_1393 = tpu.memref_squeeze %dma_start3A_1392 : memref<1x1x8x128xf32, #tpu.memory_space<hbm>> -> memref<8x128xf32, #tpu.memory_space<hbm>>
        %dma_start3A_1394 = arith.constant 16 : i32
        %dma_start3A_1395 = arith.constant 0 : i32
        %dma_start3A_1396 = tpu.memref_slice %arg9[%dma_start3A_1394, %dma_start3A_1395] : memref<48x128xf32, #tpu.memory_space<vmem>> -> memref<8x128xf32, #tpu.memory_space<vmem>>
        %dma_start3A_1397 = arith.constant 0 : i32
        %dma_start3A_1398 = arith.constant 0 : i32
        %dma_start3A_1399 = tpu.memref_slice %arg2[%add3A_1386, %add3A_412, %dma_start3A_1397, %dma_start3A_1398] : memref<20000x4x8x128xf32, #tpu.memory_space<hbm>> -> memref<1x1x8x128xf32, #tpu.memory_space<hbm>>
        %dma_start3A_1400 = tpu.memref_squeeze %dma_start3A_1399 : memref<1x1x8x128xf32, #tpu.memory_space<hbm>> -> memref<8x128xf32, #tpu.memory_space<hbm>>
        tpu.enqueue_dma source(%dma_start3A_1400 : memref<8x128xf32, #tpu.memory_space<hbm>>) target(%dma_start3A_1396 : memref<8x128xf32, #tpu.memory_space<vmem>>) target_semaphore(%arg16 : memref<!tpu.dma_semaphore, #tpu.memory_space<semaphore_mem>>)
        %mul3A_1401 = arith.constant 1250 : i32
        %mul3A_1402 = arith.muli %arg1, %mul3A_1401 : i32
        %mul3A_1403 = arith.constant 6 : i32
        %mul3A_1404 = arith.muli %add3A_1337, %mul3A_1403 : i32
        %add3A_1405 = arith.addi %mul3A_1402, %mul3A_1404 : i32
        %add3A_1406 = arith.constant 3 : i32
        %add3A_1407 = arith.addi %add3A_1405, %add3A_1406 : i32
        %dma_start3A_1408 = arith.constant 24 : i32
        %dma_start3A_1409 = arith.constant 0 : i32
        %dma_start3A_1410 = tpu.memref_slice %arg9[%dma_start3A_1408, %dma_start3A_1409] : memref<48x128xf32, #tpu.memory_space<vmem>> -> memref<8x128xf32, #tpu.memory_space<vmem>>
        %dma_start3A_1411 = arith.constant 0 : i32
        %dma_start3A_1412 = arith.constant 0 : i32
        %dma_start3A_1413 = tpu.memref_slice %arg2[%add3A_1407, %add3A_412, %dma_start3A_1411, %dma_start3A_1412] : memref<20000x4x8x128xf32, #tpu.memory_space<hbm>> -> memref<1x1x8x128xf32, #tpu.memory_space<hbm>>
        %dma_start3A_1414 = tpu.memref_squeeze %dma_start3A_1413 : memref<1x1x8x128xf32, #tpu.memory_space<hbm>> -> memref<8x128xf32, #tpu.memory_space<hbm>>
        %dma_start3A_1415 = arith.constant 24 : i32
        %dma_start3A_1416 = arith.constant 0 : i32
        %dma_start3A_1417 = tpu.memref_slice %arg9[%dma_start3A_1415, %dma_start3A_1416] : memref<48x128xf32, #tpu.memory_space<vmem>> -> memref<8x128xf32, #tpu.memory_space<vmem>>
        %dma_start3A_1418 = arith.constant 0 : i32
        %dma_start3A_1419 = arith.constant 0 : i32
        %dma_start3A_1420 = tpu.memref_slice %arg2[%add3A_1407, %add3A_412, %dma_start3A_1418, %dma_start3A_1419] : memref<20000x4x8x128xf32, #tpu.memory_space<hbm>> -> memref<1x1x8x128xf32, #tpu.memory_space<hbm>>
        %dma_start3A_1421 = tpu.memref_squeeze %dma_start3A_1420 : memref<1x1x8x128xf32, #tpu.memory_space<hbm>> -> memref<8x128xf32, #tpu.memory_space<hbm>>
        tpu.enqueue_dma source(%dma_start3A_1421 : memref<8x128xf32, #tpu.memory_space<hbm>>) target(%dma_start3A_1417 : memref<8x128xf32, #tpu.memory_space<vmem>>) target_semaphore(%arg16 : memref<!tpu.dma_semaphore, #tpu.memory_space<semaphore_mem>>)
        %mul3A_1422 = arith.constant 1250 : i32
        %mul3A_1423 = arith.muli %arg1, %mul3A_1422 : i32
        %mul3A_1424 = arith.constant 6 : i32
        %mul3A_1425 = arith.muli %add3A_1337, %mul3A_1424 : i32
        %add3A_1426 = arith.addi %mul3A_1423, %mul3A_1425 : i32
        %add3A_1427 = arith.constant 4 : i32
        %add3A_1428 = arith.addi %add3A_1426, %add3A_1427 : i32
        %dma_start3A_1429 = arith.constant 32 : i32
        %dma_start3A_1430 = arith.constant 0 : i32
        %dma_start3A_1431 = tpu.memref_slice %arg9[%dma_start3A_1429, %dma_start3A_1430] : memref<48x128xf32, #tpu.memory_space<vmem>> -> memref<8x128xf32, #tpu.memory_space<vmem>>
        %dma_start3A_1432 = arith.constant 0 : i32
        %dma_start3A_1433 = arith.constant 0 : i32
        %dma_start3A_1434 = tpu.memref_slice %arg2[%add3A_1428, %add3A_412, %dma_start3A_1432, %dma_start3A_1433] : memref<20000x4x8x128xf32, #tpu.memory_space<hbm>> -> memref<1x1x8x128xf32, #tpu.memory_space<hbm>>
        %dma_start3A_1435 = tpu.memref_squeeze %dma_start3A_1434 : memref<1x1x8x128xf32, #tpu.memory_space<hbm>> -> memref<8x128xf32, #tpu.memory_space<hbm>>
        %dma_start3A_1436 = arith.constant 32 : i32
        %dma_start3A_1437 = arith.constant 0 : i32
        %dma_start3A_1438 = tpu.memref_slice %arg9[%dma_start3A_1436, %dma_start3A_1437] : memref<48x128xf32, #tpu.memory_space<vmem>> -> memref<8x128xf32, #tpu.memory_space<vmem>>
        %dma_start3A_1439 = arith.constant 0 : i32
        %dma_start3A_1440 = arith.constant 0 : i32
        %dma_start3A_1441 = tpu.memref_slice %arg2[%add3A_1428, %add3A_412, %dma_start3A_1439, %dma_start3A_1440] : memref<20000x4x8x128xf32, #tpu.memory_space<hbm>> -> memref<1x1x8x128xf32, #tpu.memory_space<hbm>>
        %dma_start3A_1442 = tpu.memref_squeeze %dma_start3A_1441 : memref<1x1x8x128xf32, #tpu.memory_space<hbm>> -> memref<8x128xf32, #tpu.memory_space<hbm>>
        tpu.enqueue_dma source(%dma_start3A_1442 : memref<8x128xf32, #tpu.memory_space<hbm>>) target(%dma_start3A_1438 : memref<8x128xf32, #tpu.memory_space<vmem>>) target_semaphore(%arg16 : memref<!tpu.dma_semaphore, #tpu.memory_space<semaphore_mem>>)
        %mul3A_1443 = arith.constant 1250 : i32
        %mul3A_1444 = arith.muli %arg1, %mul3A_1443 : i32
        %mul3A_1445 = arith.constant 6 : i32
        %mul3A_1446 = arith.muli %add3A_1337, %mul3A_1445 : i32
        %add3A_1447 = arith.addi %mul3A_1444, %mul3A_1446 : i32
        %add3A_1448 = arith.constant 5 : i32
        %add3A_1449 = arith.addi %add3A_1447, %add3A_1448 : i32
        %dma_start3A_1450 = arith.constant 40 : i32
        %dma_start3A_1451 = arith.constant 0 : i32
        %dma_start3A_1452 = tpu.memref_slice %arg9[%dma_start3A_1450, %dma_start3A_1451] : memref<48x128xf32, #tpu.memory_space<vmem>> -> memref<8x128xf32, #tpu.memory_space<vmem>>
        %dma_start3A_1453 = arith.constant 0 : i32
        %dma_start3A_1454 = arith.constant 0 : i32
        %dma_start3A_1455 = tpu.memref_slice %arg2[%add3A_1449, %add3A_412, %dma_start3A_1453, %dma_start3A_1454] : memref<20000x4x8x128xf32, #tpu.memory_space<hbm>> -> memref<1x1x8x128xf32, #tpu.memory_space<hbm>>
        %dma_start3A_1456 = tpu.memref_squeeze %dma_start3A_1455 : memref<1x1x8x128xf32, #tpu.memory_space<hbm>> -> memref<8x128xf32, #tpu.memory_space<hbm>>
        %dma_start3A_1457 = arith.constant 40 : i32
        %dma_start3A_1458 = arith.constant 0 : i32
        %dma_start3A_1459 = tpu.memref_slice %arg9[%dma_start3A_1457, %dma_start3A_1458] : memref<48x128xf32, #tpu.memory_space<vmem>> -> memref<8x128xf32, #tpu.memory_space<vmem>>
        %dma_start3A_1460 = arith.constant 0 : i32
        %dma_start3A_1461 = arith.constant 0 : i32
        %dma_start3A_1462 = tpu.memref_slice %arg2[%add3A_1449, %add3A_412, %dma_start3A_1460, %dma_start3A_1461] : memref<20000x4x8x128xf32, #tpu.memory_space<hbm>> -> memref<1x1x8x128xf32, #tpu.memory_space<hbm>>
        %dma_start3A_1463 = tpu.memref_squeeze %dma_start3A_1462 : memref<1x1x8x128xf32, #tpu.memory_space<hbm>> -> memref<8x128xf32, #tpu.memory_space<hbm>>
        tpu.enqueue_dma source(%dma_start3A_1463 : memref<8x128xf32, #tpu.memory_space<hbm>>) target(%dma_start3A_1459 : memref<8x128xf32, #tpu.memory_space<vmem>>) target_semaphore(%arg16 : memref<!tpu.dma_semaphore, #tpu.memory_space<semaphore_mem>>)
      } else {
      }
      %mul3A_891 = arith.constant 4 : i32
      %mul3A_892 = arith.muli %mul3A_891, %scan3A_743 : i32
      %add3A_893 = arith.constant 1 : i32
      %add3A_894 = arith.addi %mul3A_892, %add3A_893 : i32
      %mul3A_895 = arith.constant 1250 : i32
      %mul3A_896 = arith.muli %arg1, %mul3A_895 : i32
      %mul3A_897 = arith.constant 6 : i32
      %mul3A_898 = arith.muli %add3A_894, %mul3A_897 : i32
      %add3A_899 = arith.addi %mul3A_896, %mul3A_898 : i32
      %add3A_900 = arith.constant 0 : i32
      %add3A_901 = arith.addi %add3A_899, %add3A_900 : i32
      %dma_wait3A_902 = arith.constant 0 : i32
      %dma_wait3A_903 = arith.constant 0 : i32
      %dma_wait3A_904 = tpu.memref_slice %arg8[%dma_wait3A_902, %dma_wait3A_903] : memref<48x128xf32, #tpu.memory_space<vmem>> -> memref<8x128xf32, #tpu.memory_space<vmem>>
      %dma_wait3A_905 = arith.constant 0 : i32
      %dma_wait3A_906 = arith.constant 0 : i32
      %dma_wait3A_907 = tpu.memref_slice %arg2[%add3A_901, %add3A_412, %dma_wait3A_905, %dma_wait3A_906] : memref<20000x4x8x128xf32, #tpu.memory_space<hbm>> -> memref<1x1x8x128xf32, #tpu.memory_space<hbm>>
      %dma_wait3A_908 = tpu.memref_squeeze %dma_wait3A_907 : memref<1x1x8x128xf32, #tpu.memory_space<hbm>> -> memref<8x128xf32, #tpu.memory_space<hbm>>
      %dma_wait3A_909 = arith.constant 0 : i32
      %dma_wait3A_910 = arith.constant 0 : i32
      %dma_wait3A_911 = tpu.memref_slice %arg8[%dma_wait3A_909, %dma_wait3A_910] : memref<48x128xf32, #tpu.memory_space<vmem>> -> memref<8x128xf32, #tpu.memory_space<vmem>>
      %dma_wait3A_912 = arith.constant 0 : i32
      %dma_wait3A_913 = arith.constant 0 : i32
      %dma_wait3A_914 = tpu.memref_slice %arg2[%add3A_901, %add3A_412, %dma_wait3A_912, %dma_wait3A_913] : memref<20000x4x8x128xf32, #tpu.memory_space<hbm>> -> memref<1x1x8x128xf32, #tpu.memory_space<hbm>>
      %dma_wait3A_915 = tpu.memref_squeeze %dma_wait3A_914 : memref<1x1x8x128xf32, #tpu.memory_space<hbm>> -> memref<8x128xf32, #tpu.memory_space<hbm>>
      tpu.wait_dma2 semaphore(%arg15 : memref<!tpu.dma_semaphore, #tpu.memory_space<semaphore_mem>>) src(%dma_wait3A_915 : memref<8x128xf32, #tpu.memory_space<hbm>>) dst(%dma_wait3A_911 : memref<8x128xf32, #tpu.memory_space<vmem>>)
      %mul3A_916 = arith.constant 1250 : i32
      %mul3A_917 = arith.muli %arg1, %mul3A_916 : i32
      %mul3A_918 = arith.constant 6 : i32
      %mul3A_919 = arith.muli %add3A_894, %mul3A_918 : i32
      %add3A_920 = arith.addi %mul3A_917, %mul3A_919 : i32
      %add3A_921 = arith.constant 1 : i32
      %add3A_922 = arith.addi %add3A_920, %add3A_921 : i32
      %dma_wait3A_923 = arith.constant 8 : i32
      %dma_wait3A_924 = arith.constant 0 : i32
      %dma_wait3A_925 = tpu.memref_slice %arg8[%dma_wait3A_923, %dma_wait3A_924] : memref<48x128xf32, #tpu.memory_space<vmem>> -> memref<8x128xf32, #tpu.memory_space<vmem>>
      %dma_wait3A_926 = arith.constant 0 : i32
      %dma_wait3A_927 = arith.constant 0 : i32
      %dma_wait3A_928 = tpu.memref_slice %arg2[%add3A_922, %add3A_412, %dma_wait3A_926, %dma_wait3A_927] : memref<20000x4x8x128xf32, #tpu.memory_space<hbm>> -> memref<1x1x8x128xf32, #tpu.memory_space<hbm>>
      %dma_wait3A_929 = tpu.memref_squeeze %dma_wait3A_928 : memref<1x1x8x128xf32, #tpu.memory_space<hbm>> -> memref<8x128xf32, #tpu.memory_space<hbm>>
      %dma_wait3A_930 = arith.constant 8 : i32
      %dma_wait3A_931 = arith.constant 0 : i32
      %dma_wait3A_932 = tpu.memref_slice %arg8[%dma_wait3A_930, %dma_wait3A_931] : memref<48x128xf32, #tpu.memory_space<vmem>> -> memref<8x128xf32, #tpu.memory_space<vmem>>
      %dma_wait3A_933 = arith.constant 0 : i32
      %dma_wait3A_934 = arith.constant 0 : i32
      %dma_wait3A_935 = tpu.memref_slice %arg2[%add3A_922, %add3A_412, %dma_wait3A_933, %dma_wait3A_934] : memref<20000x4x8x128xf32, #tpu.memory_space<hbm>> -> memref<1x1x8x128xf32, #tpu.memory_space<hbm>>
      %dma_wait3A_936 = tpu.memref_squeeze %dma_wait3A_935 : memref<1x1x8x128xf32, #tpu.memory_space<hbm>> -> memref<8x128xf32, #tpu.memory_space<hbm>>
      tpu.wait_dma2 semaphore(%arg15 : memref<!tpu.dma_semaphore, #tpu.memory_space<semaphore_mem>>) src(%dma_wait3A_936 : memref<8x128xf32, #tpu.memory_space<hbm>>) dst(%dma_wait3A_932 : memref<8x128xf32, #tpu.memory_space<vmem>>)
      %mul3A_937 = arith.constant 1250 : i32
      %mul3A_938 = arith.muli %arg1, %mul3A_937 : i32
      %mul3A_939 = arith.constant 6 : i32
      %mul3A_940 = arith.muli %add3A_894, %mul3A_939 : i32
      %add3A_941 = arith.addi %mul3A_938, %mul3A_940 : i32
      %add3A_942 = arith.constant 2 : i32
      %add3A_943 = arith.addi %add3A_941, %add3A_942 : i32
      %dma_wait3A_944 = arith.constant 16 : i32
      %dma_wait3A_945 = arith.constant 0 : i32
      %dma_wait3A_946 = tpu.memref_slice %arg8[%dma_wait3A_944, %dma_wait3A_945] : memref<48x128xf32, #tpu.memory_space<vmem>> -> memref<8x128xf32, #tpu.memory_space<vmem>>
      %dma_wait3A_947 = arith.constant 0 : i32
      %dma_wait3A_948 = arith.constant 0 : i32
      %dma_wait3A_949 = tpu.memref_slice %arg2[%add3A_943, %add3A_412, %dma_wait3A_947, %dma_wait3A_948] : memref<20000x4x8x128xf32, #tpu.memory_space<hbm>> -> memref<1x1x8x128xf32, #tpu.memory_space<hbm>>
      %dma_wait3A_950 = tpu.memref_squeeze %dma_wait3A_949 : memref<1x1x8x128xf32, #tpu.memory_space<hbm>> -> memref<8x128xf32, #tpu.memory_space<hbm>>
      %dma_wait3A_951 = arith.constant 16 : i32
      %dma_wait3A_952 = arith.constant 0 : i32
      %dma_wait3A_953 = tpu.memref_slice %arg8[%dma_wait3A_951, %dma_wait3A_952] : memref<48x128xf32, #tpu.memory_space<vmem>> -> memref<8x128xf32, #tpu.memory_space<vmem>>
      %dma_wait3A_954 = arith.constant 0 : i32
      %dma_wait3A_955 = arith.constant 0 : i32
      %dma_wait3A_956 = tpu.memref_slice %arg2[%add3A_943, %add3A_412, %dma_wait3A_954, %dma_wait3A_955] : memref<20000x4x8x128xf32, #tpu.memory_space<hbm>> -> memref<1x1x8x128xf32, #tpu.memory_space<hbm>>
      %dma_wait3A_957 = tpu.memref_squeeze %dma_wait3A_956 : memref<1x1x8x128xf32, #tpu.memory_space<hbm>> -> memref<8x128xf32, #tpu.memory_space<hbm>>
      tpu.wait_dma2 semaphore(%arg15 : memref<!tpu.dma_semaphore, #tpu.memory_space<semaphore_mem>>) src(%dma_wait3A_957 : memref<8x128xf32, #tpu.memory_space<hbm>>) dst(%dma_wait3A_953 : memref<8x128xf32, #tpu.memory_space<vmem>>)
      %mul3A_958 = arith.constant 1250 : i32
      %mul3A_959 = arith.muli %arg1, %mul3A_958 : i32
      %mul3A_960 = arith.constant 6 : i32
      %mul3A_961 = arith.muli %add3A_894, %mul3A_960 : i32
      %add3A_962 = arith.addi %mul3A_959, %mul3A_961 : i32
      %add3A_963 = arith.constant 3 : i32
      %add3A_964 = arith.addi %add3A_962, %add3A_963 : i32
      %dma_wait3A_965 = arith.constant 24 : i32
      %dma_wait3A_966 = arith.constant 0 : i32
      %dma_wait3A_967 = tpu.memref_slice %arg8[%dma_wait3A_965, %dma_wait3A_966] : memref<48x128xf32, #tpu.memory_space<vmem>> -> memref<8x128xf32, #tpu.memory_space<vmem>>
      %dma_wait3A_968 = arith.constant 0 : i32
      %dma_wait3A_969 = arith.constant 0 : i32
      %dma_wait3A_970 = tpu.memref_slice %arg2[%add3A_964, %add3A_412, %dma_wait3A_968, %dma_wait3A_969] : memref<20000x4x8x128xf32, #tpu.memory_space<hbm>> -> memref<1x1x8x128xf32, #tpu.memory_space<hbm>>
      %dma_wait3A_971 = tpu.memref_squeeze %dma_wait3A_970 : memref<1x1x8x128xf32, #tpu.memory_space<hbm>> -> memref<8x128xf32, #tpu.memory_space<hbm>>
      %dma_wait3A_972 = arith.constant 24 : i32
      %dma_wait3A_973 = arith.constant 0 : i32
      %dma_wait3A_974 = tpu.memref_slice %arg8[%dma_wait3A_972, %dma_wait3A_973] : memref<48x128xf32, #tpu.memory_space<vmem>> -> memref<8x128xf32, #tpu.memory_space<vmem>>
      %dma_wait3A_975 = arith.constant 0 : i32
      %dma_wait3A_976 = arith.constant 0 : i32
      %dma_wait3A_977 = tpu.memref_slice %arg2[%add3A_964, %add3A_412, %dma_wait3A_975, %dma_wait3A_976] : memref<20000x4x8x128xf32, #tpu.memory_space<hbm>> -> memref<1x1x8x128xf32, #tpu.memory_space<hbm>>
      %dma_wait3A_978 = tpu.memref_squeeze %dma_wait3A_977 : memref<1x1x8x128xf32, #tpu.memory_space<hbm>> -> memref<8x128xf32, #tpu.memory_space<hbm>>
      tpu.wait_dma2 semaphore(%arg15 : memref<!tpu.dma_semaphore, #tpu.memory_space<semaphore_mem>>) src(%dma_wait3A_978 : memref<8x128xf32, #tpu.memory_space<hbm>>) dst(%dma_wait3A_974 : memref<8x128xf32, #tpu.memory_space<vmem>>)
      %mul3A_979 = arith.constant 1250 : i32
      %mul3A_980 = arith.muli %arg1, %mul3A_979 : i32
      %mul3A_981 = arith.constant 6 : i32
      %mul3A_982 = arith.muli %add3A_894, %mul3A_981 : i32
      %add3A_983 = arith.addi %mul3A_980, %mul3A_982 : i32
      %add3A_984 = arith.constant 4 : i32
      %add3A_985 = arith.addi %add3A_983, %add3A_984 : i32
      %dma_wait3A_986 = arith.constant 32 : i32
      %dma_wait3A_987 = arith.constant 0 : i32
      %dma_wait3A_988 = tpu.memref_slice %arg8[%dma_wait3A_986, %dma_wait3A_987] : memref<48x128xf32, #tpu.memory_space<vmem>> -> memref<8x128xf32, #tpu.memory_space<vmem>>
      %dma_wait3A_989 = arith.constant 0 : i32
      %dma_wait3A_990 = arith.constant 0 : i32
      %dma_wait3A_991 = tpu.memref_slice %arg2[%add3A_985, %add3A_412, %dma_wait3A_989, %dma_wait3A_990] : memref<20000x4x8x128xf32, #tpu.memory_space<hbm>> -> memref<1x1x8x128xf32, #tpu.memory_space<hbm>>
      %dma_wait3A_992 = tpu.memref_squeeze %dma_wait3A_991 : memref<1x1x8x128xf32, #tpu.memory_space<hbm>> -> memref<8x128xf32, #tpu.memory_space<hbm>>
      %dma_wait3A_993 = arith.constant 32 : i32
      %dma_wait3A_994 = arith.constant 0 : i32
      %dma_wait3A_995 = tpu.memref_slice %arg8[%dma_wait3A_993, %dma_wait3A_994] : memref<48x128xf32, #tpu.memory_space<vmem>> -> memref<8x128xf32, #tpu.memory_space<vmem>>
      %dma_wait3A_996 = arith.constant 0 : i32
      %dma_wait3A_997 = arith.constant 0 : i32
      %dma_wait3A_998 = tpu.memref_slice %arg2[%add3A_985, %add3A_412, %dma_wait3A_996, %dma_wait3A_997] : memref<20000x4x8x128xf32, #tpu.memory_space<hbm>> -> memref<1x1x8x128xf32, #tpu.memory_space<hbm>>
      %dma_wait3A_999 = tpu.memref_squeeze %dma_wait3A_998 : memref<1x1x8x128xf32, #tpu.memory_space<hbm>> -> memref<8x128xf32, #tpu.memory_space<hbm>>
      tpu.wait_dma2 semaphore(%arg15 : memref<!tpu.dma_semaphore, #tpu.memory_space<semaphore_mem>>) src(%dma_wait3A_999 : memref<8x128xf32, #tpu.memory_space<hbm>>) dst(%dma_wait3A_995 : memref<8x128xf32, #tpu.memory_space<vmem>>)
      %mul3A_1000 = arith.constant 1250 : i32
      %mul3A_1001 = arith.muli %arg1, %mul3A_1000 : i32
      %mul3A_1002 = arith.constant 6 : i32
      %mul3A_1003 = arith.muli %add3A_894, %mul3A_1002 : i32
      %add3A_1004 = arith.addi %mul3A_1001, %mul3A_1003 : i32
      %add3A_1005 = arith.constant 5 : i32
      %add3A_1006 = arith.addi %add3A_1004, %add3A_1005 : i32
      %dma_wait3A_1007 = arith.constant 40 : i32
      %dma_wait3A_1008 = arith.constant 0 : i32
      %dma_wait3A_1009 = tpu.memref_slice %arg8[%dma_wait3A_1007, %dma_wait3A_1008] : memref<48x128xf32, #tpu.memory_space<vmem>> -> memref<8x128xf32, #tpu.memory_space<vmem>>
      %dma_wait3A_1010 = arith.constant 0 : i32
      %dma_wait3A_1011 = arith.constant 0 : i32
      %dma_wait3A_1012 = tpu.memref_slice %arg2[%add3A_1006, %add3A_412, %dma_wait3A_1010, %dma_wait3A_1011] : memref<20000x4x8x128xf32, #tpu.memory_space<hbm>> -> memref<1x1x8x128xf32, #tpu.memory_space<hbm>>
      %dma_wait3A_1013 = tpu.memref_squeeze %dma_wait3A_1012 : memref<1x1x8x128xf32, #tpu.memory_space<hbm>> -> memref<8x128xf32, #tpu.memory_space<hbm>>
      %dma_wait3A_1014 = arith.constant 40 : i32
      %dma_wait3A_1015 = arith.constant 0 : i32
      %dma_wait3A_1016 = tpu.memref_slice %arg8[%dma_wait3A_1014, %dma_wait3A_1015] : memref<48x128xf32, #tpu.memory_space<vmem>> -> memref<8x128xf32, #tpu.memory_space<vmem>>
      %dma_wait3A_1017 = arith.constant 0 : i32
      %dma_wait3A_1018 = arith.constant 0 : i32
      %dma_wait3A_1019 = tpu.memref_slice %arg2[%add3A_1006, %add3A_412, %dma_wait3A_1017, %dma_wait3A_1018] : memref<20000x4x8x128xf32, #tpu.memory_space<hbm>> -> memref<1x1x8x128xf32, #tpu.memory_space<hbm>>
      %dma_wait3A_1020 = tpu.memref_squeeze %dma_wait3A_1019 : memref<1x1x8x128xf32, #tpu.memory_space<hbm>> -> memref<8x128xf32, #tpu.memory_space<hbm>>
      tpu.wait_dma2 semaphore(%arg15 : memref<!tpu.dma_semaphore, #tpu.memory_space<semaphore_mem>>) src(%dma_wait3A_1020 : memref<8x128xf32, #tpu.memory_space<hbm>>) dst(%dma_wait3A_1016 : memref<8x128xf32, #tpu.memory_space<vmem>>)
      %mul3A_1021 = arith.constant 48 : i32
      %mul3A_1022 = arith.muli %add3A_894, %mul3A_1021 : i32
      %dma_start3A_1023 = tpu.memref_slice %arg6[%mul3A_1022] : memref<10000xi32, #tpu.memory_space<vmem>> -> memref<48xi32, #tpu.memory_space<vmem>>
      %dma_start3A_1024 = arith.constant 0 : i32
      %dma_start3A_1025 = arith.constant 0 : i32
      %dma_start3A_1026 = tpu.memref_slice %arg12[%dma_start3A_1024, %dma_start3A_1025] : memref<10000x128xf32, #tpu.memory_space<vmem_shared>> -> memref<10000x128xf32, #tpu.memory_space<vmem_shared>>
      tpu.enqueue_indirect_dma source(%arg8 : memref<48x128xf32, #tpu.memory_space<vmem>>) target(%dma_start3A_1026 : memref<10000x128xf32, #tpu.memory_space<vmem_shared>>) offsets(%dma_start3A_1023 : memref<48xi32, #tpu.memory_space<vmem>>) semaphore(%arg19 : memref<!tpu.dma_semaphore, #tpu.memory_space<semaphore_mem>>) {add = true}
      %ge3A_1027 = arith.constant 2 : i32
      %ge3A_1028 = arith.cmpi sge, %add3A_894, %ge3A_1027 : i32
      %convert_element_type3A_1029 = arith.extui %ge3A_1028 : i1 to i32
      %cond3A_1030 = arith.constant 0 : i32
      %cond3A_1031 = arith.cmpi ne, %convert_element_type3A_1029, %cond3A_1030 : i32
      scf.if %cond3A_1031 {
        %sub3A = arith.constant 2 : i32
        %sub3A_1336 = arith.subi %add3A_894, %sub3A : i32
        %mul3A_1337 = arith.constant 48 : i32
        %mul3A_1338 = arith.muli %sub3A_1336, %mul3A_1337 : i32
        %dma_wait3A_1339 = tpu.memref_slice %arg6[%mul3A_1338] : memref<10000xi32, #tpu.memory_space<vmem>> -> memref<48xi32, #tpu.memory_space<vmem>>
        %dma_wait3A_1340 = arith.constant 0 : i32
        %dma_wait3A_1341 = arith.constant 0 : i32
        %dma_wait3A_1342 = tpu.memref_slice %arg12[%dma_wait3A_1340, %dma_wait3A_1341] : memref<10000x128xf32, #tpu.memory_space<vmem_shared>> -> memref<10000x128xf32, #tpu.memory_space<vmem_shared>>
        tpu.wait_indirect_dma semaphore(%arg21 : memref<!tpu.dma_semaphore, #tpu.memory_space<semaphore_mem>>) src(%arg10 : memref<48x128xf32, #tpu.memory_space<vmem>>) dst(%dma_wait3A_1342 : memref<10000x128xf32, #tpu.memory_space<vmem_shared>>)
      } else {
      }
      %add3A_1032 = arith.constant 2 : i32
      %add3A_1033 = arith.addi %add3A_894, %add3A_1032 : i32
      %lt3A_1034 = arith.constant 208 : i32
      %lt3A_1035 = arith.cmpi slt, %add3A_1033, %lt3A_1034 : i32
      %convert_element_type3A_1036 = arith.extui %lt3A_1035 : i1 to i32
      %cond3A_1037 = arith.constant 0 : i32
      %cond3A_1038 = arith.cmpi ne, %convert_element_type3A_1036, %cond3A_1037 : i32
      scf.if %cond3A_1038 {
        %add3A_1336 = arith.constant 2 : i32
        %add3A_1337 = arith.addi %add3A_894, %add3A_1336 : i32
        %mul3A_1338 = arith.constant 1250 : i32
        %mul3A_1339 = arith.muli %arg1, %mul3A_1338 : i32
        %mul3A_1340 = arith.constant 6 : i32
        %mul3A_1341 = arith.muli %add3A_1337, %mul3A_1340 : i32
        %add3A_1342 = arith.addi %mul3A_1339, %mul3A_1341 : i32
        %add3A_1343 = arith.constant 0 : i32
        %add3A_1344 = arith.addi %add3A_1342, %add3A_1343 : i32
        %dma_start3A_1345 = arith.constant 0 : i32
        %dma_start3A_1346 = arith.constant 0 : i32
        %dma_start3A_1347 = tpu.memref_slice %arg10[%dma_start3A_1345, %dma_start3A_1346] : memref<48x128xf32, #tpu.memory_space<vmem>> -> memref<8x128xf32, #tpu.memory_space<vmem>>
        %dma_start3A_1348 = arith.constant 0 : i32
        %dma_start3A_1349 = arith.constant 0 : i32
        %dma_start3A_1350 = tpu.memref_slice %arg2[%add3A_1344, %add3A_412, %dma_start3A_1348, %dma_start3A_1349] : memref<20000x4x8x128xf32, #tpu.memory_space<hbm>> -> memref<1x1x8x128xf32, #tpu.memory_space<hbm>>
        %dma_start3A_1351 = tpu.memref_squeeze %dma_start3A_1350 : memref<1x1x8x128xf32, #tpu.memory_space<hbm>> -> memref<8x128xf32, #tpu.memory_space<hbm>>
        %dma_start3A_1352 = arith.constant 0 : i32
        %dma_start3A_1353 = arith.constant 0 : i32
        %dma_start3A_1354 = tpu.memref_slice %arg10[%dma_start3A_1352, %dma_start3A_1353] : memref<48x128xf32, #tpu.memory_space<vmem>> -> memref<8x128xf32, #tpu.memory_space<vmem>>
        %dma_start3A_1355 = arith.constant 0 : i32
        %dma_start3A_1356 = arith.constant 0 : i32
        %dma_start3A_1357 = tpu.memref_slice %arg2[%add3A_1344, %add3A_412, %dma_start3A_1355, %dma_start3A_1356] : memref<20000x4x8x128xf32, #tpu.memory_space<hbm>> -> memref<1x1x8x128xf32, #tpu.memory_space<hbm>>
        %dma_start3A_1358 = tpu.memref_squeeze %dma_start3A_1357 : memref<1x1x8x128xf32, #tpu.memory_space<hbm>> -> memref<8x128xf32, #tpu.memory_space<hbm>>
        tpu.enqueue_dma source(%dma_start3A_1358 : memref<8x128xf32, #tpu.memory_space<hbm>>) target(%dma_start3A_1354 : memref<8x128xf32, #tpu.memory_space<vmem>>) target_semaphore(%arg17 : memref<!tpu.dma_semaphore, #tpu.memory_space<semaphore_mem>>)
        %mul3A_1359 = arith.constant 1250 : i32
        %mul3A_1360 = arith.muli %arg1, %mul3A_1359 : i32
        %mul3A_1361 = arith.constant 6 : i32
        %mul3A_1362 = arith.muli %add3A_1337, %mul3A_1361 : i32
        %add3A_1363 = arith.addi %mul3A_1360, %mul3A_1362 : i32
        %add3A_1364 = arith.constant 1 : i32
        %add3A_1365 = arith.addi %add3A_1363, %add3A_1364 : i32
        %dma_start3A_1366 = arith.constant 8 : i32
        %dma_start3A_1367 = arith.constant 0 : i32
        %dma_start3A_1368 = tpu.memref_slice %arg10[%dma_start3A_1366, %dma_start3A_1367] : memref<48x128xf32, #tpu.memory_space<vmem>> -> memref<8x128xf32, #tpu.memory_space<vmem>>
        %dma_start3A_1369 = arith.constant 0 : i32
        %dma_start3A_1370 = arith.constant 0 : i32
        %dma_start3A_1371 = tpu.memref_slice %arg2[%add3A_1365, %add3A_412, %dma_start3A_1369, %dma_start3A_1370] : memref<20000x4x8x128xf32, #tpu.memory_space<hbm>> -> memref<1x1x8x128xf32, #tpu.memory_space<hbm>>
        %dma_start3A_1372 = tpu.memref_squeeze %dma_start3A_1371 : memref<1x1x8x128xf32, #tpu.memory_space<hbm>> -> memref<8x128xf32, #tpu.memory_space<hbm>>
        %dma_start3A_1373 = arith.constant 8 : i32
        %dma_start3A_1374 = arith.constant 0 : i32
        %dma_start3A_1375 = tpu.memref_slice %arg10[%dma_start3A_1373, %dma_start3A_1374] : memref<48x128xf32, #tpu.memory_space<vmem>> -> memref<8x128xf32, #tpu.memory_space<vmem>>
        %dma_start3A_1376 = arith.constant 0 : i32
        %dma_start3A_1377 = arith.constant 0 : i32
        %dma_start3A_1378 = tpu.memref_slice %arg2[%add3A_1365, %add3A_412, %dma_start3A_1376, %dma_start3A_1377] : memref<20000x4x8x128xf32, #tpu.memory_space<hbm>> -> memref<1x1x8x128xf32, #tpu.memory_space<hbm>>
        %dma_start3A_1379 = tpu.memref_squeeze %dma_start3A_1378 : memref<1x1x8x128xf32, #tpu.memory_space<hbm>> -> memref<8x128xf32, #tpu.memory_space<hbm>>
        tpu.enqueue_dma source(%dma_start3A_1379 : memref<8x128xf32, #tpu.memory_space<hbm>>) target(%dma_start3A_1375 : memref<8x128xf32, #tpu.memory_space<vmem>>) target_semaphore(%arg17 : memref<!tpu.dma_semaphore, #tpu.memory_space<semaphore_mem>>)
        %mul3A_1380 = arith.constant 1250 : i32
        %mul3A_1381 = arith.muli %arg1, %mul3A_1380 : i32
        %mul3A_1382 = arith.constant 6 : i32
        %mul3A_1383 = arith.muli %add3A_1337, %mul3A_1382 : i32
        %add3A_1384 = arith.addi %mul3A_1381, %mul3A_1383 : i32
        %add3A_1385 = arith.constant 2 : i32
        %add3A_1386 = arith.addi %add3A_1384, %add3A_1385 : i32
        %dma_start3A_1387 = arith.constant 16 : i32
        %dma_start3A_1388 = arith.constant 0 : i32
        %dma_start3A_1389 = tpu.memref_slice %arg10[%dma_start3A_1387, %dma_start3A_1388] : memref<48x128xf32, #tpu.memory_space<vmem>> -> memref<8x128xf32, #tpu.memory_space<vmem>>
        %dma_start3A_1390 = arith.constant 0 : i32
        %dma_start3A_1391 = arith.constant 0 : i32
        %dma_start3A_1392 = tpu.memref_slice %arg2[%add3A_1386, %add3A_412, %dma_start3A_1390, %dma_start3A_1391] : memref<20000x4x8x128xf32, #tpu.memory_space<hbm>> -> memref<1x1x8x128xf32, #tpu.memory_space<hbm>>
        %dma_start3A_1393 = tpu.memref_squeeze %dma_start3A_1392 : memref<1x1x8x128xf32, #tpu.memory_space<hbm>> -> memref<8x128xf32, #tpu.memory_space<hbm>>
        %dma_start3A_1394 = arith.constant 16 : i32
        %dma_start3A_1395 = arith.constant 0 : i32
        %dma_start3A_1396 = tpu.memref_slice %arg10[%dma_start3A_1394, %dma_start3A_1395] : memref<48x128xf32, #tpu.memory_space<vmem>> -> memref<8x128xf32, #tpu.memory_space<vmem>>
        %dma_start3A_1397 = arith.constant 0 : i32
        %dma_start3A_1398 = arith.constant 0 : i32
        %dma_start3A_1399 = tpu.memref_slice %arg2[%add3A_1386, %add3A_412, %dma_start3A_1397, %dma_start3A_1398] : memref<20000x4x8x128xf32, #tpu.memory_space<hbm>> -> memref<1x1x8x128xf32, #tpu.memory_space<hbm>>
        %dma_start3A_1400 = tpu.memref_squeeze %dma_start3A_1399 : memref<1x1x8x128xf32, #tpu.memory_space<hbm>> -> memref<8x128xf32, #tpu.memory_space<hbm>>
        tpu.enqueue_dma source(%dma_start3A_1400 : memref<8x128xf32, #tpu.memory_space<hbm>>) target(%dma_start3A_1396 : memref<8x128xf32, #tpu.memory_space<vmem>>) target_semaphore(%arg17 : memref<!tpu.dma_semaphore, #tpu.memory_space<semaphore_mem>>)
        %mul3A_1401 = arith.constant 1250 : i32
        %mul3A_1402 = arith.muli %arg1, %mul3A_1401 : i32
        %mul3A_1403 = arith.constant 6 : i32
        %mul3A_1404 = arith.muli %add3A_1337, %mul3A_1403 : i32
        %add3A_1405 = arith.addi %mul3A_1402, %mul3A_1404 : i32
        %add3A_1406 = arith.constant 3 : i32
        %add3A_1407 = arith.addi %add3A_1405, %add3A_1406 : i32
        %dma_start3A_1408 = arith.constant 24 : i32
        %dma_start3A_1409 = arith.constant 0 : i32
        %dma_start3A_1410 = tpu.memref_slice %arg10[%dma_start3A_1408, %dma_start3A_1409] : memref<48x128xf32, #tpu.memory_space<vmem>> -> memref<8x128xf32, #tpu.memory_space<vmem>>
        %dma_start3A_1411 = arith.constant 0 : i32
        %dma_start3A_1412 = arith.constant 0 : i32
        %dma_start3A_1413 = tpu.memref_slice %arg2[%add3A_1407, %add3A_412, %dma_start3A_1411, %dma_start3A_1412] : memref<20000x4x8x128xf32, #tpu.memory_space<hbm>> -> memref<1x1x8x128xf32, #tpu.memory_space<hbm>>
        %dma_start3A_1414 = tpu.memref_squeeze %dma_start3A_1413 : memref<1x1x8x128xf32, #tpu.memory_space<hbm>> -> memref<8x128xf32, #tpu.memory_space<hbm>>
        %dma_start3A_1415 = arith.constant 24 : i32
        %dma_start3A_1416 = arith.constant 0 : i32
        %dma_start3A_1417 = tpu.memref_slice %arg10[%dma_start3A_1415, %dma_start3A_1416] : memref<48x128xf32, #tpu.memory_space<vmem>> -> memref<8x128xf32, #tpu.memory_space<vmem>>
        %dma_start3A_1418 = arith.constant 0 : i32
        %dma_start3A_1419 = arith.constant 0 : i32
        %dma_start3A_1420 = tpu.memref_slice %arg2[%add3A_1407, %add3A_412, %dma_start3A_1418, %dma_start3A_1419] : memref<20000x4x8x128xf32, #tpu.memory_space<hbm>> -> memref<1x1x8x128xf32, #tpu.memory_space<hbm>>
        %dma_start3A_1421 = tpu.memref_squeeze %dma_start3A_1420 : memref<1x1x8x128xf32, #tpu.memory_space<hbm>> -> memref<8x128xf32, #tpu.memory_space<hbm>>
        tpu.enqueue_dma source(%dma_start3A_1421 : memref<8x128xf32, #tpu.memory_space<hbm>>) target(%dma_start3A_1417 : memref<8x128xf32, #tpu.memory_space<vmem>>) target_semaphore(%arg17 : memref<!tpu.dma_semaphore, #tpu.memory_space<semaphore_mem>>)
        %mul3A_1422 = arith.constant 1250 : i32
        %mul3A_1423 = arith.muli %arg1, %mul3A_1422 : i32
        %mul3A_1424 = arith.constant 6 : i32
        %mul3A_1425 = arith.muli %add3A_1337, %mul3A_1424 : i32
        %add3A_1426 = arith.addi %mul3A_1423, %mul3A_1425 : i32
        %add3A_1427 = arith.constant 4 : i32
        %add3A_1428 = arith.addi %add3A_1426, %add3A_1427 : i32
        %dma_start3A_1429 = arith.constant 32 : i32
        %dma_start3A_1430 = arith.constant 0 : i32
        %dma_start3A_1431 = tpu.memref_slice %arg10[%dma_start3A_1429, %dma_start3A_1430] : memref<48x128xf32, #tpu.memory_space<vmem>> -> memref<8x128xf32, #tpu.memory_space<vmem>>
        %dma_start3A_1432 = arith.constant 0 : i32
        %dma_start3A_1433 = arith.constant 0 : i32
        %dma_start3A_1434 = tpu.memref_slice %arg2[%add3A_1428, %add3A_412, %dma_start3A_1432, %dma_start3A_1433] : memref<20000x4x8x128xf32, #tpu.memory_space<hbm>> -> memref<1x1x8x128xf32, #tpu.memory_space<hbm>>
        %dma_start3A_1435 = tpu.memref_squeeze %dma_start3A_1434 : memref<1x1x8x128xf32, #tpu.memory_space<hbm>> -> memref<8x128xf32, #tpu.memory_space<hbm>>
        %dma_start3A_1436 = arith.constant 32 : i32
        %dma_start3A_1437 = arith.constant 0 : i32
        %dma_start3A_1438 = tpu.memref_slice %arg10[%dma_start3A_1436, %dma_start3A_1437] : memref<48x128xf32, #tpu.memory_space<vmem>> -> memref<8x128xf32, #tpu.memory_space<vmem>>
        %dma_start3A_1439 = arith.constant 0 : i32
        %dma_start3A_1440 = arith.constant 0 : i32
        %dma_start3A_1441 = tpu.memref_slice %arg2[%add3A_1428, %add3A_412, %dma_start3A_1439, %dma_start3A_1440] : memref<20000x4x8x128xf32, #tpu.memory_space<hbm>> -> memref<1x1x8x128xf32, #tpu.memory_space<hbm>>
        %dma_start3A_1442 = tpu.memref_squeeze %dma_start3A_1441 : memref<1x1x8x128xf32, #tpu.memory_space<hbm>> -> memref<8x128xf32, #tpu.memory_space<hbm>>
        tpu.enqueue_dma source(%dma_start3A_1442 : memref<8x128xf32, #tpu.memory_space<hbm>>) target(%dma_start3A_1438 : memref<8x128xf32, #tpu.memory_space<vmem>>) target_semaphore(%arg17 : memref<!tpu.dma_semaphore, #tpu.memory_space<semaphore_mem>>)
        %mul3A_1443 = arith.constant 1250 : i32
        %mul3A_1444 = arith.muli %arg1, %mul3A_1443 : i32
        %mul3A_1445 = arith.constant 6 : i32
        %mul3A_1446 = arith.muli %add3A_1337, %mul3A_1445 : i32
        %add3A_1447 = arith.addi %mul3A_1444, %mul3A_1446 : i32
        %add3A_1448 = arith.constant 5 : i32
        %add3A_1449 = arith.addi %add3A_1447, %add3A_1448 : i32
        %dma_start3A_1450 = arith.constant 40 : i32
        %dma_start3A_1451 = arith.constant 0 : i32
        %dma_start3A_1452 = tpu.memref_slice %arg10[%dma_start3A_1450, %dma_start3A_1451] : memref<48x128xf32, #tpu.memory_space<vmem>> -> memref<8x128xf32, #tpu.memory_space<vmem>>
        %dma_start3A_1453 = arith.constant 0 : i32
        %dma_start3A_1454 = arith.constant 0 : i32
        %dma_start3A_1455 = tpu.memref_slice %arg2[%add3A_1449, %add3A_412, %dma_start3A_1453, %dma_start3A_1454] : memref<20000x4x8x128xf32, #tpu.memory_space<hbm>> -> memref<1x1x8x128xf32, #tpu.memory_space<hbm>>
        %dma_start3A_1456 = tpu.memref_squeeze %dma_start3A_1455 : memref<1x1x8x128xf32, #tpu.memory_space<hbm>> -> memref<8x128xf32, #tpu.memory_space<hbm>>
        %dma_start3A_1457 = arith.constant 40 : i32
        %dma_start3A_1458 = arith.constant 0 : i32
        %dma_start3A_1459 = tpu.memref_slice %arg10[%dma_start3A_1457, %dma_start3A_1458] : memref<48x128xf32, #tpu.memory_space<vmem>> -> memref<8x128xf32, #tpu.memory_space<vmem>>
        %dma_start3A_1460 = arith.constant 0 : i32
        %dma_start3A_1461 = arith.constant 0 : i32
        %dma_start3A_1462 = tpu.memref_slice %arg2[%add3A_1449, %add3A_412, %dma_start3A_1460, %dma_start3A_1461] : memref<20000x4x8x128xf32, #tpu.memory_space<hbm>> -> memref<1x1x8x128xf32, #tpu.memory_space<hbm>>
        %dma_start3A_1463 = tpu.memref_squeeze %dma_start3A_1462 : memref<1x1x8x128xf32, #tpu.memory_space<hbm>> -> memref<8x128xf32, #tpu.memory_space<hbm>>
        tpu.enqueue_dma source(%dma_start3A_1463 : memref<8x128xf32, #tpu.memory_space<hbm>>) target(%dma_start3A_1459 : memref<8x128xf32, #tpu.memory_space<vmem>>) target_semaphore(%arg17 : memref<!tpu.dma_semaphore, #tpu.memory_space<semaphore_mem>>)
      } else {
      }
      %mul3A_1039 = arith.constant 4 : i32
      %mul3A_1040 = arith.muli %mul3A_1039, %scan3A_743 : i32
      %add3A_1041 = arith.constant 2 : i32
      %add3A_1042 = arith.addi %mul3A_1040, %add3A_1041 : i32
      %mul3A_1043 = arith.constant 1250 : i32
      %mul3A_1044 = arith.muli %arg1, %mul3A_1043 : i32
      %mul3A_1045 = arith.constant 6 : i32
      %mul3A_1046 = arith.muli %add3A_1042, %mul3A_1045 : i32
      %add3A_1047 = arith.addi %mul3A_1044, %mul3A_1046 : i32
      %add3A_1048 = arith.constant 0 : i32
      %add3A_1049 = arith.addi %add3A_1047, %add3A_1048 : i32
      %dma_wait3A_1050 = arith.constant 0 : i32
      %dma_wait3A_1051 = arith.constant 0 : i32
      %dma_wait3A_1052 = tpu.memref_slice %arg9[%dma_wait3A_1050, %dma_wait3A_1051] : memref<48x128xf32, #tpu.memory_space<vmem>> -> memref<8x128xf32, #tpu.memory_space<vmem>>
      %dma_wait3A_1053 = arith.constant 0 : i32
      %dma_wait3A_1054 = arith.constant 0 : i32
      %dma_wait3A_1055 = tpu.memref_slice %arg2[%add3A_1049, %add3A_412, %dma_wait3A_1053, %dma_wait3A_1054] : memref<20000x4x8x128xf32, #tpu.memory_space<hbm>> -> memref<1x1x8x128xf32, #tpu.memory_space<hbm>>
      %dma_wait3A_1056 = tpu.memref_squeeze %dma_wait3A_1055 : memref<1x1x8x128xf32, #tpu.memory_space<hbm>> -> memref<8x128xf32, #tpu.memory_space<hbm>>
      %dma_wait3A_1057 = arith.constant 0 : i32
      %dma_wait3A_1058 = arith.constant 0 : i32
      %dma_wait3A_1059 = tpu.memref_slice %arg9[%dma_wait3A_1057, %dma_wait3A_1058] : memref<48x128xf32, #tpu.memory_space<vmem>> -> memref<8x128xf32, #tpu.memory_space<vmem>>
      %dma_wait3A_1060 = arith.constant 0 : i32
      %dma_wait3A_1061 = arith.constant 0 : i32
      %dma_wait3A_1062 = tpu.memref_slice %arg2[%add3A_1049, %add3A_412, %dma_wait3A_1060, %dma_wait3A_1061] : memref<20000x4x8x128xf32, #tpu.memory_space<hbm>> -> memref<1x1x8x128xf32, #tpu.memory_space<hbm>>
      %dma_wait3A_1063 = tpu.memref_squeeze %dma_wait3A_1062 : memref<1x1x8x128xf32, #tpu.memory_space<hbm>> -> memref<8x128xf32, #tpu.memory_space<hbm>>
      tpu.wait_dma2 semaphore(%arg16 : memref<!tpu.dma_semaphore, #tpu.memory_space<semaphore_mem>>) src(%dma_wait3A_1063 : memref<8x128xf32, #tpu.memory_space<hbm>>) dst(%dma_wait3A_1059 : memref<8x128xf32, #tpu.memory_space<vmem>>)
      %mul3A_1064 = arith.constant 1250 : i32
      %mul3A_1065 = arith.muli %arg1, %mul3A_1064 : i32
      %mul3A_1066 = arith.constant 6 : i32
      %mul3A_1067 = arith.muli %add3A_1042, %mul3A_1066 : i32
      %add3A_1068 = arith.addi %mul3A_1065, %mul3A_1067 : i32
      %add3A_1069 = arith.constant 1 : i32
      %add3A_1070 = arith.addi %add3A_1068, %add3A_1069 : i32
      %dma_wait3A_1071 = arith.constant 8 : i32
      %dma_wait3A_1072 = arith.constant 0 : i32
      %dma_wait3A_1073 = tpu.memref_slice %arg9[%dma_wait3A_1071, %dma_wait3A_1072] : memref<48x128xf32, #tpu.memory_space<vmem>> -> memref<8x128xf32, #tpu.memory_space<vmem>>
      %dma_wait3A_1074 = arith.constant 0 : i32
      %dma_wait3A_1075 = arith.constant 0 : i32
      %dma_wait3A_1076 = tpu.memref_slice %arg2[%add3A_1070, %add3A_412, %dma_wait3A_1074, %dma_wait3A_1075] : memref<20000x4x8x128xf32, #tpu.memory_space<hbm>> -> memref<1x1x8x128xf32, #tpu.memory_space<hbm>>
      %dma_wait3A_1077 = tpu.memref_squeeze %dma_wait3A_1076 : memref<1x1x8x128xf32, #tpu.memory_space<hbm>> -> memref<8x128xf32, #tpu.memory_space<hbm>>
      %dma_wait3A_1078 = arith.constant 8 : i32
      %dma_wait3A_1079 = arith.constant 0 : i32
      %dma_wait3A_1080 = tpu.memref_slice %arg9[%dma_wait3A_1078, %dma_wait3A_1079] : memref<48x128xf32, #tpu.memory_space<vmem>> -> memref<8x128xf32, #tpu.memory_space<vmem>>
      %dma_wait3A_1081 = arith.constant 0 : i32
      %dma_wait3A_1082 = arith.constant 0 : i32
      %dma_wait3A_1083 = tpu.memref_slice %arg2[%add3A_1070, %add3A_412, %dma_wait3A_1081, %dma_wait3A_1082] : memref<20000x4x8x128xf32, #tpu.memory_space<hbm>> -> memref<1x1x8x128xf32, #tpu.memory_space<hbm>>
      %dma_wait3A_1084 = tpu.memref_squeeze %dma_wait3A_1083 : memref<1x1x8x128xf32, #tpu.memory_space<hbm>> -> memref<8x128xf32, #tpu.memory_space<hbm>>
      tpu.wait_dma2 semaphore(%arg16 : memref<!tpu.dma_semaphore, #tpu.memory_space<semaphore_mem>>) src(%dma_wait3A_1084 : memref<8x128xf32, #tpu.memory_space<hbm>>) dst(%dma_wait3A_1080 : memref<8x128xf32, #tpu.memory_space<vmem>>)
      %mul3A_1085 = arith.constant 1250 : i32
      %mul3A_1086 = arith.muli %arg1, %mul3A_1085 : i32
      %mul3A_1087 = arith.constant 6 : i32
      %mul3A_1088 = arith.muli %add3A_1042, %mul3A_1087 : i32
      %add3A_1089 = arith.addi %mul3A_1086, %mul3A_1088 : i32
      %add3A_1090 = arith.constant 2 : i32
      %add3A_1091 = arith.addi %add3A_1089, %add3A_1090 : i32
      %dma_wait3A_1092 = arith.constant 16 : i32
      %dma_wait3A_1093 = arith.constant 0 : i32
      %dma_wait3A_1094 = tpu.memref_slice %arg9[%dma_wait3A_1092, %dma_wait3A_1093] : memref<48x128xf32, #tpu.memory_space<vmem>> -> memref<8x128xf32, #tpu.memory_space<vmem>>
      %dma_wait3A_1095 = arith.constant 0 : i32
      %dma_wait3A_1096 = arith.constant 0 : i32
      %dma_wait3A_1097 = tpu.memref_slice %arg2[%add3A_1091, %add3A_412, %dma_wait3A_1095, %dma_wait3A_1096] : memref<20000x4x8x128xf32, #tpu.memory_space<hbm>> -> memref<1x1x8x128xf32, #tpu.memory_space<hbm>>
      %dma_wait3A_1098 = tpu.memref_squeeze %dma_wait3A_1097 : memref<1x1x8x128xf32, #tpu.memory_space<hbm>> -> memref<8x128xf32, #tpu.memory_space<hbm>>
      %dma_wait3A_1099 = arith.constant 16 : i32
      %dma_wait3A_1100 = arith.constant 0 : i32
      %dma_wait3A_1101 = tpu.memref_slice %arg9[%dma_wait3A_1099, %dma_wait3A_1100] : memref<48x128xf32, #tpu.memory_space<vmem>> -> memref<8x128xf32, #tpu.memory_space<vmem>>
      %dma_wait3A_1102 = arith.constant 0 : i32
      %dma_wait3A_1103 = arith.constant 0 : i32
      %dma_wait3A_1104 = tpu.memref_slice %arg2[%add3A_1091, %add3A_412, %dma_wait3A_1102, %dma_wait3A_1103] : memref<20000x4x8x128xf32, #tpu.memory_space<hbm>> -> memref<1x1x8x128xf32, #tpu.memory_space<hbm>>
      %dma_wait3A_1105 = tpu.memref_squeeze %dma_wait3A_1104 : memref<1x1x8x128xf32, #tpu.memory_space<hbm>> -> memref<8x128xf32, #tpu.memory_space<hbm>>
      tpu.wait_dma2 semaphore(%arg16 : memref<!tpu.dma_semaphore, #tpu.memory_space<semaphore_mem>>) src(%dma_wait3A_1105 : memref<8x128xf32, #tpu.memory_space<hbm>>) dst(%dma_wait3A_1101 : memref<8x128xf32, #tpu.memory_space<vmem>>)
      %mul3A_1106 = arith.constant 1250 : i32
      %mul3A_1107 = arith.muli %arg1, %mul3A_1106 : i32
      %mul3A_1108 = arith.constant 6 : i32
      %mul3A_1109 = arith.muli %add3A_1042, %mul3A_1108 : i32
      %add3A_1110 = arith.addi %mul3A_1107, %mul3A_1109 : i32
      %add3A_1111 = arith.constant 3 : i32
      %add3A_1112 = arith.addi %add3A_1110, %add3A_1111 : i32
      %dma_wait3A_1113 = arith.constant 24 : i32
      %dma_wait3A_1114 = arith.constant 0 : i32
      %dma_wait3A_1115 = tpu.memref_slice %arg9[%dma_wait3A_1113, %dma_wait3A_1114] : memref<48x128xf32, #tpu.memory_space<vmem>> -> memref<8x128xf32, #tpu.memory_space<vmem>>
      %dma_wait3A_1116 = arith.constant 0 : i32
      %dma_wait3A_1117 = arith.constant 0 : i32
      %dma_wait3A_1118 = tpu.memref_slice %arg2[%add3A_1112, %add3A_412, %dma_wait3A_1116, %dma_wait3A_1117] : memref<20000x4x8x128xf32, #tpu.memory_space<hbm>> -> memref<1x1x8x128xf32, #tpu.memory_space<hbm>>
      %dma_wait3A_1119 = tpu.memref_squeeze %dma_wait3A_1118 : memref<1x1x8x128xf32, #tpu.memory_space<hbm>> -> memref<8x128xf32, #tpu.memory_space<hbm>>
      %dma_wait3A_1120 = arith.constant 24 : i32
      %dma_wait3A_1121 = arith.constant 0 : i32
      %dma_wait3A_1122 = tpu.memref_slice %arg9[%dma_wait3A_1120, %dma_wait3A_1121] : memref<48x128xf32, #tpu.memory_space<vmem>> -> memref<8x128xf32, #tpu.memory_space<vmem>>
      %dma_wait3A_1123 = arith.constant 0 : i32
      %dma_wait3A_1124 = arith.constant 0 : i32
      %dma_wait3A_1125 = tpu.memref_slice %arg2[%add3A_1112, %add3A_412, %dma_wait3A_1123, %dma_wait3A_1124] : memref<20000x4x8x128xf32, #tpu.memory_space<hbm>> -> memref<1x1x8x128xf32, #tpu.memory_space<hbm>>
      %dma_wait3A_1126 = tpu.memref_squeeze %dma_wait3A_1125 : memref<1x1x8x128xf32, #tpu.memory_space<hbm>> -> memref<8x128xf32, #tpu.memory_space<hbm>>
      tpu.wait_dma2 semaphore(%arg16 : memref<!tpu.dma_semaphore, #tpu.memory_space<semaphore_mem>>) src(%dma_wait3A_1126 : memref<8x128xf32, #tpu.memory_space<hbm>>) dst(%dma_wait3A_1122 : memref<8x128xf32, #tpu.memory_space<vmem>>)
      %mul3A_1127 = arith.constant 1250 : i32
      %mul3A_1128 = arith.muli %arg1, %mul3A_1127 : i32
      %mul3A_1129 = arith.constant 6 : i32
      %mul3A_1130 = arith.muli %add3A_1042, %mul3A_1129 : i32
      %add3A_1131 = arith.addi %mul3A_1128, %mul3A_1130 : i32
      %add3A_1132 = arith.constant 4 : i32
      %add3A_1133 = arith.addi %add3A_1131, %add3A_1132 : i32
      %dma_wait3A_1134 = arith.constant 32 : i32
      %dma_wait3A_1135 = arith.constant 0 : i32
      %dma_wait3A_1136 = tpu.memref_slice %arg9[%dma_wait3A_1134, %dma_wait3A_1135] : memref<48x128xf32, #tpu.memory_space<vmem>> -> memref<8x128xf32, #tpu.memory_space<vmem>>
      %dma_wait3A_1137 = arith.constant 0 : i32
      %dma_wait3A_1138 = arith.constant 0 : i32
      %dma_wait3A_1139 = tpu.memref_slice %arg2[%add3A_1133, %add3A_412, %dma_wait3A_1137, %dma_wait3A_1138] : memref<20000x4x8x128xf32, #tpu.memory_space<hbm>> -> memref<1x1x8x128xf32, #tpu.memory_space<hbm>>
      %dma_wait3A_1140 = tpu.memref_squeeze %dma_wait3A_1139 : memref<1x1x8x128xf32, #tpu.memory_space<hbm>> -> memref<8x128xf32, #tpu.memory_space<hbm>>
      %dma_wait3A_1141 = arith.constant 32 : i32
      %dma_wait3A_1142 = arith.constant 0 : i32
      %dma_wait3A_1143 = tpu.memref_slice %arg9[%dma_wait3A_1141, %dma_wait3A_1142] : memref<48x128xf32, #tpu.memory_space<vmem>> -> memref<8x128xf32, #tpu.memory_space<vmem>>
      %dma_wait3A_1144 = arith.constant 0 : i32
      %dma_wait3A_1145 = arith.constant 0 : i32
      %dma_wait3A_1146 = tpu.memref_slice %arg2[%add3A_1133, %add3A_412, %dma_wait3A_1144, %dma_wait3A_1145] : memref<20000x4x8x128xf32, #tpu.memory_space<hbm>> -> memref<1x1x8x128xf32, #tpu.memory_space<hbm>>
      %dma_wait3A_1147 = tpu.memref_squeeze %dma_wait3A_1146 : memref<1x1x8x128xf32, #tpu.memory_space<hbm>> -> memref<8x128xf32, #tpu.memory_space<hbm>>
      tpu.wait_dma2 semaphore(%arg16 : memref<!tpu.dma_semaphore, #tpu.memory_space<semaphore_mem>>) src(%dma_wait3A_1147 : memref<8x128xf32, #tpu.memory_space<hbm>>) dst(%dma_wait3A_1143 : memref<8x128xf32, #tpu.memory_space<vmem>>)
      %mul3A_1148 = arith.constant 1250 : i32
      %mul3A_1149 = arith.muli %arg1, %mul3A_1148 : i32
      %mul3A_1150 = arith.constant 6 : i32
      %mul3A_1151 = arith.muli %add3A_1042, %mul3A_1150 : i32
      %add3A_1152 = arith.addi %mul3A_1149, %mul3A_1151 : i32
      %add3A_1153 = arith.constant 5 : i32
      %add3A_1154 = arith.addi %add3A_1152, %add3A_1153 : i32
      %dma_wait3A_1155 = arith.constant 40 : i32
      %dma_wait3A_1156 = arith.constant 0 : i32
      %dma_wait3A_1157 = tpu.memref_slice %arg9[%dma_wait3A_1155, %dma_wait3A_1156] : memref<48x128xf32, #tpu.memory_space<vmem>> -> memref<8x128xf32, #tpu.memory_space<vmem>>
      %dma_wait3A_1158 = arith.constant 0 : i32
      %dma_wait3A_1159 = arith.constant 0 : i32
      %dma_wait3A_1160 = tpu.memref_slice %arg2[%add3A_1154, %add3A_412, %dma_wait3A_1158, %dma_wait3A_1159] : memref<20000x4x8x128xf32, #tpu.memory_space<hbm>> -> memref<1x1x8x128xf32, #tpu.memory_space<hbm>>
      %dma_wait3A_1161 = tpu.memref_squeeze %dma_wait3A_1160 : memref<1x1x8x128xf32, #tpu.memory_space<hbm>> -> memref<8x128xf32, #tpu.memory_space<hbm>>
      %dma_wait3A_1162 = arith.constant 40 : i32
      %dma_wait3A_1163 = arith.constant 0 : i32
      %dma_wait3A_1164 = tpu.memref_slice %arg9[%dma_wait3A_1162, %dma_wait3A_1163] : memref<48x128xf32, #tpu.memory_space<vmem>> -> memref<8x128xf32, #tpu.memory_space<vmem>>
      %dma_wait3A_1165 = arith.constant 0 : i32
      %dma_wait3A_1166 = arith.constant 0 : i32
      %dma_wait3A_1167 = tpu.memref_slice %arg2[%add3A_1154, %add3A_412, %dma_wait3A_1165, %dma_wait3A_1166] : memref<20000x4x8x128xf32, #tpu.memory_space<hbm>> -> memref<1x1x8x128xf32, #tpu.memory_space<hbm>>
      %dma_wait3A_1168 = tpu.memref_squeeze %dma_wait3A_1167 : memref<1x1x8x128xf32, #tpu.memory_space<hbm>> -> memref<8x128xf32, #tpu.memory_space<hbm>>
      tpu.wait_dma2 semaphore(%arg16 : memref<!tpu.dma_semaphore, #tpu.memory_space<semaphore_mem>>) src(%dma_wait3A_1168 : memref<8x128xf32, #tpu.memory_space<hbm>>) dst(%dma_wait3A_1164 : memref<8x128xf32, #tpu.memory_space<vmem>>)
      %mul3A_1169 = arith.constant 48 : i32
      %mul3A_1170 = arith.muli %add3A_1042, %mul3A_1169 : i32
      %dma_start3A_1171 = tpu.memref_slice %arg6[%mul3A_1170] : memref<10000xi32, #tpu.memory_space<vmem>> -> memref<48xi32, #tpu.memory_space<vmem>>
      %dma_start3A_1172 = arith.constant 0 : i32
      %dma_start3A_1173 = arith.constant 0 : i32
      %dma_start3A_1174 = tpu.memref_slice %arg12[%dma_start3A_1172, %dma_start3A_1173] : memref<10000x128xf32, #tpu.memory_space<vmem_shared>> -> memref<10000x128xf32, #tpu.memory_space<vmem_shared>>
      tpu.enqueue_indirect_dma source(%arg9 : memref<48x128xf32, #tpu.memory_space<vmem>>) target(%dma_start3A_1174 : memref<10000x128xf32, #tpu.memory_space<vmem_shared>>) offsets(%dma_start3A_1171 : memref<48xi32, #tpu.memory_space<vmem>>) semaphore(%arg20 : memref<!tpu.dma_semaphore, #tpu.memory_space<semaphore_mem>>) {add = true}
      %ge3A_1175 = arith.constant 2 : i32
      %ge3A_1176 = arith.cmpi sge, %add3A_1042, %ge3A_1175 : i32
      %convert_element_type3A_1177 = arith.extui %ge3A_1176 : i1 to i32
      %cond3A_1178 = arith.constant 0 : i32
      %cond3A_1179 = arith.cmpi ne, %convert_element_type3A_1177, %cond3A_1178 : i32
      scf.if %cond3A_1179 {
        %sub3A = arith.constant 2 : i32
        %sub3A_1336 = arith.subi %add3A_1042, %sub3A : i32
        %mul3A_1337 = arith.constant 48 : i32
        %mul3A_1338 = arith.muli %sub3A_1336, %mul3A_1337 : i32
        %dma_wait3A_1339 = tpu.memref_slice %arg6[%mul3A_1338] : memref<10000xi32, #tpu.memory_space<vmem>> -> memref<48xi32, #tpu.memory_space<vmem>>
        %dma_wait3A_1340 = arith.constant 0 : i32
        %dma_wait3A_1341 = arith.constant 0 : i32
        %dma_wait3A_1342 = tpu.memref_slice %arg12[%dma_wait3A_1340, %dma_wait3A_1341] : memref<10000x128xf32, #tpu.memory_space<vmem_shared>> -> memref<10000x128xf32, #tpu.memory_space<vmem_shared>>
        tpu.wait_indirect_dma semaphore(%arg18 : memref<!tpu.dma_semaphore, #tpu.memory_space<semaphore_mem>>) src(%arg7 : memref<48x128xf32, #tpu.memory_space<vmem>>) dst(%dma_wait3A_1342 : memref<10000x128xf32, #tpu.memory_space<vmem_shared>>)
      } else {
      }
      %add3A_1180 = arith.constant 2 : i32
      %add3A_1181 = arith.addi %add3A_1042, %add3A_1180 : i32
      %lt3A_1182 = arith.constant 208 : i32
      %lt3A_1183 = arith.cmpi slt, %add3A_1181, %lt3A_1182 : i32
      %convert_element_type3A_1184 = arith.extui %lt3A_1183 : i1 to i32
      %cond3A_1185 = arith.constant 0 : i32
      %cond3A_1186 = arith.cmpi ne, %convert_element_type3A_1184, %cond3A_1185 : i32
      scf.if %cond3A_1186 {
        %add3A_1336 = arith.constant 2 : i32
        %add3A_1337 = arith.addi %add3A_1042, %add3A_1336 : i32
        %mul3A_1338 = arith.constant 1250 : i32
        %mul3A_1339 = arith.muli %arg1, %mul3A_1338 : i32
        %mul3A_1340 = arith.constant 6 : i32
        %mul3A_1341 = arith.muli %add3A_1337, %mul3A_1340 : i32
        %add3A_1342 = arith.addi %mul3A_1339, %mul3A_1341 : i32
        %add3A_1343 = arith.constant 0 : i32
        %add3A_1344 = arith.addi %add3A_1342, %add3A_1343 : i32
        %dma_start3A_1345 = arith.constant 0 : i32
        %dma_start3A_1346 = arith.constant 0 : i32
        %dma_start3A_1347 = tpu.memref_slice %arg7[%dma_start3A_1345, %dma_start3A_1346] : memref<48x128xf32, #tpu.memory_space<vmem>> -> memref<8x128xf32, #tpu.memory_space<vmem>>
        %dma_start3A_1348 = arith.constant 0 : i32
        %dma_start3A_1349 = arith.constant 0 : i32
        %dma_start3A_1350 = tpu.memref_slice %arg2[%add3A_1344, %add3A_412, %dma_start3A_1348, %dma_start3A_1349] : memref<20000x4x8x128xf32, #tpu.memory_space<hbm>> -> memref<1x1x8x128xf32, #tpu.memory_space<hbm>>
        %dma_start3A_1351 = tpu.memref_squeeze %dma_start3A_1350 : memref<1x1x8x128xf32, #tpu.memory_space<hbm>> -> memref<8x128xf32, #tpu.memory_space<hbm>>
        %dma_start3A_1352 = arith.constant 0 : i32
        %dma_start3A_1353 = arith.constant 0 : i32
        %dma_start3A_1354 = tpu.memref_slice %arg7[%dma_start3A_1352, %dma_start3A_1353] : memref<48x128xf32, #tpu.memory_space<vmem>> -> memref<8x128xf32, #tpu.memory_space<vmem>>
        %dma_start3A_1355 = arith.constant 0 : i32
        %dma_start3A_1356 = arith.constant 0 : i32
        %dma_start3A_1357 = tpu.memref_slice %arg2[%add3A_1344, %add3A_412, %dma_start3A_1355, %dma_start3A_1356] : memref<20000x4x8x128xf32, #tpu.memory_space<hbm>> -> memref<1x1x8x128xf32, #tpu.memory_space<hbm>>
        %dma_start3A_1358 = tpu.memref_squeeze %dma_start3A_1357 : memref<1x1x8x128xf32, #tpu.memory_space<hbm>> -> memref<8x128xf32, #tpu.memory_space<hbm>>
        tpu.enqueue_dma source(%dma_start3A_1358 : memref<8x128xf32, #tpu.memory_space<hbm>>) target(%dma_start3A_1354 : memref<8x128xf32, #tpu.memory_space<vmem>>) target_semaphore(%arg14 : memref<!tpu.dma_semaphore, #tpu.memory_space<semaphore_mem>>)
        %mul3A_1359 = arith.constant 1250 : i32
        %mul3A_1360 = arith.muli %arg1, %mul3A_1359 : i32
        %mul3A_1361 = arith.constant 6 : i32
        %mul3A_1362 = arith.muli %add3A_1337, %mul3A_1361 : i32
        %add3A_1363 = arith.addi %mul3A_1360, %mul3A_1362 : i32
        %add3A_1364 = arith.constant 1 : i32
        %add3A_1365 = arith.addi %add3A_1363, %add3A_1364 : i32
        %dma_start3A_1366 = arith.constant 8 : i32
        %dma_start3A_1367 = arith.constant 0 : i32
        %dma_start3A_1368 = tpu.memref_slice %arg7[%dma_start3A_1366, %dma_start3A_1367] : memref<48x128xf32, #tpu.memory_space<vmem>> -> memref<8x128xf32, #tpu.memory_space<vmem>>
        %dma_start3A_1369 = arith.constant 0 : i32
        %dma_start3A_1370 = arith.constant 0 : i32
        %dma_start3A_1371 = tpu.memref_slice %arg2[%add3A_1365, %add3A_412, %dma_start3A_1369, %dma_start3A_1370] : memref<20000x4x8x128xf32, #tpu.memory_space<hbm>> -> memref<1x1x8x128xf32, #tpu.memory_space<hbm>>
        %dma_start3A_1372 = tpu.memref_squeeze %dma_start3A_1371 : memref<1x1x8x128xf32, #tpu.memory_space<hbm>> -> memref<8x128xf32, #tpu.memory_space<hbm>>
        %dma_start3A_1373 = arith.constant 8 : i32
        %dma_start3A_1374 = arith.constant 0 : i32
        %dma_start3A_1375 = tpu.memref_slice %arg7[%dma_start3A_1373, %dma_start3A_1374] : memref<48x128xf32, #tpu.memory_space<vmem>> -> memref<8x128xf32, #tpu.memory_space<vmem>>
        %dma_start3A_1376 = arith.constant 0 : i32
        %dma_start3A_1377 = arith.constant 0 : i32
        %dma_start3A_1378 = tpu.memref_slice %arg2[%add3A_1365, %add3A_412, %dma_start3A_1376, %dma_start3A_1377] : memref<20000x4x8x128xf32, #tpu.memory_space<hbm>> -> memref<1x1x8x128xf32, #tpu.memory_space<hbm>>
        %dma_start3A_1379 = tpu.memref_squeeze %dma_start3A_1378 : memref<1x1x8x128xf32, #tpu.memory_space<hbm>> -> memref<8x128xf32, #tpu.memory_space<hbm>>
        tpu.enqueue_dma source(%dma_start3A_1379 : memref<8x128xf32, #tpu.memory_space<hbm>>) target(%dma_start3A_1375 : memref<8x128xf32, #tpu.memory_space<vmem>>) target_semaphore(%arg14 : memref<!tpu.dma_semaphore, #tpu.memory_space<semaphore_mem>>)
        %mul3A_1380 = arith.constant 1250 : i32
        %mul3A_1381 = arith.muli %arg1, %mul3A_1380 : i32
        %mul3A_1382 = arith.constant 6 : i32
        %mul3A_1383 = arith.muli %add3A_1337, %mul3A_1382 : i32
        %add3A_1384 = arith.addi %mul3A_1381, %mul3A_1383 : i32
        %add3A_1385 = arith.constant 2 : i32
        %add3A_1386 = arith.addi %add3A_1384, %add3A_1385 : i32
        %dma_start3A_1387 = arith.constant 16 : i32
        %dma_start3A_1388 = arith.constant 0 : i32
        %dma_start3A_1389 = tpu.memref_slice %arg7[%dma_start3A_1387, %dma_start3A_1388] : memref<48x128xf32, #tpu.memory_space<vmem>> -> memref<8x128xf32, #tpu.memory_space<vmem>>
        %dma_start3A_1390 = arith.constant 0 : i32
        %dma_start3A_1391 = arith.constant 0 : i32
        %dma_start3A_1392 = tpu.memref_slice %arg2[%add3A_1386, %add3A_412, %dma_start3A_1390, %dma_start3A_1391] : memref<20000x4x8x128xf32, #tpu.memory_space<hbm>> -> memref<1x1x8x128xf32, #tpu.memory_space<hbm>>
        %dma_start3A_1393 = tpu.memref_squeeze %dma_start3A_1392 : memref<1x1x8x128xf32, #tpu.memory_space<hbm>> -> memref<8x128xf32, #tpu.memory_space<hbm>>
        %dma_start3A_1394 = arith.constant 16 : i32
        %dma_start3A_1395 = arith.constant 0 : i32
        %dma_start3A_1396 = tpu.memref_slice %arg7[%dma_start3A_1394, %dma_start3A_1395] : memref<48x128xf32, #tpu.memory_space<vmem>> -> memref<8x128xf32, #tpu.memory_space<vmem>>
        %dma_start3A_1397 = arith.constant 0 : i32
        %dma_start3A_1398 = arith.constant 0 : i32
        %dma_start3A_1399 = tpu.memref_slice %arg2[%add3A_1386, %add3A_412, %dma_start3A_1397, %dma_start3A_1398] : memref<20000x4x8x128xf32, #tpu.memory_space<hbm>> -> memref<1x1x8x128xf32, #tpu.memory_space<hbm>>
        %dma_start3A_1400 = tpu.memref_squeeze %dma_start3A_1399 : memref<1x1x8x128xf32, #tpu.memory_space<hbm>> -> memref<8x128xf32, #tpu.memory_space<hbm>>
        tpu.enqueue_dma source(%dma_start3A_1400 : memref<8x128xf32, #tpu.memory_space<hbm>>) target(%dma_start3A_1396 : memref<8x128xf32, #tpu.memory_space<vmem>>) target_semaphore(%arg14 : memref<!tpu.dma_semaphore, #tpu.memory_space<semaphore_mem>>)
        %mul3A_1401 = arith.constant 1250 : i32
        %mul3A_1402 = arith.muli %arg1, %mul3A_1401 : i32
        %mul3A_1403 = arith.constant 6 : i32
        %mul3A_1404 = arith.muli %add3A_1337, %mul3A_1403 : i32
        %add3A_1405 = arith.addi %mul3A_1402, %mul3A_1404 : i32
        %add3A_1406 = arith.constant 3 : i32
        %add3A_1407 = arith.addi %add3A_1405, %add3A_1406 : i32
        %dma_start3A_1408 = arith.constant 24 : i32
        %dma_start3A_1409 = arith.constant 0 : i32
        %dma_start3A_1410 = tpu.memref_slice %arg7[%dma_start3A_1408, %dma_start3A_1409] : memref<48x128xf32, #tpu.memory_space<vmem>> -> memref<8x128xf32, #tpu.memory_space<vmem>>
        %dma_start3A_1411 = arith.constant 0 : i32
        %dma_start3A_1412 = arith.constant 0 : i32
        %dma_start3A_1413 = tpu.memref_slice %arg2[%add3A_1407, %add3A_412, %dma_start3A_1411, %dma_start3A_1412] : memref<20000x4x8x128xf32, #tpu.memory_space<hbm>> -> memref<1x1x8x128xf32, #tpu.memory_space<hbm>>
        %dma_start3A_1414 = tpu.memref_squeeze %dma_start3A_1413 : memref<1x1x8x128xf32, #tpu.memory_space<hbm>> -> memref<8x128xf32, #tpu.memory_space<hbm>>
        %dma_start3A_1415 = arith.constant 24 : i32
        %dma_start3A_1416 = arith.constant 0 : i32
        %dma_start3A_1417 = tpu.memref_slice %arg7[%dma_start3A_1415, %dma_start3A_1416] : memref<48x128xf32, #tpu.memory_space<vmem>> -> memref<8x128xf32, #tpu.memory_space<vmem>>
        %dma_start3A_1418 = arith.constant 0 : i32
        %dma_start3A_1419 = arith.constant 0 : i32
        %dma_start3A_1420 = tpu.memref_slice %arg2[%add3A_1407, %add3A_412, %dma_start3A_1418, %dma_start3A_1419] : memref<20000x4x8x128xf32, #tpu.memory_space<hbm>> -> memref<1x1x8x128xf32, #tpu.memory_space<hbm>>
        %dma_start3A_1421 = tpu.memref_squeeze %dma_start3A_1420 : memref<1x1x8x128xf32, #tpu.memory_space<hbm>> -> memref<8x128xf32, #tpu.memory_space<hbm>>
        tpu.enqueue_dma source(%dma_start3A_1421 : memref<8x128xf32, #tpu.memory_space<hbm>>) target(%dma_start3A_1417 : memref<8x128xf32, #tpu.memory_space<vmem>>) target_semaphore(%arg14 : memref<!tpu.dma_semaphore, #tpu.memory_space<semaphore_mem>>)
        %mul3A_1422 = arith.constant 1250 : i32
        %mul3A_1423 = arith.muli %arg1, %mul3A_1422 : i32
        %mul3A_1424 = arith.constant 6 : i32
        %mul3A_1425 = arith.muli %add3A_1337, %mul3A_1424 : i32
        %add3A_1426 = arith.addi %mul3A_1423, %mul3A_1425 : i32
        %add3A_1427 = arith.constant 4 : i32
        %add3A_1428 = arith.addi %add3A_1426, %add3A_1427 : i32
        %dma_start3A_1429 = arith.constant 32 : i32
        %dma_start3A_1430 = arith.constant 0 : i32
        %dma_start3A_1431 = tpu.memref_slice %arg7[%dma_start3A_1429, %dma_start3A_1430] : memref<48x128xf32, #tpu.memory_space<vmem>> -> memref<8x128xf32, #tpu.memory_space<vmem>>
        %dma_start3A_1432 = arith.constant 0 : i32
        %dma_start3A_1433 = arith.constant 0 : i32
        %dma_start3A_1434 = tpu.memref_slice %arg2[%add3A_1428, %add3A_412, %dma_start3A_1432, %dma_start3A_1433] : memref<20000x4x8x128xf32, #tpu.memory_space<hbm>> -> memref<1x1x8x128xf32, #tpu.memory_space<hbm>>
        %dma_start3A_1435 = tpu.memref_squeeze %dma_start3A_1434 : memref<1x1x8x128xf32, #tpu.memory_space<hbm>> -> memref<8x128xf32, #tpu.memory_space<hbm>>
        %dma_start3A_1436 = arith.constant 32 : i32
        %dma_start3A_1437 = arith.constant 0 : i32
        %dma_start3A_1438 = tpu.memref_slice %arg7[%dma_start3A_1436, %dma_start3A_1437] : memref<48x128xf32, #tpu.memory_space<vmem>> -> memref<8x128xf32, #tpu.memory_space<vmem>>
        %dma_start3A_1439 = arith.constant 0 : i32
        %dma_start3A_1440 = arith.constant 0 : i32
        %dma_start3A_1441 = tpu.memref_slice %arg2[%add3A_1428, %add3A_412, %dma_start3A_1439, %dma_start3A_1440] : memref<20000x4x8x128xf32, #tpu.memory_space<hbm>> -> memref<1x1x8x128xf32, #tpu.memory_space<hbm>>
        %dma_start3A_1442 = tpu.memref_squeeze %dma_start3A_1441 : memref<1x1x8x128xf32, #tpu.memory_space<hbm>> -> memref<8x128xf32, #tpu.memory_space<hbm>>
        tpu.enqueue_dma source(%dma_start3A_1442 : memref<8x128xf32, #tpu.memory_space<hbm>>) target(%dma_start3A_1438 : memref<8x128xf32, #tpu.memory_space<vmem>>) target_semaphore(%arg14 : memref<!tpu.dma_semaphore, #tpu.memory_space<semaphore_mem>>)
        %mul3A_1443 = arith.constant 1250 : i32
        %mul3A_1444 = arith.muli %arg1, %mul3A_1443 : i32
        %mul3A_1445 = arith.constant 6 : i32
        %mul3A_1446 = arith.muli %add3A_1337, %mul3A_1445 : i32
        %add3A_1447 = arith.addi %mul3A_1444, %mul3A_1446 : i32
        %add3A_1448 = arith.constant 5 : i32
        %add3A_1449 = arith.addi %add3A_1447, %add3A_1448 : i32
        %dma_start3A_1450 = arith.constant 40 : i32
        %dma_start3A_1451 = arith.constant 0 : i32
        %dma_start3A_1452 = tpu.memref_slice %arg7[%dma_start3A_1450, %dma_start3A_1451] : memref<48x128xf32, #tpu.memory_space<vmem>> -> memref<8x128xf32, #tpu.memory_space<vmem>>
        %dma_start3A_1453 = arith.constant 0 : i32
        %dma_start3A_1454 = arith.constant 0 : i32
        %dma_start3A_1455 = tpu.memref_slice %arg2[%add3A_1449, %add3A_412, %dma_start3A_1453, %dma_start3A_1454] : memref<20000x4x8x128xf32, #tpu.memory_space<hbm>> -> memref<1x1x8x128xf32, #tpu.memory_space<hbm>>
        %dma_start3A_1456 = tpu.memref_squeeze %dma_start3A_1455 : memref<1x1x8x128xf32, #tpu.memory_space<hbm>> -> memref<8x128xf32, #tpu.memory_space<hbm>>
        %dma_start3A_1457 = arith.constant 40 : i32
        %dma_start3A_1458 = arith.constant 0 : i32
        %dma_start3A_1459 = tpu.memref_slice %arg7[%dma_start3A_1457, %dma_start3A_1458] : memref<48x128xf32, #tpu.memory_space<vmem>> -> memref<8x128xf32, #tpu.memory_space<vmem>>
        %dma_start3A_1460 = arith.constant 0 : i32
        %dma_start3A_1461 = arith.constant 0 : i32
        %dma_start3A_1462 = tpu.memref_slice %arg2[%add3A_1449, %add3A_412, %dma_start3A_1460, %dma_start3A_1461] : memref<20000x4x8x128xf32, #tpu.memory_space<hbm>> -> memref<1x1x8x128xf32, #tpu.memory_space<hbm>>
        %dma_start3A_1463 = tpu.memref_squeeze %dma_start3A_1462 : memref<1x1x8x128xf32, #tpu.memory_space<hbm>> -> memref<8x128xf32, #tpu.memory_space<hbm>>
        tpu.enqueue_dma source(%dma_start3A_1463 : memref<8x128xf32, #tpu.memory_space<hbm>>) target(%dma_start3A_1459 : memref<8x128xf32, #tpu.memory_space<vmem>>) target_semaphore(%arg14 : memref<!tpu.dma_semaphore, #tpu.memory_space<semaphore_mem>>)
      } else {
      }
      %mul3A_1187 = arith.constant 4 : i32
      %mul3A_1188 = arith.muli %mul3A_1187, %scan3A_743 : i32
      %add3A_1189 = arith.constant 3 : i32
      %add3A_1190 = arith.addi %mul3A_1188, %add3A_1189 : i32
      %mul3A_1191 = arith.constant 1250 : i32
      %mul3A_1192 = arith.muli %arg1, %mul3A_1191 : i32
      %mul3A_1193 = arith.constant 6 : i32
      %mul3A_1194 = arith.muli %add3A_1190, %mul3A_1193 : i32
      %add3A_1195 = arith.addi %mul3A_1192, %mul3A_1194 : i32
      %add3A_1196 = arith.constant 0 : i32
      %add3A_1197 = arith.addi %add3A_1195, %add3A_1196 : i32
      %dma_wait3A_1198 = arith.constant 0 : i32
      %dma_wait3A_1199 = arith.constant 0 : i32
      %dma_wait3A_1200 = tpu.memref_slice %arg10[%dma_wait3A_1198, %dma_wait3A_1199] : memref<48x128xf32, #tpu.memory_space<vmem>> -> memref<8x128xf32, #tpu.memory_space<vmem>>
      %dma_wait3A_1201 = arith.constant 0 : i32
      %dma_wait3A_1202 = arith.constant 0 : i32
      %dma_wait3A_1203 = tpu.memref_slice %arg2[%add3A_1197, %add3A_412, %dma_wait3A_1201, %dma_wait3A_1202] : memref<20000x4x8x128xf32, #tpu.memory_space<hbm>> -> memref<1x1x8x128xf32, #tpu.memory_space<hbm>>
      %dma_wait3A_1204 = tpu.memref_squeeze %dma_wait3A_1203 : memref<1x1x8x128xf32, #tpu.memory_space<hbm>> -> memref<8x128xf32, #tpu.memory_space<hbm>>
      %dma_wait3A_1205 = arith.constant 0 : i32
      %dma_wait3A_1206 = arith.constant 0 : i32
      %dma_wait3A_1207 = tpu.memref_slice %arg10[%dma_wait3A_1205, %dma_wait3A_1206] : memref<48x128xf32, #tpu.memory_space<vmem>> -> memref<8x128xf32, #tpu.memory_space<vmem>>
      %dma_wait3A_1208 = arith.constant 0 : i32
      %dma_wait3A_1209 = arith.constant 0 : i32
      %dma_wait3A_1210 = tpu.memref_slice %arg2[%add3A_1197, %add3A_412, %dma_wait3A_1208, %dma_wait3A_1209] : memref<20000x4x8x128xf32, #tpu.memory_space<hbm>> -> memref<1x1x8x128xf32, #tpu.memory_space<hbm>>
      %dma_wait3A_1211 = tpu.memref_squeeze %dma_wait3A_1210 : memref<1x1x8x128xf32, #tpu.memory_space<hbm>> -> memref<8x128xf32, #tpu.memory_space<hbm>>
      tpu.wait_dma2 semaphore(%arg17 : memref<!tpu.dma_semaphore, #tpu.memory_space<semaphore_mem>>) src(%dma_wait3A_1211 : memref<8x128xf32, #tpu.memory_space<hbm>>) dst(%dma_wait3A_1207 : memref<8x128xf32, #tpu.memory_space<vmem>>)
      %mul3A_1212 = arith.constant 1250 : i32
      %mul3A_1213 = arith.muli %arg1, %mul3A_1212 : i32
      %mul3A_1214 = arith.constant 6 : i32
      %mul3A_1215 = arith.muli %add3A_1190, %mul3A_1214 : i32
      %add3A_1216 = arith.addi %mul3A_1213, %mul3A_1215 : i32
      %add3A_1217 = arith.constant 1 : i32
      %add3A_1218 = arith.addi %add3A_1216, %add3A_1217 : i32
      %dma_wait3A_1219 = arith.constant 8 : i32
      %dma_wait3A_1220 = arith.constant 0 : i32
      %dma_wait3A_1221 = tpu.memref_slice %arg10[%dma_wait3A_1219, %dma_wait3A_1220] : memref<48x128xf32, #tpu.memory_space<vmem>> -> memref<8x128xf32, #tpu.memory_space<vmem>>
      %dma_wait3A_1222 = arith.constant 0 : i32
      %dma_wait3A_1223 = arith.constant 0 : i32
      %dma_wait3A_1224 = tpu.memref_slice %arg2[%add3A_1218, %add3A_412, %dma_wait3A_1222, %dma_wait3A_1223] : memref<20000x4x8x128xf32, #tpu.memory_space<hbm>> -> memref<1x1x8x128xf32, #tpu.memory_space<hbm>>
      %dma_wait3A_1225 = tpu.memref_squeeze %dma_wait3A_1224 : memref<1x1x8x128xf32, #tpu.memory_space<hbm>> -> memref<8x128xf32, #tpu.memory_space<hbm>>
      %dma_wait3A_1226 = arith.constant 8 : i32
      %dma_wait3A_1227 = arith.constant 0 : i32
      %dma_wait3A_1228 = tpu.memref_slice %arg10[%dma_wait3A_1226, %dma_wait3A_1227] : memref<48x128xf32, #tpu.memory_space<vmem>> -> memref<8x128xf32, #tpu.memory_space<vmem>>
      %dma_wait3A_1229 = arith.constant 0 : i32
      %dma_wait3A_1230 = arith.constant 0 : i32
      %dma_wait3A_1231 = tpu.memref_slice %arg2[%add3A_1218, %add3A_412, %dma_wait3A_1229, %dma_wait3A_1230] : memref<20000x4x8x128xf32, #tpu.memory_space<hbm>> -> memref<1x1x8x128xf32, #tpu.memory_space<hbm>>
      %dma_wait3A_1232 = tpu.memref_squeeze %dma_wait3A_1231 : memref<1x1x8x128xf32, #tpu.memory_space<hbm>> -> memref<8x128xf32, #tpu.memory_space<hbm>>
      tpu.wait_dma2 semaphore(%arg17 : memref<!tpu.dma_semaphore, #tpu.memory_space<semaphore_mem>>) src(%dma_wait3A_1232 : memref<8x128xf32, #tpu.memory_space<hbm>>) dst(%dma_wait3A_1228 : memref<8x128xf32, #tpu.memory_space<vmem>>)
      %mul3A_1233 = arith.constant 1250 : i32
      %mul3A_1234 = arith.muli %arg1, %mul3A_1233 : i32
      %mul3A_1235 = arith.constant 6 : i32
      %mul3A_1236 = arith.muli %add3A_1190, %mul3A_1235 : i32
      %add3A_1237 = arith.addi %mul3A_1234, %mul3A_1236 : i32
      %add3A_1238 = arith.constant 2 : i32
      %add3A_1239 = arith.addi %add3A_1237, %add3A_1238 : i32
      %dma_wait3A_1240 = arith.constant 16 : i32
      %dma_wait3A_1241 = arith.constant 0 : i32
      %dma_wait3A_1242 = tpu.memref_slice %arg10[%dma_wait3A_1240, %dma_wait3A_1241] : memref<48x128xf32, #tpu.memory_space<vmem>> -> memref<8x128xf32, #tpu.memory_space<vmem>>
      %dma_wait3A_1243 = arith.constant 0 : i32
      %dma_wait3A_1244 = arith.constant 0 : i32
      %dma_wait3A_1245 = tpu.memref_slice %arg2[%add3A_1239, %add3A_412, %dma_wait3A_1243, %dma_wait3A_1244] : memref<20000x4x8x128xf32, #tpu.memory_space<hbm>> -> memref<1x1x8x128xf32, #tpu.memory_space<hbm>>
      %dma_wait3A_1246 = tpu.memref_squeeze %dma_wait3A_1245 : memref<1x1x8x128xf32, #tpu.memory_space<hbm>> -> memref<8x128xf32, #tpu.memory_space<hbm>>
      %dma_wait3A_1247 = arith.constant 16 : i32
      %dma_wait3A_1248 = arith.constant 0 : i32
      %dma_wait3A_1249 = tpu.memref_slice %arg10[%dma_wait3A_1247, %dma_wait3A_1248] : memref<48x128xf32, #tpu.memory_space<vmem>> -> memref<8x128xf32, #tpu.memory_space<vmem>>
      %dma_wait3A_1250 = arith.constant 0 : i32
      %dma_wait3A_1251 = arith.constant 0 : i32
      %dma_wait3A_1252 = tpu.memref_slice %arg2[%add3A_1239, %add3A_412, %dma_wait3A_1250, %dma_wait3A_1251] : memref<20000x4x8x128xf32, #tpu.memory_space<hbm>> -> memref<1x1x8x128xf32, #tpu.memory_space<hbm>>
      %dma_wait3A_1253 = tpu.memref_squeeze %dma_wait3A_1252 : memref<1x1x8x128xf32, #tpu.memory_space<hbm>> -> memref<8x128xf32, #tpu.memory_space<hbm>>
      tpu.wait_dma2 semaphore(%arg17 : memref<!tpu.dma_semaphore, #tpu.memory_space<semaphore_mem>>) src(%dma_wait3A_1253 : memref<8x128xf32, #tpu.memory_space<hbm>>) dst(%dma_wait3A_1249 : memref<8x128xf32, #tpu.memory_space<vmem>>)
      %mul3A_1254 = arith.constant 1250 : i32
      %mul3A_1255 = arith.muli %arg1, %mul3A_1254 : i32
      %mul3A_1256 = arith.constant 6 : i32
      %mul3A_1257 = arith.muli %add3A_1190, %mul3A_1256 : i32
      %add3A_1258 = arith.addi %mul3A_1255, %mul3A_1257 : i32
      %add3A_1259 = arith.constant 3 : i32
      %add3A_1260 = arith.addi %add3A_1258, %add3A_1259 : i32
      %dma_wait3A_1261 = arith.constant 24 : i32
      %dma_wait3A_1262 = arith.constant 0 : i32
      %dma_wait3A_1263 = tpu.memref_slice %arg10[%dma_wait3A_1261, %dma_wait3A_1262] : memref<48x128xf32, #tpu.memory_space<vmem>> -> memref<8x128xf32, #tpu.memory_space<vmem>>
      %dma_wait3A_1264 = arith.constant 0 : i32
      %dma_wait3A_1265 = arith.constant 0 : i32
      %dma_wait3A_1266 = tpu.memref_slice %arg2[%add3A_1260, %add3A_412, %dma_wait3A_1264, %dma_wait3A_1265] : memref<20000x4x8x128xf32, #tpu.memory_space<hbm>> -> memref<1x1x8x128xf32, #tpu.memory_space<hbm>>
      %dma_wait3A_1267 = tpu.memref_squeeze %dma_wait3A_1266 : memref<1x1x8x128xf32, #tpu.memory_space<hbm>> -> memref<8x128xf32, #tpu.memory_space<hbm>>
      %dma_wait3A_1268 = arith.constant 24 : i32
      %dma_wait3A_1269 = arith.constant 0 : i32
      %dma_wait3A_1270 = tpu.memref_slice %arg10[%dma_wait3A_1268, %dma_wait3A_1269] : memref<48x128xf32, #tpu.memory_space<vmem>> -> memref<8x128xf32, #tpu.memory_space<vmem>>
      %dma_wait3A_1271 = arith.constant 0 : i32
      %dma_wait3A_1272 = arith.constant 0 : i32
      %dma_wait3A_1273 = tpu.memref_slice %arg2[%add3A_1260, %add3A_412, %dma_wait3A_1271, %dma_wait3A_1272] : memref<20000x4x8x128xf32, #tpu.memory_space<hbm>> -> memref<1x1x8x128xf32, #tpu.memory_space<hbm>>
      %dma_wait3A_1274 = tpu.memref_squeeze %dma_wait3A_1273 : memref<1x1x8x128xf32, #tpu.memory_space<hbm>> -> memref<8x128xf32, #tpu.memory_space<hbm>>
      tpu.wait_dma2 semaphore(%arg17 : memref<!tpu.dma_semaphore, #tpu.memory_space<semaphore_mem>>) src(%dma_wait3A_1274 : memref<8x128xf32, #tpu.memory_space<hbm>>) dst(%dma_wait3A_1270 : memref<8x128xf32, #tpu.memory_space<vmem>>)
      %mul3A_1275 = arith.constant 1250 : i32
      %mul3A_1276 = arith.muli %arg1, %mul3A_1275 : i32
      %mul3A_1277 = arith.constant 6 : i32
      %mul3A_1278 = arith.muli %add3A_1190, %mul3A_1277 : i32
      %add3A_1279 = arith.addi %mul3A_1276, %mul3A_1278 : i32
      %add3A_1280 = arith.constant 4 : i32
      %add3A_1281 = arith.addi %add3A_1279, %add3A_1280 : i32
      %dma_wait3A_1282 = arith.constant 32 : i32
      %dma_wait3A_1283 = arith.constant 0 : i32
      %dma_wait3A_1284 = tpu.memref_slice %arg10[%dma_wait3A_1282, %dma_wait3A_1283] : memref<48x128xf32, #tpu.memory_space<vmem>> -> memref<8x128xf32, #tpu.memory_space<vmem>>
      %dma_wait3A_1285 = arith.constant 0 : i32
      %dma_wait3A_1286 = arith.constant 0 : i32
      %dma_wait3A_1287 = tpu.memref_slice %arg2[%add3A_1281, %add3A_412, %dma_wait3A_1285, %dma_wait3A_1286] : memref<20000x4x8x128xf32, #tpu.memory_space<hbm>> -> memref<1x1x8x128xf32, #tpu.memory_space<hbm>>
      %dma_wait3A_1288 = tpu.memref_squeeze %dma_wait3A_1287 : memref<1x1x8x128xf32, #tpu.memory_space<hbm>> -> memref<8x128xf32, #tpu.memory_space<hbm>>
      %dma_wait3A_1289 = arith.constant 32 : i32
      %dma_wait3A_1290 = arith.constant 0 : i32
      %dma_wait3A_1291 = tpu.memref_slice %arg10[%dma_wait3A_1289, %dma_wait3A_1290] : memref<48x128xf32, #tpu.memory_space<vmem>> -> memref<8x128xf32, #tpu.memory_space<vmem>>
      %dma_wait3A_1292 = arith.constant 0 : i32
      %dma_wait3A_1293 = arith.constant 0 : i32
      %dma_wait3A_1294 = tpu.memref_slice %arg2[%add3A_1281, %add3A_412, %dma_wait3A_1292, %dma_wait3A_1293] : memref<20000x4x8x128xf32, #tpu.memory_space<hbm>> -> memref<1x1x8x128xf32, #tpu.memory_space<hbm>>
      %dma_wait3A_1295 = tpu.memref_squeeze %dma_wait3A_1294 : memref<1x1x8x128xf32, #tpu.memory_space<hbm>> -> memref<8x128xf32, #tpu.memory_space<hbm>>
      tpu.wait_dma2 semaphore(%arg17 : memref<!tpu.dma_semaphore, #tpu.memory_space<semaphore_mem>>) src(%dma_wait3A_1295 : memref<8x128xf32, #tpu.memory_space<hbm>>) dst(%dma_wait3A_1291 : memref<8x128xf32, #tpu.memory_space<vmem>>)
      %mul3A_1296 = arith.constant 1250 : i32
      %mul3A_1297 = arith.muli %arg1, %mul3A_1296 : i32
      %mul3A_1298 = arith.constant 6 : i32
      %mul3A_1299 = arith.muli %add3A_1190, %mul3A_1298 : i32
      %add3A_1300 = arith.addi %mul3A_1297, %mul3A_1299 : i32
      %add3A_1301 = arith.constant 5 : i32
      %add3A_1302 = arith.addi %add3A_1300, %add3A_1301 : i32
      %dma_wait3A_1303 = arith.constant 40 : i32
      %dma_wait3A_1304 = arith.constant 0 : i32
      %dma_wait3A_1305 = tpu.memref_slice %arg10[%dma_wait3A_1303, %dma_wait3A_1304] : memref<48x128xf32, #tpu.memory_space<vmem>> -> memref<8x128xf32, #tpu.memory_space<vmem>>
      %dma_wait3A_1306 = arith.constant 0 : i32
      %dma_wait3A_1307 = arith.constant 0 : i32
      %dma_wait3A_1308 = tpu.memref_slice %arg2[%add3A_1302, %add3A_412, %dma_wait3A_1306, %dma_wait3A_1307] : memref<20000x4x8x128xf32, #tpu.memory_space<hbm>> -> memref<1x1x8x128xf32, #tpu.memory_space<hbm>>
      %dma_wait3A_1309 = tpu.memref_squeeze %dma_wait3A_1308 : memref<1x1x8x128xf32, #tpu.memory_space<hbm>> -> memref<8x128xf32, #tpu.memory_space<hbm>>
      %dma_wait3A_1310 = arith.constant 40 : i32
      %dma_wait3A_1311 = arith.constant 0 : i32
      %dma_wait3A_1312 = tpu.memref_slice %arg10[%dma_wait3A_1310, %dma_wait3A_1311] : memref<48x128xf32, #tpu.memory_space<vmem>> -> memref<8x128xf32, #tpu.memory_space<vmem>>
      %dma_wait3A_1313 = arith.constant 0 : i32
      %dma_wait3A_1314 = arith.constant 0 : i32
      %dma_wait3A_1315 = tpu.memref_slice %arg2[%add3A_1302, %add3A_412, %dma_wait3A_1313, %dma_wait3A_1314] : memref<20000x4x8x128xf32, #tpu.memory_space<hbm>> -> memref<1x1x8x128xf32, #tpu.memory_space<hbm>>
      %dma_wait3A_1316 = tpu.memref_squeeze %dma_wait3A_1315 : memref<1x1x8x128xf32, #tpu.memory_space<hbm>> -> memref<8x128xf32, #tpu.memory_space<hbm>>
      tpu.wait_dma2 semaphore(%arg17 : memref<!tpu.dma_semaphore, #tpu.memory_space<semaphore_mem>>) src(%dma_wait3A_1316 : memref<8x128xf32, #tpu.memory_space<hbm>>) dst(%dma_wait3A_1312 : memref<8x128xf32, #tpu.memory_space<vmem>>)
      %mul3A_1317 = arith.constant 48 : i32
      %mul3A_1318 = arith.muli %add3A_1190, %mul3A_1317 : i32
      %dma_start3A_1319 = tpu.memref_slice %arg6[%mul3A_1318] : memref<10000xi32, #tpu.memory_space<vmem>> -> memref<48xi32, #tpu.memory_space<vmem>>
      %dma_start3A_1320 = arith.constant 0 : i32
      %dma_start3A_1321 = arith.constant 0 : i32
      %dma_start3A_1322 = tpu.memref_slice %arg12[%dma_start3A_1320, %dma_start3A_1321] : memref<10000x128xf32, #tpu.memory_space<vmem_shared>> -> memref<10000x128xf32, #tpu.memory_space<vmem_shared>>
      tpu.enqueue_indirect_dma source(%arg10 : memref<48x128xf32, #tpu.memory_space<vmem>>) target(%dma_start3A_1322 : memref<10000x128xf32, #tpu.memory_space<vmem_shared>>) offsets(%dma_start3A_1319 : memref<48xi32, #tpu.memory_space<vmem>>) semaphore(%arg21 : memref<!tpu.dma_semaphore, #tpu.memory_space<semaphore_mem>>) {add = true}
      %ge3A_1323 = arith.constant 2 : i32
      %ge3A_1324 = arith.cmpi sge, %add3A_1190, %ge3A_1323 : i32
      %convert_element_type3A_1325 = arith.extui %ge3A_1324 : i1 to i32
      %cond3A_1326 = arith.constant 0 : i32
      %cond3A_1327 = arith.cmpi ne, %convert_element_type3A_1325, %cond3A_1326 : i32
      scf.if %cond3A_1327 {
        %sub3A = arith.constant 2 : i32
        %sub3A_1336 = arith.subi %add3A_1190, %sub3A : i32
        %mul3A_1337 = arith.constant 48 : i32
        %mul3A_1338 = arith.muli %sub3A_1336, %mul3A_1337 : i32
        %dma_wait3A_1339 = tpu.memref_slice %arg6[%mul3A_1338] : memref<10000xi32, #tpu.memory_space<vmem>> -> memref<48xi32, #tpu.memory_space<vmem>>
        %dma_wait3A_1340 = arith.constant 0 : i32
        %dma_wait3A_1341 = arith.constant 0 : i32
        %dma_wait3A_1342 = tpu.memref_slice %arg12[%dma_wait3A_1340, %dma_wait3A_1341] : memref<10000x128xf32, #tpu.memory_space<vmem_shared>> -> memref<10000x128xf32, #tpu.memory_space<vmem_shared>>
        tpu.wait_indirect_dma semaphore(%arg19 : memref<!tpu.dma_semaphore, #tpu.memory_space<semaphore_mem>>) src(%arg8 : memref<48x128xf32, #tpu.memory_space<vmem>>) dst(%dma_wait3A_1342 : memref<10000x128xf32, #tpu.memory_space<vmem_shared>>)
      } else {
      }
      %add3A_1328 = arith.constant 2 : i32
      %add3A_1329 = arith.addi %add3A_1190, %add3A_1328 : i32
      %lt3A_1330 = arith.constant 208 : i32
      %lt3A_1331 = arith.cmpi slt, %add3A_1329, %lt3A_1330 : i32
      %convert_element_type3A_1332 = arith.extui %lt3A_1331 : i1 to i32
      %cond3A_1333 = arith.constant 0 : i32
      %cond3A_1334 = arith.cmpi ne, %convert_element_type3A_1332, %cond3A_1333 : i32
      scf.if %cond3A_1334 {
        %add3A_1336 = arith.constant 2 : i32
        %add3A_1337 = arith.addi %add3A_1190, %add3A_1336 : i32
        %mul3A_1338 = arith.constant 1250 : i32
        %mul3A_1339 = arith.muli %arg1, %mul3A_1338 : i32
        %mul3A_1340 = arith.constant 6 : i32
        %mul3A_1341 = arith.muli %add3A_1337, %mul3A_1340 : i32
        %add3A_1342 = arith.addi %mul3A_1339, %mul3A_1341 : i32
        %add3A_1343 = arith.constant 0 : i32
        %add3A_1344 = arith.addi %add3A_1342, %add3A_1343 : i32
        %dma_start3A_1345 = arith.constant 0 : i32
        %dma_start3A_1346 = arith.constant 0 : i32
        %dma_start3A_1347 = tpu.memref_slice %arg8[%dma_start3A_1345, %dma_start3A_1346] : memref<48x128xf32, #tpu.memory_space<vmem>> -> memref<8x128xf32, #tpu.memory_space<vmem>>
        %dma_start3A_1348 = arith.constant 0 : i32
        %dma_start3A_1349 = arith.constant 0 : i32
        %dma_start3A_1350 = tpu.memref_slice %arg2[%add3A_1344, %add3A_412, %dma_start3A_1348, %dma_start3A_1349] : memref<20000x4x8x128xf32, #tpu.memory_space<hbm>> -> memref<1x1x8x128xf32, #tpu.memory_space<hbm>>
        %dma_start3A_1351 = tpu.memref_squeeze %dma_start3A_1350 : memref<1x1x8x128xf32, #tpu.memory_space<hbm>> -> memref<8x128xf32, #tpu.memory_space<hbm>>
        %dma_start3A_1352 = arith.constant 0 : i32
        %dma_start3A_1353 = arith.constant 0 : i32
        %dma_start3A_1354 = tpu.memref_slice %arg8[%dma_start3A_1352, %dma_start3A_1353] : memref<48x128xf32, #tpu.memory_space<vmem>> -> memref<8x128xf32, #tpu.memory_space<vmem>>
        %dma_start3A_1355 = arith.constant 0 : i32
        %dma_start3A_1356 = arith.constant 0 : i32
        %dma_start3A_1357 = tpu.memref_slice %arg2[%add3A_1344, %add3A_412, %dma_start3A_1355, %dma_start3A_1356] : memref<20000x4x8x128xf32, #tpu.memory_space<hbm>> -> memref<1x1x8x128xf32, #tpu.memory_space<hbm>>
        %dma_start3A_1358 = tpu.memref_squeeze %dma_start3A_1357 : memref<1x1x8x128xf32, #tpu.memory_space<hbm>> -> memref<8x128xf32, #tpu.memory_space<hbm>>
        tpu.enqueue_dma source(%dma_start3A_1358 : memref<8x128xf32, #tpu.memory_space<hbm>>) target(%dma_start3A_1354 : memref<8x128xf32, #tpu.memory_space<vmem>>) target_semaphore(%arg15 : memref<!tpu.dma_semaphore, #tpu.memory_space<semaphore_mem>>)
        %mul3A_1359 = arith.constant 1250 : i32
        %mul3A_1360 = arith.muli %arg1, %mul3A_1359 : i32
        %mul3A_1361 = arith.constant 6 : i32
        %mul3A_1362 = arith.muli %add3A_1337, %mul3A_1361 : i32
        %add3A_1363 = arith.addi %mul3A_1360, %mul3A_1362 : i32
        %add3A_1364 = arith.constant 1 : i32
        %add3A_1365 = arith.addi %add3A_1363, %add3A_1364 : i32
        %dma_start3A_1366 = arith.constant 8 : i32
        %dma_start3A_1367 = arith.constant 0 : i32
        %dma_start3A_1368 = tpu.memref_slice %arg8[%dma_start3A_1366, %dma_start3A_1367] : memref<48x128xf32, #tpu.memory_space<vmem>> -> memref<8x128xf32, #tpu.memory_space<vmem>>
        %dma_start3A_1369 = arith.constant 0 : i32
        %dma_start3A_1370 = arith.constant 0 : i32
        %dma_start3A_1371 = tpu.memref_slice %arg2[%add3A_1365, %add3A_412, %dma_start3A_1369, %dma_start3A_1370] : memref<20000x4x8x128xf32, #tpu.memory_space<hbm>> -> memref<1x1x8x128xf32, #tpu.memory_space<hbm>>
        %dma_start3A_1372 = tpu.memref_squeeze %dma_start3A_1371 : memref<1x1x8x128xf32, #tpu.memory_space<hbm>> -> memref<8x128xf32, #tpu.memory_space<hbm>>
        %dma_start3A_1373 = arith.constant 8 : i32
        %dma_start3A_1374 = arith.constant 0 : i32
        %dma_start3A_1375 = tpu.memref_slice %arg8[%dma_start3A_1373, %dma_start3A_1374] : memref<48x128xf32, #tpu.memory_space<vmem>> -> memref<8x128xf32, #tpu.memory_space<vmem>>
        %dma_start3A_1376 = arith.constant 0 : i32
        %dma_start3A_1377 = arith.constant 0 : i32
        %dma_start3A_1378 = tpu.memref_slice %arg2[%add3A_1365, %add3A_412, %dma_start3A_1376, %dma_start3A_1377] : memref<20000x4x8x128xf32, #tpu.memory_space<hbm>> -> memref<1x1x8x128xf32, #tpu.memory_space<hbm>>
        %dma_start3A_1379 = tpu.memref_squeeze %dma_start3A_1378 : memref<1x1x8x128xf32, #tpu.memory_space<hbm>> -> memref<8x128xf32, #tpu.memory_space<hbm>>
        tpu.enqueue_dma source(%dma_start3A_1379 : memref<8x128xf32, #tpu.memory_space<hbm>>) target(%dma_start3A_1375 : memref<8x128xf32, #tpu.memory_space<vmem>>) target_semaphore(%arg15 : memref<!tpu.dma_semaphore, #tpu.memory_space<semaphore_mem>>)
        %mul3A_1380 = arith.constant 1250 : i32
        %mul3A_1381 = arith.muli %arg1, %mul3A_1380 : i32
        %mul3A_1382 = arith.constant 6 : i32
        %mul3A_1383 = arith.muli %add3A_1337, %mul3A_1382 : i32
        %add3A_1384 = arith.addi %mul3A_1381, %mul3A_1383 : i32
        %add3A_1385 = arith.constant 2 : i32
        %add3A_1386 = arith.addi %add3A_1384, %add3A_1385 : i32
        %dma_start3A_1387 = arith.constant 16 : i32
        %dma_start3A_1388 = arith.constant 0 : i32
        %dma_start3A_1389 = tpu.memref_slice %arg8[%dma_start3A_1387, %dma_start3A_1388] : memref<48x128xf32, #tpu.memory_space<vmem>> -> memref<8x128xf32, #tpu.memory_space<vmem>>
        %dma_start3A_1390 = arith.constant 0 : i32
        %dma_start3A_1391 = arith.constant 0 : i32
        %dma_start3A_1392 = tpu.memref_slice %arg2[%add3A_1386, %add3A_412, %dma_start3A_1390, %dma_start3A_1391] : memref<20000x4x8x128xf32, #tpu.memory_space<hbm>> -> memref<1x1x8x128xf32, #tpu.memory_space<hbm>>
        %dma_start3A_1393 = tpu.memref_squeeze %dma_start3A_1392 : memref<1x1x8x128xf32, #tpu.memory_space<hbm>> -> memref<8x128xf32, #tpu.memory_space<hbm>>
        %dma_start3A_1394 = arith.constant 16 : i32
        %dma_start3A_1395 = arith.constant 0 : i32
        %dma_start3A_1396 = tpu.memref_slice %arg8[%dma_start3A_1394, %dma_start3A_1395] : memref<48x128xf32, #tpu.memory_space<vmem>> -> memref<8x128xf32, #tpu.memory_space<vmem>>
        %dma_start3A_1397 = arith.constant 0 : i32
        %dma_start3A_1398 = arith.constant 0 : i32
        %dma_start3A_1399 = tpu.memref_slice %arg2[%add3A_1386, %add3A_412, %dma_start3A_1397, %dma_start3A_1398] : memref<20000x4x8x128xf32, #tpu.memory_space<hbm>> -> memref<1x1x8x128xf32, #tpu.memory_space<hbm>>
        %dma_start3A_1400 = tpu.memref_squeeze %dma_start3A_1399 : memref<1x1x8x128xf32, #tpu.memory_space<hbm>> -> memref<8x128xf32, #tpu.memory_space<hbm>>
        tpu.enqueue_dma source(%dma_start3A_1400 : memref<8x128xf32, #tpu.memory_space<hbm>>) target(%dma_start3A_1396 : memref<8x128xf32, #tpu.memory_space<vmem>>) target_semaphore(%arg15 : memref<!tpu.dma_semaphore, #tpu.memory_space<semaphore_mem>>)
        %mul3A_1401 = arith.constant 1250 : i32
        %mul3A_1402 = arith.muli %arg1, %mul3A_1401 : i32
        %mul3A_1403 = arith.constant 6 : i32
        %mul3A_1404 = arith.muli %add3A_1337, %mul3A_1403 : i32
        %add3A_1405 = arith.addi %mul3A_1402, %mul3A_1404 : i32
        %add3A_1406 = arith.constant 3 : i32
        %add3A_1407 = arith.addi %add3A_1405, %add3A_1406 : i32
        %dma_start3A_1408 = arith.constant 24 : i32
        %dma_start3A_1409 = arith.constant 0 : i32
        %dma_start3A_1410 = tpu.memref_slice %arg8[%dma_start3A_1408, %dma_start3A_1409] : memref<48x128xf32, #tpu.memory_space<vmem>> -> memref<8x128xf32, #tpu.memory_space<vmem>>
        %dma_start3A_1411 = arith.constant 0 : i32
        %dma_start3A_1412 = arith.constant 0 : i32
        %dma_start3A_1413 = tpu.memref_slice %arg2[%add3A_1407, %add3A_412, %dma_start3A_1411, %dma_start3A_1412] : memref<20000x4x8x128xf32, #tpu.memory_space<hbm>> -> memref<1x1x8x128xf32, #tpu.memory_space<hbm>>
        %dma_start3A_1414 = tpu.memref_squeeze %dma_start3A_1413 : memref<1x1x8x128xf32, #tpu.memory_space<hbm>> -> memref<8x128xf32, #tpu.memory_space<hbm>>
        %dma_start3A_1415 = arith.constant 24 : i32
        %dma_start3A_1416 = arith.constant 0 : i32
        %dma_start3A_1417 = tpu.memref_slice %arg8[%dma_start3A_1415, %dma_start3A_1416] : memref<48x128xf32, #tpu.memory_space<vmem>> -> memref<8x128xf32, #tpu.memory_space<vmem>>
        %dma_start3A_1418 = arith.constant 0 : i32
        %dma_start3A_1419 = arith.constant 0 : i32
        %dma_start3A_1420 = tpu.memref_slice %arg2[%add3A_1407, %add3A_412, %dma_start3A_1418, %dma_start3A_1419] : memref<20000x4x8x128xf32, #tpu.memory_space<hbm>> -> memref<1x1x8x128xf32, #tpu.memory_space<hbm>>
        %dma_start3A_1421 = tpu.memref_squeeze %dma_start3A_1420 : memref<1x1x8x128xf32, #tpu.memory_space<hbm>> -> memref<8x128xf32, #tpu.memory_space<hbm>>
        tpu.enqueue_dma source(%dma_start3A_1421 : memref<8x128xf32, #tpu.memory_space<hbm>>) target(%dma_start3A_1417 : memref<8x128xf32, #tpu.memory_space<vmem>>) target_semaphore(%arg15 : memref<!tpu.dma_semaphore, #tpu.memory_space<semaphore_mem>>)
        %mul3A_1422 = arith.constant 1250 : i32
        %mul3A_1423 = arith.muli %arg1, %mul3A_1422 : i32
        %mul3A_1424 = arith.constant 6 : i32
        %mul3A_1425 = arith.muli %add3A_1337, %mul3A_1424 : i32
        %add3A_1426 = arith.addi %mul3A_1423, %mul3A_1425 : i32
        %add3A_1427 = arith.constant 4 : i32
        %add3A_1428 = arith.addi %add3A_1426, %add3A_1427 : i32
        %dma_start3A_1429 = arith.constant 32 : i32
        %dma_start3A_1430 = arith.constant 0 : i32
        %dma_start3A_1431 = tpu.memref_slice %arg8[%dma_start3A_1429, %dma_start3A_1430] : memref<48x128xf32, #tpu.memory_space<vmem>> -> memref<8x128xf32, #tpu.memory_space<vmem>>
        %dma_start3A_1432 = arith.constant 0 : i32
        %dma_start3A_1433 = arith.constant 0 : i32
        %dma_start3A_1434 = tpu.memref_slice %arg2[%add3A_1428, %add3A_412, %dma_start3A_1432, %dma_start3A_1433] : memref<20000x4x8x128xf32, #tpu.memory_space<hbm>> -> memref<1x1x8x128xf32, #tpu.memory_space<hbm>>
        %dma_start3A_1435 = tpu.memref_squeeze %dma_start3A_1434 : memref<1x1x8x128xf32, #tpu.memory_space<hbm>> -> memref<8x128xf32, #tpu.memory_space<hbm>>
        %dma_start3A_1436 = arith.constant 32 : i32
        %dma_start3A_1437 = arith.constant 0 : i32
        %dma_start3A_1438 = tpu.memref_slice %arg8[%dma_start3A_1436, %dma_start3A_1437] : memref<48x128xf32, #tpu.memory_space<vmem>> -> memref<8x128xf32, #tpu.memory_space<vmem>>
        %dma_start3A_1439 = arith.constant 0 : i32
        %dma_start3A_1440 = arith.constant 0 : i32
        %dma_start3A_1441 = tpu.memref_slice %arg2[%add3A_1428, %add3A_412, %dma_start3A_1439, %dma_start3A_1440] : memref<20000x4x8x128xf32, #tpu.memory_space<hbm>> -> memref<1x1x8x128xf32, #tpu.memory_space<hbm>>
        %dma_start3A_1442 = tpu.memref_squeeze %dma_start3A_1441 : memref<1x1x8x128xf32, #tpu.memory_space<hbm>> -> memref<8x128xf32, #tpu.memory_space<hbm>>
        tpu.enqueue_dma source(%dma_start3A_1442 : memref<8x128xf32, #tpu.memory_space<hbm>>) target(%dma_start3A_1438 : memref<8x128xf32, #tpu.memory_space<vmem>>) target_semaphore(%arg15 : memref<!tpu.dma_semaphore, #tpu.memory_space<semaphore_mem>>)
        %mul3A_1443 = arith.constant 1250 : i32
        %mul3A_1444 = arith.muli %arg1, %mul3A_1443 : i32
        %mul3A_1445 = arith.constant 6 : i32
        %mul3A_1446 = arith.muli %add3A_1337, %mul3A_1445 : i32
        %add3A_1447 = arith.addi %mul3A_1444, %mul3A_1446 : i32
        %add3A_1448 = arith.constant 5 : i32
        %add3A_1449 = arith.addi %add3A_1447, %add3A_1448 : i32
        %dma_start3A_1450 = arith.constant 40 : i32
        %dma_start3A_1451 = arith.constant 0 : i32
        %dma_start3A_1452 = tpu.memref_slice %arg8[%dma_start3A_1450, %dma_start3A_1451] : memref<48x128xf32, #tpu.memory_space<vmem>> -> memref<8x128xf32, #tpu.memory_space<vmem>>
        %dma_start3A_1453 = arith.constant 0 : i32
        %dma_start3A_1454 = arith.constant 0 : i32
        %dma_start3A_1455 = tpu.memref_slice %arg2[%add3A_1449, %add3A_412, %dma_start3A_1453, %dma_start3A_1454] : memref<20000x4x8x128xf32, #tpu.memory_space<hbm>> -> memref<1x1x8x128xf32, #tpu.memory_space<hbm>>
        %dma_start3A_1456 = tpu.memref_squeeze %dma_start3A_1455 : memref<1x1x8x128xf32, #tpu.memory_space<hbm>> -> memref<8x128xf32, #tpu.memory_space<hbm>>
        %dma_start3A_1457 = arith.constant 40 : i32
        %dma_start3A_1458 = arith.constant 0 : i32
        %dma_start3A_1459 = tpu.memref_slice %arg8[%dma_start3A_1457, %dma_start3A_1458] : memref<48x128xf32, #tpu.memory_space<vmem>> -> memref<8x128xf32, #tpu.memory_space<vmem>>
        %dma_start3A_1460 = arith.constant 0 : i32
        %dma_start3A_1461 = arith.constant 0 : i32
        %dma_start3A_1462 = tpu.memref_slice %arg2[%add3A_1449, %add3A_412, %dma_start3A_1460, %dma_start3A_1461] : memref<20000x4x8x128xf32, #tpu.memory_space<hbm>> -> memref<1x1x8x128xf32, #tpu.memory_space<hbm>>
        %dma_start3A_1463 = tpu.memref_squeeze %dma_start3A_1462 : memref<1x1x8x128xf32, #tpu.memory_space<hbm>> -> memref<8x128xf32, #tpu.memory_space<hbm>>
        tpu.enqueue_dma source(%dma_start3A_1463 : memref<8x128xf32, #tpu.memory_space<hbm>>) target(%dma_start3A_1459 : memref<8x128xf32, #tpu.memory_space<vmem>>) target_semaphore(%arg15 : memref<!tpu.dma_semaphore, #tpu.memory_space<semaphore_mem>>)
      } else {
      }
      %scan3A_1335 = arith.constant 0 : i32
      scf.yield %scan3A_1335 : i32
    }
    %scan3A_698 = arith.constant 52 : i32
    %dma_wait3A_699 = arith.constant 9888 : i32
    %dma_wait3A_700 = tpu.memref_slice %arg6[%dma_wait3A_699] : memref<10000xi32, #tpu.memory_space<vmem>> -> memref<48xi32, #tpu.memory_space<vmem>>
    %dma_wait3A_701 = arith.constant 0 : i32
    %dma_wait3A_702 = arith.constant 0 : i32
    %dma_wait3A_703 = tpu.memref_slice %arg12[%dma_wait3A_701, %dma_wait3A_702] : memref<10000x128xf32, #tpu.memory_space<vmem_shared>> -> memref<10000x128xf32, #tpu.memory_space<vmem_shared>>
    tpu.wait_indirect_dma semaphore(%arg20 : memref<!tpu.dma_semaphore, #tpu.memory_space<semaphore_mem>>) src(%arg9 : memref<48x128xf32, #tpu.memory_space<vmem>>) dst(%dma_wait3A_703 : memref<10000x128xf32, #tpu.memory_space<vmem_shared>>)
    %dma_wait3A_704 = arith.constant 9936 : i32
    %dma_wait3A_705 = tpu.memref_slice %arg6[%dma_wait3A_704] : memref<10000xi32, #tpu.memory_space<vmem>> -> memref<48xi32, #tpu.memory_space<vmem>>
    %dma_wait3A_706 = arith.constant 0 : i32
    %dma_wait3A_707 = arith.constant 0 : i32
    %dma_wait3A_708 = tpu.memref_slice %arg12[%dma_wait3A_706, %dma_wait3A_707] : memref<10000x128xf32, #tpu.memory_space<vmem_shared>> -> memref<10000x128xf32, #tpu.memory_space<vmem_shared>>
    tpu.wait_indirect_dma semaphore(%arg21 : memref<!tpu.dma_semaphore, #tpu.memory_space<semaphore_mem>>) src(%arg10 : memref<48x128xf32, #tpu.memory_space<vmem>>) dst(%dma_wait3A_708 : memref<10000x128xf32, #tpu.memory_space<vmem_shared>>)
    %mul3A_709 = arith.constant 1250 : i32
    %mul3A_710 = arith.muli %arg1, %mul3A_709 : i32
    %add3A_711 = arith.constant 1248 : i32
    %add3A_712 = arith.addi %mul3A_710, %add3A_711 : i32
    "tpu.region"() ({
      %run_scoped3A = tpu.sem_alloc : memref<!tpu.dma_semaphore, #tpu.memory_space<semaphore_mem>>
      %dma_start3A_743 = arith.constant 0 : i32
      %dma_start3A_744 = arith.constant 0 : i32
      %dma_start3A_745 = tpu.memref_slice %arg7[%dma_start3A_743, %dma_start3A_744] : memref<48x128xf32, #tpu.memory_space<vmem>> -> memref<8x128xf32, #tpu.memory_space<vmem>>
      %dma_start3A_746 = arith.constant 0 : i32
      %dma_start3A_747 = arith.constant 0 : i32
      %dma_start3A_748 = tpu.memref_slice %arg2[%add3A_712, %add3A_412, %dma_start3A_746, %dma_start3A_747] : memref<20000x4x8x128xf32, #tpu.memory_space<hbm>> -> memref<1x1x8x128xf32, #tpu.memory_space<hbm>>
      %dma_start3A_749 = tpu.memref_squeeze %dma_start3A_748 : memref<1x1x8x128xf32, #tpu.memory_space<hbm>> -> memref<8x128xf32, #tpu.memory_space<hbm>>
      %dma_start3A_750 = arith.constant 0 : i32
      %dma_start3A_751 = arith.constant 0 : i32
      %dma_start3A_752 = tpu.memref_slice %arg7[%dma_start3A_750, %dma_start3A_751] : memref<48x128xf32, #tpu.memory_space<vmem>> -> memref<8x128xf32, #tpu.memory_space<vmem>>
      %dma_start3A_753 = arith.constant 0 : i32
      %dma_start3A_754 = arith.constant 0 : i32
      %dma_start3A_755 = tpu.memref_slice %arg2[%add3A_712, %add3A_412, %dma_start3A_753, %dma_start3A_754] : memref<20000x4x8x128xf32, #tpu.memory_space<hbm>> -> memref<1x1x8x128xf32, #tpu.memory_space<hbm>>
      %dma_start3A_756 = tpu.memref_squeeze %dma_start3A_755 : memref<1x1x8x128xf32, #tpu.memory_space<hbm>> -> memref<8x128xf32, #tpu.memory_space<hbm>>
      tpu.enqueue_dma source(%dma_start3A_756 : memref<8x128xf32, #tpu.memory_space<hbm>>) target(%dma_start3A_752 : memref<8x128xf32, #tpu.memory_space<vmem>>) target_semaphore(%run_scoped3A : memref<!tpu.dma_semaphore, #tpu.memory_space<semaphore_mem>>)
      %dma_wait3A_757 = arith.constant 0 : i32
      %dma_wait3A_758 = arith.constant 0 : i32
      %dma_wait3A_759 = tpu.memref_slice %arg7[%dma_wait3A_757, %dma_wait3A_758] : memref<48x128xf32, #tpu.memory_space<vmem>> -> memref<8x128xf32, #tpu.memory_space<vmem>>
      %dma_wait3A_760 = arith.constant 0 : i32
      %dma_wait3A_761 = arith.constant 0 : i32
      %dma_wait3A_762 = tpu.memref_slice %arg2[%add3A_712, %add3A_412, %dma_wait3A_760, %dma_wait3A_761] : memref<20000x4x8x128xf32, #tpu.memory_space<hbm>> -> memref<1x1x8x128xf32, #tpu.memory_space<hbm>>
      %dma_wait3A_763 = tpu.memref_squeeze %dma_wait3A_762 : memref<1x1x8x128xf32, #tpu.memory_space<hbm>> -> memref<8x128xf32, #tpu.memory_space<hbm>>
      %dma_wait3A_764 = arith.constant 0 : i32
      %dma_wait3A_765 = arith.constant 0 : i32
      %dma_wait3A_766 = tpu.memref_slice %arg7[%dma_wait3A_764, %dma_wait3A_765] : memref<48x128xf32, #tpu.memory_space<vmem>> -> memref<8x128xf32, #tpu.memory_space<vmem>>
      %dma_wait3A_767 = arith.constant 0 : i32
      %dma_wait3A_768 = arith.constant 0 : i32
      %dma_wait3A_769 = tpu.memref_slice %arg2[%add3A_712, %add3A_412, %dma_wait3A_767, %dma_wait3A_768] : memref<20000x4x8x128xf32, #tpu.memory_space<hbm>> -> memref<1x1x8x128xf32, #tpu.memory_space<hbm>>
      %dma_wait3A_770 = tpu.memref_squeeze %dma_wait3A_769 : memref<1x1x8x128xf32, #tpu.memory_space<hbm>> -> memref<8x128xf32, #tpu.memory_space<hbm>>
      tpu.wait_dma2 semaphore(%run_scoped3A : memref<!tpu.dma_semaphore, #tpu.memory_space<semaphore_mem>>) src(%dma_wait3A_770 : memref<8x128xf32, #tpu.memory_space<hbm>>) dst(%dma_wait3A_766 : memref<8x128xf32, #tpu.memory_space<vmem>>)
      tpu.yield
    }) : () -> ()
    %add3A_713 = arith.constant 1 : i32
    %add3A_714 = arith.addi %add3A_712, %add3A_713 : i32
    "tpu.region"() ({
      %run_scoped3A = tpu.sem_alloc : memref<!tpu.dma_semaphore, #tpu.memory_space<semaphore_mem>>
      %dma_start3A_743 = arith.constant 8 : i32
      %dma_start3A_744 = arith.constant 0 : i32
      %dma_start3A_745 = tpu.memref_slice %arg7[%dma_start3A_743, %dma_start3A_744] : memref<48x128xf32, #tpu.memory_space<vmem>> -> memref<8x128xf32, #tpu.memory_space<vmem>>
      %dma_start3A_746 = arith.constant 0 : i32
      %dma_start3A_747 = arith.constant 0 : i32
      %dma_start3A_748 = tpu.memref_slice %arg2[%add3A_714, %add3A_412, %dma_start3A_746, %dma_start3A_747] : memref<20000x4x8x128xf32, #tpu.memory_space<hbm>> -> memref<1x1x8x128xf32, #tpu.memory_space<hbm>>
      %dma_start3A_749 = tpu.memref_squeeze %dma_start3A_748 : memref<1x1x8x128xf32, #tpu.memory_space<hbm>> -> memref<8x128xf32, #tpu.memory_space<hbm>>
      %dma_start3A_750 = arith.constant 8 : i32
      %dma_start3A_751 = arith.constant 0 : i32
      %dma_start3A_752 = tpu.memref_slice %arg7[%dma_start3A_750, %dma_start3A_751] : memref<48x128xf32, #tpu.memory_space<vmem>> -> memref<8x128xf32, #tpu.memory_space<vmem>>
      %dma_start3A_753 = arith.constant 0 : i32
      %dma_start3A_754 = arith.constant 0 : i32
      %dma_start3A_755 = tpu.memref_slice %arg2[%add3A_714, %add3A_412, %dma_start3A_753, %dma_start3A_754] : memref<20000x4x8x128xf32, #tpu.memory_space<hbm>> -> memref<1x1x8x128xf32, #tpu.memory_space<hbm>>
      %dma_start3A_756 = tpu.memref_squeeze %dma_start3A_755 : memref<1x1x8x128xf32, #tpu.memory_space<hbm>> -> memref<8x128xf32, #tpu.memory_space<hbm>>
      tpu.enqueue_dma source(%dma_start3A_756 : memref<8x128xf32, #tpu.memory_space<hbm>>) target(%dma_start3A_752 : memref<8x128xf32, #tpu.memory_space<vmem>>) target_semaphore(%run_scoped3A : memref<!tpu.dma_semaphore, #tpu.memory_space<semaphore_mem>>)
      %dma_wait3A_757 = arith.constant 8 : i32
      %dma_wait3A_758 = arith.constant 0 : i32
      %dma_wait3A_759 = tpu.memref_slice %arg7[%dma_wait3A_757, %dma_wait3A_758] : memref<48x128xf32, #tpu.memory_space<vmem>> -> memref<8x128xf32, #tpu.memory_space<vmem>>
      %dma_wait3A_760 = arith.constant 0 : i32
      %dma_wait3A_761 = arith.constant 0 : i32
      %dma_wait3A_762 = tpu.memref_slice %arg2[%add3A_714, %add3A_412, %dma_wait3A_760, %dma_wait3A_761] : memref<20000x4x8x128xf32, #tpu.memory_space<hbm>> -> memref<1x1x8x128xf32, #tpu.memory_space<hbm>>
      %dma_wait3A_763 = tpu.memref_squeeze %dma_wait3A_762 : memref<1x1x8x128xf32, #tpu.memory_space<hbm>> -> memref<8x128xf32, #tpu.memory_space<hbm>>
      %dma_wait3A_764 = arith.constant 8 : i32
      %dma_wait3A_765 = arith.constant 0 : i32
      %dma_wait3A_766 = tpu.memref_slice %arg7[%dma_wait3A_764, %dma_wait3A_765] : memref<48x128xf32, #tpu.memory_space<vmem>> -> memref<8x128xf32, #tpu.memory_space<vmem>>
      %dma_wait3A_767 = arith.constant 0 : i32
      %dma_wait3A_768 = arith.constant 0 : i32
      %dma_wait3A_769 = tpu.memref_slice %arg2[%add3A_714, %add3A_412, %dma_wait3A_767, %dma_wait3A_768] : memref<20000x4x8x128xf32, #tpu.memory_space<hbm>> -> memref<1x1x8x128xf32, #tpu.memory_space<hbm>>
      %dma_wait3A_770 = tpu.memref_squeeze %dma_wait3A_769 : memref<1x1x8x128xf32, #tpu.memory_space<hbm>> -> memref<8x128xf32, #tpu.memory_space<hbm>>
      tpu.wait_dma2 semaphore(%run_scoped3A : memref<!tpu.dma_semaphore, #tpu.memory_space<semaphore_mem>>) src(%dma_wait3A_770 : memref<8x128xf32, #tpu.memory_space<hbm>>) dst(%dma_wait3A_766 : memref<8x128xf32, #tpu.memory_space<vmem>>)
      tpu.yield
    }) : () -> ()
    "tpu.region"() ({
      %run_scoped3A = tpu.sem_alloc : memref<!tpu.dma_semaphore, #tpu.memory_space<semaphore_mem>>
      %dma_start3A_743 = arith.constant 0 : i32
      %dma_start3A_744 = arith.constant 0 : i32
      %dma_start3A_745 = tpu.memref_slice %arg7[%dma_start3A_743, %dma_start3A_744] : memref<48x128xf32, #tpu.memory_space<vmem>> -> memref<16x128xf32, #tpu.memory_space<vmem>>
      %dma_start3A_746 = arith.constant 9984 : i32
      %dma_start3A_747 = tpu.memref_slice %arg6[%dma_start3A_746] : memref<10000xi32, #tpu.memory_space<vmem>> -> memref<16xi32, #tpu.memory_space<vmem>>
      %dma_start3A_748 = arith.constant 0 : i32
      %dma_start3A_749 = arith.constant 0 : i32
      %dma_start3A_750 = tpu.memref_slice %arg12[%dma_start3A_748, %dma_start3A_749] : memref<10000x128xf32, #tpu.memory_space<vmem_shared>> -> memref<10000x128xf32, #tpu.memory_space<vmem_shared>>
      tpu.enqueue_indirect_dma source(%dma_start3A_745 : memref<16x128xf32, #tpu.memory_space<vmem>>) target(%dma_start3A_750 : memref<10000x128xf32, #tpu.memory_space<vmem_shared>>) offsets(%dma_start3A_747 : memref<16xi32, #tpu.memory_space<vmem>>) semaphore(%run_scoped3A : memref<!tpu.dma_semaphore, #tpu.memory_space<semaphore_mem>>) {add = true}
      %dma_wait3A_751 = arith.constant 0 : i32
      %dma_wait3A_752 = arith.constant 0 : i32
      %dma_wait3A_753 = tpu.memref_slice %arg7[%dma_wait3A_751, %dma_wait3A_752] : memref<48x128xf32, #tpu.memory_space<vmem>> -> memref<16x128xf32, #tpu.memory_space<vmem>>
      %dma_wait3A_754 = arith.constant 9984 : i32
      %dma_wait3A_755 = tpu.memref_slice %arg6[%dma_wait3A_754] : memref<10000xi32, #tpu.memory_space<vmem>> -> memref<16xi32, #tpu.memory_space<vmem>>
      %dma_wait3A_756 = arith.constant 0 : i32
      %dma_wait3A_757 = arith.constant 0 : i32
      %dma_wait3A_758 = tpu.memref_slice %arg12[%dma_wait3A_756, %dma_wait3A_757] : memref<10000x128xf32, #tpu.memory_space<vmem_shared>> -> memref<10000x128xf32, #tpu.memory_space<vmem_shared>>
      tpu.wait_indirect_dma semaphore(%run_scoped3A : memref<!tpu.dma_semaphore, #tpu.memory_space<semaphore_mem>>) src(%dma_wait3A_753 : memref<16x128xf32, #tpu.memory_space<vmem>>) dst(%dma_wait3A_758 : memref<10000x128xf32, #tpu.memory_space<vmem_shared>>)
      tpu.yield
    }) : () -> ()
    %barrier3A_715 = arith.constant 0 : index
    tpu.barrier barrier_id(%barrier3A_715)
    %jit3A_716 = arith.constant 80 : i32
    %jit3A_717 = arith.constant 78 : i32
    %select_n3A_718 = arith.select %eq3A_3, %jit3A_716, %jit3A_717 : i32
    %while3A_719 = arith.constant 0 : i32
    %while3A_720 = arith.constant 0 : i32
    %while3A_721 = arith.subi %select_n3A_718, %while3A_719 : i32
    %while3A_722 = arith.addi %while3A_719, %while3A_721 : i32
    %while3A_723 = arith.constant 1 : i32
    %while3A_724 = arith.divsi %while3A_721, %while3A_723 : i32
    %while3A_725 = arith.muli %while3A_724, %while3A_723 : i32
    %while3A_726 = arith.addi %while3A_719, %while3A_725 : i32
    %while3A_727 = arith.constant 1 : i32
    %while3A_728 = scf.for %while3A_743 = %while3A_719 to %while3A_726 step %while3A_727 iter_args(%while3A_744 = %while3A_720) -> (i32)  : i32 {
      %mul3A_745 = arith.constant 8 : i32
      %mul3A_746 = arith.muli %while3A_743, %mul3A_745 : i32
      %add3A_747 = arith.addi %mul3A_2, %mul3A_746 : i32
      %mul3A_748 = arith.constant 78 : i32
      %mul3A_749 = arith.muli %arg1, %mul3A_748 : i32
      %add3A_750 = arith.addi %mul3A_749, %while3A_743 : i32
      %dma_start3A_751 = arith.constant 0 : i32
      %dma_start3A_752 = arith.constant 0 : i32
      %dma_start3A_753 = tpu.memref_slice %arg4[%add3A_750, %add3A_412, %dma_start3A_751, %dma_start3A_752] : memref<1250x4x8x128xf32, #tpu.memory_space<hbm>> -> memref<1x1x8x128xf32, #tpu.memory_space<hbm>>
      %dma_start3A_754 = tpu.memref_squeeze %dma_start3A_753 : memref<1x1x8x128xf32, #tpu.memory_space<hbm>> -> memref<8x128xf32, #tpu.memory_space<hbm>>
      %dma_start3A_755 = arith.constant 0 : i32
      %dma_start3A_756 = tpu.memref_slice %arg12[%add3A_747, %dma_start3A_755] : memref<10000x128xf32, #tpu.memory_space<vmem_shared>> -> memref<8x128xf32, #tpu.memory_space<vmem_shared>>
      tpu.enqueue_dma source(%dma_start3A_756 : memref<8x128xf32, #tpu.memory_space<vmem_shared>>) target(%dma_start3A_754 : memref<8x128xf32, #tpu.memory_space<hbm>>) target_semaphore(%arg22 : memref<!tpu.dma_semaphore, #tpu.memory_space<semaphore_mem>>)
      %while3A_757 = arith.constant 0 : i32
      scf.yield %while3A_757 : i32
    }
    %while3A_729 = arith.constant 1 : i32
    %while3A_730 = scf.for %while3A_743 = %while3A_726 to %while3A_722 step %while3A_729 iter_args(%while3A_744 = %while3A_728) -> (i32)  : i32 {
      %mul3A_745 = arith.constant 8 : i32
      %mul3A_746 = arith.muli %while3A_743, %mul3A_745 : i32
      %add3A_747 = arith.addi %mul3A_2, %mul3A_746 : i32
      %mul3A_748 = arith.constant 78 : i32
      %mul3A_749 = arith.muli %arg1, %mul3A_748 : i32
      %add3A_750 = arith.addi %mul3A_749, %while3A_743 : i32
      %dma_start3A_751 = arith.constant 0 : i32
      %dma_start3A_752 = arith.constant 0 : i32
      %dma_start3A_753 = tpu.memref_slice %arg4[%add3A_750, %add3A_412, %dma_start3A_751, %dma_start3A_752] : memref<1250x4x8x128xf32, #tpu.memory_space<hbm>> -> memref<1x1x8x128xf32, #tpu.memory_space<hbm>>
      %dma_start3A_754 = tpu.memref_squeeze %dma_start3A_753 : memref<1x1x8x128xf32, #tpu.memory_space<hbm>> -> memref<8x128xf32, #tpu.memory_space<hbm>>
      %dma_start3A_755 = arith.constant 0 : i32
      %dma_start3A_756 = tpu.memref_slice %arg12[%add3A_747, %dma_start3A_755] : memref<10000x128xf32, #tpu.memory_space<vmem_shared>> -> memref<8x128xf32, #tpu.memory_space<vmem_shared>>
      tpu.enqueue_dma source(%dma_start3A_756 : memref<8x128xf32, #tpu.memory_space<vmem_shared>>) target(%dma_start3A_754 : memref<8x128xf32, #tpu.memory_space<hbm>>) target_semaphore(%arg22 : memref<!tpu.dma_semaphore, #tpu.memory_space<semaphore_mem>>)
      %while3A_757 = arith.constant 0 : i32
      scf.yield %while3A_757 : i32
    }
    %while3A_731 = arith.constant 0 : i32
    %while3A_732 = arith.constant 0 : i32
    %while3A_733 = arith.subi %select_n3A_718, %while3A_731 : i32
    %while3A_734 = arith.addi %while3A_731, %while3A_733 : i32
    %while3A_735 = arith.constant 1 : i32
    %while3A_736 = arith.divsi %while3A_733, %while3A_735 : i32
    %while3A_737 = arith.muli %while3A_736, %while3A_735 : i32
    %while3A_738 = arith.addi %while3A_731, %while3A_737 : i32
    %while3A_739 = arith.constant 1 : i32
    %while3A_740 = scf.for %while3A_743 = %while3A_731 to %while3A_738 step %while3A_739 iter_args(%while3A_744 = %while3A_732) -> (i32)  : i32 {
      %mul3A_745 = arith.constant 8 : i32
      %mul3A_746 = arith.muli %while3A_743, %mul3A_745 : i32
      %add3A_747 = arith.addi %mul3A_2, %mul3A_746 : i32
      %mul3A_748 = arith.constant 78 : i32
      %mul3A_749 = arith.muli %arg1, %mul3A_748 : i32
      %add3A_750 = arith.addi %mul3A_749, %while3A_743 : i32
      %dma_wait3A_751 = arith.constant 0 : i32
      %dma_wait3A_752 = arith.constant 0 : i32
      %dma_wait3A_753 = tpu.memref_slice %arg4[%add3A_750, %add3A_412, %dma_wait3A_751, %dma_wait3A_752] : memref<1250x4x8x128xf32, #tpu.memory_space<hbm>> -> memref<1x1x8x128xf32, #tpu.memory_space<hbm>>
      %dma_wait3A_754 = tpu.memref_squeeze %dma_wait3A_753 : memref<1x1x8x128xf32, #tpu.memory_space<hbm>> -> memref<8x128xf32, #tpu.memory_space<hbm>>
      %dma_wait3A_755 = arith.constant 0 : i32
      %dma_wait3A_756 = tpu.memref_slice %arg12[%add3A_747, %dma_wait3A_755] : memref<10000x128xf32, #tpu.memory_space<vmem_shared>> -> memref<8x128xf32, #tpu.memory_space<vmem_shared>>
      tpu.wait_dma2 semaphore(%arg22 : memref<!tpu.dma_semaphore, #tpu.memory_space<semaphore_mem>>) src(%dma_wait3A_756 : memref<8x128xf32, #tpu.memory_space<vmem_shared>>) dst(%dma_wait3A_754 : memref<8x128xf32, #tpu.memory_space<hbm>>)
      %while3A_757 = arith.constant 0 : i32
      scf.yield %while3A_757 : i32
    }
    %while3A_741 = arith.constant 1 : i32
    %while3A_742 = scf.for %while3A_743 = %while3A_738 to %while3A_734 step %while3A_741 iter_args(%while3A_744 = %while3A_740) -> (i32)  : i32 {
      %mul3A_745 = arith.constant 8 : i32
      %mul3A_746 = arith.muli %while3A_743, %mul3A_745 : i32
      %add3A_747 = arith.addi %mul3A_2, %mul3A_746 : i32
      %mul3A_748 = arith.constant 78 : i32
      %mul3A_749 = arith.muli %arg1, %mul3A_748 : i32
      %add3A_750 = arith.addi %mul3A_749, %while3A_743 : i32
      %dma_wait3A_751 = arith.constant 0 : i32
      %dma_wait3A_752 = arith.constant 0 : i32
      %dma_wait3A_753 = tpu.memref_slice %arg4[%add3A_750, %add3A_412, %dma_wait3A_751, %dma_wait3A_752] : memref<1250x4x8x128xf32, #tpu.memory_space<hbm>> -> memref<1x1x8x128xf32, #tpu.memory_space<hbm>>
      %dma_wait3A_754 = tpu.memref_squeeze %dma_wait3A_753 : memref<1x1x8x128xf32, #tpu.memory_space<hbm>> -> memref<8x128xf32, #tpu.memory_space<hbm>>
      %dma_wait3A_755 = arith.constant 0 : i32
      %dma_wait3A_756 = tpu.memref_slice %arg12[%add3A_747, %dma_wait3A_755] : memref<10000x128xf32, #tpu.memory_space<vmem_shared>> -> memref<8x128xf32, #tpu.memory_space<vmem_shared>>
      tpu.wait_dma2 semaphore(%arg22 : memref<!tpu.dma_semaphore, #tpu.memory_space<semaphore_mem>>) src(%dma_wait3A_756 : memref<8x128xf32, #tpu.memory_space<vmem_shared>>) dst(%dma_wait3A_754 : memref<8x128xf32, #tpu.memory_space<hbm>>)
      %while3A_757 = arith.constant 0 : i32
      scf.yield %while3A_757 : i32
    }
    return
  }
}

module attributes {stable_mosaic.version = 14 : i64} {
  func.func @_proj_body(%arg0: i32, %arg1: memref<1000x512xf32, #tpu.memory_space<vmem>>, %arg2: memref<2x1000x1xf32, #tpu.memory_space<vmem>>, %arg3: memref<256x512xf32, #tpu.memory_space<vmem>>, %arg4: memref<1x256xf32, #tpu.memory_space<vmem>>, %arg5: memref<1000x256xf32, #tpu.memory_space<vmem>>) attributes {dimension_semantics = [#tpu.dimension_semantics<arbitrary>], iteration_bounds = array<i64: 10>, scalar_prefetch = 0 : i64, scratch_operands = 0 : i64, tpu.core_type = #tpu.core_type<tc>, window_params = [{transform_indices = @transform_0, window_bounds = array<i64: 1000, 512>}, {transform_indices = @transform_1, window_bounds = array<i64: 2, 1000, 1>}, {pipeline_mode = #tpu.pipeline_mode<synchronous>, transform_indices = @transform_2, window_bounds = array<i64: 256, 512>}, {pipeline_mode = #tpu.pipeline_mode<synchronous>, transform_indices = @transform_3, window_bounds = array<i64: 1, 256>}, {transform_indices = @transform_4, window_bounds = array<i64: 1000, 256>}]} {
    %get3A = arith.constant 0 : index
    %get3A_0 = arith.constant 0 : index
    %get3A_1 = arith.constant 0 : index
    %get3A_2 = vector.load %arg2[%get3A, %get3A_0, %get3A_1] : memref<2x1000x1xf32, #tpu.memory_space<vmem>>, vector<1x1000x1xf32>
    %get3A_3 = vector.shape_cast %get3A_2 : vector<1x1000x1xf32> to vector<1000x1xf32>
    %get3A_4 = arith.constant 1 : index
    %get3A_5 = arith.constant 0 : index
    %get3A_6 = arith.constant 0 : index
    %get3A_7 = vector.load %arg2[%get3A_4, %get3A_5, %get3A_6] : memref<2x1000x1xf32, #tpu.memory_space<vmem>>, vector<1x1000x1xf32>
    %get3A_8 = vector.shape_cast %get3A_7 : vector<1x1000x1xf32> to vector<1000x1xf32>
    %add3A = arith.addf %get3A_3, %get3A_8 : vector<1000x1xf32>
    %get3A_9 = arith.constant 0 : index
    %get3A_10 = arith.constant 0 : index
    %get3A_11 = vector.load %arg1[%get3A_9, %get3A_10] : memref<1000x512xf32, #tpu.memory_space<vmem>>, vector<1000x512xf32>
    %max3A = arith.constant 1.000000e+00 : f32
    %max3A_12 = vector.broadcast %max3A : f32 to vector<1000x1xf32>
    %max3A_13 = arith.maximumf %add3A, %max3A_12 : vector<1000x1xf32>
    %div3A = vector.broadcast %max3A_13 : vector<1000x1xf32> to vector<1000x512xf32>
    %div3A_14 = arith.divf %get3A_11, %div3A : vector<1000x512xf32>
    %get3A_15 = arith.constant 0 : index
    %get3A_16 = arith.constant 0 : index
    %get3A_17 = vector.load %arg3[%get3A_15, %get3A_16] : memref<256x512xf32, #tpu.memory_space<vmem>>, vector<256x512xf32>
    %dot_general3A = arith.constant dense<0.000000e+00> : vector<1000x256xf32>
    %dot_general3A_18 = tpu.matmul %div3A_14, %get3A_17, %dot_general3A {dimension_numbers = #tpu.dot_dimension_numbers<[1], [1], [0], [0], [0, 0, 1, 0], [], []>, transpose_lhs_hint = false} : vector<1000x512xf32>, vector<256x512xf32>, vector<1000x256xf32> -> vector<1000x256xf32>
    %get3A_19 = arith.constant 0 : index
    %get3A_20 = arith.constant 0 : index
    %get3A_21 = vector.load %arg4[%get3A_19, %get3A_20] : memref<1x256xf32, #tpu.memory_space<vmem>>, vector<1x256xf32>
    %add3A_22 = vector.broadcast %get3A_21 : vector<1x256xf32> to vector<1000x256xf32>
    %add3A_23 = arith.addf %dot_general3A_18, %add3A_22 : vector<1000x256xf32>
    %swap3A = arith.constant 0 : index
    %swap3A_24 = arith.constant 0 : index
    %swap3A_25 = vector.load %arg5[%swap3A, %swap3A_24] : memref<1000x256xf32, #tpu.memory_space<vmem>>, vector<1000x256xf32>
    tpu.vector_store %arg5[%swap3A, %swap3A_24], %add3A_23 {strides = array<i32>} : memref<1000x256xf32, #tpu.memory_space<vmem>>, vector<1000x256xf32>,
    return
  }
  func.func @transform_0(%arg0: i32) -> (i32, i32) {
    %c0_i32 = arith.constant 0 : i32
    %c0_i32_0 = arith.constant 0 : i32
    return %arg0, %c0_i32 : i32, i32
  }
  func.func @transform_1(%arg0: i32) -> (i32, i32, i32) {
    %c0_i32 = arith.constant 0 : i32
    %c0_i32_0 = arith.constant 0 : i32
    %c0_i32_1 = arith.constant 0 : i32
    return %c0_i32, %arg0, %c0_i32_0 : i32, i32, i32
  }
  func.func @transform_2(%arg0: i32) -> (i32, i32) {
    %c0_i32 = arith.constant 0 : i32
    %c0_i32_0 = arith.constant 0 : i32
    %c0_i32_1 = arith.constant 0 : i32
    return %c0_i32, %c0_i32_0 : i32, i32
  }
  func.func @transform_3(%arg0: i32) -> (i32, i32) {
    %c0_i32 = arith.constant 0 : i32
    %c0_i32_0 = arith.constant 0 : i32
    %c0_i32_1 = arith.constant 0 : i32
    return %c0_i32, %c0_i32_0 : i32, i32
  }
  func.func @transform_4(%arg0: i32) -> (i32, i32) {
    %c0_i32 = arith.constant 0 : i32
    %c0_i32_0 = arith.constant 0 : i32
    return %arg0, %c0_i32 : i32, i32
  }
}

</mosaic_0001>

<sc_bundles>
// kernel: kernel.4.cloned.1.call-start
scs
__scs_entry_jumppad:
0x0: {  	(pc) =	sbr.rel $0x88, $3  }
0x1: {  	(tag) =	ssettag $0x0;
	lr =	simm.s32 $0x1  }
0x2: {  	[smem:$0x3F9D] =	sst lr;
	_ =	strace $0xD0000000  }
0x3: {  	_ = 	snop  }
0x4: {  	_ = 	snop  }
0x5: {  	_ = 	snop  }
0x6: {  	_ = 	snop  }
0x7: {  	_ = 	snop  }
__scs_overlays_trampoline_lowered:
0x8: {  	[smem:$0x3FAC] =	sst s0  }
0x9: {  	[smem:$0x3FAD] =	sst s1  }
0xa: {  	[smem:$0x3FAE] =	sst s2  }
0xb: {  	[smem:$0x3FAF] =	sst s3  }
0xc: {  	[smem:$0x3FB0] =	sst s4  }
0xd: {  	[smem:$0x3FB1] =	sst s5  }
0xe: {  	[smem:$0x3FB2] =	sst s6  }
0xf: {  	[smem:$0x3FB3] =	sst s7  }
0x10: {  	[smem:$0x3FB4] =	sst s8  }
0x11: {  	[smem:$0x3FB5] =	sst s9;
	s0 =	simm.s32 @!p0 $0x0  }
0x12: {  	s1 =	sld [smem:$0x3F9B];
	s0 =	simm.s32 @p0 $0x1  }
0x13: {  	[smem:$0x3FB6] =	sst s0;
	s0 =	simm.s32 @!p1 $0x0  }
0x14: {  	s2 =	sld [smem:$0x3F9A];
	s0 =	simm.s32 @p1 $0x1  }
0x15: {  	[smem:$0x3FB7] =	sst s0;
	s0 =	simm.s32 @!p2 $0x0  }
0x16: {  	s3 =	sld [smem:$0x3FDB];
	s0 =	simm.s32 @p2 $0x1  }
0x17: {  	s4 =	simm.s32 $0x1BF5;
	[smem:$0x3FB9] =	sst s0  }
0x18: {  	s0 =	sld [smem:$0x3F9C];
	_ =	swait.ge [sflag:s4], $0x0  }
0x19: {  	s7 =	sld [smem:$0x3F9D]  }
0x1a: {  	s8 =	sadd.s32 $0xFFFFE003, lr  }
0x1b: {  	s9 =	sadd.s32 $0xFFFFFEF7, lr;
	s5 =	simm.s32 $0xFFFFFFFF;
	p2 =	slt.u32 s8, $0xFFFFF086  }
0x1c: {  	p1 =	slt.u32 s9, $0xF7A;
	s5 =	simm.s32 @!p2 $0x0  }
0x1d: {  	s5 =	simm.s32 @p1 $0x1;
	p0 =	seq.s32 s7, s2  }
0x1e: {  	s7 =	smul.u32 @!p0 $0xF7A, s2;
	p2 =	seq.s32 @!p0 s5, $0x0  }
0x1f: {  	s9 =	smul.u32 $0xF7A, s1;
	s8 =	simm.s32 @!p0 $0x1BF5;
	p2 =	por !p2, p0  }
0x20: {  	[sflag:s8] =	ssyncset.s32 @!p0 $0xFFFFF086;
	s6 =	sadd.s32 @!p0 s3, s7;
	s7 =	simm.s32 @!p0 $0x108  }
0x21: {  	s3 =	sadd.s32 s3, s9;
	s6 =	sadd.s32 @!p0 $0x88, s6;
	s7 =	simm.s32 @p2 $0x1082  }
0x22: {  	[simem:s7], [sflag:s8] =	dma.local @!p0 [hbm:s6], $0xF7A  }
0x23: {  	s9 =	sor.u32 $0xD0000000, s2;
	s6 =	simm.s32 $0x108;
	_ =	swait.ge @!p0 [sflag:s8], $0x0  }
0x24: {  	s3 =	sadd.s32 $0x88, s3;
	s6 =	simm.s32 @!p1 $0x1082;
	[sflag:s4] =	ssyncset.s32 $0xFFFFF086  }
0x25: {  	[simem:s6], [sflag:s4] =	dma.local [hbm:s3], $0xF7A  }
0x26: {  	[smem:$0x3F9D] =	sst s1;
	(tag) =	ssettag s2;
	_ =	strace s9  }
0x27: {  	s1 =	sld [smem:$0x3FAD]  }
0x28: {  	s2 =	sld [smem:$0x3FAE]  }
0x29: {  	s4 =	sld [smem:$0x3FB0]  }
0x2a: {  	p0 =	seq.s32 s5, $0x0;
	s5 =	sld [smem:$0x3FB1]  }
0x2b: {  	s6 =	sld [smem:$0x3FB2]  }
0x2c: {  	s7 =	sld [smem:$0x3FB3]  }
0x2d: {  	s3 =	simm.s32 $0x108;
	s8 =	sld [smem:$0x3FB4]  }
0x2e: {  	s3 =	simm.s32 @!p0 $0x1082;
	s9 =	sld [smem:$0x3FB5]  }
0x2f: {  	lr =	sadd.s32 s0, s3;
	s0 =	sld [smem:$0x3FAC]  }
0x30: {  	s3 =	sld [smem:$0x3FAF]  }
0x31: {  	[smem:$0x3FB8] =	sst s10  }
0x32: {  	s10 =	sld [smem:$0x3FB6];
	_ =	sdelay $0x3  }
0x33: {  	p0 =	seq.s32 s10, $0x1;
	s10 =	sld [smem:$0x3FB8];
	_ =	sdelay $0x3  }
0x34: {  	[smem:$0x3FB8] =	sst s10  }
0x35: {  	s10 =	sld [smem:$0x3FB7];
	_ =	sdelay $0x3  }
0x36: {  	p1 =	seq.s32 s10, $0x1;
	s10 =	sld [smem:$0x3FB8];
	_ =	sdelay $0x3  }
0x37: {  	[smem:$0x3FB8] =	sst s10  }
0x38: {  	s10 =	sld [smem:$0x3FB9]  }
0x39: {  	_ = 	snop;
	(pc) =	sbr.ind lr, $3  }
0x3a: {  	_ = 	snop  }
0x3b: {  	_ = 	snop  }
0x3c: {  	p2 =	seq.s32 s10, $0x1;
	s10 =	sld [smem:$0x3FB8]  }
0x3d: {  	_ =	shalt  }
0x3e: {  	_ =	shalt  }
0x3f: {  	_ =	shalt  }
0x40: {  	_ =	shalt  }
0x41: {  	_ =	shalt  }
0x42: {  	_ =	shalt  }
0x43: {  	_ =	shalt  }
0x44: {  	_ =	shalt  }
0x45: {  	_ =	shalt  }
0x46: {  	_ =	shalt  }
0x47: {  	_ =	shalt  }
0x48: {  	_ =	shalt  }
0x49: {  	_ =	shalt  }
0x4a: {  	_ =	shalt  }
0x4b: {  	_ =	shalt  }
0x4c: {  	_ =	shalt  }
0x4d: {  	_ =	shalt  }
0x4e: {  	_ =	shalt  }
0x4f: {  	_ =	shalt  }
0x50: {  	_ =	shalt  }
0x51: {  	_ =	shalt  }
0x52: {  	_ =	shalt  }
0x53: {  	_ =	shalt  }
0x54: {  	_ =	shalt  }
0x55: {  	_ =	shalt  }
0x56: {  	_ =	shalt  }
0x57: {  	_ =	shalt  }
0x58: {  	_ =	shalt  }
0x59: {  	_ =	shalt  }
0x5a: {  	_ =	shalt  }
0x5b: {  	_ =	shalt  }
0x5c: {  	_ =	shalt  }
0x5d: {  	_ =	shalt  }
0x5e: {  	_ =	shalt  }
0x5f: {  	_ =	shalt  }
0x60: {  	_ =	shalt  }
0x61: {  	_ =	shalt  }
0x62: {  	_ =	shalt  }
0x63: {  	_ =	shalt  }
0x64: {  	_ =	shalt  }
0x65: {  	_ =	shalt  }
0x66: {  	_ =	shalt  }
0x67: {  	_ =	shalt  }
0x68: {  	_ =	shalt  }
0x69: {  	_ =	shalt  }
0x6a: {  	_ =	shalt  }
0x6b: {  	_ =	shalt  }
0x6c: {  	_ =	shalt  }
0x6d: {  	_ =	shalt  }
0x6e: {  	_ =	shalt  }
0x6f: {  	_ =	shalt  }
0x70: {  	_ =	shalt  }
0x71: {  	_ =	shalt  }
0x72: {  	_ =	shalt  }
0x73: {  	_ =	shalt  }
0x74: {  	_ =	shalt  }
0x75: {  	_ =	shalt  }
0x76: {  	_ =	shalt  }
0x77: {  	_ =	shalt  }
0x78: {  	_ =	shalt  }
0x79: {  	_ =	shalt  }
0x7a: {  	_ =	shalt  }
0x7b: {  	_ =	shalt  }
0x7c: {  	_ =	shalt  }
0x7d: {  	_ =	shalt  }
0x7e: {  	_ =	shalt  }
0x7f: {  	_ =	shalt  }
0x80: {  	_ =	shalt  }
0x81: {  	_ =	shalt  }
0x82: {  	_ =	shalt  }
0x83: {  	_ =	shalt  }
0x84: {  	_ =	shalt  }
0x85: {  	_ =	shalt  }
0x86: {  	_ =	shalt  }
0x87: {  	_ =	shalt  }
.Lfunc_end0:
.L_simem_size_0:
called_computation_lowered:
.L_overlay_start_0:
0x88: {  	s2 =	sld [smem:$0x3FD9]  }
0x89: {  	s3 =	sld [smem:$0x3FFE];
	_ =	sdelay $0x1  }
0x8a: {  	s1 =	srdreg.scid  }
0x8b: {  	s0 =	sand.u32 $0x1, s1  }
0x8c: {  	s17 =	sshll.u32 s0, $0xA;
	s2 =	sadd.s32 s3, s2  }
0x8d: {  	s2 =	sadd.s32 s2, s17  }
0x8e: {  	[smem:$0x3FC4] =	sst s2  }
0x8f: {  	_ = 	snop  }
0x90: {  	s2 =	sld [smem:$0x3FC9]  }
0x91: {  	s18 =	sld [smem:$0x3FC8]  }
0x92: {  	s4 =	sld [smem:$0x3FD0];
	(tm) =	ssettm $0x1  }
0x93: {  	s5 =	sld [smem:$0x3FFB];
	_ =	sdelay $0x3  }
0x94: {  	_ =	strace s5  }
0x95: {  	s5 =	sld [smem:$0x3FFC];
	_ =	sdelay $0x3  }
0x96: {  	_ =	strace s5  }
0x97: {  	s5 =	sld [smem:$0x3FFD];
	_ =	sdelay $0x3  }
0x98: {  	_ =	strace s5  }
0x99: {  	_ =	strace $0x8FFFFFFF  }
0x9a: {  	s19 =	sld [smem:$0x3FDB];
	_ =	sdelay $0x1  }
0x9b: {  	s6 =	simm.s32 $_scs_section_size  }
0x9c: {  	s7 =	simm.s32 $_size__tile_overlayer_lowered;
	s8 =	simm.s32 $_tile_overlayer_lowered  }
0x9d: {  	s22 =	simm.s32 $0x1BFF;
	s21 =	sshll.u32 s8, $0x1;
	s5 =	sadd.s32 s6, s19  }
0x9e: {  	s9 =	simm.s32 $0x0;
	s20 =	sshll.u32 s7, $0x1;
	s7 =	sadd.s32 s21, s5  }
0x9f: {  	[timem:s9], [sflag:s22] =	dma.local [hbm:s7], s20  }
0xa0: {  	_ =	swait.ge [sflag:s22], s20  }
0xa1: {  	s6 =	ssub.s32 $0x0, s20;
	[sflag:s22] =	ssyncset.done $0x0  }
0xa2: {  	[sflag:s22] =	ssyncadd.s32 s6;
	_ =	sdelay $0x1  }
0xa3: {  	s23 =	simm.s32 $0x1B8B  }
0xa4: {  	_ =	swait.ge [sflag:s23], $0x1  }
0xa5: {  	[sflag:s23] =	ssyncset.done $0x0  }
0xa6: {  	s25 =	simm.s32 $0x1B8E;
	s24 =	sld [smem:$0x3FFE];
	[sflag:s23] =	ssyncadd.s32 $0xFFFFFFFF  }
0xa7: {  	s26 =	simm.s32 $execute0_lowered;
	[smem:$0x3FD2] =	sst s25  }
0xa8: {  	s7 =	sshll.u32 s26, $0x1;
	_ =	strace $0x80000046;
	[dreg:$0x1] =	wrdreg $0xFFFFFFFF  }
0xa9: {  	s28 =	simm.s32 $_size_execute0_lowered;
	s5 =	sadd.s32 s5, s7;
	[dreg:$0x0] =	wrdreg $0x0  }
0xaa: {  	s7 =	sshll.u32 s28, $0x1;
	[dreg:$0x2] =	wrdreg s5  }
0xab: {  	[dreg:$0x3] =	wrdreg s7  }
0xac: {  	[dreg:$0x4] =	wrdreg $0xC0  }
0xad: {  	_ =	task [dreg:s9], $0x5FFFF  }
0xae: {  	[dreg:$0x1] =	wrdreg $0xFFFFFFFF  }
0xaf: {  	[dreg:$0x0] =	wrdreg $0x60  }
0xb0: {  	[dreg:$0x2] =	wrdreg s2  }
0xb1: {  	[dreg:$0x3] =	wrdreg s18  }
0xb2: {  	[dreg:$0x4] =	wrdreg s24  }
0xb3: {  	[dreg:$0x5] =	wrdreg s4  }
0xb4: {  	[dreg:$0x6] =	wrdreg $0x1C2900  }
0xb5: {  	[dreg:$0x7] =	wrdreg $0x8A100  }
0xb6: {  	[dreg:$0x8] =	wrdreg $0x9  }
0xb7: {  	_ =	task.clear_ibuf [dreg:s9], $0x9FFFF;
	_ =	strace $0x90000046  }
0xb8: {  	s29 =	simm.s32 $0x9;
	_ =	strace $0x80000048  }
0xb9: {  	_ =	swait.ge [sflag:s29], $0x1  }
0xba: {  	[sflag:s29] =	ssyncadd.s32 $0xFFFFFFFF  }
0xbb: {  	_ =	strace $0x90000048  }
0xbc: {  	_ =	sfence  }
0xbd: {  	s30 =	sld [smem:$0x0];
	_ =	sdelay $0x2  }
0xbe: {  	s31 =	sshll.u32 s1, $0xD;
	s1 =	sshrl.u32 s1, $0x2  }
0xbf: {  	s3 =	sand.u32 $0x4000, s31;
	s1 =	sadd.s32 s1, s30  }
0xc0: {  	s0 =	sor.u32 s3, s0;
	s1 =	sshll.u32 s1, $0x11  }
0xc1: {  	s0 =	sor.u32 s1, s0  }
0xc2: {  	s0 =	sadd.s32 $0x8F2B, s0  }
0xc3: {  	[sflag:s0] =	ssyncadd.remote.s32 $0x1  }
0xc4: {  	_ =	sfence.sel $0xFFFF  }
0xc5: {  	[dreg:$0x0] =	wrdreg $0xFFFFFFFF;
	(pc) =	sbr.abs _section_cstart, $3  }
0xc6: {  	[dreg:$0x1] =	wrdreg $0xFFFFFFFF  }
0xc7: {  	_ =	task.clear_ibuf [dreg:s9], $0x2FFFF;
	_ =	strace $0x9FFFFFFF  }
0xc8: {  	(tm) =	ssettm $0x7FFFFFFF  }
0xc9: {  	_ =	shalt  }
tec
execute0_lowered:
.L_overlay_start_1:
0x0: {  	(tag) =	ssettag $0x1  }
0x1: {  	s0 =	srdreg.scid;
	s3 =	stileid.u32  }
0x2: {  	s2 =	rddreg [dreg:$0x1];
	s5 =	smul.u32 $0x4E2, s3  }
0x3: {  	s21 =	rddreg [dreg:$0x3];
	s20 =	sand.u32 $0x1, s0;
	s7 =	smul.u32 $0x4E2000, s3  }
0x4: {  	s1 =	simm.s32 $0x0;
	s8 =	smul.u32 $0x2700, s3;
	s0 =	ssub.s32 $0x2, s20  }
0x5: {  	[smem:$0x7FF] =	sst s1;
	s13 =	smul.u32 $0x27100, s20;
	s6 =	sshrl.u32 s0, $0x1  }
0x6: {  	s22 =	sadd.s32 s2, s5;
	s23 =	sor.u32 $0x1000, s7;
	s25 =	sadd.s32 $0x2000, s7  }
0x7: {  	s9 =	sadd.s32 $0x3000, s7;
	s10 =	sadd.s32 $0x4000, s7;
	s11 =	sadd.s32 $0x5000, s7  }
0x8: {  	s12 =	sadd.s32 $0x6000, s7;
	s16 =	sadd.s32 $0x7000, s7;
	s17 =	sadd.s32 $0x8000, s7  }
0x9: {  	s31 =	sadd.s32 $0x9000, s7;
	s19 =	sadd.s32 $0xA000, s7;
	s26 =	sadd.s32 $0xB000, s7  }
0xa: {  	s3 =	sadd.s32 $0x4E0000, s7;
	s4 =	sadd.s32 $0x4E1000, s7;
	s0 =	ssub.s32 s0, s6  }
0xb: {  	[dreg:$0x7] =	wrdreg s22;
	s15 =	sadd.s32 s8, s13;
	s13 =	sshrl.u32 s13, $0x3  }
0xc: {  	[smem:$0x7D1] =	sst s0;
	s0 =	sshll.u32 s20, $0xB;
	s13 =	sadd.s32 s21, s13  }
0xd: {  	s15 =	sshrl.u32 s15, $0x3;
	s24 =	sor.u32 s0, s23;
	[smem:$0x7B3] =	sst s13  }
0xe: {  	s2 =	sor.u32 s0, s7;
	s14 =	sadd.s32 s21, s15;
	[smem:$0x7A1] =	sst s24  }
0xf: {  	s18 =	sor.u32 $0x400, s0;
	s15 =	sor.u32 s0, s9;
	[dreg:$0x8] =	wrdreg s14  }
0x10: {  	s30 =	sor.u32 s0, s17;
	s7 =	sor.u32 s7, s18;
	[smem:$0x7A4] =	sst s15  }
0x11: {  	s21 =	sor.u32 s18, s9;
	s9 =	sor.u32 s18, s17;
	s17 =	rddreg [dreg:$0x4]  }
0x12: {  	s5 =	sor.u32 s18, s23;
	[smem:$0x7B5] =	sst s7  }
0x13: {  	s14 =	sor.u32 s18, s25;
	[smem:$0x7B6] =	sst s5  }
0x14: {  	[smem:$0x7B9] =	sst s14  }
0x15: {  	s23 =	sor.u32 s0, s10;
	[smem:$0x7BB] =	sst s21  }
0x16: {  	s24 =	sor.u32 s18, s10;
	[smem:$0x7A6] =	sst s23  }
0x17: {  	s28 =	sor.u32 s0, s25;
	s25 =	sor.u32 s18, s11;
	[smem:$0x7BC] =	sst s24  }
0x18: {  	s6 =	sor.u32 s18, s12;
	[smem:$0x7BF] =	sst s25  }
0x19: {  	s22 =	stileid.u32;
	[smem:$0x7C1] =	sst s6  }
0x1a: {  	s29 =	sor.u32 s0, s11;
	s10 =	sor.u32 s18, s31;
	[smem:$0x7C5] =	sst s9  }
0x1b: {  	s11 =	sor.u32 s18, s19;
	s13 =	sor.u32 s18, s4;
	[smem:$0x7C7] =	sst s10  }
0x1c: {  	s23 =	sor.u32 s0, s12;
	s24 =	sor.u32 s0, s16;
	[smem:$0x7C8] =	sst s11  }
0x1d: {  	s7 =	sor.u32 s18, s16;
	s25 =	sor.u32 s0, s31;
	[smem:$0x7CE] =	sst s13  }
0x1e: {  	s31 =	sor.u32 s0, s19;
	s21 =	sor.u32 s0, s26;
	s5 =	rddreg [dreg:$0x0]  }
0x1f: {  	s12 =	sor.u32 s18, s26;
	s19 =	smul.u32 $0x4E000, s22;
	s14 =	rddreg [dreg:$0x2]  }
0x20: {  	s26 =	sor.u32 s0, s3;
	s3 =	sor.u32 s18, s3;
	[smem:$0x7C2] =	sst s7  }
0x21: {  	s18 =	sor.u32 s0, s4;
	s6 =	sadd.s32 s8, s17;
	[smem:$0x7CB] =	sst s12  }
0x22: {  	[smem:$0x7CD] =	sst s3;
	s4 =	sadd.s32 $0xC00, s14;
	s0 =	sor.u32 s0, s19  }
0x23: {  	s15 =	sshrl.u32 s0, $0x3;
	s16 =	sor.u32 $0x400, s0;
	s0 =	smul.u32 $0x270, s22  }
0x24: {  	s7 =	rddreg [dreg:$0x5];
	s3 =	sadd.s32 s15, s4;
	s22 =	sshrl.u32 s16, $0x3  }
0x25: {  	[dreg:$0x9] =	wrdreg s3;
	s3 =	sadd.s32 s22, s4;
	s16 =	sadd.s32 $0x30, s0  }
0x26: {  	s15 =	sadd.s32 $0x60, s0;
	s12 =	sadd.s32 $0x90, s0;
	s14 =	sadd.s32 $0xC0, s0  }
0x27: {  	[dreg:$0xa] =	wrdreg s3;
	s8 =	sshll.u32 s16, $0x4;
	s10 =	sshll.u32 s15, $0x4  }
0x28: {  	_ =	strace $0x80000047;
	[dreg:$0xb] =	wrdreg s6;
	s9 =	sadd.s32 s8, s17  }
0x29: {  	s13 =	sshll.u32 s12, $0x4;
	s11 =	sadd.s32 s10, s17;
	[dreg:$0xc] =	wrdreg s9  }
0x2a: {  	s3 =	sshll.u32 s14, $0x4;
	s22 =	sadd.s32 s13, s17;
	[dreg:$0xd] =	wrdreg s11  }
0x2b: {  	s13 =	sadd.s32 $0xF0, s0;
	s4 =	sadd.s32 s3, s17;
	[dreg:$0xe] =	wrdreg s22  }
0x2c: {  	s12 =	sshll.u32 s12, $0x7;
	[dreg:$0xf] =	wrdreg s4;
	s6 =	sshll.u32 s13, $0x4  }
0x2d: {  	s9 =	sadd.s32 $0x120, s0;
	s11 =	sadd.s32 $0x150, s0;
	s8 =	sadd.s32 s6, s17  }
0x2e: {  	s10 =	sshll.u32 s9, $0x4;
	s3 =	sshll.u32 s11, $0x4;
	s9 =	sshll.u32 s9, $0x7  }
0x2f: {  	[dreg:$0x10] =	wrdreg s8;
	s22 =	sadd.s32 s10, s17;
	s10 =	sadd.s32 $0x180, s0  }
0x30: {  	s6 =	sadd.s32 s3, s17;
	[dreg:$0x11] =	wrdreg s22;
	s8 =	sshll.u32 s10, $0x4  }
0x31: {  	[dreg:$0x12] =	wrdreg s6;
	s6 =	sadd.s32 $0x1B0, s0;
	s22 =	sadd.s32 s8, s17  }
0x32: {  	s3 =	sshll.u32 s6, $0x4;
	s8 =	sadd.s32 $0x1E0, s0;
	[dreg:$0x13] =	wrdreg s22  }
0x33: {  	s4 =	sadd.s32 s3, s17;
	s22 =	sshll.u32 s8, $0x4;
	s3 =	sadd.s32 $0x210, s0  }
0x34: {  	s0 =	sadd.s32 $0x240, s0;
	[dreg:$0x14] =	wrdreg s4;
	s4 =	sadd.s32 s22, s17  }
0x35: {  	s22 =	sshll.u32 s3, $0x4;
	s3 =	sshll.u32 s3, $0x7;
	[dreg:$0x15] =	wrdreg s4  }
0x36: {  	s4 =	sadd.s32 s22, s17;
	s22 =	sshll.u32 s0, $0x4;
	s0 =	sshll.u32 s0, $0x7  }
0x37: {  	s3 =	sadd.s32 s3, s7;
	[dreg:$0x16] =	wrdreg s4;
	s4 =	sshrl.u32 s19, $0x2  }
0x38: {  	s19 =	sadd.s32 s22, s17;
	s22 =	sshll.u32 s16, $0x7;
	[smem:$0x79E] =	sst s3  }
0x39: {  	s0 =	sadd.s32 s0, s7;
	[dreg:$0x17] =	wrdreg s19;
	s19 =	sadd.s32 s4, s7  }
0x3a: {  	s4 =	sadd.s32 s22, s7;
	s22 =	sadd.s32 s12, s7;
	[smem:$0x79F] =	sst s0  }
0x3b: {  	s12 =	sshll.u32 s14, $0x7;
	s14 =	sadd.s32 s9, s7;
	s9 =	sld [smem:$0x7A1]  }
0x3c: {  	s6 =	sshll.u32 s6, $0x7;
	s16 =	sshll.u32 s15, $0x7;
	[dreg:$0x19] =	wrdreg s4  }
0x3d: {  	s15 =	sshll.u32 s11, $0x7;
	s4 =	sadd.s32 s16, s7;
	[dreg:$0x1b] =	wrdreg s22  }
0x3e: {  	[dreg:$0x1e] =	wrdreg s14;
	s16 =	sshll.u32 s10, $0x7;
	s14 =	sshrl.u32 s29, $0x3  }
0x3f: {  	s29 =	smov.u32 s19;
	s19 =	sshrl.u32 s24, $0x3;
	s24 =	sshrl.u32 s25, $0x3  }
0x40: {  	s25 =	sshrl.u32 s31, $0x3;
	s31 =	smul.u32 $0x4E20, s20;
	s20 =	sld [smem:$0x7BC]  }
0x41: {  	s22 =	sadd.s32 s6, s7;
	s6 =	sshll.u32 s8, $0x7;
	[dreg:$0x1a] =	wrdreg s4  }
0x42: {  	s8 =	sshrl.u32 s2, $0x3;
	s10 =	sshrl.u32 s28, $0x3;
	[smem:$0x79C] =	sst s22  }
0x43: {  	s28 =	sshrl.u32 s21, $0x3;
	s4 =	sadd.s32 s12, s7;
	s12 =	sld [smem:$0x7A4]  }
0x44: {  	s11 =	sadd.s32 s5, s10;
	s10 =	sshrl.u32 s18, $0x3;
	s18 =	sld [smem:$0x7B9]  }
0x45: {  	s0 =	sadd.s32 s5, s8;
	s8 =	sadd.s32 s5, s28;
	s28 =	sld [smem:$0x7C7]  }
0x46: {  	[dreg:$0x18] =	wrdreg s29  }
0x47: {  	[dreg:$0x1c] =	wrdreg s4  }
0x48: {  	[smem:$0x7A0] =	sst s0  }
0x49: {  	s13 =	sshll.u32 s13, $0x7;
	[smem:$0x7A3] =	sst s11  }
0x4a: {  	s3 =	sadd.s32 s5, s25;
	s4 =	sadd.s32 s13, s7;
	s13 =	sld [smem:$0x7A6]  }
0x4b: {  	[smem:$0x7AD] =	sst s3  }
0x4c: {  	[smem:$0x7AE] =	sst s8  }
0x4d: {  	[smem:$0x7AF] =	sst s31  }
0x4e: {  	s0 =	sshrl.u32 s9, $0x3;
	s9 =	sshrl.u32 s26, $0x3;
	s26 =	sld [smem:$0x7C5]  }
0x4f: {  	s11 =	sshrl.u32 s31, $0x2;
	s31 =	sld [smem:$0x7C8]  }
0x50: {  	s8 =	sld [smem:$0x7CD]  }
0x51: {  	[dreg:$0x1d] =	wrdreg s4  }
0x52: {  	s4 =	sadd.s32 s15, s7;
	s15 =	sadd.s32 s5, s14;
	s14 =	sld [smem:$0x7B5]  }
0x53: {  	s0 =	sadd.s32 s5, s0;
	[dreg:$0x1f] =	wrdreg s4  }
0x54: {  	[smem:$0x7A2] =	sst s0  }
0x55: {  	[smem:$0x7A8] =	sst s15  }
0x56: {  	s22 =	sshrl.u32 s30, $0x3;
	s4 =	sadd.s32 s16, s7;
	s15 =	sld [smem:$0x7B6]  }
0x57: {  	s16 =	sshrl.u32 s23, $0x3;
	s23 =	sadd.s32 s5, s22;
	s22 =	sld [smem:$0x7BF]  }
0x58: {  	[smem:$0x79B] =	sst s4  }
0x59: {  	s0 =	sshrl.u32 s12, $0x3;
	s12 =	sadd.s32 s5, s10;
	[smem:$0x7AB] =	sst s23  }
0x5a: {  	[smem:$0x7B2] =	sst s12  }
0x5b: {  	s23 =	sld [smem:$0x7C1]  }
0x5c: {  	s4 =	sadd.s32 s6, s7;
	s6 =	sld [smem:$0x7CB]  }
0x5d: {  	s12 =	sld [smem:$0x7D1]  }
0x5e: {  	s0 =	sadd.s32 s5, s0;
	[smem:$0x79D] =	sst s4  }
0x5f: {  	[smem:$0x7A5] =	sst s0  }
0x60: {  	s0 =	sshrl.u32 s13, $0x3;
	s4 =	sadd.s32 $0x1380, s11;
	s13 =	sld [smem:$0x7B3]  }
0x61: {  	s0 =	sadd.s32 s5, s0;
	[smem:$0x7B0] =	sst s4  }
0x62: {  	s3 =	sshrl.u32 s15, $0x3;
	[smem:$0x7A7] =	sst s0;
	s0 =	sadd.s32 s5, s16  }
0x63: {  	s16 =	sadd.s32 s5, s3;
	[smem:$0x7A9] =	sst s0  }
0x64: {  	[smem:$0x7B8] =	sst s16  }
0x65: {  	s3 =	sshrl.u32 s20, $0x3;
	s0 =	sadd.s32 s5, s19;
	s19 =	sld [smem:$0x7BB]  }
0x66: {  	s21 =	sadd.s32 s5, s3;
	[smem:$0x7AA] =	sst s0  }
0x67: {  	s30 =	simm.s32 $0x2;
	s11 =	sadd.s32 $0x23000, s2;
	[smem:$0x7BE] =	sst s21  }
0x68: {  	s15 =	sadd.s32 $0x21000, s2;
	s0 =	sadd.s32 s5, s24;
	s24 =	sld [smem:$0x7C2]  }
0x69: {  	s20 =	sadd.s32 $0x1E000, s2;
	s16 =	sshrl.u32 s15, $0x3;
	[smem:$0x7AC] =	sst s0  }
0x6a: {  	s15 =	sadd.s32 $0x12000, s2;
	s0 =	sadd.s32 s5, s9;
	s9 =	sld [smem:$0x7CE]  }
0x6b: {  	s21 =	sshrl.u32 s20, $0x3;
	[smem:$0x7B1] =	sst s0;
	s0 =	sadd.s32 $0x4920, s13  }
0x6c: {  	s20 =	sadd.s32 $0x10000, s2;
	s13 =	sadd.s32 $0x22000, s2;
	[smem:$0x7B4] =	sst s0  }
0x6d: {  	s0 =	sshrl.u32 s14, $0x3;
	s3 =	sshrl.u32 s24, $0x3;
	s14 =	sshrl.u32 s13, $0x3  }
0x6e: {  	s24 =	sadd.s32 $0x1C000, s2;
	s13 =	sadd.s32 $0x14000, s2;
	s0 =	sadd.s32 s5, s0  }
0x6f: {  	s25 =	sadd.s32 s5, s3;
	s3 =	sshrl.u32 s31, $0x3;
	[smem:$0x7B7] =	sst s0  }
0x70: {  	s31 =	sadd.s32 $0x1A000, s2;
	s0 =	sshrl.u32 s18, $0x3;
	[smem:$0x7C4] =	sst s25  }
0x71: {  	s4 =	sadd.s32 s5, s3;
	s3 =	sshrl.u32 s9, $0x3;
	s18 =	sadd.s32 $0x20000, s2  }
0x72: {  	s25 =	sshrl.u32 s24, $0x3;
	s9 =	sadd.s32 $0x16000, s2;
	s0 =	sadd.s32 s5, s0  }
0x73: {  	s24 =	sadd.s32 $0xE000, s2;
	[smem:$0x7BA] =	sst s0;
	s0 =	sshrl.u32 s19, $0x3  }
0x74: {  	[smem:$0x7CA] =	sst s4;
	s10 =	sadd.s32 s5, s3;
	s0 =	sadd.s32 s5, s0  }
0x75: {  	s3 =	smax.u32 s12, $0x1;
	[smem:$0x7BD] =	sst s0;
	s0 =	sshrl.u32 s22, $0x3  }
0x76: {  	s4 =	sshrl.u32 s31, $0x3;
	[smem:$0x7D0] =	sst s10;
	s0 =	sadd.s32 s5, s0  }
0x77: {  	s31 =	sadd.s32 $0x23400, s2;
	[smem:$0x7C0] =	sst s0;
	s0 =	sshrl.u32 s23, $0x3  }
0x78: {  	[smem:$0x7D2] =	sst s3;
	s19 =	sshrl.u32 s18, $0x3;
	s0 =	sadd.s32 s5, s0  }
0x79: {  	s10 =	sshrl.u32 s9, $0x3;
	[smem:$0x7C3] =	sst s0;
	s0 =	sshrl.u32 s26, $0x3  }
0x7a: {  	s18 =	sadd.s32 $0x11000, s2;
	s3 =	sshrl.u32 s31, $0x3;
	s0 =	sadd.s32 s5, s0  }
0x7b: {  	s31 =	sadd.s32 s3, s5;
	[smem:$0x7C6] =	sst s0;
	s0 =	sshrl.u32 s28, $0x3  }
0x7c: {  	s22 =	sadd.s32 $0x1D000, s2;
	[smem:$0x7FD] =	sst s31;
	s0 =	sadd.s32 s5, s0  }
0x7d: {  	s23 =	sshrl.u32 s22, $0x3;
	[smem:$0x7C9] =	sst s0;
	s0 =	sshrl.u32 s6, $0x3  }
0x7e: {  	s22 =	sadd.s32 $0xF000, s2;
	s26 =	sadd.s32 $0x1B000, s2;
	s0 =	sadd.s32 s5, s0  }
0x7f: {  	s28 =	sshrl.u32 s26, $0x3;
	[smem:$0x7CC] =	sst s0;
	s0 =	sshrl.u32 s8, $0x3  }
0x80: {  	s26 =	sadd.s32 $0xC000, s2;
	s6 =	sadd.s32 $0x17000, s2;
	s0 =	sadd.s32 s5, s0  }
0x81: {  	[smem:$0x7CF] =	sst s0;
	s0 =	sshrl.u32 s11, $0x3;
	s11 =	sadd.s32 $0x15000, s2  }
0x82: {  	s8 =	sshrl.u32 s6, $0x3;
	s0 =	sadd.s32 s0, s5;
	s12 =	sshrl.u32 s11, $0x3  }
0x83: {  	[smem:$0x7D3] =	sst s0;
	s0 =	sadd.s32 s14, s5;
	s14 =	sshrl.u32 s13, $0x3  }
0x84: {  	[smem:$0x7D4] =	sst s0;
	s0 =	sadd.s32 s16, s5;
	s16 =	sshrl.u32 s15, $0x3  }
0x85: {  	[smem:$0x7D5] =	sst s0;
	s0 =	sadd.s32 s19, s5;
	s19 =	sshrl.u32 s18, $0x3  }
0x86: {  	[smem:$0x7D6] =	sst s0;
	s0 =	sadd.s32 s21, s5;
	s21 =	sshrl.u32 s20, $0x3  }
0x87: {  	[smem:$0x7D7] =	sst s0;
	s0 =	sadd.s32 s23, s5;
	s23 =	sshrl.u32 s22, $0x3  }
0x88: {  	[smem:$0x7D8] =	sst s0;
	s0 =	sadd.s32 s25, s5;
	s25 =	sshrl.u32 s24, $0x3  }
0x89: {  	[smem:$0x7D9] =	sst s0;
	s0 =	sadd.s32 s28, s5;
	s28 =	sshrl.u32 s26, $0x3  }
0x8a: {  	[smem:$0x7DA] =	sst s0;
	s0 =	sadd.s32 s4, s5;
	s4 =	sadd.s32 $0x22400, s2  }
0x8b: {  	[smem:$0x7DB] =	sst s0;
	s0 =	sadd.s32 s8, s5;
	s6 =	sshrl.u32 s4, $0x3  }
0x8c: {  	s8 =	sadd.s32 $0x21400, s2;
	[smem:$0x7DC] =	sst s0;
	s0 =	sadd.s32 s10, s5  }
0x8d: {  	s9 =	sshrl.u32 s8, $0x3;
	s10 =	sadd.s32 $0x20400, s2;
	[smem:$0x7DD] =	sst s0  }
0x8e: {  	s0 =	sadd.s32 s12, s5;
	s11 =	sshrl.u32 s10, $0x3;
	s12 =	sadd.s32 $0x1E400, s2  }
0x8f: {  	[smem:$0x7DE] =	sst s0;
	s0 =	sadd.s32 s14, s5;
	s13 =	sshrl.u32 s12, $0x3  }
0x90: {  	s14 =	sadd.s32 $0x1D400, s2;
	[smem:$0x7DF] =	sst s0;
	s0 =	sadd.s32 s16, s5  }
0x91: {  	s15 =	sshrl.u32 s14, $0x3;
	s16 =	sadd.s32 $0x1C400, s2;
	[smem:$0x7E0] =	sst s0  }
0x92: {  	s0 =	sadd.s32 s19, s5;
	s18 =	sshrl.u32 s16, $0x3;
	s19 =	sadd.s32 $0x1B400, s2  }
0x93: {  	[smem:$0x7E1] =	sst s0;
	s0 =	sadd.s32 s21, s5;
	s20 =	sshrl.u32 s19, $0x3  }
0x94: {  	s21 =	sadd.s32 $0x1A400, s2;
	[smem:$0x7E2] =	sst s0;
	s0 =	sadd.s32 s23, s5  }
0x95: {  	s22 =	sshrl.u32 s21, $0x3;
	s21 =	sadd.s32 $0x18000, s2;
	[smem:$0x7E3] =	sst s0  }
0x96: {  	s23 =	sadd.s32 $0x18400, s2;
	s0 =	sadd.s32 s25, s5;
	[smem:$0x7F6] =	sst s21  }
0x97: {  	s24 =	sshrl.u32 s23, $0x3;
	s25 =	sadd.s32 $0x17400, s2;
	[smem:$0x7E4] =	sst s0  }
0x98: {  	s0 =	sadd.s32 s28, s5;
	s26 =	sshrl.u32 s25, $0x3;
	s28 =	sadd.s32 $0x16400, s2  }
0x99: {  	s25 =	sadd.s32 $0x27000, s17;
	s17 =	simm.s32 $0x5;
	[smem:$0x7E5] =	sst s0  }
0x9a: {  	s0 =	sadd.s32 s6, s5;
	s4 =	sshrl.u32 s28, $0x3;
	[smem:$0x7FA] =	sst s25  }
0x9b: {  	s6 =	sadd.s32 $0x15400, s2;
	s28 =	sadd.s32 $0x200, s5;
	[smem:$0x7E6] =	sst s0  }
0x9c: {  	s0 =	sadd.s32 s9, s5;
	s8 =	sshrl.u32 s6, $0x3;
	[smem:$0x7FC] =	sst s28  }
0x9d: {  	s9 =	sadd.s32 $0x14400, s2;
	s6 =	simm.s32 $0xA;
	[smem:$0x7E7] =	sst s0  }
0x9e: {  	s0 =	sadd.s32 s11, s5;
	s10 =	sshrl.u32 s9, $0x3;
	s11 =	sadd.s32 $0x12400, s2  }
0x9f: {  	s9 =	simm.s32 $0x30;
	[smem:$0x7E8] =	sst s0;
	s0 =	sadd.s32 s13, s5  }
0xa0: {  	s12 =	sshrl.u32 s11, $0x3;
	s13 =	sadd.s32 $0x11400, s2;
	s11 =	simm.s32 $0x5710  }
0xa1: {  	[smem:$0x7E9] =	sst s0;
	s0 =	sadd.s32 s15, s5;
	s14 =	sshrl.u32 s13, $0x3  }
0xa2: {  	s15 =	sadd.s32 $0x10400, s2;
	s13 =	simm.s32 $0x0;
	[smem:$0x7EA] =	sst s0  }
0xa3: {  	s0 =	sadd.s32 s18, s5;
	s16 =	sshrl.u32 s15, $0x3;
	s18 =	sadd.s32 $0xF400, s2  }
0xa4: {  	s15 =	simm.s32 $0x8310;
	[smem:$0x7EB] =	sst s0;
	s0 =	sadd.s32 s20, s5  }
0xa5: {  	s19 =	sshrl.u32 s18, $0x3;
	s20 =	sadd.s32 $0xE400, s2;
	s2 =	sadd.s32 $0xC400, s2  }
0xa6: {  	s18 =	simm.s32 $0x4;
	[smem:$0x7EC] =	sst s0;
	s0 =	sadd.s32 s22, s5  }
0xa7: {  	s3 =	sshrl.u32 s20, $0x3;
	s23 =	sshrl.u32 s2, $0x3;
	s2 =	simm.s32 $0x2710  }
0xa8: {  	[smem:$0x7ED] =	sst s0;
	s0 =	sadd.s32 s24, s5;
	s22 =	sadd.s32 s3, s5  }
0xa9: {  	s24 =	stileid.u32;
	s3 =	simm.s32 $0x1;
	[smem:$0x7EE] =	sst s0  }
0xaa: {  	s0 =	sadd.s32 s26, s5;
	[smem:$0x7F8] =	sst s22;
	p0 =	sne.s32 s24, $0xF  }
0xab: {  	p1 =	seq.s32 s24, $0xF;
	s26 =	sadd.s32 $0x138000, s7;
	[smem:$0x7EF] =	sst s0  }
0xac: {  	s22 =	simm.s32 $0x8710;
	s0 =	sadd.s32 s4, s5;
	[smem:$0x7FB] =	sst s26  }
0xad: {  	s4 =	simm.s32 $0x7B10;
	[smem:$0x7F0] =	sst s0;
	s0 =	sadd.s32 s8, s5  }
0xae: {  	s8 =	simm.s32 $0x3F10;
	[smem:$0x7F1] =	sst s0;
	s0 =	sadd.s32 s10, s5  }
0xaf: {  	s10 =	simm.s32 $0x7310;
	[smem:$0x7F2] =	sst s0;
	s0 =	sadd.s32 s12, s5  }
0xb0: {  	s12 =	simm.s32 $0x6F10;
	[smem:$0x7F3] =	sst s0;
	s0 =	sadd.s32 s14, s5  }
0xb1: {  	s14 =	simm.s32 $0x7F10;
	[smem:$0x7F4] =	sst s0;
	s0 =	sadd.s32 s16, s5  }
0xb2: {  	s16 =	simm.s32 $0x3;
	[smem:$0x7F5] =	sst s0;
	s0 =	sadd.s32 s19, s5  }
0xb3: {  	s19 =	simm.s32 $0x9;
	[smem:$0x7F7] =	sst s0;
	s0 =	sadd.s32 s23, s5  }
0xb4: {  	v0 =	vimm.f32 $0.0e+00;
	v1 =	vimm.f32 $1.000000000e+00;
	s23 =	simm.s32 $0x7710;
	s5 =	simm.s32 $0x6;
	[smem:$0x7F9] =	sst s0  }
.LBB2_1:
0xb5: {  	[smem:$0x79A] =	sst s13  }
0xb6: {  	s0 =	rddreg [dreg:$0x7]  }
0xb7: {  	[tilespmem:s1], [sflag:$0xA] =	stream.linear.gather [hbm4b:s0+s1], $0x2710, $0x38;
	[tilespmem:$0x1E9A0] =	vst v63  }
0xb8: {  	_ =	swait.ge [sflag:s6], $0x2710  }
0xb9: {  	[sflag:s6] =	ssyncset.done $0x0  }
0xba: {  	[sflag:s6] =	ssyncadd.s32 $0xFFFFD8F0  }
0xbb: {  	[tilespmem:$0x8710] =	vst v0  }
0xbc: {  	[tilespmem:$0x8720] =	vst v0  }
0xbd: {  	[tilespmem:$0x8730] =	vst v0  }
0xbe: {  	[tilespmem:$0x8740] =	vst v0  }
0xbf: {  	[tilespmem:$0x8750] =	vst v0  }
0xc0: {  	[tilespmem:$0x8760] =	vst v0  }
0xc1: {  	[tilespmem:$0x8770] =	vst v0  }
0xc2: {  	[tilespmem:$0x8780] =	vst v0  }
0xc3: {  	[tilespmem:$0x8790] =	vst v0  }
0xc4: {  	[tilespmem:$0x87A0] =	vst v0  }
0xc5: {  	[tilespmem:$0x87B0] =	vst v0  }
0xc6: {  	[tilespmem:$0x87C0] =	vst v0  }
0xc7: {  	[tilespmem:$0x87D0] =	vst v0  }
0xc8: {  	[tilespmem:$0x87E0] =	vst v0  }
0xc9: {  	[tilespmem:$0x87F0] =	vst v0  }
0xca: {  	[tilespmem:$0x8800] =	vst v0  }
0xcb: {  	[tilespmem:$0x8810] =	vst v0  }
0xcc: {  	[tilespmem:$0x8820] =	vst v0  }
0xcd: {  	[tilespmem:$0x8830] =	vst v0  }
0xce: {  	[tilespmem:$0x8840] =	vst v0  }
0xcf: {  	[tilespmem:$0x8850] =	vst v0  }
0xd0: {  	[tilespmem:$0x8860] =	vst v0  }
0xd1: {  	[tilespmem:$0x8870] =	vst v0  }
0xd2: {  	[tilespmem:$0x8880] =	vst v0  }
0xd3: {  	[tilespmem:$0x8890] =	vst v0  }
0xd4: {  	[tilespmem:$0x88A0] =	vst v0  }
0xd5: {  	[tilespmem:$0x88B0] =	vst v0  }
0xd6: {  	[tilespmem:$0x88C0] =	vst v0  }
0xd7: {  	[tilespmem:$0x88D0] =	vst v0  }
0xd8: {  	[tilespmem:$0x88E0] =	vst v0  }
0xd9: {  	[tilespmem:$0x88F0] =	vst v0  }
0xda: {  	[tilespmem:$0x8900] =	vst v0  }
0xdb: {  	[tilespmem:$0x8910] =	vst v0  }
0xdc: {  	[tilespmem:$0x8920] =	vst v0  }
0xdd: {  	[tilespmem:$0x8930] =	vst v0  }
0xde: {  	[tilespmem:$0x8940] =	vst v0  }
0xdf: {  	[tilespmem:$0x8950] =	vst v0  }
0xe0: {  	[tilespmem:$0x8960] =	vst v0  }
0xe1: {  	[tilespmem:$0x8970] =	vst v0  }
0xe2: {  	[tilespmem:$0x8980] =	vst v0  }
0xe3: {  	[tilespmem:$0x8990] =	vst v0  }
0xe4: {  	[tilespmem:$0x89A0] =	vst v0  }
0xe5: {  	[tilespmem:$0x89B0] =	vst v0  }
0xe6: {  	[tilespmem:$0x89C0] =	vst v0  }
0xe7: {  	[tilespmem:$0x89D0] =	vst v0  }
0xe8: {  	[tilespmem:$0x89E0] =	vst v0  }
0xe9: {  	[tilespmem:$0x89F0] =	vst v0  }
0xea: {  	s20 =	rddreg [dreg:$0xb];
	[tilespmem:$0x8A00] =	vst v0  }
0xeb: {  	[spmem:s20] =	stream.linear.scatter [tilespmem:s22], [sflag:$0xA], $0x300, $0x38;
	[tilespmem:$0x1E9A0] =	vst v63  }
0xec: {  	_ =	swait.ge [sflag:s6], $0x300  }
0xed: {  	[sflag:s6] =	ssyncset.done $0x0  }
0xee: {  	s21 =	rddreg [dreg:$0xc];
	[sflag:s6] =	ssyncadd.s32 $0xFFFFFD00  }
0xef: {  	[spmem:s21] =	stream.linear.scatter [tilespmem:s22], [sflag:$0xA], $0x300, $0x38;
	[tilespmem:$0x1E9A0] =	vst v63  }
0xf0: {  	_ =	swait.ge [sflag:s6], $0x300  }
0xf1: {  	[sflag:s6] =	ssyncset.done $0x0  }
0xf2: {  	s24 =	rddreg [dreg:$0xd];
	[sflag:s6] =	ssyncadd.s32 $0xFFFFFD00  }
0xf3: {  	[spmem:s24] =	stream.linear.scatter [tilespmem:s22], [sflag:$0xA], $0x300, $0x38;
	[tilespmem:$0x1E9A0] =	vst v63  }
0xf4: {  	_ =	swait.ge [sflag:s6], $0x300  }
0xf5: {  	[sflag:s6] =	ssyncset.done $0x0  }
0xf6: {  	s25 =	rddreg [dreg:$0xe];
	[sflag:s6] =	ssyncadd.s32 $0xFFFFFD00  }
0xf7: {  	[spmem:s25] =	stream.linear.scatter [tilespmem:s22], [sflag:$0xA], $0x300, $0x38;
	[tilespmem:$0x1E9A0] =	vst v63  }
0xf8: {  	_ =	swait.ge [sflag:s6], $0x300  }
0xf9: {  	[sflag:s6] =	ssyncset.done $0x0  }
0xfa: {  	s26 =	rddreg [dreg:$0xf];
	[sflag:s6] =	ssyncadd.s32 $0xFFFFFD00  }
0xfb: {  	[spmem:s26] =	stream.linear.scatter [tilespmem:s22], [sflag:$0xA], $0x300, $0x38;
	[tilespmem:$0x1E9A0] =	vst v63  }
0xfc: {  	_ =	swait.ge [sflag:s6], $0x300  }
0xfd: {  	[sflag:s6] =	ssyncset.done $0x0  }
0xfe: {  	s28 =	rddreg [dreg:$0x10];
	[sflag:s6] =	ssyncadd.s32 $0xFFFFFD00  }
0xff: {  	[spmem:s28] =	stream.linear.scatter [tilespmem:s22], [sflag:$0xA], $0x300, $0x38;
	[tilespmem:$0x1E9A0] =	vst v63  }
0x100: {  	_ =	swait.ge [sflag:s6], $0x300  }
0x101: {  	[sflag:s6] =	ssyncset.done $0x0  }
0x102: {  	s31 =	rddreg [dreg:$0x11];
	[sflag:s6] =	ssyncadd.s32 $0xFFFFFD00  }
0x103: {  	[spmem:s31] =	stream.linear.scatter [tilespmem:s22], [sflag:$0xA], $0x300, $0x38;
	[tilespmem:$0x1E9A0] =	vst v63  }
0x104: {  	_ =	swait.ge [sflag:s6], $0x300  }
0x105: {  	[sflag:s6] =	ssyncset.done $0x0  }
0x106: {  	s13 =	rddreg [dreg:$0x12];
	[sflag:s6] =	ssyncadd.s32 $0xFFFFFD00  }
0x107: {  	[spmem:s13] =	stream.linear.scatter [tilespmem:s22], [sflag:$0xA], $0x300, $0x38;
	[tilespmem:$0x1E9A0] =	vst v63  }
0x108: {  	_ =	swait.ge [sflag:s6], $0x300  }
0x109: {  	[sflag:s6] =	ssyncset.done $0x0  }
0x10a: {  	s20 =	rddreg [dreg:$0x13];
	[sflag:s6] =	ssyncadd.s32 $0xFFFFFD00  }
0x10b: {  	[spmem:s20] =	stream.linear.scatter [tilespmem:s22], [sflag:$0xA], $0x300, $0x38;
	[tilespmem:$0x1E9A0] =	vst v63  }
0x10c: {  	_ =	swait.ge [sflag:s6], $0x300  }
0x10d: {  	[sflag:s6] =	ssyncset.done $0x0  }
0x10e: {  	s21 =	rddreg [dreg:$0x14];
	[sflag:s6] =	ssyncadd.s32 $0xFFFFFD00  }
0x10f: {  	[spmem:s21] =	stream.linear.scatter [tilespmem:s22], [sflag:$0xA], $0x300, $0x38;
	[tilespmem:$0x1E9A0] =	vst v63  }
0x110: {  	_ =	swait.ge [sflag:s6], $0x300  }
0x111: {  	[sflag:s6] =	ssyncset.done $0x0  }
0x112: {  	s24 =	rddreg [dreg:$0x15];
	[sflag:s6] =	ssyncadd.s32 $0xFFFFFD00  }
0x113: {  	[spmem:s24] =	stream.linear.scatter [tilespmem:s22], [sflag:$0xA], $0x300, $0x38;
	[tilespmem:$0x1E9A0] =	vst v63  }
0x114: {  	_ =	swait.ge [sflag:s6], $0x300  }
0x115: {  	[sflag:s6] =	ssyncset.done $0x0  }
0x116: {  	s25 =	rddreg [dreg:$0x16];
	[sflag:s6] =	ssyncadd.s32 $0xFFFFFD00  }
0x117: {  	[spmem:s25] =	stream.linear.scatter [tilespmem:s22], [sflag:$0xA], $0x300, $0x38;
	[tilespmem:$0x1E9A0] =	vst v63  }
0x118: {  	_ =	swait.ge [sflag:s6], $0x300  }
0x119: {  	[sflag:s6] =	ssyncset.done $0x0  }
0x11a: {  	s26 =	rddreg [dreg:$0x17];
	[sflag:s6] =	ssyncadd.s32 $0xFFFFFD00  }
0x11b: {  	[spmem:s26] =	stream.linear.scatter [tilespmem:s22], [sflag:$0xA], $0x300, $0x38;
	[tilespmem:$0x1E9A0] =	vst v63  }
0x11c: {  	_ =	swait.ge [sflag:s6], $0x300  }
0x11d: {  	s13 =	sld [smem:$0x7FA]  }
0x11e: {  	[sflag:s6] =	ssyncset.done $0x0  }
0x11f: {  	s0 =	simm.s32 @!p0 $0x8710;
	[sflag:s6] =	ssyncadd.s32 $0xFFFFFD00  }
0x120: {  	[spmem:s13] =	stream.linear.scatter @!p0 [tilespmem:s0], [sflag:$0xA], $0x100, $0x38;
	[tilespmem:$0x1E9A0] =	vst v63  }
0x121: {  	s0 =	simm.s32 @!p0 $0xA  }
0x122: {  	_ =	swait.ge @!p0 [sflag:s0], $0x100  }
0x123: {  	[sflag:s0] =	ssyncset.done @!p0 $0x0  }
0x124: {  	[sflag:s0] =	ssyncadd.s32 @!p0 $0xFFFFFF00  }
0x125: {  	[tilespmem:$0x8710] =	vst v1  }
0x126: {  	[tilespmem:$0x8720] =	vst v1  }
0x127: {  	[tilespmem:$0x8730] =	vst v1  }
0x128: {  	[tilespmem:$0x8740] =	vst v1  }
0x129: {  	[tilespmem:$0x8750] =	vst v1  }
0x12a: {  	[tilespmem:$0x8760] =	vst v1  }
0x12b: {  	[tilespmem:$0x8770] =	vst v1  }
0x12c: {  	[tilespmem:$0x8780] =	vst v1  }
0x12d: {  	[tilespmem:$0x8790] =	vst v1  }
0x12e: {  	[tilespmem:$0x87A0] =	vst v1  }
0x12f: {  	[tilespmem:$0x87B0] =	vst v1  }
0x130: {  	[tilespmem:$0x87C0] =	vst v1  }
0x131: {  	[tilespmem:$0x87D0] =	vst v1  }
0x132: {  	[tilespmem:$0x87E0] =	vst v1  }
0x133: {  	[tilespmem:$0x87F0] =	vst v1  }
0x134: {  	[tilespmem:$0x8800] =	vst v1  }
0x135: {  	[tilespmem:$0x8810] =	vst v1  }
0x136: {  	[tilespmem:$0x8820] =	vst v1  }
0x137: {  	[tilespmem:$0x8830] =	vst v1  }
0x138: {  	[tilespmem:$0x8840] =	vst v1  }
0x139: {  	[tilespmem:$0x8850] =	vst v1  }
0x13a: {  	[tilespmem:$0x8860] =	vst v1  }
0x13b: {  	[tilespmem:$0x8870] =	vst v1  }
0x13c: {  	[tilespmem:$0x8880] =	vst v1  }
0x13d: {  	[tilespmem:$0x8890] =	vst v1  }
0x13e: {  	[tilespmem:$0x88A0] =	vst v1  }
0x13f: {  	[tilespmem:$0x88B0] =	vst v1  }
0x140: {  	[tilespmem:$0x88C0] =	vst v1  }
0x141: {  	[tilespmem:$0x88D0] =	vst v1  }
0x142: {  	[tilespmem:$0x88E0] =	vst v1  }
0x143: {  	[tilespmem:$0x88F0] =	vst v1  }
0x144: {  	[tilespmem:$0x8900] =	vst v1  }
0x145: {  	[tilespmem:$0x8910] =	vst v1  }
0x146: {  	[tilespmem:$0x8920] =	vst v1  }
0x147: {  	[tilespmem:$0x8930] =	vst v1  }
0x148: {  	[tilespmem:$0x8940] =	vst v1  }
0x149: {  	[tilespmem:$0x8950] =	vst v1  }
0x14a: {  	[tilespmem:$0x8960] =	vst v1  }
0x14b: {  	[tilespmem:$0x8970] =	vst v1  }
0x14c: {  	[tilespmem:$0x8980] =	vst v1  }
0x14d: {  	[tilespmem:$0x8990] =	vst v1  }
0x14e: {  	[tilespmem:$0x89A0] =	vst v1  }
0x14f: {  	[tilespmem:$0x89B0] =	vst v1  }
0x150: {  	[tilespmem:$0x89C0] =	vst v1  }
0x151: {  	[tilespmem:$0x89D0] =	vst v1  }
0x152: {  	s28 =	sand.u32 $0x7E00, s1;
	[tilespmem:$0x89E0] =	vst v1  }
0x153: {  	s31 =	sand.u32 $0x70, s1;
	s20 =	sshrl.u32 s28, $0x2;
	[tilespmem:$0x89F0] =	vst v1  }
0x154: {  	s20 =	sor.u32 s31, s20;
	s13 =	simm.s32 $0x0;
	s0 =	simm.s32 $0x40;
	[tilespmem:$0x8A00] =	vst v1  }
.LBB2_2:
0x155: {  	p2 =	sne.s32 s0, $0x5FC0  }
0x156: {  	[tilespmem:s20+$0x2710] =	vst v0;
	s13 =	sadd.s32 $0x10, s13;
	s20 =	smov.u32 s0;
	s0 =	sadd.s32 $0x40, s0  }
.Ltmp0:
0x157: {  	(pc) =	sbr.rel @p2 .LBB2_2-.Ltmp0, $4  }
0x158: {  	_ = 	snop  }
0x159: {  	s20 =	sand.u32 $0x7E00, s20  }
0x15a: {  	s21 =	sand.u32 $0x70, s13;
	s20 =	sshrl.u32 s20, $0x2  }
0x15b: {  	s20 =	sor.u32 s21, s20  }
0x15c: {  	[tilespmem:s20+$0x2710] =	vst v0  }
0x15d: {  	[spmem:s29] =	stream.linear.scatter [tilespmem:s2], [sflag:$0xA], $0x1800, $0x38;
	[tilespmem:$0x1E9A0] =	vst v63  }
0x15e: {  	_ =	swait.ge [sflag:s6], $0x1800  }
0x15f: {  	[sflag:s6] =	ssyncset.done $0x0  }
0x160: {  	s0 =	rddreg [dreg:$0x19];
	[sflag:s6] =	ssyncadd.s32 $0xFFFFE800  }
0x161: {  	[spmem:s0] =	stream.linear.scatter [tilespmem:s2], [sflag:$0xA], $0x1800, $0x38;
	[tilespmem:$0x1E9A0] =	vst v63  }
0x162: {  	_ =	swait.ge [sflag:s6], $0x1800  }
0x163: {  	[sflag:s6] =	ssyncset.done $0x0  }
0x164: {  	s21 =	rddreg [dreg:$0x1a];
	[sflag:s6] =	ssyncadd.s32 $0xFFFFE800  }
0x165: {  	[spmem:s21] =	stream.linear.scatter [tilespmem:s2], [sflag:$0xA], $0x1800, $0x38;
	[tilespmem:$0x1E9A0] =	vst v63  }
0x166: {  	_ =	swait.ge [sflag:s6], $0x1800  }
0x167: {  	[sflag:s6] =	ssyncset.done $0x0  }
0x168: {  	s24 =	rddreg [dreg:$0x1b];
	[sflag:s6] =	ssyncadd.s32 $0xFFFFE800  }
0x169: {  	[spmem:s24] =	stream.linear.scatter [tilespmem:s2], [sflag:$0xA], $0x1800, $0x38;
	[tilespmem:$0x1E9A0] =	vst v63  }
0x16a: {  	_ =	swait.ge [sflag:s6], $0x1800  }
0x16b: {  	[sflag:s6] =	ssyncset.done $0x0  }
0x16c: {  	s25 =	rddreg [dreg:$0x1c];
	[sflag:s6] =	ssyncadd.s32 $0xFFFFE800  }
0x16d: {  	[spmem:s25] =	stream.linear.scatter [tilespmem:s2], [sflag:$0xA], $0x1800, $0x38;
	[tilespmem:$0x1E9A0] =	vst v63  }
0x16e: {  	_ =	swait.ge [sflag:s6], $0x1800  }
0x16f: {  	[sflag:s6] =	ssyncset.done $0x0  }
0x170: {  	s26 =	rddreg [dreg:$0x1d];
	[sflag:s6] =	ssyncadd.s32 $0xFFFFE800  }
0x171: {  	[spmem:s26] =	stream.linear.scatter [tilespmem:s2], [sflag:$0xA], $0x1800, $0x38;
	[tilespmem:$0x1E9A0] =	vst v63  }
0x172: {  	_ =	swait.ge [sflag:s6], $0x1800  }
0x173: {  	[sflag:s6] =	ssyncset.done $0x0  }
0x174: {  	s28 =	rddreg [dreg:$0x1e];
	[sflag:s6] =	ssyncadd.s32 $0xFFFFE800  }
0x175: {  	[spmem:s28] =	stream.linear.scatter [tilespmem:s2], [sflag:$0xA], $0x1800, $0x38;
	[tilespmem:$0x1E9A0] =	vst v63  }
0x176: {  	_ =	swait.ge [sflag:s6], $0x1800  }
0x177: {  	[sflag:s6] =	ssyncset.done $0x0  }
0x178: {  	s29 =	rddreg [dreg:$0x1f];
	[sflag:s6] =	ssyncadd.s32 $0xFFFFE800  }
0x179: {  	[spmem:s29] =	stream.linear.scatter [tilespmem:s2], [sflag:$0xA], $0x1800, $0x38;
	[tilespmem:$0x1E9A0] =	vst v63  }
0x17a: {  	_ =	swait.ge [sflag:s6], $0x1800  }
0x17b: {  	s13 =	sld [smem:$0x79B]  }
0x17c: {  	[sflag:s6] =	ssyncset.done $0x0  }
0x17d: {  	[sflag:s6] =	ssyncadd.s32 $0xFFFFE800  }
0x17e: {  	[spmem:s13] =	stream.linear.scatter [tilespmem:s2], [sflag:$0xA], $0x1800, $0x38;
	[tilespmem:$0x1E9A0] =	vst v63  }
0x17f: {  	_ =	swait.ge [sflag:s6], $0x1800  }
0x180: {  	s20 =	sld [smem:$0x79C]  }
0x181: {  	[sflag:s6] =	ssyncset.done $0x0  }
0x182: {  	[sflag:s6] =	ssyncadd.s32 $0xFFFFE800  }
0x183: {  	[spmem:s20] =	stream.linear.scatter [tilespmem:s2], [sflag:$0xA], $0x1800, $0x38;
	[tilespmem:$0x1E9A0] =	vst v63  }
0x184: {  	_ =	swait.ge [sflag:s6], $0x1800  }
0x185: {  	s21 =	sld [smem:$0x79D]  }
0x186: {  	[sflag:s6] =	ssyncset.done $0x0  }
0x187: {  	[sflag:s6] =	ssyncadd.s32 $0xFFFFE800  }
0x188: {  	[spmem:s21] =	stream.linear.scatter [tilespmem:s2], [sflag:$0xA], $0x1800, $0x38;
	[tilespmem:$0x1E9A0] =	vst v63  }
0x189: {  	_ =	swait.ge [sflag:s6], $0x1800  }
0x18a: {  	s24 =	sld [smem:$0x79E]  }
0x18b: {  	[sflag:s6] =	ssyncset.done $0x0  }
0x18c: {  	[sflag:s6] =	ssyncadd.s32 $0xFFFFE800  }
0x18d: {  	[spmem:s24] =	stream.linear.scatter [tilespmem:s2], [sflag:$0xA], $0x1800, $0x38;
	[tilespmem:$0x1E9A0] =	vst v63  }
0x18e: {  	_ =	swait.ge [sflag:s6], $0x1800  }
0x18f: {  	s25 =	sld [smem:$0x79F]  }
0x190: {  	[sflag:s6] =	ssyncset.done $0x0  }
0x191: {  	[sflag:s6] =	ssyncadd.s32 $0xFFFFE800  }
0x192: {  	[spmem:s25] =	stream.linear.scatter [tilespmem:s2], [sflag:$0xA], $0x1800, $0x38;
	[tilespmem:$0x1E9A0] =	vst v63  }
0x193: {  	_ =	swait.ge [sflag:s6], $0x1800  }
0x194: {  	s13 =	sld [smem:$0x7FB]  }
0x195: {  	[sflag:s6] =	ssyncset.done $0x0  }
0x196: {  	s0 =	simm.s32 @!p0 $0x2710;
	[sflag:s6] =	ssyncadd.s32 $0xFFFFE800  }
0x197: {  	[spmem:s13] =	stream.linear.scatter @!p0 [tilespmem:s0], [sflag:$0xA], $0x800, $0x38;
	[tilespmem:$0x1E9A0] =	vst v63  }
0x198: {  	s0 =	simm.s32 @!p0 $0xA  }
0x199: {  	_ =	swait.ge @!p0 [sflag:s0], $0x800  }
0x19a: {  	[sflag:s0] =	ssyncset.done @!p0 $0x0  }
0x19b: {  	[sflag:s0] =	ssyncadd.s32 @!p0 $0xFFFFF800  }
0x19c: {  	[bflag:$0x0] =	sbarrier.arrive $0xFFFF  }
0x19d: {  	s26 =	sld [smem:$0x7A0];
	_ =	sdelay $0x1  }
0x19e: {  	s20 =	simm.s32 $0x0;
	s28 =	sld [smem:$0x7A2]  }
0x19f: {  	[tilespmem:s2], [sflag:$0x1] =	stream.linear.gather [hbm4b:s26+s20], $0x400, $0x38;
	[tilespmem:$0x1E9A0] =	vst v63  }
0x1a0: {  	s29 =	simm.s32 $0x2B10;
	s21 =	sld [smem:$0x7A3]  }
0x1a1: {  	[tilespmem:s29], [sflag:$0x1] =	stream.linear.gather [hbm4b:s28+s20], $0x400, $0x38;
	[tilespmem:$0x1E9A0] =	vst v63  }
0x1a2: {  	s24 =	simm.s32 $0x2F10;
	s25 =	sld [smem:$0x7A5]  }
0x1a3: {  	[tilespmem:s24], [sflag:$0x1] =	stream.linear.gather [hbm4b:s21+s20], $0x400, $0x38;
	[tilespmem:$0x1E9A0] =	vst v63  }
0x1a4: {  	s26 =	simm.s32 $0x3310;
	s28 =	sld [smem:$0x7A7]  }
0x1a5: {  	[tilespmem:s26], [sflag:$0x1] =	stream.linear.gather [hbm4b:s25+s20], $0x400, $0x38;
	[tilespmem:$0x1E9A0] =	vst v63  }
0x1a6: {  	s13 =	sld [smem:$0x7A8];
	s29 =	simm.s32 $0x3710  }
0x1a7: {  	[tilespmem:s29], [sflag:$0x1] =	stream.linear.gather [hbm4b:s28+s20], $0x400, $0x38;
	[tilespmem:$0x1E9A0] =	vst v63  }
0x1a8: {  	s21 =	simm.s32 $0x3B10;
	s24 =	sld [smem:$0x7A9]  }
0x1a9: {  	[tilespmem:s21], [sflag:$0x1] =	stream.linear.gather [hbm4b:s13+s20], $0x400, $0x38;
	[tilespmem:$0x1E9A0] =	vst v63  }
0x1aa: {  	s25 =	sld [smem:$0x7AA]  }
0x1ab: {  	[tilespmem:s8], [sflag:$0x2] =	stream.linear.gather [hbm4b:s24+s20], $0x400, $0x38;
	[tilespmem:$0x1E9A0] =	vst v63  }
0x1ac: {  	s26 =	simm.s32 $0x4310;
	s28 =	sld [smem:$0x7AB]  }
0x1ad: {  	[tilespmem:s26], [sflag:$0x2] =	stream.linear.gather [hbm4b:s25+s20], $0x400, $0x38;
	[tilespmem:$0x1E9A0] =	vst v63  }
0x1ae: {  	s29 =	simm.s32 $0x4710;
	s21 =	sld [smem:$0x7AC]  }
0x1af: {  	[tilespmem:s29], [sflag:$0x2] =	stream.linear.gather [hbm4b:s28+s20], $0x400, $0x38;
	[tilespmem:$0x1E9A0] =	vst v63  }
0x1b0: {  	s24 =	simm.s32 $0x4B10;
	s25 =	sld [smem:$0x7AD]  }
0x1b1: {  	[tilespmem:s24], [sflag:$0x2] =	stream.linear.gather [hbm4b:s21+s20], $0x400, $0x38;
	[tilespmem:$0x1E9A0] =	vst v63  }
.Ltmp1:
0x1b2: {  	s31 =	sld [smem:$0x7AF];
	(pc) =	sbr.rel .LBB2_4-.Ltmp1, $4  }
0x1b3: {  	s0 =	simm.s32 $0x0;
	s26 =	simm.s32 $0x4F10;
	s28 =	sld [smem:$0x7AE]  }
0x1b4: {  	[tilespmem:s26], [sflag:$0x2] =	stream.linear.gather [hbm4b:s25+s20], $0x400, $0x38;
	[tilespmem:$0x1E9A0] =	vst v63  }
0x1b5: {  	s13 =	simm.s32 $0x0;
	s29 =	simm.s32 $0x5310;
	s21 =	sld [smem:$0x7F6]  }
0x1b6: {  	[tilespmem:s29], [sflag:$0x2] =	stream.linear.gather [hbm4b:s28+s20], $0x400, $0x38;
	[tilespmem:$0x1E9A0] =	vst v63  }
.LBB2_5:
0x1b7: {  	s26 =	rddreg [dreg:$0x4]  }
0x1b8: {  	[spmem:s26] =	stream.indirect.scatter.add.f32 [tilespmem:s22], [sflag:$0x9], $0x10, s24, s9, $0xb8;
	[tilespmem:$0x1E9A0] =	vst v63  }
0x1b9: {  	_ = 	snop  }
0x1ba: {  	[spmem:s26] =	stream.indirect.scatter.add.f32 [tilespmem:s22], [sflag:$0x9], $0x10, s25, s9, $0xb8;
	[tilespmem:$0x1E9A0] =	vst v63  }
.LBB2_7:
0x1bb: {  	_ =	swait.ge [sflag:s19], $0x300  }
0x1bc: {  	[sflag:s19] =	ssyncset.done $0x0  }
0x1bd: {  	[sflag:s19] =	ssyncadd.s32 $0xFFFFFD00  }
0x1be: {  	_ =	swait.ge [sflag:s19], $0x300  }
0x1bf: {  	[sflag:s19] =	ssyncset.done $0x0  }
0x1c0: {  	[sflag:s19] =	ssyncadd.s32 $0xFFFFFD00  }
.LBB2_8:
0x1c1: {  	s0 =	sadd.s32 $0x3000, s0  }
0x1c2: {  	p2 =	sne.s32 s0, $0x9C000  }
.Ltmp2:
0x1c3: {  	_ = 	snop;
	(pc) =	sbr.rel @!p2 .LBB2_9-.Ltmp2, $3  }
0x1c4: {  	_ =	sdelay $0x1  }
0x1c5: {  	s13 =	sadd.s32 $0x1, s13  }
0x1c6: {  	s31 =	sadd.s32 $0x180, s31;
	s21 =	sadd.s32 $0x18000, s21;
	s20 =	sadd.s32 $0x300, s20  }
.LBB2_4:
0x1c7: {  	_ =	swait.ge [sflag:s3], $0x400  }
0x1c8: {  	[sflag:s3] =	ssyncset.done $0x0  }
0x1c9: {  	[sflag:s3] =	ssyncadd.s32 $0xFFFFFC00  }
0x1ca: {  	_ =	swait.ge [sflag:s3], $0x400  }
0x1cb: {  	[sflag:s3] =	ssyncset.done $0x0  }
0x1cc: {  	[sflag:s3] =	ssyncadd.s32 $0xFFFFFC00  }
0x1cd: {  	_ =	swait.ge [sflag:s3], $0x400  }
0x1ce: {  	[sflag:s3] =	ssyncset.done $0x0  }
0x1cf: {  	[sflag:s3] =	ssyncadd.s32 $0xFFFFFC00  }
0x1d0: {  	_ =	swait.ge [sflag:s3], $0x400  }
0x1d1: {  	[sflag:s3] =	ssyncset.done $0x0  }
0x1d2: {  	[sflag:s3] =	ssyncadd.s32 $0xFFFFFC00  }
0x1d3: {  	_ =	swait.ge [sflag:s3], $0x400  }
0x1d4: {  	[sflag:s3] =	ssyncset.done $0x0  }
0x1d5: {  	[sflag:s3] =	ssyncadd.s32 $0xFFFFFC00  }
0x1d6: {  	_ =	swait.ge [sflag:s3], $0x400  }
0x1d7: {  	p2 =	seq.s32 s0, $0x0;
	[sflag:s3] =	ssyncset.done $0x0  }
0x1d8: {  	s24 =	sshra.s32 s20, $0x2;
	s25 =	simm.s32 @!p2 $0x7;
	[sflag:s3] =	ssyncadd.s32 $0xFFFFFC00  }
0x1d9: {  	[spmem:s7] =	stream.indirect.scatter.add.f32 [tilespmem:s2], [sflag:$0x5], $0x80, s24, s9, $0xb8;
	[tilespmem:$0x1E9A0] =	vst v63  }
0x1da: {  	_ =	swait.ge @!p2 [sflag:s25], $0x1800  }
0x1db: {  	s26 =	sld [smem:$0x7E5];
	_ =	sdelay $0x1  }
0x1dc: {  	[sflag:s25] =	ssyncset.done @!p2 $0x0  }
0x1dd: {  	s28 =	sld [smem:$0x7E4];
	[sflag:s25] =	ssyncadd.s32 @!p2 $0xFFFFE800;
	s25 =	sadd.s32 s0, s26  }
0x1de: {  	[tilespmem:s11], [sflag:$0x3] =	stream.linear.gather [hbm4b:s25+s1], $0x400, $0x38;
	[tilespmem:$0x1E9A0] =	vst v63  }
0x1df: {  	s26 =	simm.s32 $0x5B10;
	s25 =	sadd.s32 $0x200, s25  }
0x1e0: {  	[tilespmem:s26], [sflag:$0x3] =	stream.linear.gather [hbm4b:s25+s1], $0x400, $0x38;
	[tilespmem:$0x1E9A0] =	vst v63  }
0x1e1: {  	s25 =	sadd.s32 s0, s28;
	s28 =	sld [smem:$0x7E3]  }
0x1e2: {  	s29 =	simm.s32 $0x5F10  }
0x1e3: {  	[tilespmem:s29], [sflag:$0x3] =	stream.linear.gather [hbm4b:s25+s1], $0x400, $0x38;
	[tilespmem:$0x1E9A0] =	vst v63  }
0x1e4: {  	s25 =	sadd.s32 s0, s28;
	s28 =	sld [smem:$0x7E2]  }
0x1e5: {  	s26 =	sld [smem:$0x7E1];
	s29 =	simm.s32 $0x6310  }
0x1e6: {  	[tilespmem:s29], [sflag:$0x3] =	stream.linear.gather [hbm4b:s25+s1], $0x400, $0x38;
	[tilespmem:$0x1E9A0] =	vst v63  }
0x1e7: {  	s29 =	simm.s32 $0x6710;
	s25 =	sadd.s32 s0, s28  }
0x1e8: {  	[tilespmem:s29], [sflag:$0x3] =	stream.linear.gather [hbm4b:s25+s1], $0x400, $0x38;
	[tilespmem:$0x1E9A0] =	vst v63  }
0x1e9: {  	s28 =	simm.s32 $0x6B10;
	s25 =	sadd.s32 s0, s26  }
0x1ea: {  	[tilespmem:s28], [sflag:$0x3] =	stream.linear.gather [hbm4b:s25+s1], $0x400, $0x38;
	[tilespmem:$0x1E9A0] =	vst v63  }
0x1eb: {  	_ =	swait.ge [sflag:s30], $0x400  }
0x1ec: {  	[sflag:s30] =	ssyncset.done $0x0  }
0x1ed: {  	[sflag:s30] =	ssyncadd.s32 $0xFFFFFC00  }
0x1ee: {  	_ =	swait.ge [sflag:s30], $0x400  }
0x1ef: {  	[sflag:s30] =	ssyncset.done $0x0  }
0x1f0: {  	[sflag:s30] =	ssyncadd.s32 $0xFFFFFC00  }
0x1f1: {  	_ =	swait.ge [sflag:s30], $0x400  }
0x1f2: {  	[sflag:s30] =	ssyncset.done $0x0  }
0x1f3: {  	[sflag:s30] =	ssyncadd.s32 $0xFFFFFC00  }
0x1f4: {  	_ =	swait.ge [sflag:s30], $0x400  }
0x1f5: {  	[sflag:s30] =	ssyncset.done $0x0  }
0x1f6: {  	[sflag:s30] =	ssyncadd.s32 $0xFFFFFC00  }
0x1f7: {  	_ =	swait.ge [sflag:s30], $0x400  }
0x1f8: {  	[sflag:s30] =	ssyncset.done $0x0  }
0x1f9: {  	[sflag:s30] =	ssyncadd.s32 $0xFFFFFC00  }
0x1fa: {  	_ =	swait.ge [sflag:s30], $0x400  }
0x1fb: {  	[sflag:s30] =	ssyncset.done $0x0  }
0x1fc: {  	s29 =	sadd.s32 $0x30, s24;
	s25 =	simm.s32 @!p2 $0x8;
	[sflag:s30] =	ssyncadd.s32 $0xFFFFFC00  }
0x1fd: {  	[spmem:s7] =	stream.indirect.scatter.add.f32 [tilespmem:s8], [sflag:$0x6], $0x80, s29, s9, $0xb8;
	[tilespmem:$0x1E9A0] =	vst v63  }
0x1fe: {  	_ =	swait.ge @!p2 [sflag:s25], $0x1800  }
0x1ff: {  	s26 =	sld [smem:$0x7E0];
	_ =	sdelay $0x1  }
0x200: {  	[sflag:s25] =	ssyncset.done @!p2 $0x0  }
0x201: {  	s28 =	sld [smem:$0x7DF];
	[sflag:s25] =	ssyncadd.s32 @!p2 $0xFFFFE800;
	s25 =	sadd.s32 s0, s26  }
0x202: {  	[tilespmem:s12], [sflag:$0x4] =	stream.linear.gather [hbm4b:s25+s1], $0x400, $0x38;
	[tilespmem:$0x1E9A0] =	vst v63  }
0x203: {  	s29 =	sld [smem:$0x7DE];
	s25 =	sadd.s32 $0x200, s25  }
0x204: {  	[tilespmem:s10], [sflag:$0x4] =	stream.linear.gather [hbm4b:s25+s1], $0x400, $0x38;
	[tilespmem:$0x1E9A0] =	vst v63  }
0x205: {  	s26 =	sld [smem:$0x7DD];
	s25 =	sadd.s32 s0, s28  }
0x206: {  	[tilespmem:s23], [sflag:$0x4] =	stream.linear.gather [hbm4b:s25+s1], $0x400, $0x38;
	[tilespmem:$0x1E9A0] =	vst v63  }
0x207: {  	s28 =	sld [smem:$0x7DC];
	s25 =	sadd.s32 s0, s29  }
0x208: {  	[tilespmem:s4], [sflag:$0x4] =	stream.linear.gather [hbm4b:s25+s1], $0x400, $0x38;
	[tilespmem:$0x1E9A0] =	vst v63  }
0x209: {  	s25 =	sadd.s32 s0, s26  }
0x20a: {  	[tilespmem:s14], [sflag:$0x4] =	stream.linear.gather [hbm4b:s25+s1], $0x400, $0x38;
	[tilespmem:$0x1E9A0] =	vst v63  }
0x20b: {  	s25 =	sadd.s32 s0, s28  }
0x20c: {  	[tilespmem:s15], [sflag:$0x4] =	stream.linear.gather [hbm4b:s25+s1], $0x400, $0x38;
	[tilespmem:$0x1E9A0] =	vst v63  }
0x20d: {  	_ =	swait.ge [sflag:s16], $0x400  }
0x20e: {  	[sflag:s16] =	ssyncset.done $0x0  }
0x20f: {  	[sflag:s16] =	ssyncadd.s32 $0xFFFFFC00  }
0x210: {  	_ =	swait.ge [sflag:s16], $0x400  }
0x211: {  	[sflag:s16] =	ssyncset.done $0x0  }
0x212: {  	[sflag:s16] =	ssyncadd.s32 $0xFFFFFC00  }
0x213: {  	_ =	swait.ge [sflag:s16], $0x400  }
0x214: {  	[sflag:s16] =	ssyncset.done $0x0  }
0x215: {  	[sflag:s16] =	ssyncadd.s32 $0xFFFFFC00  }
0x216: {  	_ =	swait.ge [sflag:s16], $0x400  }
0x217: {  	[sflag:s16] =	ssyncset.done $0x0  }
0x218: {  	[sflag:s16] =	ssyncadd.s32 $0xFFFFFC00  }
0x219: {  	_ =	swait.ge [sflag:s16], $0x400  }
0x21a: {  	[sflag:s16] =	ssyncset.done $0x0  }
0x21b: {  	[sflag:s16] =	ssyncadd.s32 $0xFFFFFC00  }
0x21c: {  	_ =	swait.ge [sflag:s16], $0x400  }
0x21d: {  	[sflag:s16] =	ssyncset.done $0x0  }
0x21e: {  	s29 =	sadd.s32 $0x60, s24;
	[sflag:s16] =	ssyncadd.s32 $0xFFFFFC00  }
0x21f: {  	[spmem:s7] =	stream.indirect.scatter.add.f32 [tilespmem:s11], [sflag:$0x7], $0x80, s29, s9, $0xb8;
	[tilespmem:$0x1E9A0] =	vst v63  }
0x220: {  	_ =	swait.ge [sflag:s17], $0x1800  }
0x221: {  	[sflag:s17] =	ssyncset.done $0x0  }
0x222: {  	p2 =	seq.s32 s0, $0x99000;
	[sflag:s17] =	ssyncadd.s32 $0xFFFFE800  }
0x223: {  	s25 =	sshrl.u32 @!p2 s21, $0x3;
	s26 =	rddreg [dreg:$0x0]  }
0x224: {  	s28 =	simm.s32 @!p2 $0x0;
	s29 =	simm.s32 @!p2 $0x2710;
	s26 =	sadd.s32 @!p2 s26, s25  }
0x225: {  	[tilespmem:s29], [sflag:$0x1] =	stream.linear.gather @!p2 [hbm4b:s26+s28], $0x400, $0x38;
	[tilespmem:$0x1E9A0] =	vst v63  }
0x226: {  	s26 =	sld [smem:$0x7FC];
	_ =	sdelay $0x2  }
0x227: {  	s25 =	sadd.s32 @!p2 s25, s26;
	s26 =	simm.s32 @!p2 $0x2B10  }
0x228: {  	[tilespmem:s26], [sflag:$0x1] =	stream.linear.gather @!p2 [hbm4b:s25+s28], $0x400, $0x38;
	[tilespmem:$0x1E9A0] =	vst v63  }
0x229: {  	s25 =	sld [smem:$0x7DB];
	_ =	sdelay $0x2  }
0x22a: {  	s26 =	simm.s32 @!p2 $0x2F10;
	s25 =	sadd.s32 @!p2 s0, s25  }
0x22b: {  	[tilespmem:s26], [sflag:$0x1] =	stream.linear.gather @!p2 [hbm4b:s25+s28], $0x400, $0x38;
	[tilespmem:$0x1E9A0] =	vst v63  }
0x22c: {  	s25 =	sld [smem:$0x7DA];
	_ =	sdelay $0x2  }
0x22d: {  	s26 =	simm.s32 @!p2 $0x3310;
	s25 =	sadd.s32 @!p2 s0, s25  }
0x22e: {  	[tilespmem:s26], [sflag:$0x1] =	stream.linear.gather @!p2 [hbm4b:s25+s28], $0x400, $0x38;
	[tilespmem:$0x1E9A0] =	vst v63  }
0x22f: {  	s25 =	sld [smem:$0x7D9];
	_ =	sdelay $0x2  }
0x230: {  	s26 =	simm.s32 @!p2 $0x3710;
	s25 =	sadd.s32 @!p2 s0, s25  }
0x231: {  	[tilespmem:s26], [sflag:$0x1] =	stream.linear.gather @!p2 [hbm4b:s25+s28], $0x400, $0x38;
	[tilespmem:$0x1E9A0] =	vst v63  }
0x232: {  	s25 =	sld [smem:$0x7D8];
	_ =	sdelay $0x2  }
0x233: {  	s26 =	simm.s32 @!p2 $0x3B10;
	s25 =	sadd.s32 @!p2 s0, s25  }
0x234: {  	[tilespmem:s26], [sflag:$0x1] =	stream.linear.gather @!p2 [hbm4b:s25+s28], $0x400, $0x38;
	[tilespmem:$0x1E9A0] =	vst v63  }
0x235: {  	_ =	swait.ge [sflag:s18], $0x400  }
0x236: {  	[sflag:s18] =	ssyncset.done $0x0  }
0x237: {  	[sflag:s18] =	ssyncadd.s32 $0xFFFFFC00  }
0x238: {  	_ =	swait.ge [sflag:s18], $0x400  }
0x239: {  	[sflag:s18] =	ssyncset.done $0x0  }
0x23a: {  	[sflag:s18] =	ssyncadd.s32 $0xFFFFFC00  }
0x23b: {  	_ =	swait.ge [sflag:s18], $0x400  }
0x23c: {  	[sflag:s18] =	ssyncset.done $0x0  }
0x23d: {  	[sflag:s18] =	ssyncadd.s32 $0xFFFFFC00  }
0x23e: {  	_ =	swait.ge [sflag:s18], $0x400  }
0x23f: {  	[sflag:s18] =	ssyncset.done $0x0  }
0x240: {  	[sflag:s18] =	ssyncadd.s32 $0xFFFFFC00  }
0x241: {  	_ =	swait.ge [sflag:s18], $0x400  }
0x242: {  	[sflag:s18] =	ssyncset.done $0x0  }
0x243: {  	[sflag:s18] =	ssyncadd.s32 $0xFFFFFC00  }
0x244: {  	_ =	swait.ge [sflag:s18], $0x400  }
0x245: {  	p2 =	sne.s32 s0, $0x99000;
	[sflag:s18] =	ssyncset.done $0x0  }
.Ltmp3:
0x246: {  	s24 =	sadd.s32 $0x90, s24;
	[sflag:s18] =	ssyncadd.s32 $0xFFFFFC00;
	(pc) =	sbr.rel @!p2 .LBB2_5-.Ltmp3, $4  }
0x247: {  	[spmem:s7] =	stream.indirect.scatter.add.f32 [tilespmem:s12], [sflag:$0x8], $0x80, s24, s9, $0xb8;
	[tilespmem:$0x1E9A0] =	vst v63  }
0x248: {  	_ =	swait.ge [sflag:s5], $0x1800  }
0x249: {  	s24 =	sshra.s32 s31, $0x2;
	[sflag:s5] =	ssyncset.done $0x0  }
0x24a: {  	s25 =	sadd.s32 $0x30, s24;
	[sflag:s5] =	ssyncadd.s32 $0xFFFFE800  }
0x24b: {  	s26 =	sld [smem:$0x7D7];
	_ =	sdelay $0x2  }
0x24c: {  	s26 =	sadd.s32 s0, s26  }
0x24d: {  	[tilespmem:s8], [sflag:$0x2] =	stream.linear.gather [hbm4b:s26+s1], $0x400, $0x38;
	[tilespmem:$0x1E9A0] =	vst v63  }
0x24e: {  	s28 =	simm.s32 $0x4310;
	s26 =	sadd.s32 $0x200, s26  }
0x24f: {  	[tilespmem:s28], [sflag:$0x2] =	stream.linear.gather [hbm4b:s26+s1], $0x400, $0x38;
	[tilespmem:$0x1E9A0] =	vst v63  }
0x250: {  	s28 =	sld [smem:$0x7D6];
	_ =	sdelay $0x2  }
0x251: {  	s26 =	sadd.s32 s0, s28;
	s28 =	sld [smem:$0x7D5]  }
0x252: {  	s29 =	simm.s32 $0x4710  }
0x253: {  	[tilespmem:s29], [sflag:$0x2] =	stream.linear.gather [hbm4b:s26+s1], $0x400, $0x38;
	[tilespmem:$0x1E9A0] =	vst v63  }
0x254: {  	s26 =	sadd.s32 s0, s28;
	s28 =	sld [smem:$0x7D4]  }
0x255: {  	s29 =	simm.s32 $0x4B10  }
0x256: {  	[tilespmem:s29], [sflag:$0x2] =	stream.linear.gather [hbm4b:s26+s1], $0x400, $0x38;
	[tilespmem:$0x1E9A0] =	vst v63  }
0x257: {  	s26 =	sadd.s32 s0, s28;
	s28 =	sld [smem:$0x7D3]  }
0x258: {  	s29 =	simm.s32 $0x4F10  }
0x259: {  	[tilespmem:s29], [sflag:$0x2] =	stream.linear.gather [hbm4b:s26+s1], $0x400, $0x38;
	[tilespmem:$0x1E9A0] =	vst v63  }
0x25a: {  	p2 =	slt.u32 s13, $0x2;
	s29 =	simm.s32 $0x5310;
	s26 =	sadd.s32 s0, s28  }
0x25b: {  	[tilespmem:s29], [sflag:$0x2] =	stream.linear.gather [hbm4b:s26+s1], $0x400, $0x38;
	[tilespmem:$0x1E9A0] =	vst v63  }
.Ltmp4:
0x25c: {  	_ = 	snop;
	(pc) =	sbr.rel @p2 .LBB2_8-.Ltmp4, $4  }
.Ltmp5:
0x25d: {  	s29 =	rddreg [dreg:$0x4];
	(pc) =	sbr.rel @!p2 .LBB2_7-.Ltmp5, $4  }
0x25e: {  	[spmem:s29] =	stream.indirect.scatter.add.f32 [tilespmem:s22], [sflag:$0x9], $0x10, s24, s9, $0xb8;
	[tilespmem:$0x1E9A0] =	vst v63  }
0x25f: {  	_ = 	snop  }
0x260: {  	[spmem:s29] =	stream.indirect.scatter.add.f32 [tilespmem:s22], [sflag:$0x9], $0x10, s25, s9, $0xb8;
	[tilespmem:$0x1E9A0] =	vst v63  }
0x261: {  	_ = 	snop  }
.LBB2_9:
0x262: {  	s0 =	simm.s32 $0x7  }
0x263: {  	_ =	swait.ge [sflag:s0], $0x1800  }
0x264: {  	[sflag:s0] =	ssyncset.done $0x0  }
0x265: {  	s20 =	simm.s32 $0x8;
	[sflag:s0] =	ssyncadd.s32 $0xFFFFE800  }
0x266: {  	_ =	swait.ge [sflag:s20], $0x1800  }
0x267: {  	[sflag:s20] =	ssyncset.done $0x0  }
0x268: {  	[sflag:s20] =	ssyncadd.s32 $0xFFFFE800  }
0x269: {  	_ =	swait.ge [sflag:s19], $0x300  }
0x26a: {  	[sflag:s19] =	ssyncset.done $0x0  }
0x26b: {  	[sflag:s19] =	ssyncadd.s32 $0xFFFFFD00  }
0x26c: {  	_ =	swait.ge [sflag:s19], $0x300  }
0x26d: {  	[sflag:s19] =	ssyncset.done $0x0  }
0x26e: {  	[sflag:s19] =	ssyncadd.s32 $0xFFFFFD00  }
0x26f: {  	_ =	swait.ge [sflag:s19], $0x300  }
0x270: {  	[sflag:s19] =	ssyncset.done $0x0  }
0x271: {  	[sflag:s19] =	ssyncadd.s32 $0xFFFFFD00  }
0x272: {  	_ =	swait.ge [sflag:s19], $0x300  }
0x273: {  	[sflag:s19] =	ssyncset.done $0x0;
	s13 =	sld [smem:$0x7B0]  }
0x274: {  	[sflag:s19] =	ssyncadd.s32 $0xFFFFFD00  }
0x275: {  	s31 =	rddreg [dreg:$0x4]  }
0x276: {  	[spmem:s31] =	stream.indirect.scatter.add.f32 [tilespmem:s22], [sflag:$0xA], $0x10, s13, s20, $0xb8;
	[tilespmem:$0x1E9A0] =	vst v63  }
0x277: {  	_ =	swait.ge [sflag:s6], $0x80  }
0x278: {  	s21 =	sld [smem:$0x7B1]  }
0x279: {  	[sflag:s6] =	ssyncset.done $0x0  }
0x27a: {  	[sflag:s6] =	ssyncadd.s32 $0xFFFFFF80  }
0x27b: {  	[tilespmem:s2], [sflag:$0xA] =	stream.linear.gather [hbm4b:s21+s1], $0x400, $0x38;
	[tilespmem:$0x1E9A0] =	vst v63  }
0x27c: {  	_ =	swait.ge [sflag:s6], $0x400  }
0x27d: {  	s24 =	sld [smem:$0x7B2]  }
0x27e: {  	[sflag:s6] =	ssyncset.done $0x0  }
0x27f: {  	s25 =	simm.s32 $0x2B10;
	[sflag:s6] =	ssyncadd.s32 $0xFFFFFC00  }
0x280: {  	[tilespmem:s25], [sflag:$0xA] =	stream.linear.gather [hbm4b:s24+s1], $0x400, $0x38;
	[tilespmem:$0x1E9A0] =	vst v63  }
0x281: {  	_ =	swait.ge [sflag:s6], $0x400  }
0x282: {  	[sflag:s6] =	ssyncset.done $0x0  }
0x283: {  	s26 =	simm.s32 $0x10;
	s31 =	simm.s32 $0x2700;
	[sflag:s6] =	ssyncadd.s32 $0xFFFFFC00  }
0x284: {  	[spmem:s7] =	stream.indirect.scatter.add.f32 [tilespmem:s2], [sflag:$0xA], $0x80, s31, s26, $0xb8;
	[tilespmem:$0x1E9A0] =	vst v63  }
0x285: {  	_ =	swait.ge [sflag:s6], $0x800  }
0x286: {  	[sflag:s6] =	ssyncset.done $0x0  }
0x287: {  	[sflag:s6] =	ssyncadd.s32 $0xFFFFF800  }
0x288: {  	[bflag:$0x0] =	sbarrier.arrive $0xFFFF  }
0x289: {  	s20 =	sld [smem:$0x7B4]  }
0x28a: {  	s21 =	rddreg [dreg:$0xb]  }
0x28b: {  	s13 =	simm.s32 @p1 $0x1FCA;
	s0 =	sshrl.u32 @p1 s21, $0x3  }
0x28c: {  	[hbm:s20], [sflag:s13] =	dma.local @p1 [spmem:s0], $0x500  }
0x28d: {  	s0 =	simm.s32 @p1 $0xA  }
0x28e: {  	_ =	swait.ge @p1 [sflag:s0], $0x500  }
0x28f: {  	s20 =	stileid.u32;
	[sflag:s0] =	ssyncset.done @p1 $0x0  }
0x290: {  	s13 =	sshll.u32 @!p1 s20, $0x6;
	[sflag:s0] =	ssyncadd.s32 @p1 $0xFFFFFB00  }
0x291: {  	s0 =	sor.u32 @!p1 $0x1C0A, s13;
	s13 =	sshrl.u32 @!p1 s21, $0x3;
	s21 =	rddreg [dreg:$0x8]  }
0x292: {  	[hbm:s21], [sflag:s0] =	dma.local @!p1 [spmem:s13], $0x4E0  }
0x293: {  	s13 =	simm.s32 @!p1 $0x4E  }
0x294: {  	s0 =	simm.s32 @!p1 $0xA;
	s13 =	simm.s32 @p1 $0x50  }
0x295: {  	_ =	swait.ge @!p1 [sflag:s0], $0x4E0;
	p2 =	sne.s32 s13, $0x1  }
.Ltmp6:
0x296: {  	s29 =	rddreg [dreg:$0x18];
	(pc) =	sbr.rel @!p2 .LBB2_11-.Ltmp6, $4  }
0x297: {  	[sflag:s0] =	ssyncset.done @!p1 $0x0;
	s25 =	rddreg [dreg:$0x9];
	s28 =	smov.u32 s13  }
0x298: {  	s13 =	sadd.s32 $0xFFFFFFFF, s13;
	[sflag:s0] =	ssyncadd.s32 @!p1 $0xFFFFFB20;
	s0 =	sshll.u32 s20, $0x6  }
0x299: {  	s21 =	sshrl.u32 s29, $0x3;
	s24 =	sadd.s32 $0x400, s29;
	s20 =	sor.u32 $0x1C09, s0  }
0x29a: {  	[hbm:s25], [sflag:s20] =	dma.local [spmem:s21], $0x80  }
.LBB2_10:
0x29b: {  	p3 =	sne.s32 s13, $0x1;
	s13 =	sadd.s32 $0xFFFFFFFF, s13;
	s20 =	sor.u32 $0x1C09, s0  }
.Ltmp7:
0x29c: {  	s26 =	sshrl.u32 s24, $0x3;
	s25 =	sadd.s32 $0x200, s25;
	(pc) =	sbr.rel @p3 .LBB2_10-.Ltmp7, $3  }
0x29d: {  	[hbm:s25], [sflag:s20] =	dma.local [spmem:s26], $0x80  }
0x29e: {  	_ =	sdelay $0x1  }
0x29f: {  	s24 =	sadd.s32 $0x400, s24  }
.LBB2_11:
0x2a0: {  	s0 =	smov.u32 s28;
	s31 =	sld [smem:$0x7FD]  }
.LBB2_12:
0x2a1: {  	p3 =	sne.s32 s0, $0x1  }
.Ltmp8:
0x2a2: {  	_ = 	snop;
	(pc) =	sbr.rel @p3 .LBB2_12-.Ltmp8, $4  }
0x2a3: {  	_ = 	snop  }
0x2a4: {  	_ =	swait.ge [sflag:s19], $0x80  }
0x2a5: {  	[sflag:s19] =	ssyncset.done $0x0  }
0x2a6: {  	s0 =	sadd.s32 $0xFFFFFFFF, s0;
	[sflag:s19] =	ssyncadd.s32 $0xFFFFFF80  }
0x2a7: {  	s0 =	simm.s32 $0x0  }
0x2a8: {  	s13 =	sand.u32 $0x7E00, s0  }
0x2a9: {  	s24 =	sand.u32 $0x70, s0;
	s25 =	sshrl.u32 s13, $0x2  }
0x2aa: {  	s13 =	simm.s32 $0x40;
	s24 =	sor.u32 s24, s25  }
.LBB2_14:
0x2ab: {  	p3 =	sne.s32 s13, $0x5FC0  }
0x2ac: {  	[tilespmem:s24+$0x2710] =	vst v0;
	s0 =	sadd.s32 $0x10, s0;
	s24 =	smov.u32 s13;
	s13 =	sadd.s32 $0x40, s13  }
.Ltmp9:
0x2ad: {  	(pc) =	sbr.rel @p3 .LBB2_14-.Ltmp9, $4  }
0x2ae: {  	_ = 	snop  }
0x2af: {  	s24 =	sand.u32 $0x7E00, s24  }
0x2b0: {  	s25 =	sand.u32 $0x70, s0;
	s24 =	sshrl.u32 s24, $0x2  }
0x2b1: {  	s24 =	sor.u32 s25, s24  }
0x2b2: {  	[tilespmem:s24+$0x2710] =	vst v0  }
0x2b3: {  	[spmem:s29] =	stream.linear.scatter [tilespmem:s2], [sflag:$0xA], $0x1800, $0x38;
	[tilespmem:$0x1E9A0] =	vst v63  }
0x2b4: {  	_ =	swait.ge [sflag:s6], $0x1800  }
0x2b5: {  	[sflag:s6] =	ssyncset.done $0x0  }
0x2b6: {  	s0 =	rddreg [dreg:$0x19];
	[sflag:s6] =	ssyncadd.s32 $0xFFFFE800  }
0x2b7: {  	[spmem:s0] =	stream.linear.scatter [tilespmem:s2], [sflag:$0xA], $0x1800, $0x38;
	[tilespmem:$0x1E9A0] =	vst v63  }
0x2b8: {  	_ =	swait.ge [sflag:s6], $0x1800  }
0x2b9: {  	[sflag:s6] =	ssyncset.done $0x0  }
0x2ba: {  	s25 =	rddreg [dreg:$0x1a];
	[sflag:s6] =	ssyncadd.s32 $0xFFFFE800  }
0x2bb: {  	[spmem:s25] =	stream.linear.scatter [tilespmem:s2], [sflag:$0xA], $0x1800, $0x38;
	[tilespmem:$0x1E9A0] =	vst v63  }
0x2bc: {  	_ =	swait.ge [sflag:s6], $0x1800  }
0x2bd: {  	[sflag:s6] =	ssyncset.done $0x0  }
0x2be: {  	s26 =	rddreg [dreg:$0x1b];
	[sflag:s6] =	ssyncadd.s32 $0xFFFFE800  }
0x2bf: {  	[spmem:s26] =	stream.linear.scatter [tilespmem:s2], [sflag:$0xA], $0x1800, $0x38;
	[tilespmem:$0x1E9A0] =	vst v63  }
0x2c0: {  	_ =	swait.ge [sflag:s6], $0x1800  }
0x2c1: {  	[sflag:s6] =	ssyncset.done $0x0  }
0x2c2: {  	s13 =	rddreg [dreg:$0x1c];
	[sflag:s6] =	ssyncadd.s32 $0xFFFFE800  }
0x2c3: {  	[spmem:s13] =	stream.linear.scatter [tilespmem:s2], [sflag:$0xA], $0x1800, $0x38;
	[tilespmem:$0x1E9A0] =	vst v63  }
0x2c4: {  	_ =	swait.ge [sflag:s6], $0x1800  }
0x2c5: {  	[sflag:s6] =	ssyncset.done $0x0  }
0x2c6: {  	s24 =	rddreg [dreg:$0x1d];
	[sflag:s6] =	ssyncadd.s32 $0xFFFFE800  }
0x2c7: {  	[spmem:s24] =	stream.linear.scatter [tilespmem:s2], [sflag:$0xA], $0x1800, $0x38;
	[tilespmem:$0x1E9A0] =	vst v63  }
0x2c8: {  	_ =	swait.ge [sflag:s6], $0x1800  }
0x2c9: {  	[sflag:s6] =	ssyncset.done $0x0  }
0x2ca: {  	s25 =	rddreg [dreg:$0x1e];
	[sflag:s6] =	ssyncadd.s32 $0xFFFFE800  }
0x2cb: {  	[spmem:s25] =	stream.linear.scatter [tilespmem:s2], [sflag:$0xA], $0x1800, $0x38;
	[tilespmem:$0x1E9A0] =	vst v63  }
0x2cc: {  	_ =	swait.ge [sflag:s6], $0x1800  }
0x2cd: {  	[sflag:s6] =	ssyncset.done $0x0  }
0x2ce: {  	s26 =	rddreg [dreg:$0x1f];
	[sflag:s6] =	ssyncadd.s32 $0xFFFFE800  }
0x2cf: {  	[spmem:s26] =	stream.linear.scatter [tilespmem:s2], [sflag:$0xA], $0x1800, $0x38;
	[tilespmem:$0x1E9A0] =	vst v63  }
0x2d0: {  	_ =	swait.ge [sflag:s6], $0x1800  }
0x2d1: {  	s13 =	sld [smem:$0x79B]  }
0x2d2: {  	[sflag:s6] =	ssyncset.done $0x0  }
0x2d3: {  	[sflag:s6] =	ssyncadd.s32 $0xFFFFE800  }
0x2d4: {  	[spmem:s13] =	stream.linear.scatter [tilespmem:s2], [sflag:$0xA], $0x1800, $0x38;
	[tilespmem:$0x1E9A0] =	vst v63  }
0x2d5: {  	_ =	swait.ge [sflag:s6], $0x1800  }
0x2d6: {  	s24 =	sld [smem:$0x79C]  }
0x2d7: {  	[sflag:s6] =	ssyncset.done $0x0  }
0x2d8: {  	[sflag:s6] =	ssyncadd.s32 $0xFFFFE800  }
0x2d9: {  	[spmem:s24] =	stream.linear.scatter [tilespmem:s2], [sflag:$0xA], $0x1800, $0x38;
	[tilespmem:$0x1E9A0] =	vst v63  }
0x2da: {  	_ =	swait.ge [sflag:s6], $0x1800  }
0x2db: {  	s25 =	sld [smem:$0x79D]  }
0x2dc: {  	[sflag:s6] =	ssyncset.done $0x0  }
0x2dd: {  	[sflag:s6] =	ssyncadd.s32 $0xFFFFE800  }
0x2de: {  	[spmem:s25] =	stream.linear.scatter [tilespmem:s2], [sflag:$0xA], $0x1800, $0x38;
	[tilespmem:$0x1E9A0] =	vst v63  }
0x2df: {  	_ =	swait.ge [sflag:s6], $0x1800  }
0x2e0: {  	s26 =	sld [smem:$0x79E]  }
0x2e1: {  	[sflag:s6] =	ssyncset.done $0x0  }
0x2e2: {  	[sflag:s6] =	ssyncadd.s32 $0xFFFFE800  }
0x2e3: {  	[spmem:s26] =	stream.linear.scatter [tilespmem:s2], [sflag:$0xA], $0x1800, $0x38;
	[tilespmem:$0x1E9A0] =	vst v63  }
0x2e4: {  	_ =	swait.ge [sflag:s6], $0x1800  }
0x2e5: {  	s13 =	sld [smem:$0x79F]  }
0x2e6: {  	[sflag:s6] =	ssyncset.done $0x0  }
0x2e7: {  	[sflag:s6] =	ssyncadd.s32 $0xFFFFE800  }
0x2e8: {  	[spmem:s13] =	stream.linear.scatter [tilespmem:s2], [sflag:$0xA], $0x1800, $0x38;
	[tilespmem:$0x1E9A0] =	vst v63  }
0x2e9: {  	_ =	swait.ge [sflag:s6], $0x1800  }
0x2ea: {  	s13 =	sld [smem:$0x7FB]  }
0x2eb: {  	[sflag:s6] =	ssyncset.done $0x0  }
0x2ec: {  	s0 =	simm.s32 @!p0 $0x2710;
	[sflag:s6] =	ssyncadd.s32 $0xFFFFE800  }
0x2ed: {  	[spmem:s13] =	stream.linear.scatter @!p0 [tilespmem:s0], [sflag:$0xA], $0x800, $0x38;
	[tilespmem:$0x1E9A0] =	vst v63  }
0x2ee: {  	s0 =	simm.s32 @!p0 $0xA  }
0x2ef: {  	_ =	swait.ge @!p0 [sflag:s0], $0x800  }
0x2f0: {  	[sflag:s0] =	ssyncset.done @!p0 $0x0  }
0x2f1: {  	[sflag:s0] =	ssyncadd.s32 @!p0 $0xFFFFF800  }
0x2f2: {  	[bflag:$0x0] =	sbarrier.arrive $0xFFFF  }
0x2f3: {  	s24 =	sld [smem:$0x7B7];
	_ =	sdelay $0x1  }
0x2f4: {  	s0 =	simm.s32 $0x0;
	s25 =	sld [smem:$0x7B8]  }
0x2f5: {  	[tilespmem:s2], [sflag:$0x1] =	stream.linear.gather [hbm4b:s24+s0], $0x400, $0x38;
	[tilespmem:$0x1E9A0] =	vst v63  }
0x2f6: {  	s26 =	simm.s32 $0x2B10  }
0x2f7: {  	[tilespmem:s26], [sflag:$0x1] =	stream.linear.gather [hbm4b:s25+s0], $0x400, $0x38;
	[tilespmem:$0x1E9A0] =	vst v63  }
0x2f8: {  	s25 =	sld [smem:$0x7BA];
	_ =	sdelay $0x1  }
0x2f9: {  	s26 =	simm.s32 $0x2F10  }
0x2fa: {  	[tilespmem:s26], [sflag:$0x1] =	stream.linear.gather [hbm4b:s25+s0], $0x400, $0x38;
	[tilespmem:$0x1E9A0] =	vst v63  }
0x2fb: {  	s25 =	sld [smem:$0x7BD];
	_ =	sdelay $0x1  }
0x2fc: {  	s26 =	simm.s32 $0x3310  }
0x2fd: {  	[tilespmem:s26], [sflag:$0x1] =	stream.linear.gather [hbm4b:s25+s0], $0x400, $0x38;
	[tilespmem:$0x1E9A0] =	vst v63  }
0x2fe: {  	s25 =	sld [smem:$0x7BE];
	_ =	sdelay $0x1  }
0x2ff: {  	s26 =	simm.s32 $0x3710  }
0x300: {  	[tilespmem:s26], [sflag:$0x1] =	stream.linear.gather [hbm4b:s25+s0], $0x400, $0x38;
	[tilespmem:$0x1E9A0] =	vst v63  }
0x301: {  	s25 =	sld [smem:$0x7C0];
	_ =	sdelay $0x1  }
0x302: {  	s24 =	sld [smem:$0x7C3];
	s26 =	simm.s32 $0x3B10  }
0x303: {  	[tilespmem:s26], [sflag:$0x1] =	stream.linear.gather [hbm4b:s25+s0], $0x400, $0x38;
	[tilespmem:$0x1E9A0] =	vst v63  }
0x304: {  	s25 =	sld [smem:$0x7C4]  }
0x305: {  	[tilespmem:s8], [sflag:$0x2] =	stream.linear.gather [hbm4b:s24+s0], $0x400, $0x38;
	[tilespmem:$0x1E9A0] =	vst v63  }
0x306: {  	s26 =	simm.s32 $0x4310  }
0x307: {  	[tilespmem:s26], [sflag:$0x2] =	stream.linear.gather [hbm4b:s25+s0], $0x400, $0x38;
	[tilespmem:$0x1E9A0] =	vst v63  }
0x308: {  	s25 =	sld [smem:$0x7C6];
	_ =	sdelay $0x1  }
0x309: {  	s26 =	simm.s32 $0x4710  }
0x30a: {  	[tilespmem:s26], [sflag:$0x2] =	stream.linear.gather [hbm4b:s25+s0], $0x400, $0x38;
	[tilespmem:$0x1E9A0] =	vst v63  }
0x30b: {  	s25 =	sld [smem:$0x7C9];
	_ =	sdelay $0x1  }
0x30c: {  	s26 =	simm.s32 $0x4B10  }
0x30d: {  	[tilespmem:s26], [sflag:$0x2] =	stream.linear.gather [hbm4b:s25+s0], $0x400, $0x38;
	[tilespmem:$0x1E9A0] =	vst v63  }
0x30e: {  	s25 =	sld [smem:$0x7CA];
	_ =	sdelay $0x1  }
0x30f: {  	s26 =	simm.s32 $0x4F10  }
0x310: {  	[tilespmem:s26], [sflag:$0x2] =	stream.linear.gather [hbm4b:s25+s0], $0x400, $0x38;
	[tilespmem:$0x1E9A0] =	vst v63  }
0x311: {  	s25 =	sld [smem:$0x7CC];
	_ =	sdelay $0x1  }
0x312: {  	s13 =	simm.s32 $0x0;
	s26 =	simm.s32 $0x5310  }
0x313: {  	[tilespmem:s26], [sflag:$0x2] =	stream.linear.gather [hbm4b:s25+s0], $0x400, $0x38;
	[tilespmem:$0x1E9A0] =	vst v63  }
.LBB2_16:
0x314: {  	_ =	swait.ge [sflag:s3], $0x400  }
0x315: {  	[sflag:s3] =	ssyncset.done $0x0  }
0x316: {  	[sflag:s3] =	ssyncadd.s32 $0xFFFFFC00  }
0x317: {  	_ =	swait.ge [sflag:s3], $0x400  }
0x318: {  	[sflag:s3] =	ssyncset.done $0x0  }
0x319: {  	[sflag:s3] =	ssyncadd.s32 $0xFFFFFC00  }
0x31a: {  	_ =	swait.ge [sflag:s3], $0x400  }
0x31b: {  	[sflag:s3] =	ssyncset.done $0x0  }
0x31c: {  	[sflag:s3] =	ssyncadd.s32 $0xFFFFFC00  }
0x31d: {  	_ =	swait.ge [sflag:s3], $0x400  }
0x31e: {  	[sflag:s3] =	ssyncset.done $0x0  }
0x31f: {  	[sflag:s3] =	ssyncadd.s32 $0xFFFFFC00  }
0x320: {  	_ =	swait.ge [sflag:s3], $0x400  }
0x321: {  	[sflag:s3] =	ssyncset.done $0x0  }
0x322: {  	[sflag:s3] =	ssyncadd.s32 $0xFFFFFC00  }
0x323: {  	_ =	swait.ge [sflag:s3], $0x400  }
0x324: {  	p3 =	seq.s32 s13, $0x0;
	[sflag:s3] =	ssyncset.done $0x0  }
0x325: {  	s24 =	simm.s32 @!p3 $0x7;
	[sflag:s3] =	ssyncadd.s32 $0xFFFFFC00  }
0x326: {  	[spmem:s7] =	stream.indirect.scatter.add.f32 [tilespmem:s2], [sflag:$0x5], $0x80, s0, s9, $0xb8;
	[tilespmem:$0x1E9A0] =	vst v63  }
0x327: {  	_ =	swait.ge @!p3 [sflag:s24], $0x1800  }
0x328: {  	s26 =	sld [smem:$0x7F9];
	_ =	sdelay $0x1  }
0x329: {  	[sflag:s24] =	ssyncset.done @!p3 $0x0  }
0x32a: {  	[sflag:s24] =	ssyncadd.s32 @!p3 $0xFFFFE800;
	s24 =	sadd.s32 s13, s26  }
0x32b: {  	[tilespmem:s11], [sflag:$0x3] =	stream.linear.gather [hbm4b:s24+s1], $0x400, $0x38;
	[tilespmem:$0x1E9A0] =	vst v63  }
0x32c: {  	s25 =	simm.s32 $0x5B10;
	s24 =	sadd.s32 $0x200, s24  }
0x32d: {  	[tilespmem:s25], [sflag:$0x3] =	stream.linear.gather [hbm4b:s24+s1], $0x400, $0x38;
	[tilespmem:$0x1E9A0] =	vst v63  }
0x32e: {  	s25 =	sld [smem:$0x7F8];
	_ =	sdelay $0x2  }
0x32f: {  	s24 =	sadd.s32 s13, s25;
	s25 =	sld [smem:$0x7F7]  }
0x330: {  	s26 =	simm.s32 $0x5F10  }
0x331: {  	[tilespmem:s26], [sflag:$0x3] =	stream.linear.gather [hbm4b:s24+s1], $0x400, $0x38;
	[tilespmem:$0x1E9A0] =	vst v63  }
0x332: {  	s24 =	sadd.s32 s13, s25;
	s25 =	sld [smem:$0x7F5]  }
0x333: {  	s26 =	simm.s32 $0x6310  }
0x334: {  	[tilespmem:s26], [sflag:$0x3] =	stream.linear.gather [hbm4b:s24+s1], $0x400, $0x38;
	[tilespmem:$0x1E9A0] =	vst v63  }
0x335: {  	s24 =	sadd.s32 s13, s25;
	s25 =	sld [smem:$0x7F4]  }
0x336: {  	s26 =	simm.s32 $0x6710  }
0x337: {  	[tilespmem:s26], [sflag:$0x3] =	stream.linear.gather [hbm4b:s24+s1], $0x400, $0x38;
	[tilespmem:$0x1E9A0] =	vst v63  }
0x338: {  	s26 =	simm.s32 $0x6B10;
	s24 =	sadd.s32 s13, s25  }
0x339: {  	[tilespmem:s26], [sflag:$0x3] =	stream.linear.gather [hbm4b:s24+s1], $0x400, $0x38;
	[tilespmem:$0x1E9A0] =	vst v63  }
0x33a: {  	_ =	swait.ge [sflag:s30], $0x400  }
0x33b: {  	[sflag:s30] =	ssyncset.done $0x0  }
0x33c: {  	[sflag:s30] =	ssyncadd.s32 $0xFFFFFC00  }
0x33d: {  	_ =	swait.ge [sflag:s30], $0x400  }
0x33e: {  	[sflag:s30] =	ssyncset.done $0x0  }
0x33f: {  	[sflag:s30] =	ssyncadd.s32 $0xFFFFFC00  }
0x340: {  	_ =	swait.ge [sflag:s30], $0x400  }
0x341: {  	[sflag:s30] =	ssyncset.done $0x0  }
0x342: {  	[sflag:s30] =	ssyncadd.s32 $0xFFFFFC00  }
0x343: {  	_ =	swait.ge [sflag:s30], $0x400  }
0x344: {  	[sflag:s30] =	ssyncset.done $0x0  }
0x345: {  	[sflag:s30] =	ssyncadd.s32 $0xFFFFFC00  }
0x346: {  	_ =	swait.ge [sflag:s30], $0x400  }
0x347: {  	[sflag:s30] =	ssyncset.done $0x0  }
0x348: {  	[sflag:s30] =	ssyncadd.s32 $0xFFFFFC00  }
0x349: {  	_ =	swait.ge [sflag:s30], $0x400  }
0x34a: {  	[sflag:s30] =	ssyncset.done $0x0  }
0x34b: {  	s25 =	sadd.s32 $0x30, s0;
	s24 =	simm.s32 @!p3 $0x8;
	[sflag:s30] =	ssyncadd.s32 $0xFFFFFC00  }
0x34c: {  	[spmem:s7] =	stream.indirect.scatter.add.f32 [tilespmem:s8], [sflag:$0x6], $0x80, s25, s9, $0xb8;
	[tilespmem:$0x1E9A0] =	vst v63  }
0x34d: {  	_ =	swait.ge @!p3 [sflag:s24], $0x1800  }
0x34e: {  	s26 =	sld [smem:$0x7F3];
	_ =	sdelay $0x1  }
0x34f: {  	[sflag:s24] =	ssyncset.done @!p3 $0x0  }
0x350: {  	s25 =	sld [smem:$0x7F2];
	[sflag:s24] =	ssyncadd.s32 @!p3 $0xFFFFE800;
	s24 =	sadd.s32 s13, s26  }
0x351: {  	[tilespmem:s12], [sflag:$0x4] =	stream.linear.gather [hbm4b:s24+s1], $0x400, $0x38;
	[tilespmem:$0x1E9A0] =	vst v63  }
0x352: {  	s26 =	sld [smem:$0x7F1];
	s24 =	sadd.s32 $0x200, s24  }
0x353: {  	[tilespmem:s10], [sflag:$0x4] =	stream.linear.gather [hbm4b:s24+s1], $0x400, $0x38;
	[tilespmem:$0x1E9A0] =	vst v63  }
0x354: {  	s24 =	sadd.s32 s13, s25;
	s25 =	sld [smem:$0x7F0]  }
0x355: {  	[tilespmem:s23], [sflag:$0x4] =	stream.linear.gather [hbm4b:s24+s1], $0x400, $0x38;
	[tilespmem:$0x1E9A0] =	vst v63  }
0x356: {  	s24 =	sadd.s32 s13, s26;
	s26 =	sld [smem:$0x7EF]  }
0x357: {  	[tilespmem:s4], [sflag:$0x4] =	stream.linear.gather [hbm4b:s24+s1], $0x400, $0x38;
	[tilespmem:$0x1E9A0] =	vst v63  }
0x358: {  	s24 =	sadd.s32 s13, s25  }
0x359: {  	[tilespmem:s14], [sflag:$0x4] =	stream.linear.gather [hbm4b:s24+s1], $0x400, $0x38;
	[tilespmem:$0x1E9A0] =	vst v63  }
0x35a: {  	s24 =	sadd.s32 s13, s26  }
0x35b: {  	[tilespmem:s15], [sflag:$0x4] =	stream.linear.gather [hbm4b:s24+s1], $0x400, $0x38;
	[tilespmem:$0x1E9A0] =	vst v63  }
0x35c: {  	_ =	swait.ge [sflag:s16], $0x400  }
0x35d: {  	[sflag:s16] =	ssyncset.done $0x0  }
0x35e: {  	[sflag:s16] =	ssyncadd.s32 $0xFFFFFC00  }
0x35f: {  	_ =	swait.ge [sflag:s16], $0x400  }
0x360: {  	[sflag:s16] =	ssyncset.done $0x0  }
0x361: {  	[sflag:s16] =	ssyncadd.s32 $0xFFFFFC00  }
0x362: {  	_ =	swait.ge [sflag:s16], $0x400  }
0x363: {  	[sflag:s16] =	ssyncset.done $0x0  }
0x364: {  	[sflag:s16] =	ssyncadd.s32 $0xFFFFFC00  }
0x365: {  	_ =	swait.ge [sflag:s16], $0x400  }
0x366: {  	[sflag:s16] =	ssyncset.done $0x0  }
0x367: {  	[sflag:s16] =	ssyncadd.s32 $0xFFFFFC00  }
0x368: {  	_ =	swait.ge [sflag:s16], $0x400  }
0x369: {  	[sflag:s16] =	ssyncset.done $0x0  }
0x36a: {  	[sflag:s16] =	ssyncadd.s32 $0xFFFFFC00  }
0x36b: {  	_ =	swait.ge [sflag:s16], $0x400  }
0x36c: {  	[sflag:s16] =	ssyncset.done $0x0  }
0x36d: {  	s25 =	sadd.s32 $0x60, s0;
	[sflag:s16] =	ssyncadd.s32 $0xFFFFFC00  }
0x36e: {  	[spmem:s7] =	stream.indirect.scatter.add.f32 [tilespmem:s11], [sflag:$0x7], $0x80, s25, s9, $0xb8;
	[tilespmem:$0x1E9A0] =	vst v63  }
0x36f: {  	_ =	swait.ge [sflag:s17], $0x1800  }
0x370: {  	s24 =	sld [smem:$0x7EE]  }
0x371: {  	p3 =	seq.s32 s13, $0x99000  }
0x372: {  	s26 =	simm.s32 @!p3 $0x2710;
	[sflag:s17] =	ssyncset.done $0x0  }
0x373: {  	s25 =	simm.s32 @!p3 $0x0;
	[sflag:s17] =	ssyncadd.s32 $0xFFFFE800;
	s24 =	sadd.s32 @!p3 s13, s24  }
0x374: {  	[tilespmem:s26], [sflag:$0x1] =	stream.linear.gather @!p3 [hbm4b:s24+s25], $0x400, $0x38;
	[tilespmem:$0x1E9A0] =	vst v63  }
0x375: {  	s24 =	sadd.s32 @!p3 $0x200, s24;
	s26 =	simm.s32 @!p3 $0x2B10  }
0x376: {  	[tilespmem:s26], [sflag:$0x1] =	stream.linear.gather @!p3 [hbm4b:s24+s25], $0x400, $0x38;
	[tilespmem:$0x1E9A0] =	vst v63  }
0x377: {  	s24 =	sld [smem:$0x7ED];
	_ =	sdelay $0x2  }
0x378: {  	s26 =	simm.s32 @!p3 $0x2F10;
	s24 =	sadd.s32 @!p3 s13, s24  }
0x379: {  	[tilespmem:s26], [sflag:$0x1] =	stream.linear.gather @!p3 [hbm4b:s24+s25], $0x400, $0x38;
	[tilespmem:$0x1E9A0] =	vst v63  }
0x37a: {  	s24 =	sld [smem:$0x7EC];
	_ =	sdelay $0x2  }
0x37b: {  	s26 =	simm.s32 @!p3 $0x3310;
	s24 =	sadd.s32 @!p3 s13, s24  }
0x37c: {  	[tilespmem:s26], [sflag:$0x1] =	stream.linear.gather @!p3 [hbm4b:s24+s25], $0x400, $0x38;
	[tilespmem:$0x1E9A0] =	vst v63  }
0x37d: {  	s24 =	sld [smem:$0x7EB];
	_ =	sdelay $0x2  }
0x37e: {  	s26 =	simm.s32 @!p3 $0x3710;
	s24 =	sadd.s32 @!p3 s13, s24  }
0x37f: {  	[tilespmem:s26], [sflag:$0x1] =	stream.linear.gather @!p3 [hbm4b:s24+s25], $0x400, $0x38;
	[tilespmem:$0x1E9A0] =	vst v63  }
0x380: {  	s24 =	sld [smem:$0x7EA];
	_ =	sdelay $0x2  }
0x381: {  	s26 =	simm.s32 @!p3 $0x3B10;
	s24 =	sadd.s32 @!p3 s13, s24  }
0x382: {  	[tilespmem:s26], [sflag:$0x1] =	stream.linear.gather @!p3 [hbm4b:s24+s25], $0x400, $0x38;
	[tilespmem:$0x1E9A0] =	vst v63  }
0x383: {  	_ =	swait.ge [sflag:s18], $0x400  }
0x384: {  	[sflag:s18] =	ssyncset.done $0x0  }
0x385: {  	[sflag:s18] =	ssyncadd.s32 $0xFFFFFC00  }
0x386: {  	_ =	swait.ge [sflag:s18], $0x400  }
0x387: {  	[sflag:s18] =	ssyncset.done $0x0  }
0x388: {  	[sflag:s18] =	ssyncadd.s32 $0xFFFFFC00  }
0x389: {  	_ =	swait.ge [sflag:s18], $0x400  }
0x38a: {  	[sflag:s18] =	ssyncset.done $0x0  }
0x38b: {  	[sflag:s18] =	ssyncadd.s32 $0xFFFFFC00  }
0x38c: {  	_ =	swait.ge [sflag:s18], $0x400  }
0x38d: {  	[sflag:s18] =	ssyncset.done $0x0  }
0x38e: {  	[sflag:s18] =	ssyncadd.s32 $0xFFFFFC00  }
0x38f: {  	_ =	swait.ge [sflag:s18], $0x400  }
0x390: {  	[sflag:s18] =	ssyncset.done $0x0  }
0x391: {  	[sflag:s18] =	ssyncadd.s32 $0xFFFFFC00  }
0x392: {  	_ =	swait.ge [sflag:s18], $0x400  }
0x393: {  	[sflag:s18] =	ssyncset.done $0x0  }
.Ltmp10:
0x394: {  	s26 =	sadd.s32 $0x90, s0;
	[sflag:s18] =	ssyncadd.s32 $0xFFFFFC00;
	(pc) =	sbr.rel @p3 .LBB2_18-.Ltmp10, $4  }
0x395: {  	[spmem:s7] =	stream.indirect.scatter.add.f32 [tilespmem:s12], [sflag:$0x8], $0x80, s26, s9, $0xb8;
	[tilespmem:$0x1E9A0] =	vst v63  }
0x396: {  	_ =	swait.ge [sflag:s5], $0x1800  }
0x397: {  	[sflag:s5] =	ssyncset.done $0x0  }
0x398: {  	[sflag:s5] =	ssyncadd.s32 $0xFFFFE800  }
0x399: {  	s24 =	sld [smem:$0x7E9];
	_ =	sdelay $0x2  }
0x39a: {  	s24 =	sadd.s32 s13, s24  }
0x39b: {  	[tilespmem:s8], [sflag:$0x2] =	stream.linear.gather [hbm4b:s24+s1], $0x400, $0x38;
	[tilespmem:$0x1E9A0] =	vst v63  }
0x39c: {  	s25 =	simm.s32 $0x4310;
	s24 =	sadd.s32 $0x200, s24  }
0x39d: {  	[tilespmem:s25], [sflag:$0x2] =	stream.linear.gather [hbm4b:s24+s1], $0x400, $0x38;
	[tilespmem:$0x1E9A0] =	vst v63  }
0x39e: {  	s25 =	sld [smem:$0x7E8];
	_ =	sdelay $0x2  }
0x39f: {  	s24 =	sadd.s32 s13, s25;
	s25 =	sld [smem:$0x7E7]  }
0x3a0: {  	s26 =	simm.s32 $0x4710  }
0x3a1: {  	[tilespmem:s26], [sflag:$0x2] =	stream.linear.gather [hbm4b:s24+s1], $0x400, $0x38;
	[tilespmem:$0x1E9A0] =	vst v63  }
0x3a2: {  	s26 =	simm.s32 $0x4B10;
	s24 =	sadd.s32 s13, s25;
	s25 =	sld [smem:$0x7E6]  }
0x3a3: {  	[tilespmem:s26], [sflag:$0x2] =	stream.linear.gather [hbm4b:s24+s1], $0x400, $0x38;
	[tilespmem:$0x1E9A0] =	vst v63  }
.Ltmp11:
0x3a4: {  	_ = 	snop;
	(pc) =	sbr.rel .LBB2_16-.Ltmp11, $4  }
0x3a5: {  	s0 =	sadd.s32 $0xC0, s0;
	s26 =	simm.s32 $0x4F10;
	s24 =	sadd.s32 s13, s25  }
0x3a6: {  	[tilespmem:s26], [sflag:$0x2] =	stream.linear.gather [hbm4b:s24+s1], $0x400, $0x38;
	[tilespmem:$0x1E9A0] =	vst v63  }
0x3a7: {  	s25 =	sadd.s32 s13, s31;
	s13 =	sadd.s32 $0x3000, s13;
	s26 =	simm.s32 $0x5310  }
0x3a8: {  	[tilespmem:s26], [sflag:$0x2] =	stream.linear.gather [hbm4b:s25+s1], $0x400, $0x38;
	[tilespmem:$0x1E9A0] =	vst v63  }
.LBB2_18:
0x3a9: {  	s0 =	simm.s32 $0x7  }
0x3aa: {  	_ =	swait.ge [sflag:s0], $0x1800  }
0x3ab: {  	[sflag:s0] =	ssyncset.done $0x0  }
0x3ac: {  	s13 =	simm.s32 $0x8;
	[sflag:s0] =	ssyncadd.s32 $0xFFFFE800  }
0x3ad: {  	_ =	swait.ge [sflag:s13], $0x1800  }
0x3ae: {  	s24 =	sld [smem:$0x7CF]  }
0x3af: {  	[sflag:s13] =	ssyncset.done $0x0  }
0x3b0: {  	[sflag:s13] =	ssyncadd.s32 $0xFFFFE800  }
0x3b1: {  	[tilespmem:s2], [sflag:$0xA] =	stream.linear.gather [hbm4b:s24+s1], $0x400, $0x38;
	[tilespmem:$0x1E9A0] =	vst v63  }
0x3b2: {  	_ =	swait.ge [sflag:s6], $0x400  }
0x3b3: {  	s25 =	sld [smem:$0x7D0]  }
0x3b4: {  	[sflag:s6] =	ssyncset.done $0x0  }
0x3b5: {  	s13 =	simm.s32 $0x2B10;
	[sflag:s6] =	ssyncadd.s32 $0xFFFFFC00  }
0x3b6: {  	[tilespmem:s13], [sflag:$0xA] =	stream.linear.gather [hbm4b:s25+s1], $0x400, $0x38;
	[tilespmem:$0x1E9A0] =	vst v63  }
0x3b7: {  	_ =	swait.ge [sflag:s6], $0x400  }
0x3b8: {  	[sflag:s6] =	ssyncset.done $0x0  }
0x3b9: {  	s26 =	simm.s32 $0x10;
	s31 =	simm.s32 $0x2700;
	[sflag:s6] =	ssyncadd.s32 $0xFFFFFC00  }
0x3ba: {  	[spmem:s7] =	stream.indirect.scatter.add.f32 [tilespmem:s2], [sflag:$0xA], $0x80, s31, s26, $0xb8;
	[tilespmem:$0x1E9A0] =	vst v63  }
0x3bb: {  	_ =	swait.ge [sflag:s6], $0x800  }
.Ltmp12:
0x3bc: {  	[sflag:s6] =	ssyncset.done $0x0;
	(pc) =	sbr.rel @!p2 .LBB2_20-.Ltmp12, $4  }
0x3bd: {  	[sflag:s6] =	ssyncadd.s32 $0xFFFFF800  }
0x3be: {  	[bflag:$0x0] =	sbarrier.arrive $0xFFFF  }
0x3bf: {  	s25 =	rddreg [dreg:$0xa]  }
0x3c0: {  	s0 =	sadd.s32 $0xFFFFFFFF, s28;
	s13 =	sadd.s32 $0x400, s29;
	s24 =	sadd.s32 $0x200, s25  }
.LBB2_19:
0x3c1: {  	[hbm:s25], [sflag:s20] =	dma.local [spmem:s21], $0x80  }
0x3c2: {  	p3 =	sne.s32 s0, $0x1  }
.Ltmp13:
0x3c3: {  	s0 =	sadd.s32 $0xFFFFFFFF, s0;
	(pc) =	sbr.rel @p3 .LBB2_19-.Ltmp13, $2  }
0x3c4: {  	s25 =	smov.u32 s24;
	_ =	sdelay $0x2  }
0x3c5: {  	s21 =	sshrl.u32 s13, $0x3;
	s13 =	sadd.s32 $0x400, s13;
	s24 =	sadd.s32 $0x200, s24  }
.LBB2_20:
.Ltmp14:
0x3c6: {  	(pc) =	sbr.rel @!p2 .LBB2_22-.Ltmp14, $4  }
0x3c7: {  	_ = 	snop  }
0x3c8: {  	[hbm:s25], [sflag:s20] =	dma.local [spmem:s21], $0x80  }
0x3c9: {  	_ =	swait.ge [sflag:s19], $0x80  }
0x3ca: {  	s0 =	sadd.s32 $0xFFFFFFFF, s28;
	[sflag:s19] =	ssyncset.done $0x0  }
.LBB2_21:
0x3cb: {  	p2 =	sne.s32 s0, $0x1;
	s0 =	sadd.s32 $0xFFFFFFFF, s0;
	[sflag:s19] =	ssyncadd.s32 $0xFFFFFF80  }
.Ltmp15:
0x3cc: {  	(pc) =	sbr.rel @p2 .LBB2_21-.Ltmp15, $3  }
0x3cd: {  	_ =	sdelay $0x1  }
0x3ce: {  	_ =	swait.ge [sflag:s19], $0x80  }
0x3cf: {  	[sflag:s19] =	ssyncset.done $0x0  }
.LBB2_22:
0x3d0: {  	s13 =	sld [smem:$0x79A]  }
0x3d1: {  	s0 =	sld [smem:$0x7D2];
	_ =	sdelay $0x1  }
0x3d2: {  	s13 =	sadd.s32 $0x1, s13  }
0x3d3: {  	p2 =	sne.s32 s13, s0  }
.Ltmp16:
0x3d4: {  	_ = 	snop;
	(pc) =	sbr.rel @p2 .LBB2_1-.Ltmp16, $2  }
0x3d5: {  	_ =	sdelay $0x2  }
0x3d6: {  	[sflag:s19] =	ssyncadd.s32 $0xFFFFFF80  }
0x3d7: {  	_ =	sfence.sel $0x180000  }
0x3d8: {  	[bflag:$0x0] =	sbarrier.arrive $0xFFFF  }
0x3d9: {  	_ =	strace $0x90000047  }
0x3da: {  	s0 =	stileid.u32;
	[bflag:$0x2] =	sbarrier.arrive $0xFFFF  }
0x3db: {  	p0 =	sne.s32 s0, $0x0;
	s0 =	rddreg [dreg:$0x6]  }
0x3dc: {  	s0 =	sadd.s32 @!p0 $0x100000, s0  }
0x3dd: {  	[sflag:s0] =	ssyncadd.tile.s32 @!p0 $0x1;
	_ =	shalt  }
.Lfunc_end2:
_tile_overlayer_lowered:
.L_overlay_start_2:
0x3de: {  	(tag) =	ssettag $0x2  }
0x3df: {  	s0 =	rddreg [dreg:$0x0];
	s2 =	stileid.u32  }
0x3e0: {  	s1 =	rddreg [dreg:$0x1];
	p0 =	sne.s32 s2, $0x0  }
0x3e1: {  	s3 =	rddreg [dreg:$0x2];
	[bflag:$0x3] =	sbarrier.arrive $0xFFFF;
	s2 =	simm.s32 @!p0 $0x1C0A  }
0x3e2: {  	[timem:s3], [sflag:s2] =	dma.local @!p0 [hbm:s0], s1  }
0x3e3: {  	s0 =	simm.s32 @!p0 $0xA  }
0x3e4: {  	_ =	swait.ge @!p0 [sflag:s0], s1  }
0x3e5: {  	s1 =	ssub.s32 @!p0 $0x0, s1;
	[sflag:s0] =	ssyncset.done @!p0 $0x0  }
0x3e6: {  	[sflag:s0] =	ssyncadd.s32 @!p0 s1  }
0x3e7: {  	[bflag:$0x3] =	sbarrier.arrive $0xFFFF  }
0x3e8: {  	_ =	shalt  }

</sc_bundles>
